<compile_context>
chip_gen: v7x
topology: tpu7x:2x2x1
jax: 0.10.2.dev20260603
libtpu: 0.0.44.dev20260713+nightly
codegen_flags: <defaults>
</compile_context>

<pallas_src>
import functools

import jax
import jax.numpy as jnp
from jax import lax
from jax.experimental import pallas as pl
from jax.experimental.pallas import tpu as pltpu
from jax.experimental.pallas import tpu_sc as plsc

N = 10000
E = 320000
D = 128
D_EDGE = 16

NC, NS = 2, 16
NW = NC * NS
E_PER = E // NW
CHUNK = 80
NSTEP = E_PER // CHUNK
ZCH = CHUNK
NZ = N // ZCH
ZITER = (NZ + NS - 1) // NS

NBUF_H = 4
NBUF_E = 4


@functools.lru_cache(maxsize=None)
def _mesh():
    return plsc.VectorSubcoreMesh(
        core_axis_name="c", subcore_axis_name="s", num_cores=NC, num_subcores=NS)


def _zero_vmem(buf, rows, width, dtype=jnp.float32):
    if dtype == jnp.float32 or width >= 32:
        lanes = 16 if dtype == jnp.float32 else 32
        zv = jnp.zeros((lanes,), dtype)

        def body(r, _):
            for k in range(width // lanes):
                buf[r, pl.ds(k * lanes, lanes)] = zv
            return 0

        lax.fori_loop(0, rows, body, 0)
    else:
        zv = jnp.zeros((2, 16), dtype)

        def body(r, _):
            buf[pl.ds(2 * r, 2), pl.ds(0, 16)] = zv
            return 0

        lax.fori_loop(0, rows // 2, body, 0)


def _acc_chunks(sub, fn):
    for j in range(ZITER):
        ch = sub + j * NS

        @pl.when(ch < NZ)
        def _():
            fn(ch)


def _ring(nbuf, prologue_idx, gather1, wait_scatter1):
    nround = (NSTEP + nbuf - 1) // nbuf

    def gathers(j):
        for b in range(nbuf):
            ck = j * nbuf + b

            @pl.when(ck < NSTEP)
            def _():
                gather1(ck, b)

    def scatters(j):
        for b in range(nbuf):
            ck = j * nbuf + b

            @pl.when(ck < NSTEP)
            def _():
                wait_scatter1(ck, b)

    for b in range(nbuf):
        prologue_idx(b, b)
    gathers(0)

    def round_body(j, _):
        scatters(j)

        @pl.when(j + 1 < nround)
        def _():
            gathers(j + 1)

        return 0

    lax.fori_loop(0, nround, round_body, 0)


def _sc_hpass_kernel(table, src, dst, out, sbuf, dbuf, rows, acc,
                     sem_si, sem_di, sem_g, sem_z):
    c = lax.axis_index("c")
    s = lax.axis_index("s")
    wid = c * NS + s
    ebase = wid * E_PER

    del sem_z
    _zero_vmem(rows[0], ZCH, D, jnp.bfloat16)
    _acc_chunks(s, lambda ch: pltpu.sync_copy(rows[0], acc.at[pl.ds(ch * ZCH, ZCH)]))
    plsc.subcore_barrier()

    def idx_start(ck, b):
        off = ebase + ck * CHUNK
        pltpu.async_copy(src.at[pl.ds(off, CHUNK)], sbuf[b], sem_si[b])
        pltpu.async_copy(dst.at[pl.ds(off, CHUNK)], dbuf[b], sem_di[b])

    def gather1(ck, b):
        off = ebase + ck * CHUNK
        pltpu.make_async_copy(src.at[pl.ds(off, CHUNK)], sbuf[b], sem_si[b]).wait()
        pltpu.async_copy(table.at[sbuf[b]], rows[b], sem_g[b])

    def wait_scatter1(ck, b):
        off = ebase + ck * CHUNK
        pltpu.make_async_copy(table.at[sbuf[b]], rows[b], sem_g[b]).wait()
        pltpu.make_async_copy(dst.at[pl.ds(off, CHUNK)], dbuf[b], sem_di[b]).wait()
        pltpu.sync_copy(rows[b], acc.at[dbuf[b]], add=True)

        @pl.when(ck + NBUF_H < NSTEP)
        def _():
            idx_start(ck + NBUF_H, b)

    _ring(NBUF_H, idx_start, gather1, wait_scatter1)
    plsc.subcore_barrier()

    def copy_out(ch):
        pltpu.sync_copy(acc.at[pl.ds(ch * ZCH, ZCH)], rows[0])
        pltpu.sync_copy(rows[0], out.at[c, pl.ds(ch * ZCH, ZCH)])

    _acc_chunks(s, copy_out)


@functools.lru_cache(maxsize=None)
def _sc_hpass_call():
    return pl.kernel(
        _sc_hpass_kernel,
        out_type=jax.ShapeDtypeStruct((NC, N, D), jnp.bfloat16),
        mesh=_mesh(),
        scratch_types=[
            tuple(pltpu.VMEM((CHUNK,), jnp.int32) for _ in range(NBUF_H)),
            tuple(pltpu.VMEM((CHUNK,), jnp.int32) for _ in range(NBUF_H)),
            tuple(pltpu.VMEM((CHUNK, D), jnp.bfloat16) for _ in range(NBUF_H)),
            pltpu.VMEM_SHARED((N, D), jnp.bfloat16),
            tuple(pltpu.SemaphoreType.DMA for _ in range(NBUF_H)),
            tuple(pltpu.SemaphoreType.DMA for _ in range(NBUF_H)),
            tuple(pltpu.SemaphoreType.DMA for _ in range(NBUF_H)),
            pltpu.SemaphoreType.DMA,
        ],
        compiler_params=pltpu.CompilerParams(use_tc_tiling_on_sc=False),
    )


def _sc_efdeg_kernel(ef, dst, tok, out_e, out_d, dbuf, efb, ones,
                     acc_e, acc_d, sem_di, sem_e):
    del tok
    c = lax.axis_index("c")
    s = lax.axis_index("s")
    wid = c * NS + s
    ebase = wid * E_PER

    _zero_vmem(efb[0], ZCH, D_EDGE)
    _acc_chunks(
        s, lambda ch: pltpu.sync_copy(efb[0], acc_e.at[pl.ds(ch * ZCH, ZCH)]))
    _acc_chunks(
        s, lambda ch: pltpu.sync_copy(efb[0], acc_d.at[pl.ds(ch * ZCH, ZCH)]))
    onerow = jnp.where(lax.iota(jnp.int32, 16) == 0, 1.0, 0.0).astype(jnp.float32)

    def fill(r, _):
        ones[r, pl.ds(0, 16)] = onerow
        return 0

    lax.fori_loop(0, CHUNK, fill, 0)
    plsc.subcore_barrier()

    def idx_start(ck, b):
        off = ebase + ck * CHUNK
        pltpu.async_copy(dst.at[pl.ds(off, CHUNK)], dbuf[b], sem_di[b])
        pltpu.async_copy(ef.at[pl.ds(off, CHUNK)], efb[b], sem_e[b])

    def gather1(ck, b):
        pass

    def wait_scatter1(ck, b):
        off = ebase + ck * CHUNK
        pltpu.make_async_copy(dst.at[pl.ds(off, CHUNK)], dbuf[b], sem_di[b]).wait()
        pltpu.make_async_copy(ef.at[pl.ds(off, CHUNK)], efb[b], sem_e[b]).wait()
        pltpu.sync_copy(efb[b], acc_e.at[dbuf[b]], add=True)
        pltpu.sync_copy(ones, acc_d.at[dbuf[b]], add=True)

        @pl.when(ck + NBUF_E < NSTEP)
        def _():
            idx_start(ck + NBUF_E, b)

    _ring(NBUF_E, idx_start, gather1, wait_scatter1)
    plsc.subcore_barrier()

    def copy_out(ch):
        pltpu.sync_copy(acc_e.at[pl.ds(ch * ZCH, ZCH)], efb[0])
        pltpu.sync_copy(efb[0], out_e.at[c, pl.ds(ch * ZCH, ZCH)])
        pltpu.sync_copy(acc_d.at[pl.ds(ch * ZCH, ZCH)], efb[0])
        pltpu.sync_copy(efb[0], out_d.at[c, pl.ds(ch * ZCH, ZCH)])

    _acc_chunks(s, copy_out)


@functools.lru_cache(maxsize=None)
def _sc_efdeg_call():
    return pl.kernel(
        _sc_efdeg_kernel,
        out_type=(jax.ShapeDtypeStruct((NC, N, D_EDGE), jnp.float32),
                  jax.ShapeDtypeStruct((NC, N, D_EDGE), jnp.float32)),
        mesh=_mesh(),
        scratch_types=[
            tuple(pltpu.VMEM((CHUNK,), jnp.int32) for _ in range(NBUF_E)),
            tuple(pltpu.VMEM((CHUNK, D_EDGE), jnp.float32) for _ in range(NBUF_E)),
            pltpu.VMEM((CHUNK, D_EDGE), jnp.float32),
            pltpu.VMEM_SHARED((N, D_EDGE), jnp.float32),
            pltpu.VMEM_SHARED((N, D_EDGE), jnp.float32),
            tuple(pltpu.SemaphoreType.DMA for _ in range(NBUF_E)),
            tuple(pltpu.SemaphoreType.DMA for _ in range(NBUF_E)),
        ],
        compiler_params=pltpu.CompilerParams(use_tc_tiling_on_sc=False),
    )



TC_B = 1000


def _tc0_body(x_ref, w_ref, b_ref, out_ref):
    h = jax.nn.gelu(
        jnp.dot(x_ref[...], w_ref[...], preferred_element_type=jnp.float32)
        + b_ref[...])
    out_ref[...] = h.astype(jnp.bfloat16)


def _agg(s_ref, e_ref, d_ref, wh_ref, we_ref, zb_ref):
    ssum = (s_ref[0].astype(jnp.float32) + s_ref[1].astype(jnp.float32))
    esum = (e_ref[0].astype(jnp.float32) + e_ref[1].astype(jnp.float32))
    dsum = (d_ref[0].astype(jnp.float32) + d_ref[1].astype(jnp.float32))
    return (jnp.dot(ssum, wh_ref[...], preferred_element_type=jnp.float32)
            + jnp.dot(esum, we_ref[...], preferred_element_type=jnp.float32)
            + jnp.dot(dsum, zb_ref[...], preferred_element_type=jnp.float32))


def _tc_mid_body(h_ref, s_ref, e_ref, d_ref, wh_ref, we_ref, zb_ref, out_ref):
    agg = _agg(s_ref, e_ref, d_ref, wh_ref, we_ref, zb_ref)
    out_ref[...] = (h_ref[...].astype(jnp.float32)
                    + jax.nn.gelu(agg)).astype(jnp.bfloat16)


def _tc_fin_body(h_ref, s_ref, e_ref, d_ref, wh_ref, we_ref, zb_ref,
                 w2_ref, b2_ref, out_ref):
    agg = _agg(s_ref, e_ref, d_ref, wh_ref, we_ref, zb_ref)
    h2 = h_ref[...].astype(jnp.float32) + jax.nn.gelu(agg)
    out_ref[...] = (jnp.dot(h2, w2_ref[...], preferred_element_type=jnp.float32)
                    + b2_ref[...])


def _row_spec(b, w):
    return pl.BlockSpec((b, w), lambda i: (i, 0))


def _part_spec(b, w):
    return pl.BlockSpec((NC, b, w), lambda i: (0, i, 0))


def _full_spec(shape):
    return pl.BlockSpec(shape, lambda i: tuple(0 for _ in shape))


def _tc0(x, W1, b1):
    return pl.pallas_call(
        _tc0_body,
        grid=(N // TC_B,),
        in_specs=[_row_spec(TC_B, D), _full_spec((D, D)), _full_spec((1, D))],
        out_specs=_row_spec(TC_B, D),
        out_shape=jax.ShapeDtypeStruct((N, D), jnp.bfloat16),
    )(x, W1, b1)


def _tc_mid(h, sparts, eparts, dparts, wh, we, zb):
    return pl.pallas_call(
        _tc_mid_body,
        grid=(N // TC_B,),
        in_specs=[
            _row_spec(TC_B, D),
            _part_spec(TC_B, D),
            _part_spec(TC_B, D_EDGE),
            _part_spec(TC_B, D_EDGE),
            _full_spec((D, D)),
            _full_spec((D_EDGE, D)),
            _full_spec((D_EDGE, D)),
        ],
        out_specs=_row_spec(TC_B, D),
        out_shape=jax.ShapeDtypeStruct((N, D), jnp.bfloat16),
    )(h, sparts, eparts, dparts, wh, we, zb)


def _tc_fin(h, sparts, eparts, dparts, wh, we, zb, W2, b2):
    return pl.pallas_call(
        _tc_fin_body,
        grid=(N // TC_B,),
        in_specs=[
            _row_spec(TC_B, D),
            _part_spec(TC_B, D),
            _part_spec(TC_B, D_EDGE),
            _part_spec(TC_B, D_EDGE),
            _full_spec((D, D)),
            _full_spec((D_EDGE, D)),
            _full_spec((D_EDGE, D)),
            _full_spec((D, D)),
            _full_spec((1, D)),
        ],
        out_specs=_row_spec(TC_B, D),
        out_shape=jax.ShapeDtypeStruct((N, D), jnp.float32),
    )(h, sparts, eparts, dparts, wh, we, zb, W2, b2)


def _zrow16(bm):
    return jnp.concatenate(
        [bm[None, :], jnp.zeros((D_EDGE - 1, D), jnp.float32)], axis=0)


def kernel(x, edge_index, edge_features, W1, b1, Wm1, bm1, Wm2, bm2, W2, b2):
    wh1, we1, zb1 = Wm1[:D], Wm1[D:], _zrow16(bm1)
    wh2, we2, zb2 = Wm2[:D], Wm2[D:], _zrow16(bm2)

    src = edge_index[0]
    dst = edge_index[1]
    h0 = _tc0(x, W1, b1.reshape(1, D))
    s1 = _sc_hpass_call()(h0, src, dst)
    eparts, dparts = _sc_efdeg_call()(edge_features, dst, s1)
    h1 = _tc_mid(h0, s1, eparts, dparts, wh1, we1, zb1)
    s2 = _sc_hpass_call()(h1, src, dst)
    return _tc_fin(h1, s2, eparts, dparts, wh2, we2, zb2, W2, b2.reshape(1, D))

# --- scband reference (transcript-rebuilt; emitter-appended) ---
"""Pipeline reference for scband-block-57552561766797 (READ-ONLY COPY).

The authoritative reference and input builder live on the scoring server;
editing this copy changes nothing except your own understanding.
"""

import jax, jax.numpy as jnp
import numpy as np

N = 10000
E = 320000
D_FEAT = 128
D_HID = 128
D_EDGE = 16
D_OUT = 128


def _message_passing(x, edge_index, edge_features, Wm, bm):
    # Assumed MessagePassing: message = Linear(concat(x[src], edge_feat)),
    # aggregate = scatter-add (segment_sum) at dst, update = residual + GELU(agg).
    src = edge_index[0]
    dst = edge_index[1]
    m = jnp.concatenate([x[src], edge_features], axis=-1) @ Wm + bm
    agg = jax.ops.segment_sum(m, dst, num_segments=N)
    return x + jax.nn.gelu(agg)


def setup_inputs(seed: int = 0) -> dict:
    key = jax.random.key(seed)
    ks = jax.random.split(key, 11)
    x = jax.random.normal(ks[0], (N, D_FEAT), dtype=jnp.float32)
    edge_index = jax.random.randint(ks[1], (2, E), 0, N, dtype=jnp.int32)
    edge_features = jax.random.normal(ks[2], (E, D_EDGE), dtype=jnp.float32)
    s = 0.02
    W1 = jax.random.normal(ks[3], (D_FEAT, D_HID), dtype=jnp.float32) * s
    b1 = jnp.zeros((D_HID,), dtype=jnp.float32)
    Wm1 = jax.random.normal(ks[4], (D_HID + D_EDGE, D_HID), dtype=jnp.float32) * s
    bm1 = jnp.zeros((D_HID,), dtype=jnp.float32)
    Wm2 = jax.random.normal(ks[5], (D_HID + D_EDGE, D_HID), dtype=jnp.float32) * s
    bm2 = jnp.zeros((D_HID,), dtype=jnp.float32)
    W2 = jax.random.normal(ks[6], (D_HID, D_OUT), dtype=jnp.float32) * s
    b2 = jnp.zeros((D_OUT,), dtype=jnp.float32)
    return {"x": x, "edge_index": edge_index, "edge_features": edge_features,
            "W1": W1, "b1": b1, "Wm1": Wm1, "bm1": bm1,
            "Wm2": Wm2, "bm2": bm2, "W2": W2, "b2": b2}


def reference(x, edge_index, edge_features, W1, b1, Wm1, bm1, Wm2, bm2, W2, b2):
    # residual = x  (computed in the torch module but unused; kept faithful)
    h = jax.nn.gelu(x @ W1 + b1)
    h = _message_passing(h, edge_index, edge_features, Wm1, bm1)
    h = _message_passing(h, edge_index, edge_features, Wm2, bm2)
    return h @ W2 + b2

if __name__ == "__main__":
    import jax
    _d = setup_inputs()
    print(jax.jit(kernel)(*tuple(_d.values())))

</pallas_src>

<mosaic_0001>
#map = affine_map<(d0, d1) -> (0, 0)>
#map1 = affine_map<(d0, d1) -> (0)>
#map2 = affine_map<(d0, d1) -> (0, 0, 0)>
module attributes {stable_mosaic.version = 14 : i64} {
  func.func @_sc_efdeg_kernel(%arg0: i32, %arg1: i32, %arg2: memref<320000x16xf32, #tpu.memory_space<hbm>>, %arg3: memref<320000xi32, #tpu.memory_space<hbm>>, %arg4: memref<2x10000x128xbf16, #tpu.memory_space<hbm>>, %arg5: memref<2x10000x16xf32, #tpu.memory_space<hbm>>, %arg6: memref<2x10000x16xf32, #tpu.memory_space<hbm>>, %arg7: memref<80xi32, #tpu.memory_space<vmem>>, %arg8: memref<80xi32, #tpu.memory_space<vmem>>, %arg9: memref<80xi32, #tpu.memory_space<vmem>>, %arg10: memref<80xi32, #tpu.memory_space<vmem>>, %arg11: memref<80x16xf32, #tpu.memory_space<vmem>>, %arg12: memref<80x16xf32, #tpu.memory_space<vmem>>, %arg13: memref<80x16xf32, #tpu.memory_space<vmem>>, %arg14: memref<80x16xf32, #tpu.memory_space<vmem>>, %arg15: memref<80x16xf32, #tpu.memory_space<vmem>>, %arg16: memref<10000x16xf32, #tpu.memory_space<vmem_shared>>, %arg17: memref<10000x16xf32, #tpu.memory_space<vmem_shared>>, %arg18: memref<!tpu.dma_semaphore, #tpu.memory_space<semaphore_mem>>, %arg19: memref<!tpu.dma_semaphore, #tpu.memory_space<semaphore_mem>>, %arg20: memref<!tpu.dma_semaphore, #tpu.memory_space<semaphore_mem>>, %arg21: memref<!tpu.dma_semaphore, #tpu.memory_space<semaphore_mem>>, %arg22: memref<!tpu.dma_semaphore, #tpu.memory_space<semaphore_mem>>, %arg23: memref<!tpu.dma_semaphore, #tpu.memory_space<semaphore_mem>>, %arg24: memref<!tpu.dma_semaphore, #tpu.memory_space<semaphore_mem>>, %arg25: memref<!tpu.dma_semaphore, #tpu.memory_space<semaphore_mem>>) attributes {dimension_semantics = [#tpu.dimension_semantics<core_parallel>, #tpu.dimension_semantics<subcore_parallel>], iteration_bounds = array<i64: 2, 16>, scalar_prefetch = 0 : i64, scratch_operands = 19 : i64, tpu.core_type = #tpu.core_type<sc_vector_subcore>, window_params = [{transform_indices = #map}, {transform_indices = #map1}, {transform_indices = #map2}, {transform_indices = #map2}, {transform_indices = #map2}]} {
    %mul3A = arith.constant 16 : i32
    %mul3A_0 = arith.muli %arg0, %mul3A : i32
    %add3A = arith.addi %mul3A_0, %arg1 : i32
    %mul3A_1 = arith.constant 10000 : i32
    %mul3A_2 = arith.muli %add3A, %mul3A_1 : i32
    %broadcast_in_dim3A = arith.constant 0.000000e+00 : f32
    %broadcast_in_dim3A_3 = vector.broadcast %broadcast_in_dim3A : f32 to vector<16xf32>
    %scan3A = arith.constant 0 : i32
    %scan3A_4 = arith.constant 0 : i32
    %scan3A_5 = arith.constant 80 : i32
    %scan3A_6 = arith.addi %scan3A_4, %scan3A_5 : i32
    %scan3A_7 = arith.constant 1 : i32
    %scan3A_8 = scf.for %scan3A_226 = %scan3A_4 to %scan3A_6 step %scan3A_7 iter_args(%scan3A_227 = %scan3A) -> (i32)  : i32 {
      %swap3A = arith.index_cast %scan3A_226 : i32 to index
      %swap3A_228 = arith.constant 0 : index
      %swap3A_229 = tpu.vector_load %arg11[%swap3A, %swap3A_228] {strides = array<i32>} : memref<80x16xf32, #tpu.memory_space<vmem>>, vector<1x16xf32>,
      %swap3A_230 = vector.shape_cast %swap3A_229 : vector<1x16xf32> to vector<16xf32>
      %swap3A_231 = vector.shape_cast %broadcast_in_dim3A_3 : vector<16xf32> to vector<1x16xf32>
      tpu.vector_store %arg11[%swap3A, %swap3A_228], %swap3A_231 {strides = array<i32>} : memref<80x16xf32, #tpu.memory_space<vmem>>, vector<1x16xf32>,
      %scan3A_232 = arith.constant 0 : i32
      scf.yield %scan3A_232 : i32
    }
    %scan3A_9 = arith.constant 80 : i32
    %add3A_10 = arith.constant 0 : i32
    %add3A_11 = arith.addi %arg1, %add3A_10 : i32
    %lt3A = arith.constant 125 : i32
    %lt3A_12 = arith.cmpi slt, %add3A_11, %lt3A : i32
    %convert_element_type3A = arith.extui %lt3A_12 : i1 to i32
    %cond3A = arith.constant 0 : i32
    %cond3A_13 = arith.cmpi ne, %convert_element_type3A, %cond3A : i32
    scf.if %cond3A_13 {
      %mul3A_226 = arith.constant 80 : i32
      %mul3A_227 = arith.muli %add3A_11, %mul3A_226 : i32
      "tpu.region"() ({
        %run_scoped3A = tpu.sem_alloc : memref<!tpu.dma_semaphore, #tpu.memory_space<semaphore_mem>>
        %dma_start3A_228 = arith.constant 0 : i32
        %dma_start3A_229 = tpu.memref_slice %arg16[%mul3A_227, %dma_start3A_228] : memref<10000x16xf32, #tpu.memory_space<vmem_shared>> -> memref<80x16xf32, #tpu.memory_space<vmem_shared>>
        %dma_start3A_230 = arith.constant 0 : i32
        %dma_start3A_231 = tpu.memref_slice %arg16[%mul3A_227, %dma_start3A_230] : memref<10000x16xf32, #tpu.memory_space<vmem_shared>> -> memref<80x16xf32, #tpu.memory_space<vmem_shared>>
        tpu.enqueue_dma source(%arg11 : memref<80x16xf32, #tpu.memory_space<vmem>>) target(%dma_start3A_231 : memref<80x16xf32, #tpu.memory_space<vmem_shared>>) target_semaphore(%run_scoped3A : memref<!tpu.dma_semaphore, #tpu.memory_space<semaphore_mem>>)
        %dma_wait3A = arith.constant 0 : i32
        %dma_wait3A_232 = tpu.memref_slice %arg16[%mul3A_227, %dma_wait3A] : memref<10000x16xf32, #tpu.memory_space<vmem_shared>> -> memref<80x16xf32, #tpu.memory_space<vmem_shared>>
        %dma_wait3A_233 = arith.constant 0 : i32
        %dma_wait3A_234 = tpu.memref_slice %arg16[%mul3A_227, %dma_wait3A_233] : memref<10000x16xf32, #tpu.memory_space<vmem_shared>> -> memref<80x16xf32, #tpu.memory_space<vmem_shared>>
        tpu.wait_dma2 semaphore(%run_scoped3A : memref<!tpu.dma_semaphore, #tpu.memory_space<semaphore_mem>>) src(%arg11 : memref<80x16xf32, #tpu.memory_space<vmem>>) dst(%dma_wait3A_234 : memref<80x16xf32, #tpu.memory_space<vmem_shared>>)
        tpu.yield
      }) : () -> ()
    } else {
    }
    %add3A_14 = arith.constant 16 : i32
    %add3A_15 = arith.addi %arg1, %add3A_14 : i32
    %lt3A_16 = arith.constant 125 : i32
    %lt3A_17 = arith.cmpi slt, %add3A_15, %lt3A_16 : i32
    %convert_element_type3A_18 = arith.extui %lt3A_17 : i1 to i32
    %cond3A_19 = arith.constant 0 : i32
    %cond3A_20 = arith.cmpi ne, %convert_element_type3A_18, %cond3A_19 : i32
    scf.if %cond3A_20 {
      %mul3A_226 = arith.constant 80 : i32
      %mul3A_227 = arith.muli %add3A_15, %mul3A_226 : i32
      "tpu.region"() ({
        %run_scoped3A = tpu.sem_alloc : memref<!tpu.dma_semaphore, #tpu.memory_space<semaphore_mem>>
        %dma_start3A_228 = arith.constant 0 : i32
        %dma_start3A_229 = tpu.memref_slice %arg16[%mul3A_227, %dma_start3A_228] : memref<10000x16xf32, #tpu.memory_space<vmem_shared>> -> memref<80x16xf32, #tpu.memory_space<vmem_shared>>
        %dma_start3A_230 = arith.constant 0 : i32
        %dma_start3A_231 = tpu.memref_slice %arg16[%mul3A_227, %dma_start3A_230] : memref<10000x16xf32, #tpu.memory_space<vmem_shared>> -> memref<80x16xf32, #tpu.memory_space<vmem_shared>>
        tpu.enqueue_dma source(%arg11 : memref<80x16xf32, #tpu.memory_space<vmem>>) target(%dma_start3A_231 : memref<80x16xf32, #tpu.memory_space<vmem_shared>>) target_semaphore(%run_scoped3A : memref<!tpu.dma_semaphore, #tpu.memory_space<semaphore_mem>>)
        %dma_wait3A = arith.constant 0 : i32
        %dma_wait3A_232 = tpu.memref_slice %arg16[%mul3A_227, %dma_wait3A] : memref<10000x16xf32, #tpu.memory_space<vmem_shared>> -> memref<80x16xf32, #tpu.memory_space<vmem_shared>>
        %dma_wait3A_233 = arith.constant 0 : i32
        %dma_wait3A_234 = tpu.memref_slice %arg16[%mul3A_227, %dma_wait3A_233] : memref<10000x16xf32, #tpu.memory_space<vmem_shared>> -> memref<80x16xf32, #tpu.memory_space<vmem_shared>>
        tpu.wait_dma2 semaphore(%run_scoped3A : memref<!tpu.dma_semaphore, #tpu.memory_space<semaphore_mem>>) src(%arg11 : memref<80x16xf32, #tpu.memory_space<vmem>>) dst(%dma_wait3A_234 : memref<80x16xf32, #tpu.memory_space<vmem_shared>>)
        tpu.yield
      }) : () -> ()
    } else {
    }
    %add3A_21 = arith.constant 32 : i32
    %add3A_22 = arith.addi %arg1, %add3A_21 : i32
    %lt3A_23 = arith.constant 125 : i32
    %lt3A_24 = arith.cmpi slt, %add3A_22, %lt3A_23 : i32
    %convert_element_type3A_25 = arith.extui %lt3A_24 : i1 to i32
    %cond3A_26 = arith.constant 0 : i32
    %cond3A_27 = arith.cmpi ne, %convert_element_type3A_25, %cond3A_26 : i32
    scf.if %cond3A_27 {
      %mul3A_226 = arith.constant 80 : i32
      %mul3A_227 = arith.muli %add3A_22, %mul3A_226 : i32
      "tpu.region"() ({
        %run_scoped3A = tpu.sem_alloc : memref<!tpu.dma_semaphore, #tpu.memory_space<semaphore_mem>>
        %dma_start3A_228 = arith.constant 0 : i32
        %dma_start3A_229 = tpu.memref_slice %arg16[%mul3A_227, %dma_start3A_228] : memref<10000x16xf32, #tpu.memory_space<vmem_shared>> -> memref<80x16xf32, #tpu.memory_space<vmem_shared>>
        %dma_start3A_230 = arith.constant 0 : i32
        %dma_start3A_231 = tpu.memref_slice %arg16[%mul3A_227, %dma_start3A_230] : memref<10000x16xf32, #tpu.memory_space<vmem_shared>> -> memref<80x16xf32, #tpu.memory_space<vmem_shared>>
        tpu.enqueue_dma source(%arg11 : memref<80x16xf32, #tpu.memory_space<vmem>>) target(%dma_start3A_231 : memref<80x16xf32, #tpu.memory_space<vmem_shared>>) target_semaphore(%run_scoped3A : memref<!tpu.dma_semaphore, #tpu.memory_space<semaphore_mem>>)
        %dma_wait3A = arith.constant 0 : i32
        %dma_wait3A_232 = tpu.memref_slice %arg16[%mul3A_227, %dma_wait3A] : memref<10000x16xf32, #tpu.memory_space<vmem_shared>> -> memref<80x16xf32, #tpu.memory_space<vmem_shared>>
        %dma_wait3A_233 = arith.constant 0 : i32
        %dma_wait3A_234 = tpu.memref_slice %arg16[%mul3A_227, %dma_wait3A_233] : memref<10000x16xf32, #tpu.memory_space<vmem_shared>> -> memref<80x16xf32, #tpu.memory_space<vmem_shared>>
        tpu.wait_dma2 semaphore(%run_scoped3A : memref<!tpu.dma_semaphore, #tpu.memory_space<semaphore_mem>>) src(%arg11 : memref<80x16xf32, #tpu.memory_space<vmem>>) dst(%dma_wait3A_234 : memref<80x16xf32, #tpu.memory_space<vmem_shared>>)
        tpu.yield
      }) : () -> ()
    } else {
    }
    %add3A_28 = arith.constant 48 : i32
    %add3A_29 = arith.addi %arg1, %add3A_28 : i32
    %lt3A_30 = arith.constant 125 : i32
    %lt3A_31 = arith.cmpi slt, %add3A_29, %lt3A_30 : i32
    %convert_element_type3A_32 = arith.extui %lt3A_31 : i1 to i32
    %cond3A_33 = arith.constant 0 : i32
    %cond3A_34 = arith.cmpi ne, %convert_element_type3A_32, %cond3A_33 : i32
    scf.if %cond3A_34 {
      %mul3A_226 = arith.constant 80 : i32
      %mul3A_227 = arith.muli %add3A_29, %mul3A_226 : i32
      "tpu.region"() ({
        %run_scoped3A = tpu.sem_alloc : memref<!tpu.dma_semaphore, #tpu.memory_space<semaphore_mem>>
        %dma_start3A_228 = arith.constant 0 : i32
        %dma_start3A_229 = tpu.memref_slice %arg16[%mul3A_227, %dma_start3A_228] : memref<10000x16xf32, #tpu.memory_space<vmem_shared>> -> memref<80x16xf32, #tpu.memory_space<vmem_shared>>
        %dma_start3A_230 = arith.constant 0 : i32
        %dma_start3A_231 = tpu.memref_slice %arg16[%mul3A_227, %dma_start3A_230] : memref<10000x16xf32, #tpu.memory_space<vmem_shared>> -> memref<80x16xf32, #tpu.memory_space<vmem_shared>>
        tpu.enqueue_dma source(%arg11 : memref<80x16xf32, #tpu.memory_space<vmem>>) target(%dma_start3A_231 : memref<80x16xf32, #tpu.memory_space<vmem_shared>>) target_semaphore(%run_scoped3A : memref<!tpu.dma_semaphore, #tpu.memory_space<semaphore_mem>>)
        %dma_wait3A = arith.constant 0 : i32
        %dma_wait3A_232 = tpu.memref_slice %arg16[%mul3A_227, %dma_wait3A] : memref<10000x16xf32, #tpu.memory_space<vmem_shared>> -> memref<80x16xf32, #tpu.memory_space<vmem_shared>>
        %dma_wait3A_233 = arith.constant 0 : i32
        %dma_wait3A_234 = tpu.memref_slice %arg16[%mul3A_227, %dma_wait3A_233] : memref<10000x16xf32, #tpu.memory_space<vmem_shared>> -> memref<80x16xf32, #tpu.memory_space<vmem_shared>>
        tpu.wait_dma2 semaphore(%run_scoped3A : memref<!tpu.dma_semaphore, #tpu.memory_space<semaphore_mem>>) src(%arg11 : memref<80x16xf32, #tpu.memory_space<vmem>>) dst(%dma_wait3A_234 : memref<80x16xf32, #tpu.memory_space<vmem_shared>>)
        tpu.yield
      }) : () -> ()
    } else {
    }
    %add3A_35 = arith.constant 64 : i32
    %add3A_36 = arith.addi %arg1, %add3A_35 : i32
    %lt3A_37 = arith.constant 125 : i32
    %lt3A_38 = arith.cmpi slt, %add3A_36, %lt3A_37 : i32
    %convert_element_type3A_39 = arith.extui %lt3A_38 : i1 to i32
    %cond3A_40 = arith.constant 0 : i32
    %cond3A_41 = arith.cmpi ne, %convert_element_type3A_39, %cond3A_40 : i32
    scf.if %cond3A_41 {
      %mul3A_226 = arith.constant 80 : i32
      %mul3A_227 = arith.muli %add3A_36, %mul3A_226 : i32
      "tpu.region"() ({
        %run_scoped3A = tpu.sem_alloc : memref<!tpu.dma_semaphore, #tpu.memory_space<semaphore_mem>>
        %dma_start3A_228 = arith.constant 0 : i32
        %dma_start3A_229 = tpu.memref_slice %arg16[%mul3A_227, %dma_start3A_228] : memref<10000x16xf32, #tpu.memory_space<vmem_shared>> -> memref<80x16xf32, #tpu.memory_space<vmem_shared>>
        %dma_start3A_230 = arith.constant 0 : i32
        %dma_start3A_231 = tpu.memref_slice %arg16[%mul3A_227, %dma_start3A_230] : memref<10000x16xf32, #tpu.memory_space<vmem_shared>> -> memref<80x16xf32, #tpu.memory_space<vmem_shared>>
        tpu.enqueue_dma source(%arg11 : memref<80x16xf32, #tpu.memory_space<vmem>>) target(%dma_start3A_231 : memref<80x16xf32, #tpu.memory_space<vmem_shared>>) target_semaphore(%run_scoped3A : memref<!tpu.dma_semaphore, #tpu.memory_space<semaphore_mem>>)
        %dma_wait3A = arith.constant 0 : i32
        %dma_wait3A_232 = tpu.memref_slice %arg16[%mul3A_227, %dma_wait3A] : memref<10000x16xf32, #tpu.memory_space<vmem_shared>> -> memref<80x16xf32, #tpu.memory_space<vmem_shared>>
        %dma_wait3A_233 = arith.constant 0 : i32
        %dma_wait3A_234 = tpu.memref_slice %arg16[%mul3A_227, %dma_wait3A_233] : memref<10000x16xf32, #tpu.memory_space<vmem_shared>> -> memref<80x16xf32, #tpu.memory_space<vmem_shared>>
        tpu.wait_dma2 semaphore(%run_scoped3A : memref<!tpu.dma_semaphore, #tpu.memory_space<semaphore_mem>>) src(%arg11 : memref<80x16xf32, #tpu.memory_space<vmem>>) dst(%dma_wait3A_234 : memref<80x16xf32, #tpu.memory_space<vmem_shared>>)
        tpu.yield
      }) : () -> ()
    } else {
    }
    %add3A_42 = arith.constant 80 : i32
    %add3A_43 = arith.addi %arg1, %add3A_42 : i32
    %lt3A_44 = arith.constant 125 : i32
    %lt3A_45 = arith.cmpi slt, %add3A_43, %lt3A_44 : i32
    %convert_element_type3A_46 = arith.extui %lt3A_45 : i1 to i32
    %cond3A_47 = arith.constant 0 : i32
    %cond3A_48 = arith.cmpi ne, %convert_element_type3A_46, %cond3A_47 : i32
    scf.if %cond3A_48 {
      %mul3A_226 = arith.constant 80 : i32
      %mul3A_227 = arith.muli %add3A_43, %mul3A_226 : i32
      "tpu.region"() ({
        %run_scoped3A = tpu.sem_alloc : memref<!tpu.dma_semaphore, #tpu.memory_space<semaphore_mem>>
        %dma_start3A_228 = arith.constant 0 : i32
        %dma_start3A_229 = tpu.memref_slice %arg16[%mul3A_227, %dma_start3A_228] : memref<10000x16xf32, #tpu.memory_space<vmem_shared>> -> memref<80x16xf32, #tpu.memory_space<vmem_shared>>
        %dma_start3A_230 = arith.constant 0 : i32
        %dma_start3A_231 = tpu.memref_slice %arg16[%mul3A_227, %dma_start3A_230] : memref<10000x16xf32, #tpu.memory_space<vmem_shared>> -> memref<80x16xf32, #tpu.memory_space<vmem_shared>>
        tpu.enqueue_dma source(%arg11 : memref<80x16xf32, #tpu.memory_space<vmem>>) target(%dma_start3A_231 : memref<80x16xf32, #tpu.memory_space<vmem_shared>>) target_semaphore(%run_scoped3A : memref<!tpu.dma_semaphore, #tpu.memory_space<semaphore_mem>>)
        %dma_wait3A = arith.constant 0 : i32
        %dma_wait3A_232 = tpu.memref_slice %arg16[%mul3A_227, %dma_wait3A] : memref<10000x16xf32, #tpu.memory_space<vmem_shared>> -> memref<80x16xf32, #tpu.memory_space<vmem_shared>>
        %dma_wait3A_233 = arith.constant 0 : i32
        %dma_wait3A_234 = tpu.memref_slice %arg16[%mul3A_227, %dma_wait3A_233] : memref<10000x16xf32, #tpu.memory_space<vmem_shared>> -> memref<80x16xf32, #tpu.memory_space<vmem_shared>>
        tpu.wait_dma2 semaphore(%run_scoped3A : memref<!tpu.dma_semaphore, #tpu.memory_space<semaphore_mem>>) src(%arg11 : memref<80x16xf32, #tpu.memory_space<vmem>>) dst(%dma_wait3A_234 : memref<80x16xf32, #tpu.memory_space<vmem_shared>>)
        tpu.yield
      }) : () -> ()
    } else {
    }
    %add3A_49 = arith.constant 96 : i32
    %add3A_50 = arith.addi %arg1, %add3A_49 : i32
    %lt3A_51 = arith.constant 125 : i32
    %lt3A_52 = arith.cmpi slt, %add3A_50, %lt3A_51 : i32
    %convert_element_type3A_53 = arith.extui %lt3A_52 : i1 to i32
    %cond3A_54 = arith.constant 0 : i32
    %cond3A_55 = arith.cmpi ne, %convert_element_type3A_53, %cond3A_54 : i32
    scf.if %cond3A_55 {
      %mul3A_226 = arith.constant 80 : i32
      %mul3A_227 = arith.muli %add3A_50, %mul3A_226 : i32
      "tpu.region"() ({
        %run_scoped3A = tpu.sem_alloc : memref<!tpu.dma_semaphore, #tpu.memory_space<semaphore_mem>>
        %dma_start3A_228 = arith.constant 0 : i32
        %dma_start3A_229 = tpu.memref_slice %arg16[%mul3A_227, %dma_start3A_228] : memref<10000x16xf32, #tpu.memory_space<vmem_shared>> -> memref<80x16xf32, #tpu.memory_space<vmem_shared>>
        %dma_start3A_230 = arith.constant 0 : i32
        %dma_start3A_231 = tpu.memref_slice %arg16[%mul3A_227, %dma_start3A_230] : memref<10000x16xf32, #tpu.memory_space<vmem_shared>> -> memref<80x16xf32, #tpu.memory_space<vmem_shared>>
        tpu.enqueue_dma source(%arg11 : memref<80x16xf32, #tpu.memory_space<vmem>>) target(%dma_start3A_231 : memref<80x16xf32, #tpu.memory_space<vmem_shared>>) target_semaphore(%run_scoped3A : memref<!tpu.dma_semaphore, #tpu.memory_space<semaphore_mem>>)
        %dma_wait3A = arith.constant 0 : i32
        %dma_wait3A_232 = tpu.memref_slice %arg16[%mul3A_227, %dma_wait3A] : memref<10000x16xf32, #tpu.memory_space<vmem_shared>> -> memref<80x16xf32, #tpu.memory_space<vmem_shared>>
        %dma_wait3A_233 = arith.constant 0 : i32
        %dma_wait3A_234 = tpu.memref_slice %arg16[%mul3A_227, %dma_wait3A_233] : memref<10000x16xf32, #tpu.memory_space<vmem_shared>> -> memref<80x16xf32, #tpu.memory_space<vmem_shared>>
        tpu.wait_dma2 semaphore(%run_scoped3A : memref<!tpu.dma_semaphore, #tpu.memory_space<semaphore_mem>>) src(%arg11 : memref<80x16xf32, #tpu.memory_space<vmem>>) dst(%dma_wait3A_234 : memref<80x16xf32, #tpu.memory_space<vmem_shared>>)
        tpu.yield
      }) : () -> ()
    } else {
    }
    %add3A_56 = arith.constant 112 : i32
    %add3A_57 = arith.addi %arg1, %add3A_56 : i32
    %lt3A_58 = arith.constant 125 : i32
    %lt3A_59 = arith.cmpi slt, %add3A_57, %lt3A_58 : i32
    %convert_element_type3A_60 = arith.extui %lt3A_59 : i1 to i32
    %cond3A_61 = arith.constant 0 : i32
    %cond3A_62 = arith.cmpi ne, %convert_element_type3A_60, %cond3A_61 : i32
    scf.if %cond3A_62 {
      %mul3A_226 = arith.constant 80 : i32
      %mul3A_227 = arith.muli %add3A_57, %mul3A_226 : i32
      "tpu.region"() ({
        %run_scoped3A = tpu.sem_alloc : memref<!tpu.dma_semaphore, #tpu.memory_space<semaphore_mem>>
        %dma_start3A_228 = arith.constant 0 : i32
        %dma_start3A_229 = tpu.memref_slice %arg16[%mul3A_227, %dma_start3A_228] : memref<10000x16xf32, #tpu.memory_space<vmem_shared>> -> memref<80x16xf32, #tpu.memory_space<vmem_shared>>
        %dma_start3A_230 = arith.constant 0 : i32
        %dma_start3A_231 = tpu.memref_slice %arg16[%mul3A_227, %dma_start3A_230] : memref<10000x16xf32, #tpu.memory_space<vmem_shared>> -> memref<80x16xf32, #tpu.memory_space<vmem_shared>>
        tpu.enqueue_dma source(%arg11 : memref<80x16xf32, #tpu.memory_space<vmem>>) target(%dma_start3A_231 : memref<80x16xf32, #tpu.memory_space<vmem_shared>>) target_semaphore(%run_scoped3A : memref<!tpu.dma_semaphore, #tpu.memory_space<semaphore_mem>>)
        %dma_wait3A = arith.constant 0 : i32
        %dma_wait3A_232 = tpu.memref_slice %arg16[%mul3A_227, %dma_wait3A] : memref<10000x16xf32, #tpu.memory_space<vmem_shared>> -> memref<80x16xf32, #tpu.memory_space<vmem_shared>>
        %dma_wait3A_233 = arith.constant 0 : i32
        %dma_wait3A_234 = tpu.memref_slice %arg16[%mul3A_227, %dma_wait3A_233] : memref<10000x16xf32, #tpu.memory_space<vmem_shared>> -> memref<80x16xf32, #tpu.memory_space<vmem_shared>>
        tpu.wait_dma2 semaphore(%run_scoped3A : memref<!tpu.dma_semaphore, #tpu.memory_space<semaphore_mem>>) src(%arg11 : memref<80x16xf32, #tpu.memory_space<vmem>>) dst(%dma_wait3A_234 : memref<80x16xf32, #tpu.memory_space<vmem_shared>>)
        tpu.yield
      }) : () -> ()
    } else {
    }
    %add3A_63 = arith.constant 0 : i32
    %add3A_64 = arith.addi %arg1, %add3A_63 : i32
    %lt3A_65 = arith.constant 125 : i32
    %lt3A_66 = arith.cmpi slt, %add3A_64, %lt3A_65 : i32
    %convert_element_type3A_67 = arith.extui %lt3A_66 : i1 to i32
    %cond3A_68 = arith.constant 0 : i32
    %cond3A_69 = arith.cmpi ne, %convert_element_type3A_67, %cond3A_68 : i32
    scf.if %cond3A_69 {
      %mul3A_226 = arith.constant 80 : i32
      %mul3A_227 = arith.muli %add3A_64, %mul3A_226 : i32
      "tpu.region"() ({
        %run_scoped3A = tpu.sem_alloc : memref<!tpu.dma_semaphore, #tpu.memory_space<semaphore_mem>>
        %dma_start3A_228 = arith.constant 0 : i32
        %dma_start3A_229 = tpu.memref_slice %arg17[%mul3A_227, %dma_start3A_228] : memref<10000x16xf32, #tpu.memory_space<vmem_shared>> -> memref<80x16xf32, #tpu.memory_space<vmem_shared>>
        %dma_start3A_230 = arith.constant 0 : i32
        %dma_start3A_231 = tpu.memref_slice %arg17[%mul3A_227, %dma_start3A_230] : memref<10000x16xf32, #tpu.memory_space<vmem_shared>> -> memref<80x16xf32, #tpu.memory_space<vmem_shared>>
        tpu.enqueue_dma source(%arg11 : memref<80x16xf32, #tpu.memory_space<vmem>>) target(%dma_start3A_231 : memref<80x16xf32, #tpu.memory_space<vmem_shared>>) target_semaphore(%run_scoped3A : memref<!tpu.dma_semaphore, #tpu.memory_space<semaphore_mem>>)
        %dma_wait3A = arith.constant 0 : i32
        %dma_wait3A_232 = tpu.memref_slice %arg17[%mul3A_227, %dma_wait3A] : memref<10000x16xf32, #tpu.memory_space<vmem_shared>> -> memref<80x16xf32, #tpu.memory_space<vmem_shared>>
        %dma_wait3A_233 = arith.constant 0 : i32
        %dma_wait3A_234 = tpu.memref_slice %arg17[%mul3A_227, %dma_wait3A_233] : memref<10000x16xf32, #tpu.memory_space<vmem_shared>> -> memref<80x16xf32, #tpu.memory_space<vmem_shared>>
        tpu.wait_dma2 semaphore(%run_scoped3A : memref<!tpu.dma_semaphore, #tpu.memory_space<semaphore_mem>>) src(%arg11 : memref<80x16xf32, #tpu.memory_space<vmem>>) dst(%dma_wait3A_234 : memref<80x16xf32, #tpu.memory_space<vmem_shared>>)
        tpu.yield
      }) : () -> ()
    } else {
    }
    %add3A_70 = arith.constant 16 : i32
    %add3A_71 = arith.addi %arg1, %add3A_70 : i32
    %lt3A_72 = arith.constant 125 : i32
    %lt3A_73 = arith.cmpi slt, %add3A_71, %lt3A_72 : i32
    %convert_element_type3A_74 = arith.extui %lt3A_73 : i1 to i32
    %cond3A_75 = arith.constant 0 : i32
    %cond3A_76 = arith.cmpi ne, %convert_element_type3A_74, %cond3A_75 : i32
    scf.if %cond3A_76 {
      %mul3A_226 = arith.constant 80 : i32
      %mul3A_227 = arith.muli %add3A_71, %mul3A_226 : i32
      "tpu.region"() ({
        %run_scoped3A = tpu.sem_alloc : memref<!tpu.dma_semaphore, #tpu.memory_space<semaphore_mem>>
        %dma_start3A_228 = arith.constant 0 : i32
        %dma_start3A_229 = tpu.memref_slice %arg17[%mul3A_227, %dma_start3A_228] : memref<10000x16xf32, #tpu.memory_space<vmem_shared>> -> memref<80x16xf32, #tpu.memory_space<vmem_shared>>
        %dma_start3A_230 = arith.constant 0 : i32
        %dma_start3A_231 = tpu.memref_slice %arg17[%mul3A_227, %dma_start3A_230] : memref<10000x16xf32, #tpu.memory_space<vmem_shared>> -> memref<80x16xf32, #tpu.memory_space<vmem_shared>>
        tpu.enqueue_dma source(%arg11 : memref<80x16xf32, #tpu.memory_space<vmem>>) target(%dma_start3A_231 : memref<80x16xf32, #tpu.memory_space<vmem_shared>>) target_semaphore(%run_scoped3A : memref<!tpu.dma_semaphore, #tpu.memory_space<semaphore_mem>>)
        %dma_wait3A = arith.constant 0 : i32
        %dma_wait3A_232 = tpu.memref_slice %arg17[%mul3A_227, %dma_wait3A] : memref<10000x16xf32, #tpu.memory_space<vmem_shared>> -> memref<80x16xf32, #tpu.memory_space<vmem_shared>>
        %dma_wait3A_233 = arith.constant 0 : i32
        %dma_wait3A_234 = tpu.memref_slice %arg17[%mul3A_227, %dma_wait3A_233] : memref<10000x16xf32, #tpu.memory_space<vmem_shared>> -> memref<80x16xf32, #tpu.memory_space<vmem_shared>>
        tpu.wait_dma2 semaphore(%run_scoped3A : memref<!tpu.dma_semaphore, #tpu.memory_space<semaphore_mem>>) src(%arg11 : memref<80x16xf32, #tpu.memory_space<vmem>>) dst(%dma_wait3A_234 : memref<80x16xf32, #tpu.memory_space<vmem_shared>>)
        tpu.yield
      }) : () -> ()
    } else {
    }
    %add3A_77 = arith.constant 32 : i32
    %add3A_78 = arith.addi %arg1, %add3A_77 : i32
    %lt3A_79 = arith.constant 125 : i32
    %lt3A_80 = arith.cmpi slt, %add3A_78, %lt3A_79 : i32
    %convert_element_type3A_81 = arith.extui %lt3A_80 : i1 to i32
    %cond3A_82 = arith.constant 0 : i32
    %cond3A_83 = arith.cmpi ne, %convert_element_type3A_81, %cond3A_82 : i32
    scf.if %cond3A_83 {
      %mul3A_226 = arith.constant 80 : i32
      %mul3A_227 = arith.muli %add3A_78, %mul3A_226 : i32
      "tpu.region"() ({
        %run_scoped3A = tpu.sem_alloc : memref<!tpu.dma_semaphore, #tpu.memory_space<semaphore_mem>>
        %dma_start3A_228 = arith.constant 0 : i32
        %dma_start3A_229 = tpu.memref_slice %arg17[%mul3A_227, %dma_start3A_228] : memref<10000x16xf32, #tpu.memory_space<vmem_shared>> -> memref<80x16xf32, #tpu.memory_space<vmem_shared>>
        %dma_start3A_230 = arith.constant 0 : i32
        %dma_start3A_231 = tpu.memref_slice %arg17[%mul3A_227, %dma_start3A_230] : memref<10000x16xf32, #tpu.memory_space<vmem_shared>> -> memref<80x16xf32, #tpu.memory_space<vmem_shared>>
        tpu.enqueue_dma source(%arg11 : memref<80x16xf32, #tpu.memory_space<vmem>>) target(%dma_start3A_231 : memref<80x16xf32, #tpu.memory_space<vmem_shared>>) target_semaphore(%run_scoped3A : memref<!tpu.dma_semaphore, #tpu.memory_space<semaphore_mem>>)
        %dma_wait3A = arith.constant 0 : i32
        %dma_wait3A_232 = tpu.memref_slice %arg17[%mul3A_227, %dma_wait3A] : memref<10000x16xf32, #tpu.memory_space<vmem_shared>> -> memref<80x16xf32, #tpu.memory_space<vmem_shared>>
        %dma_wait3A_233 = arith.constant 0 : i32
        %dma_wait3A_234 = tpu.memref_slice %arg17[%mul3A_227, %dma_wait3A_233] : memref<10000x16xf32, #tpu.memory_space<vmem_shared>> -> memref<80x16xf32, #tpu.memory_space<vmem_shared>>
        tpu.wait_dma2 semaphore(%run_scoped3A : memref<!tpu.dma_semaphore, #tpu.memory_space<semaphore_mem>>) src(%arg11 : memref<80x16xf32, #tpu.memory_space<vmem>>) dst(%dma_wait3A_234 : memref<80x16xf32, #tpu.memory_space<vmem_shared>>)
        tpu.yield
      }) : () -> ()
    } else {
    }
    %add3A_84 = arith.constant 48 : i32
    %add3A_85 = arith.addi %arg1, %add3A_84 : i32
    %lt3A_86 = arith.constant 125 : i32
    %lt3A_87 = arith.cmpi slt, %add3A_85, %lt3A_86 : i32
    %convert_element_type3A_88 = arith.extui %lt3A_87 : i1 to i32
    %cond3A_89 = arith.constant 0 : i32
    %cond3A_90 = arith.cmpi ne, %convert_element_type3A_88, %cond3A_89 : i32
    scf.if %cond3A_90 {
      %mul3A_226 = arith.constant 80 : i32
      %mul3A_227 = arith.muli %add3A_85, %mul3A_226 : i32
      "tpu.region"() ({
        %run_scoped3A = tpu.sem_alloc : memref<!tpu.dma_semaphore, #tpu.memory_space<semaphore_mem>>
        %dma_start3A_228 = arith.constant 0 : i32
        %dma_start3A_229 = tpu.memref_slice %arg17[%mul3A_227, %dma_start3A_228] : memref<10000x16xf32, #tpu.memory_space<vmem_shared>> -> memref<80x16xf32, #tpu.memory_space<vmem_shared>>
        %dma_start3A_230 = arith.constant 0 : i32
        %dma_start3A_231 = tpu.memref_slice %arg17[%mul3A_227, %dma_start3A_230] : memref<10000x16xf32, #tpu.memory_space<vmem_shared>> -> memref<80x16xf32, #tpu.memory_space<vmem_shared>>
        tpu.enqueue_dma source(%arg11 : memref<80x16xf32, #tpu.memory_space<vmem>>) target(%dma_start3A_231 : memref<80x16xf32, #tpu.memory_space<vmem_shared>>) target_semaphore(%run_scoped3A : memref<!tpu.dma_semaphore, #tpu.memory_space<semaphore_mem>>)
        %dma_wait3A = arith.constant 0 : i32
        %dma_wait3A_232 = tpu.memref_slice %arg17[%mul3A_227, %dma_wait3A] : memref<10000x16xf32, #tpu.memory_space<vmem_shared>> -> memref<80x16xf32, #tpu.memory_space<vmem_shared>>
        %dma_wait3A_233 = arith.constant 0 : i32
        %dma_wait3A_234 = tpu.memref_slice %arg17[%mul3A_227, %dma_wait3A_233] : memref<10000x16xf32, #tpu.memory_space<vmem_shared>> -> memref<80x16xf32, #tpu.memory_space<vmem_shared>>
        tpu.wait_dma2 semaphore(%run_scoped3A : memref<!tpu.dma_semaphore, #tpu.memory_space<semaphore_mem>>) src(%arg11 : memref<80x16xf32, #tpu.memory_space<vmem>>) dst(%dma_wait3A_234 : memref<80x16xf32, #tpu.memory_space<vmem_shared>>)
        tpu.yield
      }) : () -> ()
    } else {
    }
    %add3A_91 = arith.constant 64 : i32
    %add3A_92 = arith.addi %arg1, %add3A_91 : i32
    %lt3A_93 = arith.constant 125 : i32
    %lt3A_94 = arith.cmpi slt, %add3A_92, %lt3A_93 : i32
    %convert_element_type3A_95 = arith.extui %lt3A_94 : i1 to i32
    %cond3A_96 = arith.constant 0 : i32
    %cond3A_97 = arith.cmpi ne, %convert_element_type3A_95, %cond3A_96 : i32
    scf.if %cond3A_97 {
      %mul3A_226 = arith.constant 80 : i32
      %mul3A_227 = arith.muli %add3A_92, %mul3A_226 : i32
      "tpu.region"() ({
        %run_scoped3A = tpu.sem_alloc : memref<!tpu.dma_semaphore, #tpu.memory_space<semaphore_mem>>
        %dma_start3A_228 = arith.constant 0 : i32
        %dma_start3A_229 = tpu.memref_slice %arg17[%mul3A_227, %dma_start3A_228] : memref<10000x16xf32, #tpu.memory_space<vmem_shared>> -> memref<80x16xf32, #tpu.memory_space<vmem_shared>>
        %dma_start3A_230 = arith.constant 0 : i32
        %dma_start3A_231 = tpu.memref_slice %arg17[%mul3A_227, %dma_start3A_230] : memref<10000x16xf32, #tpu.memory_space<vmem_shared>> -> memref<80x16xf32, #tpu.memory_space<vmem_shared>>
        tpu.enqueue_dma source(%arg11 : memref<80x16xf32, #tpu.memory_space<vmem>>) target(%dma_start3A_231 : memref<80x16xf32, #tpu.memory_space<vmem_shared>>) target_semaphore(%run_scoped3A : memref<!tpu.dma_semaphore, #tpu.memory_space<semaphore_mem>>)
        %dma_wait3A = arith.constant 0 : i32
        %dma_wait3A_232 = tpu.memref_slice %arg17[%mul3A_227, %dma_wait3A] : memref<10000x16xf32, #tpu.memory_space<vmem_shared>> -> memref<80x16xf32, #tpu.memory_space<vmem_shared>>
        %dma_wait3A_233 = arith.constant 0 : i32
        %dma_wait3A_234 = tpu.memref_slice %arg17[%mul3A_227, %dma_wait3A_233] : memref<10000x16xf32, #tpu.memory_space<vmem_shared>> -> memref<80x16xf32, #tpu.memory_space<vmem_shared>>
        tpu.wait_dma2 semaphore(%run_scoped3A : memref<!tpu.dma_semaphore, #tpu.memory_space<semaphore_mem>>) src(%arg11 : memref<80x16xf32, #tpu.memory_space<vmem>>) dst(%dma_wait3A_234 : memref<80x16xf32, #tpu.memory_space<vmem_shared>>)
        tpu.yield
      }) : () -> ()
    } else {
    }
    %add3A_98 = arith.constant 80 : i32
    %add3A_99 = arith.addi %arg1, %add3A_98 : i32
    %lt3A_100 = arith.constant 125 : i32
    %lt3A_101 = arith.cmpi slt, %add3A_99, %lt3A_100 : i32
    %convert_element_type3A_102 = arith.extui %lt3A_101 : i1 to i32
    %cond3A_103 = arith.constant 0 : i32
    %cond3A_104 = arith.cmpi ne, %convert_element_type3A_102, %cond3A_103 : i32
    scf.if %cond3A_104 {
      %mul3A_226 = arith.constant 80 : i32
      %mul3A_227 = arith.muli %add3A_99, %mul3A_226 : i32
      "tpu.region"() ({
        %run_scoped3A = tpu.sem_alloc : memref<!tpu.dma_semaphore, #tpu.memory_space<semaphore_mem>>
        %dma_start3A_228 = arith.constant 0 : i32
        %dma_start3A_229 = tpu.memref_slice %arg17[%mul3A_227, %dma_start3A_228] : memref<10000x16xf32, #tpu.memory_space<vmem_shared>> -> memref<80x16xf32, #tpu.memory_space<vmem_shared>>
        %dma_start3A_230 = arith.constant 0 : i32
        %dma_start3A_231 = tpu.memref_slice %arg17[%mul3A_227, %dma_start3A_230] : memref<10000x16xf32, #tpu.memory_space<vmem_shared>> -> memref<80x16xf32, #tpu.memory_space<vmem_shared>>
        tpu.enqueue_dma source(%arg11 : memref<80x16xf32, #tpu.memory_space<vmem>>) target(%dma_start3A_231 : memref<80x16xf32, #tpu.memory_space<vmem_shared>>) target_semaphore(%run_scoped3A : memref<!tpu.dma_semaphore, #tpu.memory_space<semaphore_mem>>)
        %dma_wait3A = arith.constant 0 : i32
        %dma_wait3A_232 = tpu.memref_slice %arg17[%mul3A_227, %dma_wait3A] : memref<10000x16xf32, #tpu.memory_space<vmem_shared>> -> memref<80x16xf32, #tpu.memory_space<vmem_shared>>
        %dma_wait3A_233 = arith.constant 0 : i32
        %dma_wait3A_234 = tpu.memref_slice %arg17[%mul3A_227, %dma_wait3A_233] : memref<10000x16xf32, #tpu.memory_space<vmem_shared>> -> memref<80x16xf32, #tpu.memory_space<vmem_shared>>
        tpu.wait_dma2 semaphore(%run_scoped3A : memref<!tpu.dma_semaphore, #tpu.memory_space<semaphore_mem>>) src(%arg11 : memref<80x16xf32, #tpu.memory_space<vmem>>) dst(%dma_wait3A_234 : memref<80x16xf32, #tpu.memory_space<vmem_shared>>)
        tpu.yield
      }) : () -> ()
    } else {
    }
    %add3A_105 = arith.constant 96 : i32
    %add3A_106 = arith.addi %arg1, %add3A_105 : i32
    %lt3A_107 = arith.constant 125 : i32
    %lt3A_108 = arith.cmpi slt, %add3A_106, %lt3A_107 : i32
    %convert_element_type3A_109 = arith.extui %lt3A_108 : i1 to i32
    %cond3A_110 = arith.constant 0 : i32
    %cond3A_111 = arith.cmpi ne, %convert_element_type3A_109, %cond3A_110 : i32
    scf.if %cond3A_111 {
      %mul3A_226 = arith.constant 80 : i32
      %mul3A_227 = arith.muli %add3A_106, %mul3A_226 : i32
      "tpu.region"() ({
        %run_scoped3A = tpu.sem_alloc : memref<!tpu.dma_semaphore, #tpu.memory_space<semaphore_mem>>
        %dma_start3A_228 = arith.constant 0 : i32
        %dma_start3A_229 = tpu.memref_slice %arg17[%mul3A_227, %dma_start3A_228] : memref<10000x16xf32, #tpu.memory_space<vmem_shared>> -> memref<80x16xf32, #tpu.memory_space<vmem_shared>>
        %dma_start3A_230 = arith.constant 0 : i32
        %dma_start3A_231 = tpu.memref_slice %arg17[%mul3A_227, %dma_start3A_230] : memref<10000x16xf32, #tpu.memory_space<vmem_shared>> -> memref<80x16xf32, #tpu.memory_space<vmem_shared>>
        tpu.enqueue_dma source(%arg11 : memref<80x16xf32, #tpu.memory_space<vmem>>) target(%dma_start3A_231 : memref<80x16xf32, #tpu.memory_space<vmem_shared>>) target_semaphore(%run_scoped3A : memref<!tpu.dma_semaphore, #tpu.memory_space<semaphore_mem>>)
        %dma_wait3A = arith.constant 0 : i32
        %dma_wait3A_232 = tpu.memref_slice %arg17[%mul3A_227, %dma_wait3A] : memref<10000x16xf32, #tpu.memory_space<vmem_shared>> -> memref<80x16xf32, #tpu.memory_space<vmem_shared>>
        %dma_wait3A_233 = arith.constant 0 : i32
        %dma_wait3A_234 = tpu.memref_slice %arg17[%mul3A_227, %dma_wait3A_233] : memref<10000x16xf32, #tpu.memory_space<vmem_shared>> -> memref<80x16xf32, #tpu.memory_space<vmem_shared>>
        tpu.wait_dma2 semaphore(%run_scoped3A : memref<!tpu.dma_semaphore, #tpu.memory_space<semaphore_mem>>) src(%arg11 : memref<80x16xf32, #tpu.memory_space<vmem>>) dst(%dma_wait3A_234 : memref<80x16xf32, #tpu.memory_space<vmem_shared>>)
        tpu.yield
      }) : () -> ()
    } else {
    }
    %add3A_112 = arith.constant 112 : i32
    %add3A_113 = arith.addi %arg1, %add3A_112 : i32
    %lt3A_114 = arith.constant 125 : i32
    %lt3A_115 = arith.cmpi slt, %add3A_113, %lt3A_114 : i32
    %convert_element_type3A_116 = arith.extui %lt3A_115 : i1 to i32
    %cond3A_117 = arith.constant 0 : i32
    %cond3A_118 = arith.cmpi ne, %convert_element_type3A_116, %cond3A_117 : i32
    scf.if %cond3A_118 {
      %mul3A_226 = arith.constant 80 : i32
      %mul3A_227 = arith.muli %add3A_113, %mul3A_226 : i32
      "tpu.region"() ({
        %run_scoped3A = tpu.sem_alloc : memref<!tpu.dma_semaphore, #tpu.memory_space<semaphore_mem>>
        %dma_start3A_228 = arith.constant 0 : i32
        %dma_start3A_229 = tpu.memref_slice %arg17[%mul3A_227, %dma_start3A_228] : memref<10000x16xf32, #tpu.memory_space<vmem_shared>> -> memref<80x16xf32, #tpu.memory_space<vmem_shared>>
        %dma_start3A_230 = arith.constant 0 : i32
        %dma_start3A_231 = tpu.memref_slice %arg17[%mul3A_227, %dma_start3A_230] : memref<10000x16xf32, #tpu.memory_space<vmem_shared>> -> memref<80x16xf32, #tpu.memory_space<vmem_shared>>
        tpu.enqueue_dma source(%arg11 : memref<80x16xf32, #tpu.memory_space<vmem>>) target(%dma_start3A_231 : memref<80x16xf32, #tpu.memory_space<vmem_shared>>) target_semaphore(%run_scoped3A : memref<!tpu.dma_semaphore, #tpu.memory_space<semaphore_mem>>)
        %dma_wait3A = arith.constant 0 : i32
        %dma_wait3A_232 = tpu.memref_slice %arg17[%mul3A_227, %dma_wait3A] : memref<10000x16xf32, #tpu.memory_space<vmem_shared>> -> memref<80x16xf32, #tpu.memory_space<vmem_shared>>
        %dma_wait3A_233 = arith.constant 0 : i32
        %dma_wait3A_234 = tpu.memref_slice %arg17[%mul3A_227, %dma_wait3A_233] : memref<10000x16xf32, #tpu.memory_space<vmem_shared>> -> memref<80x16xf32, #tpu.memory_space<vmem_shared>>
        tpu.wait_dma2 semaphore(%run_scoped3A : memref<!tpu.dma_semaphore, #tpu.memory_space<semaphore_mem>>) src(%arg11 : memref<80x16xf32, #tpu.memory_space<vmem>>) dst(%dma_wait3A_234 : memref<80x16xf32, #tpu.memory_space<vmem_shared>>)
        tpu.yield
      }) : () -> ()
    } else {
    }
    %iota3A = tpu.iota {dimensions = array<i32: 0>} : vector<16xi32>
    %eq3A = arith.constant 0 : i32
    %eq3A_119 = vector.broadcast %eq3A : i32 to vector<16xi32>
    %eq3A_120 = arith.cmpi eq, %iota3A, %eq3A_119 : vector<16xi32>
    %jit3A = arith.constant 1.000000e+00 : f32
    %jit3A_121 = arith.constant 0.000000e+00 : f32
    %broadcast_in_dim3A_122 = vector.broadcast %jit3A : f32 to vector<16xf32>
    %broadcast_in_dim3A_123 = vector.broadcast %jit3A_121 : f32 to vector<16xf32>
    %select_n3A = arith.select %eq3A_120, %broadcast_in_dim3A_122, %broadcast_in_dim3A_123 : vector<16xi1>, vector<16xf32>
    %scan3A_124 = arith.constant 0 : i32
    %scan3A_125 = arith.constant 0 : i32
    %scan3A_126 = arith.constant 80 : i32
    %scan3A_127 = arith.addi %scan3A_125, %scan3A_126 : i32
    %scan3A_128 = arith.constant 1 : i32
    %scan3A_129 = scf.for %scan3A_226 = %scan3A_125 to %scan3A_127 step %scan3A_128 iter_args(%scan3A_227 = %scan3A_124) -> (i32)  : i32 {
      %swap3A = arith.index_cast %scan3A_226 : i32 to index
      %swap3A_228 = arith.constant 0 : index
      %swap3A_229 = tpu.vector_load %arg15[%swap3A, %swap3A_228] {strides = array<i32>} : memref<80x16xf32, #tpu.memory_space<vmem>>, vector<1x16xf32>,
      %swap3A_230 = vector.shape_cast %swap3A_229 : vector<1x16xf32> to vector<16xf32>
      %swap3A_231 = vector.shape_cast %select_n3A : vector<16xf32> to vector<1x16xf32>
      tpu.vector_store %arg15[%swap3A, %swap3A_228], %swap3A_231 {strides = array<i32>} : memref<80x16xf32, #tpu.memory_space<vmem>>, vector<1x16xf32>,
      %scan3A_232 = arith.constant 0 : i32
      scf.yield %scan3A_232 : i32
    }
    %scan3A_130 = arith.constant 80 : i32
    %barrier3A = arith.constant 0 : index
    tpu.barrier barrier_id(%barrier3A)
    %add3A_131 = arith.constant 0 : i32
    %add3A_132 = arith.addi %mul3A_2, %add3A_131 : i32
    %dma_start3A = tpu.memref_slice %arg3[%add3A_132] : memref<320000xi32, #tpu.memory_space<hbm>> -> memref<80xi32, #tpu.memory_space<hbm>>
    %dma_start3A_133 = tpu.memref_slice %arg3[%add3A_132] : memref<320000xi32, #tpu.memory_space<hbm>> -> memref<80xi32, #tpu.memory_space<hbm>>
    tpu.enqueue_dma source(%dma_start3A_133 : memref<80xi32, #tpu.memory_space<hbm>>) target(%arg7 : memref<80xi32, #tpu.memory_space<vmem>>) target_semaphore(%arg18 : memref<!tpu.dma_semaphore, #tpu.memory_space<semaphore_mem>>)
    %dma_start3A_134 = arith.constant 0 : i32
    %dma_start3A_135 = tpu.memref_slice %arg2[%add3A_132, %dma_start3A_134] : memref<320000x16xf32, #tpu.memory_space<hbm>> -> memref<80x16xf32, #tpu.memory_space<hbm>>
    %dma_start3A_136 = arith.constant 0 : i32
    %dma_start3A_137 = tpu.memref_slice %arg2[%add3A_132, %dma_start3A_136] : memref<320000x16xf32, #tpu.memory_space<hbm>> -> memref<80x16xf32, #tpu.memory_space<hbm>>
    tpu.enqueue_dma source(%dma_start3A_137 : memref<80x16xf32, #tpu.memory_space<hbm>>) target(%arg11 : memref<80x16xf32, #tpu.memory_space<vmem>>) target_semaphore(%arg22 : memref<!tpu.dma_semaphore, #tpu.memory_space<semaphore_mem>>)
    %add3A_138 = arith.constant 80 : i32
    %add3A_139 = arith.addi %mul3A_2, %add3A_138 : i32
    %dma_start3A_140 = tpu.memref_slice %arg3[%add3A_139] : memref<320000xi32, #tpu.memory_space<hbm>> -> memref<80xi32, #tpu.memory_space<hbm>>
    %dma_start3A_141 = tpu.memref_slice %arg3[%add3A_139] : memref<320000xi32, #tpu.memory_space<hbm>> -> memref<80xi32, #tpu.memory_space<hbm>>
    tpu.enqueue_dma source(%dma_start3A_141 : memref<80xi32, #tpu.memory_space<hbm>>) target(%arg8 : memref<80xi32, #tpu.memory_space<vmem>>) target_semaphore(%arg19 : memref<!tpu.dma_semaphore, #tpu.memory_space<semaphore_mem>>)
    %dma_start3A_142 = arith.constant 0 : i32
    %dma_start3A_143 = tpu.memref_slice %arg2[%add3A_139, %dma_start3A_142] : memref<320000x16xf32, #tpu.memory_space<hbm>> -> memref<80x16xf32, #tpu.memory_space<hbm>>
    %dma_start3A_144 = arith.constant 0 : i32
    %dma_start3A_145 = tpu.memref_slice %arg2[%add3A_139, %dma_start3A_144] : memref<320000x16xf32, #tpu.memory_space<hbm>> -> memref<80x16xf32, #tpu.memory_space<hbm>>
    tpu.enqueue_dma source(%dma_start3A_145 : memref<80x16xf32, #tpu.memory_space<hbm>>) target(%arg12 : memref<80x16xf32, #tpu.memory_space<vmem>>) target_semaphore(%arg23 : memref<!tpu.dma_semaphore, #tpu.memory_space<semaphore_mem>>)
    %add3A_146 = arith.constant 160 : i32
    %add3A_147 = arith.addi %mul3A_2, %add3A_146 : i32
    %dma_start3A_148 = tpu.memref_slice %arg3[%add3A_147] : memref<320000xi32, #tpu.memory_space<hbm>> -> memref<80xi32, #tpu.memory_space<hbm>>
    %dma_start3A_149 = tpu.memref_slice %arg3[%add3A_147] : memref<320000xi32, #tpu.memory_space<hbm>> -> memref<80xi32, #tpu.memory_space<hbm>>
    tpu.enqueue_dma source(%dma_start3A_149 : memref<80xi32, #tpu.memory_space<hbm>>) target(%arg9 : memref<80xi32, #tpu.memory_space<vmem>>) target_semaphore(%arg20 : memref<!tpu.dma_semaphore, #tpu.memory_space<semaphore_mem>>)
    %dma_start3A_150 = arith.constant 0 : i32
    %dma_start3A_151 = tpu.memref_slice %arg2[%add3A_147, %dma_start3A_150] : memref<320000x16xf32, #tpu.memory_space<hbm>> -> memref<80x16xf32, #tpu.memory_space<hbm>>
    %dma_start3A_152 = arith.constant 0 : i32
    %dma_start3A_153 = tpu.memref_slice %arg2[%add3A_147, %dma_start3A_152] : memref<320000x16xf32, #tpu.memory_space<hbm>> -> memref<80x16xf32, #tpu.memory_space<hbm>>
    tpu.enqueue_dma source(%dma_start3A_153 : memref<80x16xf32, #tpu.memory_space<hbm>>) target(%arg13 : memref<80x16xf32, #tpu.memory_space<vmem>>) target_semaphore(%arg24 : memref<!tpu.dma_semaphore, #tpu.memory_space<semaphore_mem>>)
    %add3A_154 = arith.constant 240 : i32
    %add3A_155 = arith.addi %mul3A_2, %add3A_154 : i32
    %dma_start3A_156 = tpu.memref_slice %arg3[%add3A_155] : memref<320000xi32, #tpu.memory_space<hbm>> -> memref<80xi32, #tpu.memory_space<hbm>>
    %dma_start3A_157 = tpu.memref_slice %arg3[%add3A_155] : memref<320000xi32, #tpu.memory_space<hbm>> -> memref<80xi32, #tpu.memory_space<hbm>>
    tpu.enqueue_dma source(%dma_start3A_157 : memref<80xi32, #tpu.memory_space<hbm>>) target(%arg10 : memref<80xi32, #tpu.memory_space<vmem>>) target_semaphore(%arg21 : memref<!tpu.dma_semaphore, #tpu.memory_space<semaphore_mem>>)
    %dma_start3A_158 = arith.constant 0 : i32
    %dma_start3A_159 = tpu.memref_slice %arg2[%add3A_155, %dma_start3A_158] : memref<320000x16xf32, #tpu.memory_space<hbm>> -> memref<80x16xf32, #tpu.memory_space<hbm>>
    %dma_start3A_160 = arith.constant 0 : i32
    %dma_start3A_161 = tpu.memref_slice %arg2[%add3A_155, %dma_start3A_160] : memref<320000x16xf32, #tpu.memory_space<hbm>> -> memref<80x16xf32, #tpu.memory_space<hbm>>
    tpu.enqueue_dma source(%dma_start3A_161 : memref<80x16xf32, #tpu.memory_space<hbm>>) target(%arg14 : memref<80x16xf32, #tpu.memory_space<vmem>>) target_semaphore(%arg25 : memref<!tpu.dma_semaphore, #tpu.memory_space<semaphore_mem>>)
    %scan3A_162 = arith.constant 0 : i32
    %scan3A_163 = arith.constant 0 : i32
    %scan3A_164 = arith.constant 32 : i32
    %scan3A_165 = arith.addi %scan3A_163, %scan3A_164 : i32
    %scan3A_166 = arith.constant 1 : i32
    %scan3A_167 = scf.for %scan3A_226 = %scan3A_163 to %scan3A_165 step %scan3A_166 iter_args(%scan3A_227 = %scan3A_162) -> (i32)  : i32 {
      %mul3A_228 = arith.constant 4 : i32
      %mul3A_229 = arith.muli %scan3A_226, %mul3A_228 : i32
      %add3A_230 = arith.constant 0 : i32
      %add3A_231 = arith.addi %mul3A_229, %add3A_230 : i32
      %lt3A_232 = arith.constant 125 : i32
      %lt3A_233 = arith.cmpi slt, %add3A_231, %lt3A_232 : i32
      %convert_element_type3A_234 = arith.extui %lt3A_233 : i1 to i32
      %cond3A_235 = arith.constant 0 : i32
      %cond3A_236 = arith.cmpi ne, %convert_element_type3A_234, %cond3A_235 : i32
      scf.if %cond3A_236 {
        %mul3A_272 = arith.constant 80 : i32
        %mul3A_273 = arith.muli %add3A_231, %mul3A_272 : i32
        %add3A_274 = arith.addi %mul3A_2, %mul3A_273 : i32
        %dma_wait3A = tpu.memref_slice %arg3[%add3A_274] : memref<320000xi32, #tpu.memory_space<hbm>> -> memref<80xi32, #tpu.memory_space<hbm>>
        %dma_wait3A_275 = tpu.memref_slice %arg3[%add3A_274] : memref<320000xi32, #tpu.memory_space<hbm>> -> memref<80xi32, #tpu.memory_space<hbm>>
        tpu.wait_dma2 semaphore(%arg18 : memref<!tpu.dma_semaphore, #tpu.memory_space<semaphore_mem>>) src(%dma_wait3A_275 : memref<80xi32, #tpu.memory_space<hbm>>) dst(%arg7 : memref<80xi32, #tpu.memory_space<vmem>>)
        %dma_wait3A_276 = arith.constant 0 : i32
        %dma_wait3A_277 = tpu.memref_slice %arg2[%add3A_274, %dma_wait3A_276] : memref<320000x16xf32, #tpu.memory_space<hbm>> -> memref<80x16xf32, #tpu.memory_space<hbm>>
        %dma_wait3A_278 = arith.constant 0 : i32
        %dma_wait3A_279 = tpu.memref_slice %arg2[%add3A_274, %dma_wait3A_278] : memref<320000x16xf32, #tpu.memory_space<hbm>> -> memref<80x16xf32, #tpu.memory_space<hbm>>
        tpu.wait_dma2 semaphore(%arg22 : memref<!tpu.dma_semaphore, #tpu.memory_space<semaphore_mem>>) src(%dma_wait3A_279 : memref<80x16xf32, #tpu.memory_space<hbm>>) dst(%arg11 : memref<80x16xf32, #tpu.memory_space<vmem>>)
        "tpu.region"() ({
          %run_scoped3A = tpu.sem_alloc : memref<!tpu.dma_semaphore, #tpu.memory_space<semaphore_mem>>
          %dma_start3A_287 = arith.constant 0 : i32
          %dma_start3A_288 = arith.constant 0 : i32
          %dma_start3A_289 = tpu.memref_slice %arg16[%dma_start3A_287, %dma_start3A_288] : memref<10000x16xf32, #tpu.memory_space<vmem_shared>> -> memref<10000x16xf32, #tpu.memory_space<vmem_shared>>
          tpu.enqueue_indirect_dma source(%arg11 : memref<80x16xf32, #tpu.memory_space<vmem>>) target(%dma_start3A_289 : memref<10000x16xf32, #tpu.memory_space<vmem_shared>>) offsets(%arg7 : memref<80xi32, #tpu.memory_space<vmem>>) semaphore(%run_scoped3A : memref<!tpu.dma_semaphore, #tpu.memory_space<semaphore_mem>>) {add = true}
          %dma_wait3A_290 = arith.constant 0 : i32
          %dma_wait3A_291 = arith.constant 0 : i32
          %dma_wait3A_292 = tpu.memref_slice %arg16[%dma_wait3A_290, %dma_wait3A_291] : memref<10000x16xf32, #tpu.memory_space<vmem_shared>> -> memref<10000x16xf32, #tpu.memory_space<vmem_shared>>
          tpu.wait_indirect_dma semaphore(%run_scoped3A : memref<!tpu.dma_semaphore, #tpu.memory_space<semaphore_mem>>) src(%arg11 : memref<80x16xf32, #tpu.memory_space<vmem>>) dst(%dma_wait3A_292 : memref<10000x16xf32, #tpu.memory_space<vmem_shared>>)
          tpu.yield
        }) : () -> ()
        "tpu.region"() ({
          %run_scoped3A = tpu.sem_alloc : memref<!tpu.dma_semaphore, #tpu.memory_space<semaphore_mem>>
          %dma_start3A_287 = arith.constant 0 : i32
          %dma_start3A_288 = arith.constant 0 : i32
          %dma_start3A_289 = tpu.memref_slice %arg17[%dma_start3A_287, %dma_start3A_288] : memref<10000x16xf32, #tpu.memory_space<vmem_shared>> -> memref<10000x16xf32, #tpu.memory_space<vmem_shared>>
          tpu.enqueue_indirect_dma source(%arg15 : memref<80x16xf32, #tpu.memory_space<vmem>>) target(%dma_start3A_289 : memref<10000x16xf32, #tpu.memory_space<vmem_shared>>) offsets(%arg7 : memref<80xi32, #tpu.memory_space<vmem>>) semaphore(%run_scoped3A : memref<!tpu.dma_semaphore, #tpu.memory_space<semaphore_mem>>) {add = true}
          %dma_wait3A_290 = arith.constant 0 : i32
          %dma_wait3A_291 = arith.constant 0 : i32
          %dma_wait3A_292 = tpu.memref_slice %arg17[%dma_wait3A_290, %dma_wait3A_291] : memref<10000x16xf32, #tpu.memory_space<vmem_shared>> -> memref<10000x16xf32, #tpu.memory_space<vmem_shared>>
          tpu.wait_indirect_dma semaphore(%run_scoped3A : memref<!tpu.dma_semaphore, #tpu.memory_space<semaphore_mem>>) src(%arg15 : memref<80x16xf32, #tpu.memory_space<vmem>>) dst(%dma_wait3A_292 : memref<10000x16xf32, #tpu.memory_space<vmem_shared>>)
          tpu.yield
        }) : () -> ()
        %add3A_280 = arith.constant 4 : i32
        %add3A_281 = arith.addi %add3A_231, %add3A_280 : i32
        %lt3A_282 = arith.constant 125 : i32
        %lt3A_283 = arith.cmpi slt, %add3A_281, %lt3A_282 : i32
        %convert_element_type3A_284 = arith.extui %lt3A_283 : i1 to i32
        %cond3A_285 = arith.constant 0 : i32
        %cond3A_286 = arith.cmpi ne, %convert_element_type3A_284, %cond3A_285 : i32
        scf.if %cond3A_286 {
          %add3A_287 = arith.constant 4 : i32
          %add3A_288 = arith.addi %add3A_231, %add3A_287 : i32
          %mul3A_289 = arith.constant 80 : i32
          %mul3A_290 = arith.muli %add3A_288, %mul3A_289 : i32
          %add3A_291 = arith.addi %mul3A_2, %mul3A_290 : i32
          %dma_start3A_292 = tpu.memref_slice %arg3[%add3A_291] : memref<320000xi32, #tpu.memory_space<hbm>> -> memref<80xi32, #tpu.memory_space<hbm>>
          %dma_start3A_293 = tpu.memref_slice %arg3[%add3A_291] : memref<320000xi32, #tpu.memory_space<hbm>> -> memref<80xi32, #tpu.memory_space<hbm>>
          tpu.enqueue_dma source(%dma_start3A_293 : memref<80xi32, #tpu.memory_space<hbm>>) target(%arg7 : memref<80xi32, #tpu.memory_space<vmem>>) target_semaphore(%arg18 : memref<!tpu.dma_semaphore, #tpu.memory_space<semaphore_mem>>)
          %dma_start3A_294 = arith.constant 0 : i32
          %dma_start3A_295 = tpu.memref_slice %arg2[%add3A_291, %dma_start3A_294] : memref<320000x16xf32, #tpu.memory_space<hbm>> -> memref<80x16xf32, #tpu.memory_space<hbm>>
          %dma_start3A_296 = arith.constant 0 : i32
          %dma_start3A_297 = tpu.memref_slice %arg2[%add3A_291, %dma_start3A_296] : memref<320000x16xf32, #tpu.memory_space<hbm>> -> memref<80x16xf32, #tpu.memory_space<hbm>>
          tpu.enqueue_dma source(%dma_start3A_297 : memref<80x16xf32, #tpu.memory_space<hbm>>) target(%arg11 : memref<80x16xf32, #tpu.memory_space<vmem>>) target_semaphore(%arg22 : memref<!tpu.dma_semaphore, #tpu.memory_space<semaphore_mem>>)
        } else {
        }
      } else {
      }
      %mul3A_237 = arith.constant 4 : i32
      %mul3A_238 = arith.muli %scan3A_226, %mul3A_237 : i32
      %add3A_239 = arith.constant 1 : i32
      %add3A_240 = arith.addi %mul3A_238, %add3A_239 : i32
      %lt3A_241 = arith.constant 125 : i32
      %lt3A_242 = arith.cmpi slt, %add3A_240, %lt3A_241 : i32
      %convert_element_type3A_243 = arith.extui %lt3A_242 : i1 to i32
      %cond3A_244 = arith.constant 0 : i32
      %cond3A_245 = arith.cmpi ne, %convert_element_type3A_243, %cond3A_244 : i32
      scf.if %cond3A_245 {
        %mul3A_272 = arith.constant 80 : i32
        %mul3A_273 = arith.muli %add3A_240, %mul3A_272 : i32
        %add3A_274 = arith.addi %mul3A_2, %mul3A_273 : i32
        %dma_wait3A = tpu.memref_slice %arg3[%add3A_274] : memref<320000xi32, #tpu.memory_space<hbm>> -> memref<80xi32, #tpu.memory_space<hbm>>
        %dma_wait3A_275 = tpu.memref_slice %arg3[%add3A_274] : memref<320000xi32, #tpu.memory_space<hbm>> -> memref<80xi32, #tpu.memory_space<hbm>>
        tpu.wait_dma2 semaphore(%arg19 : memref<!tpu.dma_semaphore, #tpu.memory_space<semaphore_mem>>) src(%dma_wait3A_275 : memref<80xi32, #tpu.memory_space<hbm>>) dst(%arg8 : memref<80xi32, #tpu.memory_space<vmem>>)
        %dma_wait3A_276 = arith.constant 0 : i32
        %dma_wait3A_277 = tpu.memref_slice %arg2[%add3A_274, %dma_wait3A_276] : memref<320000x16xf32, #tpu.memory_space<hbm>> -> memref<80x16xf32, #tpu.memory_space<hbm>>
        %dma_wait3A_278 = arith.constant 0 : i32
        %dma_wait3A_279 = tpu.memref_slice %arg2[%add3A_274, %dma_wait3A_278] : memref<320000x16xf32, #tpu.memory_space<hbm>> -> memref<80x16xf32, #tpu.memory_space<hbm>>
        tpu.wait_dma2 semaphore(%arg23 : memref<!tpu.dma_semaphore, #tpu.memory_space<semaphore_mem>>) src(%dma_wait3A_279 : memref<80x16xf32, #tpu.memory_space<hbm>>) dst(%arg12 : memref<80x16xf32, #tpu.memory_space<vmem>>)
        "tpu.region"() ({
          %run_scoped3A = tpu.sem_alloc : memref<!tpu.dma_semaphore, #tpu.memory_space<semaphore_mem>>
          %dma_start3A_287 = arith.constant 0 : i32
          %dma_start3A_288 = arith.constant 0 : i32
          %dma_start3A_289 = tpu.memref_slice %arg16[%dma_start3A_287, %dma_start3A_288] : memref<10000x16xf32, #tpu.memory_space<vmem_shared>> -> memref<10000x16xf32, #tpu.memory_space<vmem_shared>>
          tpu.enqueue_indirect_dma source(%arg12 : memref<80x16xf32, #tpu.memory_space<vmem>>) target(%dma_start3A_289 : memref<10000x16xf32, #tpu.memory_space<vmem_shared>>) offsets(%arg8 : memref<80xi32, #tpu.memory_space<vmem>>) semaphore(%run_scoped3A : memref<!tpu.dma_semaphore, #tpu.memory_space<semaphore_mem>>) {add = true}
          %dma_wait3A_290 = arith.constant 0 : i32
          %dma_wait3A_291 = arith.constant 0 : i32
          %dma_wait3A_292 = tpu.memref_slice %arg16[%dma_wait3A_290, %dma_wait3A_291] : memref<10000x16xf32, #tpu.memory_space<vmem_shared>> -> memref<10000x16xf32, #tpu.memory_space<vmem_shared>>
          tpu.wait_indirect_dma semaphore(%run_scoped3A : memref<!tpu.dma_semaphore, #tpu.memory_space<semaphore_mem>>) src(%arg12 : memref<80x16xf32, #tpu.memory_space<vmem>>) dst(%dma_wait3A_292 : memref<10000x16xf32, #tpu.memory_space<vmem_shared>>)
          tpu.yield
        }) : () -> ()
        "tpu.region"() ({
          %run_scoped3A = tpu.sem_alloc : memref<!tpu.dma_semaphore, #tpu.memory_space<semaphore_mem>>
          %dma_start3A_287 = arith.constant 0 : i32
          %dma_start3A_288 = arith.constant 0 : i32
          %dma_start3A_289 = tpu.memref_slice %arg17[%dma_start3A_287, %dma_start3A_288] : memref<10000x16xf32, #tpu.memory_space<vmem_shared>> -> memref<10000x16xf32, #tpu.memory_space<vmem_shared>>
          tpu.enqueue_indirect_dma source(%arg15 : memref<80x16xf32, #tpu.memory_space<vmem>>) target(%dma_start3A_289 : memref<10000x16xf32, #tpu.memory_space<vmem_shared>>) offsets(%arg8 : memref<80xi32, #tpu.memory_space<vmem>>) semaphore(%run_scoped3A : memref<!tpu.dma_semaphore, #tpu.memory_space<semaphore_mem>>) {add = true}
          %dma_wait3A_290 = arith.constant 0 : i32
          %dma_wait3A_291 = arith.constant 0 : i32
          %dma_wait3A_292 = tpu.memref_slice %arg17[%dma_wait3A_290, %dma_wait3A_291] : memref<10000x16xf32, #tpu.memory_space<vmem_shared>> -> memref<10000x16xf32, #tpu.memory_space<vmem_shared>>
          tpu.wait_indirect_dma semaphore(%run_scoped3A : memref<!tpu.dma_semaphore, #tpu.memory_space<semaphore_mem>>) src(%arg15 : memref<80x16xf32, #tpu.memory_space<vmem>>) dst(%dma_wait3A_292 : memref<10000x16xf32, #tpu.memory_space<vmem_shared>>)
          tpu.yield
        }) : () -> ()
        %add3A_280 = arith.constant 4 : i32
        %add3A_281 = arith.addi %add3A_240, %add3A_280 : i32
        %lt3A_282 = arith.constant 125 : i32
        %lt3A_283 = arith.cmpi slt, %add3A_281, %lt3A_282 : i32
        %convert_element_type3A_284 = arith.extui %lt3A_283 : i1 to i32
        %cond3A_285 = arith.constant 0 : i32
        %cond3A_286 = arith.cmpi ne, %convert_element_type3A_284, %cond3A_285 : i32
        scf.if %cond3A_286 {
          %add3A_287 = arith.constant 4 : i32
          %add3A_288 = arith.addi %add3A_240, %add3A_287 : i32
          %mul3A_289 = arith.constant 80 : i32
          %mul3A_290 = arith.muli %add3A_288, %mul3A_289 : i32
          %add3A_291 = arith.addi %mul3A_2, %mul3A_290 : i32
          %dma_start3A_292 = tpu.memref_slice %arg3[%add3A_291] : memref<320000xi32, #tpu.memory_space<hbm>> -> memref<80xi32, #tpu.memory_space<hbm>>
          %dma_start3A_293 = tpu.memref_slice %arg3[%add3A_291] : memref<320000xi32, #tpu.memory_space<hbm>> -> memref<80xi32, #tpu.memory_space<hbm>>
          tpu.enqueue_dma source(%dma_start3A_293 : memref<80xi32, #tpu.memory_space<hbm>>) target(%arg8 : memref<80xi32, #tpu.memory_space<vmem>>) target_semaphore(%arg19 : memref<!tpu.dma_semaphore, #tpu.memory_space<semaphore_mem>>)
          %dma_start3A_294 = arith.constant 0 : i32
          %dma_start3A_295 = tpu.memref_slice %arg2[%add3A_291, %dma_start3A_294] : memref<320000x16xf32, #tpu.memory_space<hbm>> -> memref<80x16xf32, #tpu.memory_space<hbm>>
          %dma_start3A_296 = arith.constant 0 : i32
          %dma_start3A_297 = tpu.memref_slice %arg2[%add3A_291, %dma_start3A_296] : memref<320000x16xf32, #tpu.memory_space<hbm>> -> memref<80x16xf32, #tpu.memory_space<hbm>>
          tpu.enqueue_dma source(%dma_start3A_297 : memref<80x16xf32, #tpu.memory_space<hbm>>) target(%arg12 : memref<80x16xf32, #tpu.memory_space<vmem>>) target_semaphore(%arg23 : memref<!tpu.dma_semaphore, #tpu.memory_space<semaphore_mem>>)
        } else {
        }
      } else {
      }
      %mul3A_246 = arith.constant 4 : i32
      %mul3A_247 = arith.muli %scan3A_226, %mul3A_246 : i32
      %add3A_248 = arith.constant 2 : i32
      %add3A_249 = arith.addi %mul3A_247, %add3A_248 : i32
      %lt3A_250 = arith.constant 125 : i32
      %lt3A_251 = arith.cmpi slt, %add3A_249, %lt3A_250 : i32
      %convert_element_type3A_252 = arith.extui %lt3A_251 : i1 to i32
      %cond3A_253 = arith.constant 0 : i32
      %cond3A_254 = arith.cmpi ne, %convert_element_type3A_252, %cond3A_253 : i32
      scf.if %cond3A_254 {
        %mul3A_272 = arith.constant 80 : i32
        %mul3A_273 = arith.muli %add3A_249, %mul3A_272 : i32
        %add3A_274 = arith.addi %mul3A_2, %mul3A_273 : i32
        %dma_wait3A = tpu.memref_slice %arg3[%add3A_274] : memref<320000xi32, #tpu.memory_space<hbm>> -> memref<80xi32, #tpu.memory_space<hbm>>
        %dma_wait3A_275 = tpu.memref_slice %arg3[%add3A_274] : memref<320000xi32, #tpu.memory_space<hbm>> -> memref<80xi32, #tpu.memory_space<hbm>>
        tpu.wait_dma2 semaphore(%arg20 : memref<!tpu.dma_semaphore, #tpu.memory_space<semaphore_mem>>) src(%dma_wait3A_275 : memref<80xi32, #tpu.memory_space<hbm>>) dst(%arg9 : memref<80xi32, #tpu.memory_space<vmem>>)
        %dma_wait3A_276 = arith.constant 0 : i32
        %dma_wait3A_277 = tpu.memref_slice %arg2[%add3A_274, %dma_wait3A_276] : memref<320000x16xf32, #tpu.memory_space<hbm>> -> memref<80x16xf32, #tpu.memory_space<hbm>>
        %dma_wait3A_278 = arith.constant 0 : i32
        %dma_wait3A_279 = tpu.memref_slice %arg2[%add3A_274, %dma_wait3A_278] : memref<320000x16xf32, #tpu.memory_space<hbm>> -> memref<80x16xf32, #tpu.memory_space<hbm>>
        tpu.wait_dma2 semaphore(%arg24 : memref<!tpu.dma_semaphore, #tpu.memory_space<semaphore_mem>>) src(%dma_wait3A_279 : memref<80x16xf32, #tpu.memory_space<hbm>>) dst(%arg13 : memref<80x16xf32, #tpu.memory_space<vmem>>)
        "tpu.region"() ({
          %run_scoped3A = tpu.sem_alloc : memref<!tpu.dma_semaphore, #tpu.memory_space<semaphore_mem>>
          %dma_start3A_287 = arith.constant 0 : i32
          %dma_start3A_288 = arith.constant 0 : i32
          %dma_start3A_289 = tpu.memref_slice %arg16[%dma_start3A_287, %dma_start3A_288] : memref<10000x16xf32, #tpu.memory_space<vmem_shared>> -> memref<10000x16xf32, #tpu.memory_space<vmem_shared>>
          tpu.enqueue_indirect_dma source(%arg13 : memref<80x16xf32, #tpu.memory_space<vmem>>) target(%dma_start3A_289 : memref<10000x16xf32, #tpu.memory_space<vmem_shared>>) offsets(%arg9 : memref<80xi32, #tpu.memory_space<vmem>>) semaphore(%run_scoped3A : memref<!tpu.dma_semaphore, #tpu.memory_space<semaphore_mem>>) {add = true}
          %dma_wait3A_290 = arith.constant 0 : i32
          %dma_wait3A_291 = arith.constant 0 : i32
          %dma_wait3A_292 = tpu.memref_slice %arg16[%dma_wait3A_290, %dma_wait3A_291] : memref<10000x16xf32, #tpu.memory_space<vmem_shared>> -> memref<10000x16xf32, #tpu.memory_space<vmem_shared>>
          tpu.wait_indirect_dma semaphore(%run_scoped3A : memref<!tpu.dma_semaphore, #tpu.memory_space<semaphore_mem>>) src(%arg13 : memref<80x16xf32, #tpu.memory_space<vmem>>) dst(%dma_wait3A_292 : memref<10000x16xf32, #tpu.memory_space<vmem_shared>>)
          tpu.yield
        }) : () -> ()
        "tpu.region"() ({
          %run_scoped3A = tpu.sem_alloc : memref<!tpu.dma_semaphore, #tpu.memory_space<semaphore_mem>>
          %dma_start3A_287 = arith.constant 0 : i32
          %dma_start3A_288 = arith.constant 0 : i32
          %dma_start3A_289 = tpu.memref_slice %arg17[%dma_start3A_287, %dma_start3A_288] : memref<10000x16xf32, #tpu.memory_space<vmem_shared>> -> memref<10000x16xf32, #tpu.memory_space<vmem_shared>>
          tpu.enqueue_indirect_dma source(%arg15 : memref<80x16xf32, #tpu.memory_space<vmem>>) target(%dma_start3A_289 : memref<10000x16xf32, #tpu.memory_space<vmem_shared>>) offsets(%arg9 : memref<80xi32, #tpu.memory_space<vmem>>) semaphore(%run_scoped3A : memref<!tpu.dma_semaphore, #tpu.memory_space<semaphore_mem>>) {add = true}
          %dma_wait3A_290 = arith.constant 0 : i32
          %dma_wait3A_291 = arith.constant 0 : i32
          %dma_wait3A_292 = tpu.memref_slice %arg17[%dma_wait3A_290, %dma_wait3A_291] : memref<10000x16xf32, #tpu.memory_space<vmem_shared>> -> memref<10000x16xf32, #tpu.memory_space<vmem_shared>>
          tpu.wait_indirect_dma semaphore(%run_scoped3A : memref<!tpu.dma_semaphore, #tpu.memory_space<semaphore_mem>>) src(%arg15 : memref<80x16xf32, #tpu.memory_space<vmem>>) dst(%dma_wait3A_292 : memref<10000x16xf32, #tpu.memory_space<vmem_shared>>)
          tpu.yield
        }) : () -> ()
        %add3A_280 = arith.constant 4 : i32
        %add3A_281 = arith.addi %add3A_249, %add3A_280 : i32
        %lt3A_282 = arith.constant 125 : i32
        %lt3A_283 = arith.cmpi slt, %add3A_281, %lt3A_282 : i32
        %convert_element_type3A_284 = arith.extui %lt3A_283 : i1 to i32
        %cond3A_285 = arith.constant 0 : i32
        %cond3A_286 = arith.cmpi ne, %convert_element_type3A_284, %cond3A_285 : i32
        scf.if %cond3A_286 {
          %add3A_287 = arith.constant 4 : i32
          %add3A_288 = arith.addi %add3A_249, %add3A_287 : i32
          %mul3A_289 = arith.constant 80 : i32
          %mul3A_290 = arith.muli %add3A_288, %mul3A_289 : i32
          %add3A_291 = arith.addi %mul3A_2, %mul3A_290 : i32
          %dma_start3A_292 = tpu.memref_slice %arg3[%add3A_291] : memref<320000xi32, #tpu.memory_space<hbm>> -> memref<80xi32, #tpu.memory_space<hbm>>
          %dma_start3A_293 = tpu.memref_slice %arg3[%add3A_291] : memref<320000xi32, #tpu.memory_space<hbm>> -> memref<80xi32, #tpu.memory_space<hbm>>
          tpu.enqueue_dma source(%dma_start3A_293 : memref<80xi32, #tpu.memory_space<hbm>>) target(%arg9 : memref<80xi32, #tpu.memory_space<vmem>>) target_semaphore(%arg20 : memref<!tpu.dma_semaphore, #tpu.memory_space<semaphore_mem>>)
          %dma_start3A_294 = arith.constant 0 : i32
          %dma_start3A_295 = tpu.memref_slice %arg2[%add3A_291, %dma_start3A_294] : memref<320000x16xf32, #tpu.memory_space<hbm>> -> memref<80x16xf32, #tpu.memory_space<hbm>>
          %dma_start3A_296 = arith.constant 0 : i32
          %dma_start3A_297 = tpu.memref_slice %arg2[%add3A_291, %dma_start3A_296] : memref<320000x16xf32, #tpu.memory_space<hbm>> -> memref<80x16xf32, #tpu.memory_space<hbm>>
          tpu.enqueue_dma source(%dma_start3A_297 : memref<80x16xf32, #tpu.memory_space<hbm>>) target(%arg13 : memref<80x16xf32, #tpu.memory_space<vmem>>) target_semaphore(%arg24 : memref<!tpu.dma_semaphore, #tpu.memory_space<semaphore_mem>>)
        } else {
        }
      } else {
      }
      %mul3A_255 = arith.constant 4 : i32
      %mul3A_256 = arith.muli %scan3A_226, %mul3A_255 : i32
      %add3A_257 = arith.constant 3 : i32
      %add3A_258 = arith.addi %mul3A_256, %add3A_257 : i32
      %lt3A_259 = arith.constant 125 : i32
      %lt3A_260 = arith.cmpi slt, %add3A_258, %lt3A_259 : i32
      %convert_element_type3A_261 = arith.extui %lt3A_260 : i1 to i32
      %cond3A_262 = arith.constant 0 : i32
      %cond3A_263 = arith.cmpi ne, %convert_element_type3A_261, %cond3A_262 : i32
      scf.if %cond3A_263 {
        %mul3A_272 = arith.constant 80 : i32
        %mul3A_273 = arith.muli %add3A_258, %mul3A_272 : i32
        %add3A_274 = arith.addi %mul3A_2, %mul3A_273 : i32
        %dma_wait3A = tpu.memref_slice %arg3[%add3A_274] : memref<320000xi32, #tpu.memory_space<hbm>> -> memref<80xi32, #tpu.memory_space<hbm>>
        %dma_wait3A_275 = tpu.memref_slice %arg3[%add3A_274] : memref<320000xi32, #tpu.memory_space<hbm>> -> memref<80xi32, #tpu.memory_space<hbm>>
        tpu.wait_dma2 semaphore(%arg21 : memref<!tpu.dma_semaphore, #tpu.memory_space<semaphore_mem>>) src(%dma_wait3A_275 : memref<80xi32, #tpu.memory_space<hbm>>) dst(%arg10 : memref<80xi32, #tpu.memory_space<vmem>>)
        %dma_wait3A_276 = arith.constant 0 : i32
        %dma_wait3A_277 = tpu.memref_slice %arg2[%add3A_274, %dma_wait3A_276] : memref<320000x16xf32, #tpu.memory_space<hbm>> -> memref<80x16xf32, #tpu.memory_space<hbm>>
        %dma_wait3A_278 = arith.constant 0 : i32
        %dma_wait3A_279 = tpu.memref_slice %arg2[%add3A_274, %dma_wait3A_278] : memref<320000x16xf32, #tpu.memory_space<hbm>> -> memref<80x16xf32, #tpu.memory_space<hbm>>
        tpu.wait_dma2 semaphore(%arg25 : memref<!tpu.dma_semaphore, #tpu.memory_space<semaphore_mem>>) src(%dma_wait3A_279 : memref<80x16xf32, #tpu.memory_space<hbm>>) dst(%arg14 : memref<80x16xf32, #tpu.memory_space<vmem>>)
        "tpu.region"() ({
          %run_scoped3A = tpu.sem_alloc : memref<!tpu.dma_semaphore, #tpu.memory_space<semaphore_mem>>
          %dma_start3A_287 = arith.constant 0 : i32
          %dma_start3A_288 = arith.constant 0 : i32
          %dma_start3A_289 = tpu.memref_slice %arg16[%dma_start3A_287, %dma_start3A_288] : memref<10000x16xf32, #tpu.memory_space<vmem_shared>> -> memref<10000x16xf32, #tpu.memory_space<vmem_shared>>
          tpu.enqueue_indirect_dma source(%arg14 : memref<80x16xf32, #tpu.memory_space<vmem>>) target(%dma_start3A_289 : memref<10000x16xf32, #tpu.memory_space<vmem_shared>>) offsets(%arg10 : memref<80xi32, #tpu.memory_space<vmem>>) semaphore(%run_scoped3A : memref<!tpu.dma_semaphore, #tpu.memory_space<semaphore_mem>>) {add = true}
          %dma_wait3A_290 = arith.constant 0 : i32
          %dma_wait3A_291 = arith.constant 0 : i32
          %dma_wait3A_292 = tpu.memref_slice %arg16[%dma_wait3A_290, %dma_wait3A_291] : memref<10000x16xf32, #tpu.memory_space<vmem_shared>> -> memref<10000x16xf32, #tpu.memory_space<vmem_shared>>
          tpu.wait_indirect_dma semaphore(%run_scoped3A : memref<!tpu.dma_semaphore, #tpu.memory_space<semaphore_mem>>) src(%arg14 : memref<80x16xf32, #tpu.memory_space<vmem>>) dst(%dma_wait3A_292 : memref<10000x16xf32, #tpu.memory_space<vmem_shared>>)
          tpu.yield
        }) : () -> ()
        "tpu.region"() ({
          %run_scoped3A = tpu.sem_alloc : memref<!tpu.dma_semaphore, #tpu.memory_space<semaphore_mem>>
          %dma_start3A_287 = arith.constant 0 : i32
          %dma_start3A_288 = arith.constant 0 : i32
          %dma_start3A_289 = tpu.memref_slice %arg17[%dma_start3A_287, %dma_start3A_288] : memref<10000x16xf32, #tpu.memory_space<vmem_shared>> -> memref<10000x16xf32, #tpu.memory_space<vmem_shared>>
          tpu.enqueue_indirect_dma source(%arg15 : memref<80x16xf32, #tpu.memory_space<vmem>>) target(%dma_start3A_289 : memref<10000x16xf32, #tpu.memory_space<vmem_shared>>) offsets(%arg10 : memref<80xi32, #tpu.memory_space<vmem>>) semaphore(%run_scoped3A : memref<!tpu.dma_semaphore, #tpu.memory_space<semaphore_mem>>) {add = true}
          %dma_wait3A_290 = arith.constant 0 : i32
          %dma_wait3A_291 = arith.constant 0 : i32
          %dma_wait3A_292 = tpu.memref_slice %arg17[%dma_wait3A_290, %dma_wait3A_291] : memref<10000x16xf32, #tpu.memory_space<vmem_shared>> -> memref<10000x16xf32, #tpu.memory_space<vmem_shared>>
          tpu.wait_indirect_dma semaphore(%run_scoped3A : memref<!tpu.dma_semaphore, #tpu.memory_space<semaphore_mem>>) src(%arg15 : memref<80x16xf32, #tpu.memory_space<vmem>>) dst(%dma_wait3A_292 : memref<10000x16xf32, #tpu.memory_space<vmem_shared>>)
          tpu.yield
        }) : () -> ()
        %add3A_280 = arith.constant 4 : i32
        %add3A_281 = arith.addi %add3A_258, %add3A_280 : i32
        %lt3A_282 = arith.constant 125 : i32
        %lt3A_283 = arith.cmpi slt, %add3A_281, %lt3A_282 : i32
        %convert_element_type3A_284 = arith.extui %lt3A_283 : i1 to i32
        %cond3A_285 = arith.constant 0 : i32
        %cond3A_286 = arith.cmpi ne, %convert_element_type3A_284, %cond3A_285 : i32
        scf.if %cond3A_286 {
          %add3A_287 = arith.constant 4 : i32
          %add3A_288 = arith.addi %add3A_258, %add3A_287 : i32
          %mul3A_289 = arith.constant 80 : i32
          %mul3A_290 = arith.muli %add3A_288, %mul3A_289 : i32
          %add3A_291 = arith.addi %mul3A_2, %mul3A_290 : i32
          %dma_start3A_292 = tpu.memref_slice %arg3[%add3A_291] : memref<320000xi32, #tpu.memory_space<hbm>> -> memref<80xi32, #tpu.memory_space<hbm>>
          %dma_start3A_293 = tpu.memref_slice %arg3[%add3A_291] : memref<320000xi32, #tpu.memory_space<hbm>> -> memref<80xi32, #tpu.memory_space<hbm>>
          tpu.enqueue_dma source(%dma_start3A_293 : memref<80xi32, #tpu.memory_space<hbm>>) target(%arg10 : memref<80xi32, #tpu.memory_space<vmem>>) target_semaphore(%arg21 : memref<!tpu.dma_semaphore, #tpu.memory_space<semaphore_mem>>)
          %dma_start3A_294 = arith.constant 0 : i32
          %dma_start3A_295 = tpu.memref_slice %arg2[%add3A_291, %dma_start3A_294] : memref<320000x16xf32, #tpu.memory_space<hbm>> -> memref<80x16xf32, #tpu.memory_space<hbm>>
          %dma_start3A_296 = arith.constant 0 : i32
          %dma_start3A_297 = tpu.memref_slice %arg2[%add3A_291, %dma_start3A_296] : memref<320000x16xf32, #tpu.memory_space<hbm>> -> memref<80x16xf32, #tpu.memory_space<hbm>>
          tpu.enqueue_dma source(%dma_start3A_297 : memref<80x16xf32, #tpu.memory_space<hbm>>) target(%arg14 : memref<80x16xf32, #tpu.memory_space<vmem>>) target_semaphore(%arg25 : memref<!tpu.dma_semaphore, #tpu.memory_space<semaphore_mem>>)
        } else {
        }
      } else {
      }
      %add3A_264 = arith.constant 1 : i32
      %add3A_265 = arith.addi %scan3A_226, %add3A_264 : i32
      %lt3A_266 = arith.constant 32 : i32
      %lt3A_267 = arith.cmpi slt, %add3A_265, %lt3A_266 : i32
      %convert_element_type3A_268 = arith.extui %lt3A_267 : i1 to i32
      %cond3A_269 = arith.constant 0 : i32
      %cond3A_270 = arith.cmpi ne, %convert_element_type3A_268, %cond3A_269 : i32
      scf.if %cond3A_270 {
        %add3A_272 = arith.constant 1 : i32
        %add3A_273 = arith.addi %scan3A_226, %add3A_272 : i32
        %mul3A_274 = arith.constant 4 : i32
        %mul3A_275 = arith.muli %add3A_273, %mul3A_274 : i32
        %add3A_276 = arith.constant 0 : i32
        %add3A_277 = arith.addi %mul3A_275, %add3A_276 : i32
        %lt3A_278 = arith.constant 125 : i32
        %lt3A_279 = arith.cmpi slt, %add3A_277, %lt3A_278 : i32
        %convert_element_type3A_280 = arith.extui %lt3A_279 : i1 to i32
        %cond3A_281 = arith.constant 0 : i32
        %cond3A_282 = arith.cmpi ne, %convert_element_type3A_280, %cond3A_281 : i32
        scf.if %cond3A_282 {
        } else {
        }
        %mul3A_283 = arith.constant 4 : i32
        %mul3A_284 = arith.muli %add3A_273, %mul3A_283 : i32
        %add3A_285 = arith.constant 1 : i32
        %add3A_286 = arith.addi %mul3A_284, %add3A_285 : i32
        %lt3A_287 = arith.constant 125 : i32
        %lt3A_288 = arith.cmpi slt, %add3A_286, %lt3A_287 : i32
        %convert_element_type3A_289 = arith.extui %lt3A_288 : i1 to i32
        %cond3A_290 = arith.constant 0 : i32
        %cond3A_291 = arith.cmpi ne, %convert_element_type3A_289, %cond3A_290 : i32
        scf.if %cond3A_291 {
        } else {
        }
        %mul3A_292 = arith.constant 4 : i32
        %mul3A_293 = arith.muli %add3A_273, %mul3A_292 : i32
        %add3A_294 = arith.constant 2 : i32
        %add3A_295 = arith.addi %mul3A_293, %add3A_294 : i32
        %lt3A_296 = arith.constant 125 : i32
        %lt3A_297 = arith.cmpi slt, %add3A_295, %lt3A_296 : i32
        %convert_element_type3A_298 = arith.extui %lt3A_297 : i1 to i32
        %cond3A_299 = arith.constant 0 : i32
        %cond3A_300 = arith.cmpi ne, %convert_element_type3A_298, %cond3A_299 : i32
        scf.if %cond3A_300 {
        } else {
        }
        %mul3A_301 = arith.constant 4 : i32
        %mul3A_302 = arith.muli %add3A_273, %mul3A_301 : i32
        %add3A_303 = arith.constant 3 : i32
        %add3A_304 = arith.addi %mul3A_302, %add3A_303 : i32
        %lt3A_305 = arith.constant 125 : i32
        %lt3A_306 = arith.cmpi slt, %add3A_304, %lt3A_305 : i32
        %convert_element_type3A_307 = arith.extui %lt3A_306 : i1 to i32
        %cond3A_308 = arith.constant 0 : i32
        %cond3A_309 = arith.cmpi ne, %convert_element_type3A_307, %cond3A_308 : i32
        scf.if %cond3A_309 {
        } else {
        }
      } else {
      }
      %scan3A_271 = arith.constant 0 : i32
      scf.yield %scan3A_271 : i32
    }
    %scan3A_168 = arith.constant 32 : i32
    %barrier3A_169 = arith.constant 0 : index
    tpu.barrier barrier_id(%barrier3A_169)
    %add3A_170 = arith.constant 0 : i32
    %add3A_171 = arith.addi %arg1, %add3A_170 : i32
    %lt3A_172 = arith.constant 125 : i32
    %lt3A_173 = arith.cmpi slt, %add3A_171, %lt3A_172 : i32
    %convert_element_type3A_174 = arith.extui %lt3A_173 : i1 to i32
    %cond3A_175 = arith.constant 0 : i32
    %cond3A_176 = arith.cmpi ne, %convert_element_type3A_174, %cond3A_175 : i32
    scf.if %cond3A_176 {
      %mul3A_226 = arith.constant 80 : i32
      %mul3A_227 = arith.muli %add3A_171, %mul3A_226 : i32
      "tpu.region"() ({
        %run_scoped3A = tpu.sem_alloc : memref<!tpu.dma_semaphore, #tpu.memory_space<semaphore_mem>>
        %dma_start3A_234 = arith.constant 0 : i32
        %dma_start3A_235 = tpu.memref_slice %arg16[%mul3A_227, %dma_start3A_234] : memref<10000x16xf32, #tpu.memory_space<vmem_shared>> -> memref<80x16xf32, #tpu.memory_space<vmem_shared>>
        %dma_start3A_236 = arith.constant 0 : i32
        %dma_start3A_237 = tpu.memref_slice %arg16[%mul3A_227, %dma_start3A_236] : memref<10000x16xf32, #tpu.memory_space<vmem_shared>> -> memref<80x16xf32, #tpu.memory_space<vmem_shared>>
        tpu.enqueue_dma source(%dma_start3A_237 : memref<80x16xf32, #tpu.memory_space<vmem_shared>>) target(%arg11 : memref<80x16xf32, #tpu.memory_space<vmem>>) target_semaphore(%run_scoped3A : memref<!tpu.dma_semaphore, #tpu.memory_space<semaphore_mem>>)
        %dma_wait3A = arith.constant 0 : i32
        %dma_wait3A_238 = tpu.memref_slice %arg16[%mul3A_227, %dma_wait3A] : memref<10000x16xf32, #tpu.memory_space<vmem_shared>> -> memref<80x16xf32, #tpu.memory_space<vmem_shared>>
        %dma_wait3A_239 = arith.constant 0 : i32
        %dma_wait3A_240 = tpu.memref_slice %arg16[%mul3A_227, %dma_wait3A_239] : memref<10000x16xf32, #tpu.memory_space<vmem_shared>> -> memref<80x16xf32, #tpu.memory_space<vmem_shared>>
        tpu.wait_dma2 semaphore(%run_scoped3A : memref<!tpu.dma_semaphore, #tpu.memory_space<semaphore_mem>>) src(%dma_wait3A_240 : memref<80x16xf32, #tpu.memory_space<vmem_shared>>) dst(%arg11 : memref<80x16xf32, #tpu.memory_space<vmem>>)
        tpu.yield
      }) : () -> ()
      %mul3A_228 = arith.constant 80 : i32
      %mul3A_229 = arith.muli %add3A_171, %mul3A_228 : i32
      "tpu.region"() ({
        %run_scoped3A = tpu.sem_alloc : memref<!tpu.dma_semaphore, #tpu.memory_space<semaphore_mem>>
        %dma_start3A_234 = arith.constant 0 : i32
        %dma_start3A_235 = tpu.memref_slice %arg5[%arg0, %mul3A_229, %dma_start3A_234] : memref<2x10000x16xf32, #tpu.memory_space<hbm>> -> memref<1x80x16xf32, #tpu.memory_space<hbm>>
        %dma_start3A_236 = tpu.memref_squeeze %dma_start3A_235 : memref<1x80x16xf32, #tpu.memory_space<hbm>> -> memref<80x16xf32, #tpu.memory_space<hbm>>
        %dma_start3A_237 = arith.constant 0 : i32
        %dma_start3A_238 = tpu.memref_slice %arg5[%arg0, %mul3A_229, %dma_start3A_237] : memref<2x10000x16xf32, #tpu.memory_space<hbm>> -> memref<1x80x16xf32, #tpu.memory_space<hbm>>
        %dma_start3A_239 = tpu.memref_squeeze %dma_start3A_238 : memref<1x80x16xf32, #tpu.memory_space<hbm>> -> memref<80x16xf32, #tpu.memory_space<hbm>>
        tpu.enqueue_dma source(%arg11 : memref<80x16xf32, #tpu.memory_space<vmem>>) target(%dma_start3A_239 : memref<80x16xf32, #tpu.memory_space<hbm>>) target_semaphore(%run_scoped3A : memref<!tpu.dma_semaphore, #tpu.memory_space<semaphore_mem>>)
        %dma_wait3A = arith.constant 0 : i32
        %dma_wait3A_240 = tpu.memref_slice %arg5[%arg0, %mul3A_229, %dma_wait3A] : memref<2x10000x16xf32, #tpu.memory_space<hbm>> -> memref<1x80x16xf32, #tpu.memory_space<hbm>>
        %dma_wait3A_241 = tpu.memref_squeeze %dma_wait3A_240 : memref<1x80x16xf32, #tpu.memory_space<hbm>> -> memref<80x16xf32, #tpu.memory_space<hbm>>
        %dma_wait3A_242 = arith.constant 0 : i32
        %dma_wait3A_243 = tpu.memref_slice %arg5[%arg0, %mul3A_229, %dma_wait3A_242] : memref<2x10000x16xf32, #tpu.memory_space<hbm>> -> memref<1x80x16xf32, #tpu.memory_space<hbm>>
        %dma_wait3A_244 = tpu.memref_squeeze %dma_wait3A_243 : memref<1x80x16xf32, #tpu.memory_space<hbm>> -> memref<80x16xf32, #tpu.memory_space<hbm>>
        tpu.wait_dma2 semaphore(%run_scoped3A : memref<!tpu.dma_semaphore, #tpu.memory_space<semaphore_mem>>) src(%arg11 : memref<80x16xf32, #tpu.memory_space<vmem>>) dst(%dma_wait3A_244 : memref<80x16xf32, #tpu.memory_space<hbm>>)
        tpu.yield
      }) : () -> ()
      %mul3A_230 = arith.constant 80 : i32
      %mul3A_231 = arith.muli %add3A_171, %mul3A_230 : i32
      "tpu.region"() ({
        %run_scoped3A = tpu.sem_alloc : memref<!tpu.dma_semaphore, #tpu.memory_space<semaphore_mem>>
        %dma_start3A_234 = arith.constant 0 : i32
        %dma_start3A_235 = tpu.memref_slice %arg17[%mul3A_231, %dma_start3A_234] : memref<10000x16xf32, #tpu.memory_space<vmem_shared>> -> memref<80x16xf32, #tpu.memory_space<vmem_shared>>
        %dma_start3A_236 = arith.constant 0 : i32
        %dma_start3A_237 = tpu.memref_slice %arg17[%mul3A_231, %dma_start3A_236] : memref<10000x16xf32, #tpu.memory_space<vmem_shared>> -> memref<80x16xf32, #tpu.memory_space<vmem_shared>>
        tpu.enqueue_dma source(%dma_start3A_237 : memref<80x16xf32, #tpu.memory_space<vmem_shared>>) target(%arg11 : memref<80x16xf32, #tpu.memory_space<vmem>>) target_semaphore(%run_scoped3A : memref<!tpu.dma_semaphore, #tpu.memory_space<semaphore_mem>>)
        %dma_wait3A = arith.constant 0 : i32
        %dma_wait3A_238 = tpu.memref_slice %arg17[%mul3A_231, %dma_wait3A] : memref<10000x16xf32, #tpu.memory_space<vmem_shared>> -> memref<80x16xf32, #tpu.memory_space<vmem_shared>>
        %dma_wait3A_239 = arith.constant 0 : i32
        %dma_wait3A_240 = tpu.memref_slice %arg17[%mul3A_231, %dma_wait3A_239] : memref<10000x16xf32, #tpu.memory_space<vmem_shared>> -> memref<80x16xf32, #tpu.memory_space<vmem_shared>>
        tpu.wait_dma2 semaphore(%run_scoped3A : memref<!tpu.dma_semaphore, #tpu.memory_space<semaphore_mem>>) src(%dma_wait3A_240 : memref<80x16xf32, #tpu.memory_space<vmem_shared>>) dst(%arg11 : memref<80x16xf32, #tpu.memory_space<vmem>>)
        tpu.yield
      }) : () -> ()
      %mul3A_232 = arith.constant 80 : i32
      %mul3A_233 = arith.muli %add3A_171, %mul3A_232 : i32
      "tpu.region"() ({
        %run_scoped3A = tpu.sem_alloc : memref<!tpu.dma_semaphore, #tpu.memory_space<semaphore_mem>>
        %dma_start3A_234 = arith.constant 0 : i32
        %dma_start3A_235 = tpu.memref_slice %arg6[%arg0, %mul3A_233, %dma_start3A_234] : memref<2x10000x16xf32, #tpu.memory_space<hbm>> -> memref<1x80x16xf32, #tpu.memory_space<hbm>>
        %dma_start3A_236 = tpu.memref_squeeze %dma_start3A_235 : memref<1x80x16xf32, #tpu.memory_space<hbm>> -> memref<80x16xf32, #tpu.memory_space<hbm>>
        %dma_start3A_237 = arith.constant 0 : i32
        %dma_start3A_238 = tpu.memref_slice %arg6[%arg0, %mul3A_233, %dma_start3A_237] : memref<2x10000x16xf32, #tpu.memory_space<hbm>> -> memref<1x80x16xf32, #tpu.memory_space<hbm>>
        %dma_start3A_239 = tpu.memref_squeeze %dma_start3A_238 : memref<1x80x16xf32, #tpu.memory_space<hbm>> -> memref<80x16xf32, #tpu.memory_space<hbm>>
        tpu.enqueue_dma source(%arg11 : memref<80x16xf32, #tpu.memory_space<vmem>>) target(%dma_start3A_239 : memref<80x16xf32, #tpu.memory_space<hbm>>) target_semaphore(%run_scoped3A : memref<!tpu.dma_semaphore, #tpu.memory_space<semaphore_mem>>)
        %dma_wait3A = arith.constant 0 : i32
        %dma_wait3A_240 = tpu.memref_slice %arg6[%arg0, %mul3A_233, %dma_wait3A] : memref<2x10000x16xf32, #tpu.memory_space<hbm>> -> memref<1x80x16xf32, #tpu.memory_space<hbm>>
        %dma_wait3A_241 = tpu.memref_squeeze %dma_wait3A_240 : memref<1x80x16xf32, #tpu.memory_space<hbm>> -> memref<80x16xf32, #tpu.memory_space<hbm>>
        %dma_wait3A_242 = arith.constant 0 : i32
        %dma_wait3A_243 = tpu.memref_slice %arg6[%arg0, %mul3A_233, %dma_wait3A_242] : memref<2x10000x16xf32, #tpu.memory_space<hbm>> -> memref<1x80x16xf32, #tpu.memory_space<hbm>>
        %dma_wait3A_244 = tpu.memref_squeeze %dma_wait3A_243 : memref<1x80x16xf32, #tpu.memory_space<hbm>> -> memref<80x16xf32, #tpu.memory_space<hbm>>
        tpu.wait_dma2 semaphore(%run_scoped3A : memref<!tpu.dma_semaphore, #tpu.memory_space<semaphore_mem>>) src(%arg11 : memref<80x16xf32, #tpu.memory_space<vmem>>) dst(%dma_wait3A_244 : memref<80x16xf32, #tpu.memory_space<hbm>>)
        tpu.yield
      }) : () -> ()
    } else {
    }
    %add3A_177 = arith.constant 16 : i32
    %add3A_178 = arith.addi %arg1, %add3A_177 : i32
    %lt3A_179 = arith.constant 125 : i32
    %lt3A_180 = arith.cmpi slt, %add3A_178, %lt3A_179 : i32
    %convert_element_type3A_181 = arith.extui %lt3A_180 : i1 to i32
    %cond3A_182 = arith.constant 0 : i32
    %cond3A_183 = arith.cmpi ne, %convert_element_type3A_181, %cond3A_182 : i32
    scf.if %cond3A_183 {
      %mul3A_226 = arith.constant 80 : i32
      %mul3A_227 = arith.muli %add3A_178, %mul3A_226 : i32
      "tpu.region"() ({
        %run_scoped3A = tpu.sem_alloc : memref<!tpu.dma_semaphore, #tpu.memory_space<semaphore_mem>>
        %dma_start3A_234 = arith.constant 0 : i32
        %dma_start3A_235 = tpu.memref_slice %arg16[%mul3A_227, %dma_start3A_234] : memref<10000x16xf32, #tpu.memory_space<vmem_shared>> -> memref<80x16xf32, #tpu.memory_space<vmem_shared>>
        %dma_start3A_236 = arith.constant 0 : i32
        %dma_start3A_237 = tpu.memref_slice %arg16[%mul3A_227, %dma_start3A_236] : memref<10000x16xf32, #tpu.memory_space<vmem_shared>> -> memref<80x16xf32, #tpu.memory_space<vmem_shared>>
        tpu.enqueue_dma source(%dma_start3A_237 : memref<80x16xf32, #tpu.memory_space<vmem_shared>>) target(%arg11 : memref<80x16xf32, #tpu.memory_space<vmem>>) target_semaphore(%run_scoped3A : memref<!tpu.dma_semaphore, #tpu.memory_space<semaphore_mem>>)
        %dma_wait3A = arith.constant 0 : i32
        %dma_wait3A_238 = tpu.memref_slice %arg16[%mul3A_227, %dma_wait3A] : memref<10000x16xf32, #tpu.memory_space<vmem_shared>> -> memref<80x16xf32, #tpu.memory_space<vmem_shared>>
        %dma_wait3A_239 = arith.constant 0 : i32
        %dma_wait3A_240 = tpu.memref_slice %arg16[%mul3A_227, %dma_wait3A_239] : memref<10000x16xf32, #tpu.memory_space<vmem_shared>> -> memref<80x16xf32, #tpu.memory_space<vmem_shared>>
        tpu.wait_dma2 semaphore(%run_scoped3A : memref<!tpu.dma_semaphore, #tpu.memory_space<semaphore_mem>>) src(%dma_wait3A_240 : memref<80x16xf32, #tpu.memory_space<vmem_shared>>) dst(%arg11 : memref<80x16xf32, #tpu.memory_space<vmem>>)
        tpu.yield
      }) : () -> ()
      %mul3A_228 = arith.constant 80 : i32
      %mul3A_229 = arith.muli %add3A_178, %mul3A_228 : i32
      "tpu.region"() ({
        %run_scoped3A = tpu.sem_alloc : memref<!tpu.dma_semaphore, #tpu.memory_space<semaphore_mem>>
        %dma_start3A_234 = arith.constant 0 : i32
        %dma_start3A_235 = tpu.memref_slice %arg5[%arg0, %mul3A_229, %dma_start3A_234] : memref<2x10000x16xf32, #tpu.memory_space<hbm>> -> memref<1x80x16xf32, #tpu.memory_space<hbm>>
        %dma_start3A_236 = tpu.memref_squeeze %dma_start3A_235 : memref<1x80x16xf32, #tpu.memory_space<hbm>> -> memref<80x16xf32, #tpu.memory_space<hbm>>
        %dma_start3A_237 = arith.constant 0 : i32
        %dma_start3A_238 = tpu.memref_slice %arg5[%arg0, %mul3A_229, %dma_start3A_237] : memref<2x10000x16xf32, #tpu.memory_space<hbm>> -> memref<1x80x16xf32, #tpu.memory_space<hbm>>
        %dma_start3A_239 = tpu.memref_squeeze %dma_start3A_238 : memref<1x80x16xf32, #tpu.memory_space<hbm>> -> memref<80x16xf32, #tpu.memory_space<hbm>>
        tpu.enqueue_dma source(%arg11 : memref<80x16xf32, #tpu.memory_space<vmem>>) target(%dma_start3A_239 : memref<80x16xf32, #tpu.memory_space<hbm>>) target_semaphore(%run_scoped3A : memref<!tpu.dma_semaphore, #tpu.memory_space<semaphore_mem>>)
        %dma_wait3A = arith.constant 0 : i32
        %dma_wait3A_240 = tpu.memref_slice %arg5[%arg0, %mul3A_229, %dma_wait3A] : memref<2x10000x16xf32, #tpu.memory_space<hbm>> -> memref<1x80x16xf32, #tpu.memory_space<hbm>>
        %dma_wait3A_241 = tpu.memref_squeeze %dma_wait3A_240 : memref<1x80x16xf32, #tpu.memory_space<hbm>> -> memref<80x16xf32, #tpu.memory_space<hbm>>
        %dma_wait3A_242 = arith.constant 0 : i32
        %dma_wait3A_243 = tpu.memref_slice %arg5[%arg0, %mul3A_229, %dma_wait3A_242] : memref<2x10000x16xf32, #tpu.memory_space<hbm>> -> memref<1x80x16xf32, #tpu.memory_space<hbm>>
        %dma_wait3A_244 = tpu.memref_squeeze %dma_wait3A_243 : memref<1x80x16xf32, #tpu.memory_space<hbm>> -> memref<80x16xf32, #tpu.memory_space<hbm>>
        tpu.wait_dma2 semaphore(%run_scoped3A : memref<!tpu.dma_semaphore, #tpu.memory_space<semaphore_mem>>) src(%arg11 : memref<80x16xf32, #tpu.memory_space<vmem>>) dst(%dma_wait3A_244 : memref<80x16xf32, #tpu.memory_space<hbm>>)
        tpu.yield
      }) : () -> ()
      %mul3A_230 = arith.constant 80 : i32
      %mul3A_231 = arith.muli %add3A_178, %mul3A_230 : i32
      "tpu.region"() ({
        %run_scoped3A = tpu.sem_alloc : memref<!tpu.dma_semaphore, #tpu.memory_space<semaphore_mem>>
        %dma_start3A_234 = arith.constant 0 : i32
        %dma_start3A_235 = tpu.memref_slice %arg17[%mul3A_231, %dma_start3A_234] : memref<10000x16xf32, #tpu.memory_space<vmem_shared>> -> memref<80x16xf32, #tpu.memory_space<vmem_shared>>
        %dma_start3A_236 = arith.constant 0 : i32
        %dma_start3A_237 = tpu.memref_slice %arg17[%mul3A_231, %dma_start3A_236] : memref<10000x16xf32, #tpu.memory_space<vmem_shared>> -> memref<80x16xf32, #tpu.memory_space<vmem_shared>>
        tpu.enqueue_dma source(%dma_start3A_237 : memref<80x16xf32, #tpu.memory_space<vmem_shared>>) target(%arg11 : memref<80x16xf32, #tpu.memory_space<vmem>>) target_semaphore(%run_scoped3A : memref<!tpu.dma_semaphore, #tpu.memory_space<semaphore_mem>>)
        %dma_wait3A = arith.constant 0 : i32
        %dma_wait3A_238 = tpu.memref_slice %arg17[%mul3A_231, %dma_wait3A] : memref<10000x16xf32, #tpu.memory_space<vmem_shared>> -> memref<80x16xf32, #tpu.memory_space<vmem_shared>>
        %dma_wait3A_239 = arith.constant 0 : i32
        %dma_wait3A_240 = tpu.memref_slice %arg17[%mul3A_231, %dma_wait3A_239] : memref<10000x16xf32, #tpu.memory_space<vmem_shared>> -> memref<80x16xf32, #tpu.memory_space<vmem_shared>>
        tpu.wait_dma2 semaphore(%run_scoped3A : memref<!tpu.dma_semaphore, #tpu.memory_space<semaphore_mem>>) src(%dma_wait3A_240 : memref<80x16xf32, #tpu.memory_space<vmem_shared>>) dst(%arg11 : memref<80x16xf32, #tpu.memory_space<vmem>>)
        tpu.yield
      }) : () -> ()
      %mul3A_232 = arith.constant 80 : i32
      %mul3A_233 = arith.muli %add3A_178, %mul3A_232 : i32
      "tpu.region"() ({
        %run_scoped3A = tpu.sem_alloc : memref<!tpu.dma_semaphore, #tpu.memory_space<semaphore_mem>>
        %dma_start3A_234 = arith.constant 0 : i32
        %dma_start3A_235 = tpu.memref_slice %arg6[%arg0, %mul3A_233, %dma_start3A_234] : memref<2x10000x16xf32, #tpu.memory_space<hbm>> -> memref<1x80x16xf32, #tpu.memory_space<hbm>>
        %dma_start3A_236 = tpu.memref_squeeze %dma_start3A_235 : memref<1x80x16xf32, #tpu.memory_space<hbm>> -> memref<80x16xf32, #tpu.memory_space<hbm>>
        %dma_start3A_237 = arith.constant 0 : i32
        %dma_start3A_238 = tpu.memref_slice %arg6[%arg0, %mul3A_233, %dma_start3A_237] : memref<2x10000x16xf32, #tpu.memory_space<hbm>> -> memref<1x80x16xf32, #tpu.memory_space<hbm>>
        %dma_start3A_239 = tpu.memref_squeeze %dma_start3A_238 : memref<1x80x16xf32, #tpu.memory_space<hbm>> -> memref<80x16xf32, #tpu.memory_space<hbm>>
        tpu.enqueue_dma source(%arg11 : memref<80x16xf32, #tpu.memory_space<vmem>>) target(%dma_start3A_239 : memref<80x16xf32, #tpu.memory_space<hbm>>) target_semaphore(%run_scoped3A : memref<!tpu.dma_semaphore, #tpu.memory_space<semaphore_mem>>)
        %dma_wait3A = arith.constant 0 : i32
        %dma_wait3A_240 = tpu.memref_slice %arg6[%arg0, %mul3A_233, %dma_wait3A] : memref<2x10000x16xf32, #tpu.memory_space<hbm>> -> memref<1x80x16xf32, #tpu.memory_space<hbm>>
        %dma_wait3A_241 = tpu.memref_squeeze %dma_wait3A_240 : memref<1x80x16xf32, #tpu.memory_space<hbm>> -> memref<80x16xf32, #tpu.memory_space<hbm>>
        %dma_wait3A_242 = arith.constant 0 : i32
        %dma_wait3A_243 = tpu.memref_slice %arg6[%arg0, %mul3A_233, %dma_wait3A_242] : memref<2x10000x16xf32, #tpu.memory_space<hbm>> -> memref<1x80x16xf32, #tpu.memory_space<hbm>>
        %dma_wait3A_244 = tpu.memref_squeeze %dma_wait3A_243 : memref<1x80x16xf32, #tpu.memory_space<hbm>> -> memref<80x16xf32, #tpu.memory_space<hbm>>
        tpu.wait_dma2 semaphore(%run_scoped3A : memref<!tpu.dma_semaphore, #tpu.memory_space<semaphore_mem>>) src(%arg11 : memref<80x16xf32, #tpu.memory_space<vmem>>) dst(%dma_wait3A_244 : memref<80x16xf32, #tpu.memory_space<hbm>>)
        tpu.yield
      }) : () -> ()
    } else {
    }
    %add3A_184 = arith.constant 32 : i32
    %add3A_185 = arith.addi %arg1, %add3A_184 : i32
    %lt3A_186 = arith.constant 125 : i32
    %lt3A_187 = arith.cmpi slt, %add3A_185, %lt3A_186 : i32
    %convert_element_type3A_188 = arith.extui %lt3A_187 : i1 to i32
    %cond3A_189 = arith.constant 0 : i32
    %cond3A_190 = arith.cmpi ne, %convert_element_type3A_188, %cond3A_189 : i32
    scf.if %cond3A_190 {
      %mul3A_226 = arith.constant 80 : i32
      %mul3A_227 = arith.muli %add3A_185, %mul3A_226 : i32
      "tpu.region"() ({
        %run_scoped3A = tpu.sem_alloc : memref<!tpu.dma_semaphore, #tpu.memory_space<semaphore_mem>>
        %dma_start3A_234 = arith.constant 0 : i32
        %dma_start3A_235 = tpu.memref_slice %arg16[%mul3A_227, %dma_start3A_234] : memref<10000x16xf32, #tpu.memory_space<vmem_shared>> -> memref<80x16xf32, #tpu.memory_space<vmem_shared>>
        %dma_start3A_236 = arith.constant 0 : i32
        %dma_start3A_237 = tpu.memref_slice %arg16[%mul3A_227, %dma_start3A_236] : memref<10000x16xf32, #tpu.memory_space<vmem_shared>> -> memref<80x16xf32, #tpu.memory_space<vmem_shared>>
        tpu.enqueue_dma source(%dma_start3A_237 : memref<80x16xf32, #tpu.memory_space<vmem_shared>>) target(%arg11 : memref<80x16xf32, #tpu.memory_space<vmem>>) target_semaphore(%run_scoped3A : memref<!tpu.dma_semaphore, #tpu.memory_space<semaphore_mem>>)
        %dma_wait3A = arith.constant 0 : i32
        %dma_wait3A_238 = tpu.memref_slice %arg16[%mul3A_227, %dma_wait3A] : memref<10000x16xf32, #tpu.memory_space<vmem_shared>> -> memref<80x16xf32, #tpu.memory_space<vmem_shared>>
        %dma_wait3A_239 = arith.constant 0 : i32
        %dma_wait3A_240 = tpu.memref_slice %arg16[%mul3A_227, %dma_wait3A_239] : memref<10000x16xf32, #tpu.memory_space<vmem_shared>> -> memref<80x16xf32, #tpu.memory_space<vmem_shared>>
        tpu.wait_dma2 semaphore(%run_scoped3A : memref<!tpu.dma_semaphore, #tpu.memory_space<semaphore_mem>>) src(%dma_wait3A_240 : memref<80x16xf32, #tpu.memory_space<vmem_shared>>) dst(%arg11 : memref<80x16xf32, #tpu.memory_space<vmem>>)
        tpu.yield
      }) : () -> ()
      %mul3A_228 = arith.constant 80 : i32
      %mul3A_229 = arith.muli %add3A_185, %mul3A_228 : i32
      "tpu.region"() ({
        %run_scoped3A = tpu.sem_alloc : memref<!tpu.dma_semaphore, #tpu.memory_space<semaphore_mem>>
        %dma_start3A_234 = arith.constant 0 : i32
        %dma_start3A_235 = tpu.memref_slice %arg5[%arg0, %mul3A_229, %dma_start3A_234] : memref<2x10000x16xf32, #tpu.memory_space<hbm>> -> memref<1x80x16xf32, #tpu.memory_space<hbm>>
        %dma_start3A_236 = tpu.memref_squeeze %dma_start3A_235 : memref<1x80x16xf32, #tpu.memory_space<hbm>> -> memref<80x16xf32, #tpu.memory_space<hbm>>
        %dma_start3A_237 = arith.constant 0 : i32
        %dma_start3A_238 = tpu.memref_slice %arg5[%arg0, %mul3A_229, %dma_start3A_237] : memref<2x10000x16xf32, #tpu.memory_space<hbm>> -> memref<1x80x16xf32, #tpu.memory_space<hbm>>
        %dma_start3A_239 = tpu.memref_squeeze %dma_start3A_238 : memref<1x80x16xf32, #tpu.memory_space<hbm>> -> memref<80x16xf32, #tpu.memory_space<hbm>>
        tpu.enqueue_dma source(%arg11 : memref<80x16xf32, #tpu.memory_space<vmem>>) target(%dma_start3A_239 : memref<80x16xf32, #tpu.memory_space<hbm>>) target_semaphore(%run_scoped3A : memref<!tpu.dma_semaphore, #tpu.memory_space<semaphore_mem>>)
        %dma_wait3A = arith.constant 0 : i32
        %dma_wait3A_240 = tpu.memref_slice %arg5[%arg0, %mul3A_229, %dma_wait3A] : memref<2x10000x16xf32, #tpu.memory_space<hbm>> -> memref<1x80x16xf32, #tpu.memory_space<hbm>>
        %dma_wait3A_241 = tpu.memref_squeeze %dma_wait3A_240 : memref<1x80x16xf32, #tpu.memory_space<hbm>> -> memref<80x16xf32, #tpu.memory_space<hbm>>
        %dma_wait3A_242 = arith.constant 0 : i32
        %dma_wait3A_243 = tpu.memref_slice %arg5[%arg0, %mul3A_229, %dma_wait3A_242] : memref<2x10000x16xf32, #tpu.memory_space<hbm>> -> memref<1x80x16xf32, #tpu.memory_space<hbm>>
        %dma_wait3A_244 = tpu.memref_squeeze %dma_wait3A_243 : memref<1x80x16xf32, #tpu.memory_space<hbm>> -> memref<80x16xf32, #tpu.memory_space<hbm>>
        tpu.wait_dma2 semaphore(%run_scoped3A : memref<!tpu.dma_semaphore, #tpu.memory_space<semaphore_mem>>) src(%arg11 : memref<80x16xf32, #tpu.memory_space<vmem>>) dst(%dma_wait3A_244 : memref<80x16xf32, #tpu.memory_space<hbm>>)
        tpu.yield
      }) : () -> ()
      %mul3A_230 = arith.constant 80 : i32
      %mul3A_231 = arith.muli %add3A_185, %mul3A_230 : i32
      "tpu.region"() ({
        %run_scoped3A = tpu.sem_alloc : memref<!tpu.dma_semaphore, #tpu.memory_space<semaphore_mem>>
        %dma_start3A_234 = arith.constant 0 : i32
        %dma_start3A_235 = tpu.memref_slice %arg17[%mul3A_231, %dma_start3A_234] : memref<10000x16xf32, #tpu.memory_space<vmem_shared>> -> memref<80x16xf32, #tpu.memory_space<vmem_shared>>
        %dma_start3A_236 = arith.constant 0 : i32
        %dma_start3A_237 = tpu.memref_slice %arg17[%mul3A_231, %dma_start3A_236] : memref<10000x16xf32, #tpu.memory_space<vmem_shared>> -> memref<80x16xf32, #tpu.memory_space<vmem_shared>>
        tpu.enqueue_dma source(%dma_start3A_237 : memref<80x16xf32, #tpu.memory_space<vmem_shared>>) target(%arg11 : memref<80x16xf32, #tpu.memory_space<vmem>>) target_semaphore(%run_scoped3A : memref<!tpu.dma_semaphore, #tpu.memory_space<semaphore_mem>>)
        %dma_wait3A = arith.constant 0 : i32
        %dma_wait3A_238 = tpu.memref_slice %arg17[%mul3A_231, %dma_wait3A] : memref<10000x16xf32, #tpu.memory_space<vmem_shared>> -> memref<80x16xf32, #tpu.memory_space<vmem_shared>>
        %dma_wait3A_239 = arith.constant 0 : i32
        %dma_wait3A_240 = tpu.memref_slice %arg17[%mul3A_231, %dma_wait3A_239] : memref<10000x16xf32, #tpu.memory_space<vmem_shared>> -> memref<80x16xf32, #tpu.memory_space<vmem_shared>>
        tpu.wait_dma2 semaphore(%run_scoped3A : memref<!tpu.dma_semaphore, #tpu.memory_space<semaphore_mem>>) src(%dma_wait3A_240 : memref<80x16xf32, #tpu.memory_space<vmem_shared>>) dst(%arg11 : memref<80x16xf32, #tpu.memory_space<vmem>>)
        tpu.yield
      }) : () -> ()
      %mul3A_232 = arith.constant 80 : i32
      %mul3A_233 = arith.muli %add3A_185, %mul3A_232 : i32
      "tpu.region"() ({
        %run_scoped3A = tpu.sem_alloc : memref<!tpu.dma_semaphore, #tpu.memory_space<semaphore_mem>>
        %dma_start3A_234 = arith.constant 0 : i32
        %dma_start3A_235 = tpu.memref_slice %arg6[%arg0, %mul3A_233, %dma_start3A_234] : memref<2x10000x16xf32, #tpu.memory_space<hbm>> -> memref<1x80x16xf32, #tpu.memory_space<hbm>>
        %dma_start3A_236 = tpu.memref_squeeze %dma_start3A_235 : memref<1x80x16xf32, #tpu.memory_space<hbm>> -> memref<80x16xf32, #tpu.memory_space<hbm>>
        %dma_start3A_237 = arith.constant 0 : i32
        %dma_start3A_238 = tpu.memref_slice %arg6[%arg0, %mul3A_233, %dma_start3A_237] : memref<2x10000x16xf32, #tpu.memory_space<hbm>> -> memref<1x80x16xf32, #tpu.memory_space<hbm>>
        %dma_start3A_239 = tpu.memref_squeeze %dma_start3A_238 : memref<1x80x16xf32, #tpu.memory_space<hbm>> -> memref<80x16xf32, #tpu.memory_space<hbm>>
        tpu.enqueue_dma source(%arg11 : memref<80x16xf32, #tpu.memory_space<vmem>>) target(%dma_start3A_239 : memref<80x16xf32, #tpu.memory_space<hbm>>) target_semaphore(%run_scoped3A : memref<!tpu.dma_semaphore, #tpu.memory_space<semaphore_mem>>)
        %dma_wait3A = arith.constant 0 : i32
        %dma_wait3A_240 = tpu.memref_slice %arg6[%arg0, %mul3A_233, %dma_wait3A] : memref<2x10000x16xf32, #tpu.memory_space<hbm>> -> memref<1x80x16xf32, #tpu.memory_space<hbm>>
        %dma_wait3A_241 = tpu.memref_squeeze %dma_wait3A_240 : memref<1x80x16xf32, #tpu.memory_space<hbm>> -> memref<80x16xf32, #tpu.memory_space<hbm>>
        %dma_wait3A_242 = arith.constant 0 : i32
        %dma_wait3A_243 = tpu.memref_slice %arg6[%arg0, %mul3A_233, %dma_wait3A_242] : memref<2x10000x16xf32, #tpu.memory_space<hbm>> -> memref<1x80x16xf32, #tpu.memory_space<hbm>>
        %dma_wait3A_244 = tpu.memref_squeeze %dma_wait3A_243 : memref<1x80x16xf32, #tpu.memory_space<hbm>> -> memref<80x16xf32, #tpu.memory_space<hbm>>
        tpu.wait_dma2 semaphore(%run_scoped3A : memref<!tpu.dma_semaphore, #tpu.memory_space<semaphore_mem>>) src(%arg11 : memref<80x16xf32, #tpu.memory_space<vmem>>) dst(%dma_wait3A_244 : memref<80x16xf32, #tpu.memory_space<hbm>>)
        tpu.yield
      }) : () -> ()
    } else {
    }
    %add3A_191 = arith.constant 48 : i32
    %add3A_192 = arith.addi %arg1, %add3A_191 : i32
    %lt3A_193 = arith.constant 125 : i32
    %lt3A_194 = arith.cmpi slt, %add3A_192, %lt3A_193 : i32
    %convert_element_type3A_195 = arith.extui %lt3A_194 : i1 to i32
    %cond3A_196 = arith.constant 0 : i32
    %cond3A_197 = arith.cmpi ne, %convert_element_type3A_195, %cond3A_196 : i32
    scf.if %cond3A_197 {
      %mul3A_226 = arith.constant 80 : i32
      %mul3A_227 = arith.muli %add3A_192, %mul3A_226 : i32
      "tpu.region"() ({
        %run_scoped3A = tpu.sem_alloc : memref<!tpu.dma_semaphore, #tpu.memory_space<semaphore_mem>>
        %dma_start3A_234 = arith.constant 0 : i32
        %dma_start3A_235 = tpu.memref_slice %arg16[%mul3A_227, %dma_start3A_234] : memref<10000x16xf32, #tpu.memory_space<vmem_shared>> -> memref<80x16xf32, #tpu.memory_space<vmem_shared>>
        %dma_start3A_236 = arith.constant 0 : i32
        %dma_start3A_237 = tpu.memref_slice %arg16[%mul3A_227, %dma_start3A_236] : memref<10000x16xf32, #tpu.memory_space<vmem_shared>> -> memref<80x16xf32, #tpu.memory_space<vmem_shared>>
        tpu.enqueue_dma source(%dma_start3A_237 : memref<80x16xf32, #tpu.memory_space<vmem_shared>>) target(%arg11 : memref<80x16xf32, #tpu.memory_space<vmem>>) target_semaphore(%run_scoped3A : memref<!tpu.dma_semaphore, #tpu.memory_space<semaphore_mem>>)
        %dma_wait3A = arith.constant 0 : i32
        %dma_wait3A_238 = tpu.memref_slice %arg16[%mul3A_227, %dma_wait3A] : memref<10000x16xf32, #tpu.memory_space<vmem_shared>> -> memref<80x16xf32, #tpu.memory_space<vmem_shared>>
        %dma_wait3A_239 = arith.constant 0 : i32
        %dma_wait3A_240 = tpu.memref_slice %arg16[%mul3A_227, %dma_wait3A_239] : memref<10000x16xf32, #tpu.memory_space<vmem_shared>> -> memref<80x16xf32, #tpu.memory_space<vmem_shared>>
        tpu.wait_dma2 semaphore(%run_scoped3A : memref<!tpu.dma_semaphore, #tpu.memory_space<semaphore_mem>>) src(%dma_wait3A_240 : memref<80x16xf32, #tpu.memory_space<vmem_shared>>) dst(%arg11 : memref<80x16xf32, #tpu.memory_space<vmem>>)
        tpu.yield
      }) : () -> ()
      %mul3A_228 = arith.constant 80 : i32
      %mul3A_229 = arith.muli %add3A_192, %mul3A_228 : i32
      "tpu.region"() ({
        %run_scoped3A = tpu.sem_alloc : memref<!tpu.dma_semaphore, #tpu.memory_space<semaphore_mem>>
        %dma_start3A_234 = arith.constant 0 : i32
        %dma_start3A_235 = tpu.memref_slice %arg5[%arg0, %mul3A_229, %dma_start3A_234] : memref<2x10000x16xf32, #tpu.memory_space<hbm>> -> memref<1x80x16xf32, #tpu.memory_space<hbm>>
        %dma_start3A_236 = tpu.memref_squeeze %dma_start3A_235 : memref<1x80x16xf32, #tpu.memory_space<hbm>> -> memref<80x16xf32, #tpu.memory_space<hbm>>
        %dma_start3A_237 = arith.constant 0 : i32
        %dma_start3A_238 = tpu.memref_slice %arg5[%arg0, %mul3A_229, %dma_start3A_237] : memref<2x10000x16xf32, #tpu.memory_space<hbm>> -> memref<1x80x16xf32, #tpu.memory_space<hbm>>
        %dma_start3A_239 = tpu.memref_squeeze %dma_start3A_238 : memref<1x80x16xf32, #tpu.memory_space<hbm>> -> memref<80x16xf32, #tpu.memory_space<hbm>>
        tpu.enqueue_dma source(%arg11 : memref<80x16xf32, #tpu.memory_space<vmem>>) target(%dma_start3A_239 : memref<80x16xf32, #tpu.memory_space<hbm>>) target_semaphore(%run_scoped3A : memref<!tpu.dma_semaphore, #tpu.memory_space<semaphore_mem>>)
        %dma_wait3A = arith.constant 0 : i32
        %dma_wait3A_240 = tpu.memref_slice %arg5[%arg0, %mul3A_229, %dma_wait3A] : memref<2x10000x16xf32, #tpu.memory_space<hbm>> -> memref<1x80x16xf32, #tpu.memory_space<hbm>>
        %dma_wait3A_241 = tpu.memref_squeeze %dma_wait3A_240 : memref<1x80x16xf32, #tpu.memory_space<hbm>> -> memref<80x16xf32, #tpu.memory_space<hbm>>
        %dma_wait3A_242 = arith.constant 0 : i32
        %dma_wait3A_243 = tpu.memref_slice %arg5[%arg0, %mul3A_229, %dma_wait3A_242] : memref<2x10000x16xf32, #tpu.memory_space<hbm>> -> memref<1x80x16xf32, #tpu.memory_space<hbm>>
        %dma_wait3A_244 = tpu.memref_squeeze %dma_wait3A_243 : memref<1x80x16xf32, #tpu.memory_space<hbm>> -> memref<80x16xf32, #tpu.memory_space<hbm>>
        tpu.wait_dma2 semaphore(%run_scoped3A : memref<!tpu.dma_semaphore, #tpu.memory_space<semaphore_mem>>) src(%arg11 : memref<80x16xf32, #tpu.memory_space<vmem>>) dst(%dma_wait3A_244 : memref<80x16xf32, #tpu.memory_space<hbm>>)
        tpu.yield
      }) : () -> ()
      %mul3A_230 = arith.constant 80 : i32
      %mul3A_231 = arith.muli %add3A_192, %mul3A_230 : i32
      "tpu.region"() ({
        %run_scoped3A = tpu.sem_alloc : memref<!tpu.dma_semaphore, #tpu.memory_space<semaphore_mem>>
        %dma_start3A_234 = arith.constant 0 : i32
        %dma_start3A_235 = tpu.memref_slice %arg17[%mul3A_231, %dma_start3A_234] : memref<10000x16xf32, #tpu.memory_space<vmem_shared>> -> memref<80x16xf32, #tpu.memory_space<vmem_shared>>
        %dma_start3A_236 = arith.constant 0 : i32
        %dma_start3A_237 = tpu.memref_slice %arg17[%mul3A_231, %dma_start3A_236] : memref<10000x16xf32, #tpu.memory_space<vmem_shared>> -> memref<80x16xf32, #tpu.memory_space<vmem_shared>>
        tpu.enqueue_dma source(%dma_start3A_237 : memref<80x16xf32, #tpu.memory_space<vmem_shared>>) target(%arg11 : memref<80x16xf32, #tpu.memory_space<vmem>>) target_semaphore(%run_scoped3A : memref<!tpu.dma_semaphore, #tpu.memory_space<semaphore_mem>>)
        %dma_wait3A = arith.constant 0 : i32
        %dma_wait3A_238 = tpu.memref_slice %arg17[%mul3A_231, %dma_wait3A] : memref<10000x16xf32, #tpu.memory_space<vmem_shared>> -> memref<80x16xf32, #tpu.memory_space<vmem_shared>>
        %dma_wait3A_239 = arith.constant 0 : i32
        %dma_wait3A_240 = tpu.memref_slice %arg17[%mul3A_231, %dma_wait3A_239] : memref<10000x16xf32, #tpu.memory_space<vmem_shared>> -> memref<80x16xf32, #tpu.memory_space<vmem_shared>>
        tpu.wait_dma2 semaphore(%run_scoped3A : memref<!tpu.dma_semaphore, #tpu.memory_space<semaphore_mem>>) src(%dma_wait3A_240 : memref<80x16xf32, #tpu.memory_space<vmem_shared>>) dst(%arg11 : memref<80x16xf32, #tpu.memory_space<vmem>>)
        tpu.yield
      }) : () -> ()
      %mul3A_232 = arith.constant 80 : i32
      %mul3A_233 = arith.muli %add3A_192, %mul3A_232 : i32
      "tpu.region"() ({
        %run_scoped3A = tpu.sem_alloc : memref<!tpu.dma_semaphore, #tpu.memory_space<semaphore_mem>>
        %dma_start3A_234 = arith.constant 0 : i32
        %dma_start3A_235 = tpu.memref_slice %arg6[%arg0, %mul3A_233, %dma_start3A_234] : memref<2x10000x16xf32, #tpu.memory_space<hbm>> -> memref<1x80x16xf32, #tpu.memory_space<hbm>>
        %dma_start3A_236 = tpu.memref_squeeze %dma_start3A_235 : memref<1x80x16xf32, #tpu.memory_space<hbm>> -> memref<80x16xf32, #tpu.memory_space<hbm>>
        %dma_start3A_237 = arith.constant 0 : i32
        %dma_start3A_238 = tpu.memref_slice %arg6[%arg0, %mul3A_233, %dma_start3A_237] : memref<2x10000x16xf32, #tpu.memory_space<hbm>> -> memref<1x80x16xf32, #tpu.memory_space<hbm>>
        %dma_start3A_239 = tpu.memref_squeeze %dma_start3A_238 : memref<1x80x16xf32, #tpu.memory_space<hbm>> -> memref<80x16xf32, #tpu.memory_space<hbm>>
        tpu.enqueue_dma source(%arg11 : memref<80x16xf32, #tpu.memory_space<vmem>>) target(%dma_start3A_239 : memref<80x16xf32, #tpu.memory_space<hbm>>) target_semaphore(%run_scoped3A : memref<!tpu.dma_semaphore, #tpu.memory_space<semaphore_mem>>)
        %dma_wait3A = arith.constant 0 : i32
        %dma_wait3A_240 = tpu.memref_slice %arg6[%arg0, %mul3A_233, %dma_wait3A] : memref<2x10000x16xf32, #tpu.memory_space<hbm>> -> memref<1x80x16xf32, #tpu.memory_space<hbm>>
        %dma_wait3A_241 = tpu.memref_squeeze %dma_wait3A_240 : memref<1x80x16xf32, #tpu.memory_space<hbm>> -> memref<80x16xf32, #tpu.memory_space<hbm>>
        %dma_wait3A_242 = arith.constant 0 : i32
        %dma_wait3A_243 = tpu.memref_slice %arg6[%arg0, %mul3A_233, %dma_wait3A_242] : memref<2x10000x16xf32, #tpu.memory_space<hbm>> -> memref<1x80x16xf32, #tpu.memory_space<hbm>>
        %dma_wait3A_244 = tpu.memref_squeeze %dma_wait3A_243 : memref<1x80x16xf32, #tpu.memory_space<hbm>> -> memref<80x16xf32, #tpu.memory_space<hbm>>
        tpu.wait_dma2 semaphore(%run_scoped3A : memref<!tpu.dma_semaphore, #tpu.memory_space<semaphore_mem>>) src(%arg11 : memref<80x16xf32, #tpu.memory_space<vmem>>) dst(%dma_wait3A_244 : memref<80x16xf32, #tpu.memory_space<hbm>>)
        tpu.yield
      }) : () -> ()
    } else {
    }
    %add3A_198 = arith.constant 64 : i32
    %add3A_199 = arith.addi %arg1, %add3A_198 : i32
    %lt3A_200 = arith.constant 125 : i32
    %lt3A_201 = arith.cmpi slt, %add3A_199, %lt3A_200 : i32
    %convert_element_type3A_202 = arith.extui %lt3A_201 : i1 to i32
    %cond3A_203 = arith.constant 0 : i32
    %cond3A_204 = arith.cmpi ne, %convert_element_type3A_202, %cond3A_203 : i32
    scf.if %cond3A_204 {
      %mul3A_226 = arith.constant 80 : i32
      %mul3A_227 = arith.muli %add3A_199, %mul3A_226 : i32
      "tpu.region"() ({
        %run_scoped3A = tpu.sem_alloc : memref<!tpu.dma_semaphore, #tpu.memory_space<semaphore_mem>>
        %dma_start3A_234 = arith.constant 0 : i32
        %dma_start3A_235 = tpu.memref_slice %arg16[%mul3A_227, %dma_start3A_234] : memref<10000x16xf32, #tpu.memory_space<vmem_shared>> -> memref<80x16xf32, #tpu.memory_space<vmem_shared>>
        %dma_start3A_236 = arith.constant 0 : i32
        %dma_start3A_237 = tpu.memref_slice %arg16[%mul3A_227, %dma_start3A_236] : memref<10000x16xf32, #tpu.memory_space<vmem_shared>> -> memref<80x16xf32, #tpu.memory_space<vmem_shared>>
        tpu.enqueue_dma source(%dma_start3A_237 : memref<80x16xf32, #tpu.memory_space<vmem_shared>>) target(%arg11 : memref<80x16xf32, #tpu.memory_space<vmem>>) target_semaphore(%run_scoped3A : memref<!tpu.dma_semaphore, #tpu.memory_space<semaphore_mem>>)
        %dma_wait3A = arith.constant 0 : i32
        %dma_wait3A_238 = tpu.memref_slice %arg16[%mul3A_227, %dma_wait3A] : memref<10000x16xf32, #tpu.memory_space<vmem_shared>> -> memref<80x16xf32, #tpu.memory_space<vmem_shared>>
        %dma_wait3A_239 = arith.constant 0 : i32
        %dma_wait3A_240 = tpu.memref_slice %arg16[%mul3A_227, %dma_wait3A_239] : memref<10000x16xf32, #tpu.memory_space<vmem_shared>> -> memref<80x16xf32, #tpu.memory_space<vmem_shared>>
        tpu.wait_dma2 semaphore(%run_scoped3A : memref<!tpu.dma_semaphore, #tpu.memory_space<semaphore_mem>>) src(%dma_wait3A_240 : memref<80x16xf32, #tpu.memory_space<vmem_shared>>) dst(%arg11 : memref<80x16xf32, #tpu.memory_space<vmem>>)
        tpu.yield
      }) : () -> ()
      %mul3A_228 = arith.constant 80 : i32
      %mul3A_229 = arith.muli %add3A_199, %mul3A_228 : i32
      "tpu.region"() ({
        %run_scoped3A = tpu.sem_alloc : memref<!tpu.dma_semaphore, #tpu.memory_space<semaphore_mem>>
        %dma_start3A_234 = arith.constant 0 : i32
        %dma_start3A_235 = tpu.memref_slice %arg5[%arg0, %mul3A_229, %dma_start3A_234] : memref<2x10000x16xf32, #tpu.memory_space<hbm>> -> memref<1x80x16xf32, #tpu.memory_space<hbm>>
        %dma_start3A_236 = tpu.memref_squeeze %dma_start3A_235 : memref<1x80x16xf32, #tpu.memory_space<hbm>> -> memref<80x16xf32, #tpu.memory_space<hbm>>
        %dma_start3A_237 = arith.constant 0 : i32
        %dma_start3A_238 = tpu.memref_slice %arg5[%arg0, %mul3A_229, %dma_start3A_237] : memref<2x10000x16xf32, #tpu.memory_space<hbm>> -> memref<1x80x16xf32, #tpu.memory_space<hbm>>
        %dma_start3A_239 = tpu.memref_squeeze %dma_start3A_238 : memref<1x80x16xf32, #tpu.memory_space<hbm>> -> memref<80x16xf32, #tpu.memory_space<hbm>>
        tpu.enqueue_dma source(%arg11 : memref<80x16xf32, #tpu.memory_space<vmem>>) target(%dma_start3A_239 : memref<80x16xf32, #tpu.memory_space<hbm>>) target_semaphore(%run_scoped3A : memref<!tpu.dma_semaphore, #tpu.memory_space<semaphore_mem>>)
        %dma_wait3A = arith.constant 0 : i32
        %dma_wait3A_240 = tpu.memref_slice %arg5[%arg0, %mul3A_229, %dma_wait3A] : memref<2x10000x16xf32, #tpu.memory_space<hbm>> -> memref<1x80x16xf32, #tpu.memory_space<hbm>>
        %dma_wait3A_241 = tpu.memref_squeeze %dma_wait3A_240 : memref<1x80x16xf32, #tpu.memory_space<hbm>> -> memref<80x16xf32, #tpu.memory_space<hbm>>
        %dma_wait3A_242 = arith.constant 0 : i32
        %dma_wait3A_243 = tpu.memref_slice %arg5[%arg0, %mul3A_229, %dma_wait3A_242] : memref<2x10000x16xf32, #tpu.memory_space<hbm>> -> memref<1x80x16xf32, #tpu.memory_space<hbm>>
        %dma_wait3A_244 = tpu.memref_squeeze %dma_wait3A_243 : memref<1x80x16xf32, #tpu.memory_space<hbm>> -> memref<80x16xf32, #tpu.memory_space<hbm>>
        tpu.wait_dma2 semaphore(%run_scoped3A : memref<!tpu.dma_semaphore, #tpu.memory_space<semaphore_mem>>) src(%arg11 : memref<80x16xf32, #tpu.memory_space<vmem>>) dst(%dma_wait3A_244 : memref<80x16xf32, #tpu.memory_space<hbm>>)
        tpu.yield
      }) : () -> ()
      %mul3A_230 = arith.constant 80 : i32
      %mul3A_231 = arith.muli %add3A_199, %mul3A_230 : i32
      "tpu.region"() ({
        %run_scoped3A = tpu.sem_alloc : memref<!tpu.dma_semaphore, #tpu.memory_space<semaphore_mem>>
        %dma_start3A_234 = arith.constant 0 : i32
        %dma_start3A_235 = tpu.memref_slice %arg17[%mul3A_231, %dma_start3A_234] : memref<10000x16xf32, #tpu.memory_space<vmem_shared>> -> memref<80x16xf32, #tpu.memory_space<vmem_shared>>
        %dma_start3A_236 = arith.constant 0 : i32
        %dma_start3A_237 = tpu.memref_slice %arg17[%mul3A_231, %dma_start3A_236] : memref<10000x16xf32, #tpu.memory_space<vmem_shared>> -> memref<80x16xf32, #tpu.memory_space<vmem_shared>>
        tpu.enqueue_dma source(%dma_start3A_237 : memref<80x16xf32, #tpu.memory_space<vmem_shared>>) target(%arg11 : memref<80x16xf32, #tpu.memory_space<vmem>>) target_semaphore(%run_scoped3A : memref<!tpu.dma_semaphore, #tpu.memory_space<semaphore_mem>>)
        %dma_wait3A = arith.constant 0 : i32
        %dma_wait3A_238 = tpu.memref_slice %arg17[%mul3A_231, %dma_wait3A] : memref<10000x16xf32, #tpu.memory_space<vmem_shared>> -> memref<80x16xf32, #tpu.memory_space<vmem_shared>>
        %dma_wait3A_239 = arith.constant 0 : i32
        %dma_wait3A_240 = tpu.memref_slice %arg17[%mul3A_231, %dma_wait3A_239] : memref<10000x16xf32, #tpu.memory_space<vmem_shared>> -> memref<80x16xf32, #tpu.memory_space<vmem_shared>>
        tpu.wait_dma2 semaphore(%run_scoped3A : memref<!tpu.dma_semaphore, #tpu.memory_space<semaphore_mem>>) src(%dma_wait3A_240 : memref<80x16xf32, #tpu.memory_space<vmem_shared>>) dst(%arg11 : memref<80x16xf32, #tpu.memory_space<vmem>>)
        tpu.yield
      }) : () -> ()
      %mul3A_232 = arith.constant 80 : i32
      %mul3A_233 = arith.muli %add3A_199, %mul3A_232 : i32
      "tpu.region"() ({
        %run_scoped3A = tpu.sem_alloc : memref<!tpu.dma_semaphore, #tpu.memory_space<semaphore_mem>>
        %dma_start3A_234 = arith.constant 0 : i32
        %dma_start3A_235 = tpu.memref_slice %arg6[%arg0, %mul3A_233, %dma_start3A_234] : memref<2x10000x16xf32, #tpu.memory_space<hbm>> -> memref<1x80x16xf32, #tpu.memory_space<hbm>>
        %dma_start3A_236 = tpu.memref_squeeze %dma_start3A_235 : memref<1x80x16xf32, #tpu.memory_space<hbm>> -> memref<80x16xf32, #tpu.memory_space<hbm>>
        %dma_start3A_237 = arith.constant 0 : i32
        %dma_start3A_238 = tpu.memref_slice %arg6[%arg0, %mul3A_233, %dma_start3A_237] : memref<2x10000x16xf32, #tpu.memory_space<hbm>> -> memref<1x80x16xf32, #tpu.memory_space<hbm>>
        %dma_start3A_239 = tpu.memref_squeeze %dma_start3A_238 : memref<1x80x16xf32, #tpu.memory_space<hbm>> -> memref<80x16xf32, #tpu.memory_space<hbm>>
        tpu.enqueue_dma source(%arg11 : memref<80x16xf32, #tpu.memory_space<vmem>>) target(%dma_start3A_239 : memref<80x16xf32, #tpu.memory_space<hbm>>) target_semaphore(%run_scoped3A : memref<!tpu.dma_semaphore, #tpu.memory_space<semaphore_mem>>)
        %dma_wait3A = arith.constant 0 : i32
        %dma_wait3A_240 = tpu.memref_slice %arg6[%arg0, %mul3A_233, %dma_wait3A] : memref<2x10000x16xf32, #tpu.memory_space<hbm>> -> memref<1x80x16xf32, #tpu.memory_space<hbm>>
        %dma_wait3A_241 = tpu.memref_squeeze %dma_wait3A_240 : memref<1x80x16xf32, #tpu.memory_space<hbm>> -> memref<80x16xf32, #tpu.memory_space<hbm>>
        %dma_wait3A_242 = arith.constant 0 : i32
        %dma_wait3A_243 = tpu.memref_slice %arg6[%arg0, %mul3A_233, %dma_wait3A_242] : memref<2x10000x16xf32, #tpu.memory_space<hbm>> -> memref<1x80x16xf32, #tpu.memory_space<hbm>>
        %dma_wait3A_244 = tpu.memref_squeeze %dma_wait3A_243 : memref<1x80x16xf32, #tpu.memory_space<hbm>> -> memref<80x16xf32, #tpu.memory_space<hbm>>
        tpu.wait_dma2 semaphore(%run_scoped3A : memref<!tpu.dma_semaphore, #tpu.memory_space<semaphore_mem>>) src(%arg11 : memref<80x16xf32, #tpu.memory_space<vmem>>) dst(%dma_wait3A_244 : memref<80x16xf32, #tpu.memory_space<hbm>>)
        tpu.yield
      }) : () -> ()
    } else {
    }
    %add3A_205 = arith.constant 80 : i32
    %add3A_206 = arith.addi %arg1, %add3A_205 : i32
    %lt3A_207 = arith.constant 125 : i32
    %lt3A_208 = arith.cmpi slt, %add3A_206, %lt3A_207 : i32
    %convert_element_type3A_209 = arith.extui %lt3A_208 : i1 to i32
    %cond3A_210 = arith.constant 0 : i32
    %cond3A_211 = arith.cmpi ne, %convert_element_type3A_209, %cond3A_210 : i32
    scf.if %cond3A_211 {
      %mul3A_226 = arith.constant 80 : i32
      %mul3A_227 = arith.muli %add3A_206, %mul3A_226 : i32
      "tpu.region"() ({
        %run_scoped3A = tpu.sem_alloc : memref<!tpu.dma_semaphore, #tpu.memory_space<semaphore_mem>>
        %dma_start3A_234 = arith.constant 0 : i32
        %dma_start3A_235 = tpu.memref_slice %arg16[%mul3A_227, %dma_start3A_234] : memref<10000x16xf32, #tpu.memory_space<vmem_shared>> -> memref<80x16xf32, #tpu.memory_space<vmem_shared>>
        %dma_start3A_236 = arith.constant 0 : i32
        %dma_start3A_237 = tpu.memref_slice %arg16[%mul3A_227, %dma_start3A_236] : memref<10000x16xf32, #tpu.memory_space<vmem_shared>> -> memref<80x16xf32, #tpu.memory_space<vmem_shared>>
        tpu.enqueue_dma source(%dma_start3A_237 : memref<80x16xf32, #tpu.memory_space<vmem_shared>>) target(%arg11 : memref<80x16xf32, #tpu.memory_space<vmem>>) target_semaphore(%run_scoped3A : memref<!tpu.dma_semaphore, #tpu.memory_space<semaphore_mem>>)
        %dma_wait3A = arith.constant 0 : i32
        %dma_wait3A_238 = tpu.memref_slice %arg16[%mul3A_227, %dma_wait3A] : memref<10000x16xf32, #tpu.memory_space<vmem_shared>> -> memref<80x16xf32, #tpu.memory_space<vmem_shared>>
        %dma_wait3A_239 = arith.constant 0 : i32
        %dma_wait3A_240 = tpu.memref_slice %arg16[%mul3A_227, %dma_wait3A_239] : memref<10000x16xf32, #tpu.memory_space<vmem_shared>> -> memref<80x16xf32, #tpu.memory_space<vmem_shared>>
        tpu.wait_dma2 semaphore(%run_scoped3A : memref<!tpu.dma_semaphore, #tpu.memory_space<semaphore_mem>>) src(%dma_wait3A_240 : memref<80x16xf32, #tpu.memory_space<vmem_shared>>) dst(%arg11 : memref<80x16xf32, #tpu.memory_space<vmem>>)
        tpu.yield
      }) : () -> ()
      %mul3A_228 = arith.constant 80 : i32
      %mul3A_229 = arith.muli %add3A_206, %mul3A_228 : i32
      "tpu.region"() ({
        %run_scoped3A = tpu.sem_alloc : memref<!tpu.dma_semaphore, #tpu.memory_space<semaphore_mem>>
        %dma_start3A_234 = arith.constant 0 : i32
        %dma_start3A_235 = tpu.memref_slice %arg5[%arg0, %mul3A_229, %dma_start3A_234] : memref<2x10000x16xf32, #tpu.memory_space<hbm>> -> memref<1x80x16xf32, #tpu.memory_space<hbm>>
        %dma_start3A_236 = tpu.memref_squeeze %dma_start3A_235 : memref<1x80x16xf32, #tpu.memory_space<hbm>> -> memref<80x16xf32, #tpu.memory_space<hbm>>
        %dma_start3A_237 = arith.constant 0 : i32
        %dma_start3A_238 = tpu.memref_slice %arg5[%arg0, %mul3A_229, %dma_start3A_237] : memref<2x10000x16xf32, #tpu.memory_space<hbm>> -> memref<1x80x16xf32, #tpu.memory_space<hbm>>
        %dma_start3A_239 = tpu.memref_squeeze %dma_start3A_238 : memref<1x80x16xf32, #tpu.memory_space<hbm>> -> memref<80x16xf32, #tpu.memory_space<hbm>>
        tpu.enqueue_dma source(%arg11 : memref<80x16xf32, #tpu.memory_space<vmem>>) target(%dma_start3A_239 : memref<80x16xf32, #tpu.memory_space<hbm>>) target_semaphore(%run_scoped3A : memref<!tpu.dma_semaphore, #tpu.memory_space<semaphore_mem>>)
        %dma_wait3A = arith.constant 0 : i32
        %dma_wait3A_240 = tpu.memref_slice %arg5[%arg0, %mul3A_229, %dma_wait3A] : memref<2x10000x16xf32, #tpu.memory_space<hbm>> -> memref<1x80x16xf32, #tpu.memory_space<hbm>>
        %dma_wait3A_241 = tpu.memref_squeeze %dma_wait3A_240 : memref<1x80x16xf32, #tpu.memory_space<hbm>> -> memref<80x16xf32, #tpu.memory_space<hbm>>
        %dma_wait3A_242 = arith.constant 0 : i32
        %dma_wait3A_243 = tpu.memref_slice %arg5[%arg0, %mul3A_229, %dma_wait3A_242] : memref<2x10000x16xf32, #tpu.memory_space<hbm>> -> memref<1x80x16xf32, #tpu.memory_space<hbm>>
        %dma_wait3A_244 = tpu.memref_squeeze %dma_wait3A_243 : memref<1x80x16xf32, #tpu.memory_space<hbm>> -> memref<80x16xf32, #tpu.memory_space<hbm>>
        tpu.wait_dma2 semaphore(%run_scoped3A : memref<!tpu.dma_semaphore, #tpu.memory_space<semaphore_mem>>) src(%arg11 : memref<80x16xf32, #tpu.memory_space<vmem>>) dst(%dma_wait3A_244 : memref<80x16xf32, #tpu.memory_space<hbm>>)
        tpu.yield
      }) : () -> ()
      %mul3A_230 = arith.constant 80 : i32
      %mul3A_231 = arith.muli %add3A_206, %mul3A_230 : i32
      "tpu.region"() ({
        %run_scoped3A = tpu.sem_alloc : memref<!tpu.dma_semaphore, #tpu.memory_space<semaphore_mem>>
        %dma_start3A_234 = arith.constant 0 : i32
        %dma_start3A_235 = tpu.memref_slice %arg17[%mul3A_231, %dma_start3A_234] : memref<10000x16xf32, #tpu.memory_space<vmem_shared>> -> memref<80x16xf32, #tpu.memory_space<vmem_shared>>
        %dma_start3A_236 = arith.constant 0 : i32
        %dma_start3A_237 = tpu.memref_slice %arg17[%mul3A_231, %dma_start3A_236] : memref<10000x16xf32, #tpu.memory_space<vmem_shared>> -> memref<80x16xf32, #tpu.memory_space<vmem_shared>>
        tpu.enqueue_dma source(%dma_start3A_237 : memref<80x16xf32, #tpu.memory_space<vmem_shared>>) target(%arg11 : memref<80x16xf32, #tpu.memory_space<vmem>>) target_semaphore(%run_scoped3A : memref<!tpu.dma_semaphore, #tpu.memory_space<semaphore_mem>>)
        %dma_wait3A = arith.constant 0 : i32
        %dma_wait3A_238 = tpu.memref_slice %arg17[%mul3A_231, %dma_wait3A] : memref<10000x16xf32, #tpu.memory_space<vmem_shared>> -> memref<80x16xf32, #tpu.memory_space<vmem_shared>>
        %dma_wait3A_239 = arith.constant 0 : i32
        %dma_wait3A_240 = tpu.memref_slice %arg17[%mul3A_231, %dma_wait3A_239] : memref<10000x16xf32, #tpu.memory_space<vmem_shared>> -> memref<80x16xf32, #tpu.memory_space<vmem_shared>>
        tpu.wait_dma2 semaphore(%run_scoped3A : memref<!tpu.dma_semaphore, #tpu.memory_space<semaphore_mem>>) src(%dma_wait3A_240 : memref<80x16xf32, #tpu.memory_space<vmem_shared>>) dst(%arg11 : memref<80x16xf32, #tpu.memory_space<vmem>>)
        tpu.yield
      }) : () -> ()
      %mul3A_232 = arith.constant 80 : i32
      %mul3A_233 = arith.muli %add3A_206, %mul3A_232 : i32
      "tpu.region"() ({
        %run_scoped3A = tpu.sem_alloc : memref<!tpu.dma_semaphore, #tpu.memory_space<semaphore_mem>>
        %dma_start3A_234 = arith.constant 0 : i32
        %dma_start3A_235 = tpu.memref_slice %arg6[%arg0, %mul3A_233, %dma_start3A_234] : memref<2x10000x16xf32, #tpu.memory_space<hbm>> -> memref<1x80x16xf32, #tpu.memory_space<hbm>>
        %dma_start3A_236 = tpu.memref_squeeze %dma_start3A_235 : memref<1x80x16xf32, #tpu.memory_space<hbm>> -> memref<80x16xf32, #tpu.memory_space<hbm>>
        %dma_start3A_237 = arith.constant 0 : i32
        %dma_start3A_238 = tpu.memref_slice %arg6[%arg0, %mul3A_233, %dma_start3A_237] : memref<2x10000x16xf32, #tpu.memory_space<hbm>> -> memref<1x80x16xf32, #tpu.memory_space<hbm>>
        %dma_start3A_239 = tpu.memref_squeeze %dma_start3A_238 : memref<1x80x16xf32, #tpu.memory_space<hbm>> -> memref<80x16xf32, #tpu.memory_space<hbm>>
        tpu.enqueue_dma source(%arg11 : memref<80x16xf32, #tpu.memory_space<vmem>>) target(%dma_start3A_239 : memref<80x16xf32, #tpu.memory_space<hbm>>) target_semaphore(%run_scoped3A : memref<!tpu.dma_semaphore, #tpu.memory_space<semaphore_mem>>)
        %dma_wait3A = arith.constant 0 : i32
        %dma_wait3A_240 = tpu.memref_slice %arg6[%arg0, %mul3A_233, %dma_wait3A] : memref<2x10000x16xf32, #tpu.memory_space<hbm>> -> memref<1x80x16xf32, #tpu.memory_space<hbm>>
        %dma_wait3A_241 = tpu.memref_squeeze %dma_wait3A_240 : memref<1x80x16xf32, #tpu.memory_space<hbm>> -> memref<80x16xf32, #tpu.memory_space<hbm>>
        %dma_wait3A_242 = arith.constant 0 : i32
        %dma_wait3A_243 = tpu.memref_slice %arg6[%arg0, %mul3A_233, %dma_wait3A_242] : memref<2x10000x16xf32, #tpu.memory_space<hbm>> -> memref<1x80x16xf32, #tpu.memory_space<hbm>>
        %dma_wait3A_244 = tpu.memref_squeeze %dma_wait3A_243 : memref<1x80x16xf32, #tpu.memory_space<hbm>> -> memref<80x16xf32, #tpu.memory_space<hbm>>
        tpu.wait_dma2 semaphore(%run_scoped3A : memref<!tpu.dma_semaphore, #tpu.memory_space<semaphore_mem>>) src(%arg11 : memref<80x16xf32, #tpu.memory_space<vmem>>) dst(%dma_wait3A_244 : memref<80x16xf32, #tpu.memory_space<hbm>>)
        tpu.yield
      }) : () -> ()
    } else {
    }
    %add3A_212 = arith.constant 96 : i32
    %add3A_213 = arith.addi %arg1, %add3A_212 : i32
    %lt3A_214 = arith.constant 125 : i32
    %lt3A_215 = arith.cmpi slt, %add3A_213, %lt3A_214 : i32
    %convert_element_type3A_216 = arith.extui %lt3A_215 : i1 to i32
    %cond3A_217 = arith.constant 0 : i32
    %cond3A_218 = arith.cmpi ne, %convert_element_type3A_216, %cond3A_217 : i32
    scf.if %cond3A_218 {
      %mul3A_226 = arith.constant 80 : i32
      %mul3A_227 = arith.muli %add3A_213, %mul3A_226 : i32
      "tpu.region"() ({
        %run_scoped3A = tpu.sem_alloc : memref<!tpu.dma_semaphore, #tpu.memory_space<semaphore_mem>>
        %dma_start3A_234 = arith.constant 0 : i32
        %dma_start3A_235 = tpu.memref_slice %arg16[%mul3A_227, %dma_start3A_234] : memref<10000x16xf32, #tpu.memory_space<vmem_shared>> -> memref<80x16xf32, #tpu.memory_space<vmem_shared>>
        %dma_start3A_236 = arith.constant 0 : i32
        %dma_start3A_237 = tpu.memref_slice %arg16[%mul3A_227, %dma_start3A_236] : memref<10000x16xf32, #tpu.memory_space<vmem_shared>> -> memref<80x16xf32, #tpu.memory_space<vmem_shared>>
        tpu.enqueue_dma source(%dma_start3A_237 : memref<80x16xf32, #tpu.memory_space<vmem_shared>>) target(%arg11 : memref<80x16xf32, #tpu.memory_space<vmem>>) target_semaphore(%run_scoped3A : memref<!tpu.dma_semaphore, #tpu.memory_space<semaphore_mem>>)
        %dma_wait3A = arith.constant 0 : i32
        %dma_wait3A_238 = tpu.memref_slice %arg16[%mul3A_227, %dma_wait3A] : memref<10000x16xf32, #tpu.memory_space<vmem_shared>> -> memref<80x16xf32, #tpu.memory_space<vmem_shared>>
        %dma_wait3A_239 = arith.constant 0 : i32
        %dma_wait3A_240 = tpu.memref_slice %arg16[%mul3A_227, %dma_wait3A_239] : memref<10000x16xf32, #tpu.memory_space<vmem_shared>> -> memref<80x16xf32, #tpu.memory_space<vmem_shared>>
        tpu.wait_dma2 semaphore(%run_scoped3A : memref<!tpu.dma_semaphore, #tpu.memory_space<semaphore_mem>>) src(%dma_wait3A_240 : memref<80x16xf32, #tpu.memory_space<vmem_shared>>) dst(%arg11 : memref<80x16xf32, #tpu.memory_space<vmem>>)
        tpu.yield
      }) : () -> ()
      %mul3A_228 = arith.constant 80 : i32
      %mul3A_229 = arith.muli %add3A_213, %mul3A_228 : i32
      "tpu.region"() ({
        %run_scoped3A = tpu.sem_alloc : memref<!tpu.dma_semaphore, #tpu.memory_space<semaphore_mem>>
        %dma_start3A_234 = arith.constant 0 : i32
        %dma_start3A_235 = tpu.memref_slice %arg5[%arg0, %mul3A_229, %dma_start3A_234] : memref<2x10000x16xf32, #tpu.memory_space<hbm>> -> memref<1x80x16xf32, #tpu.memory_space<hbm>>
        %dma_start3A_236 = tpu.memref_squeeze %dma_start3A_235 : memref<1x80x16xf32, #tpu.memory_space<hbm>> -> memref<80x16xf32, #tpu.memory_space<hbm>>
        %dma_start3A_237 = arith.constant 0 : i32
        %dma_start3A_238 = tpu.memref_slice %arg5[%arg0, %mul3A_229, %dma_start3A_237] : memref<2x10000x16xf32, #tpu.memory_space<hbm>> -> memref<1x80x16xf32, #tpu.memory_space<hbm>>
        %dma_start3A_239 = tpu.memref_squeeze %dma_start3A_238 : memref<1x80x16xf32, #tpu.memory_space<hbm>> -> memref<80x16xf32, #tpu.memory_space<hbm>>
        tpu.enqueue_dma source(%arg11 : memref<80x16xf32, #tpu.memory_space<vmem>>) target(%dma_start3A_239 : memref<80x16xf32, #tpu.memory_space<hbm>>) target_semaphore(%run_scoped3A : memref<!tpu.dma_semaphore, #tpu.memory_space<semaphore_mem>>)
        %dma_wait3A = arith.constant 0 : i32
        %dma_wait3A_240 = tpu.memref_slice %arg5[%arg0, %mul3A_229, %dma_wait3A] : memref<2x10000x16xf32, #tpu.memory_space<hbm>> -> memref<1x80x16xf32, #tpu.memory_space<hbm>>
        %dma_wait3A_241 = tpu.memref_squeeze %dma_wait3A_240 : memref<1x80x16xf32, #tpu.memory_space<hbm>> -> memref<80x16xf32, #tpu.memory_space<hbm>>
        %dma_wait3A_242 = arith.constant 0 : i32
        %dma_wait3A_243 = tpu.memref_slice %arg5[%arg0, %mul3A_229, %dma_wait3A_242] : memref<2x10000x16xf32, #tpu.memory_space<hbm>> -> memref<1x80x16xf32, #tpu.memory_space<hbm>>
        %dma_wait3A_244 = tpu.memref_squeeze %dma_wait3A_243 : memref<1x80x16xf32, #tpu.memory_space<hbm>> -> memref<80x16xf32, #tpu.memory_space<hbm>>
        tpu.wait_dma2 semaphore(%run_scoped3A : memref<!tpu.dma_semaphore, #tpu.memory_space<semaphore_mem>>) src(%arg11 : memref<80x16xf32, #tpu.memory_space<vmem>>) dst(%dma_wait3A_244 : memref<80x16xf32, #tpu.memory_space<hbm>>)
        tpu.yield
      }) : () -> ()
      %mul3A_230 = arith.constant 80 : i32
      %mul3A_231 = arith.muli %add3A_213, %mul3A_230 : i32
      "tpu.region"() ({
        %run_scoped3A = tpu.sem_alloc : memref<!tpu.dma_semaphore, #tpu.memory_space<semaphore_mem>>
        %dma_start3A_234 = arith.constant 0 : i32
        %dma_start3A_235 = tpu.memref_slice %arg17[%mul3A_231, %dma_start3A_234] : memref<10000x16xf32, #tpu.memory_space<vmem_shared>> -> memref<80x16xf32, #tpu.memory_space<vmem_shared>>
        %dma_start3A_236 = arith.constant 0 : i32
        %dma_start3A_237 = tpu.memref_slice %arg17[%mul3A_231, %dma_start3A_236] : memref<10000x16xf32, #tpu.memory_space<vmem_shared>> -> memref<80x16xf32, #tpu.memory_space<vmem_shared>>
        tpu.enqueue_dma source(%dma_start3A_237 : memref<80x16xf32, #tpu.memory_space<vmem_shared>>) target(%arg11 : memref<80x16xf32, #tpu.memory_space<vmem>>) target_semaphore(%run_scoped3A : memref<!tpu.dma_semaphore, #tpu.memory_space<semaphore_mem>>)
        %dma_wait3A = arith.constant 0 : i32
        %dma_wait3A_238 = tpu.memref_slice %arg17[%mul3A_231, %dma_wait3A] : memref<10000x16xf32, #tpu.memory_space<vmem_shared>> -> memref<80x16xf32, #tpu.memory_space<vmem_shared>>
        %dma_wait3A_239 = arith.constant 0 : i32
        %dma_wait3A_240 = tpu.memref_slice %arg17[%mul3A_231, %dma_wait3A_239] : memref<10000x16xf32, #tpu.memory_space<vmem_shared>> -> memref<80x16xf32, #tpu.memory_space<vmem_shared>>
        tpu.wait_dma2 semaphore(%run_scoped3A : memref<!tpu.dma_semaphore, #tpu.memory_space<semaphore_mem>>) src(%dma_wait3A_240 : memref<80x16xf32, #tpu.memory_space<vmem_shared>>) dst(%arg11 : memref<80x16xf32, #tpu.memory_space<vmem>>)
        tpu.yield
      }) : () -> ()
      %mul3A_232 = arith.constant 80 : i32
      %mul3A_233 = arith.muli %add3A_213, %mul3A_232 : i32
      "tpu.region"() ({
        %run_scoped3A = tpu.sem_alloc : memref<!tpu.dma_semaphore, #tpu.memory_space<semaphore_mem>>
        %dma_start3A_234 = arith.constant 0 : i32
        %dma_start3A_235 = tpu.memref_slice %arg6[%arg0, %mul3A_233, %dma_start3A_234] : memref<2x10000x16xf32, #tpu.memory_space<hbm>> -> memref<1x80x16xf32, #tpu.memory_space<hbm>>
        %dma_start3A_236 = tpu.memref_squeeze %dma_start3A_235 : memref<1x80x16xf32, #tpu.memory_space<hbm>> -> memref<80x16xf32, #tpu.memory_space<hbm>>
        %dma_start3A_237 = arith.constant 0 : i32
        %dma_start3A_238 = tpu.memref_slice %arg6[%arg0, %mul3A_233, %dma_start3A_237] : memref<2x10000x16xf32, #tpu.memory_space<hbm>> -> memref<1x80x16xf32, #tpu.memory_space<hbm>>
        %dma_start3A_239 = tpu.memref_squeeze %dma_start3A_238 : memref<1x80x16xf32, #tpu.memory_space<hbm>> -> memref<80x16xf32, #tpu.memory_space<hbm>>
        tpu.enqueue_dma source(%arg11 : memref<80x16xf32, #tpu.memory_space<vmem>>) target(%dma_start3A_239 : memref<80x16xf32, #tpu.memory_space<hbm>>) target_semaphore(%run_scoped3A : memref<!tpu.dma_semaphore, #tpu.memory_space<semaphore_mem>>)
        %dma_wait3A = arith.constant 0 : i32
        %dma_wait3A_240 = tpu.memref_slice %arg6[%arg0, %mul3A_233, %dma_wait3A] : memref<2x10000x16xf32, #tpu.memory_space<hbm>> -> memref<1x80x16xf32, #tpu.memory_space<hbm>>
        %dma_wait3A_241 = tpu.memref_squeeze %dma_wait3A_240 : memref<1x80x16xf32, #tpu.memory_space<hbm>> -> memref<80x16xf32, #tpu.memory_space<hbm>>
        %dma_wait3A_242 = arith.constant 0 : i32
        %dma_wait3A_243 = tpu.memref_slice %arg6[%arg0, %mul3A_233, %dma_wait3A_242] : memref<2x10000x16xf32, #tpu.memory_space<hbm>> -> memref<1x80x16xf32, #tpu.memory_space<hbm>>
        %dma_wait3A_244 = tpu.memref_squeeze %dma_wait3A_243 : memref<1x80x16xf32, #tpu.memory_space<hbm>> -> memref<80x16xf32, #tpu.memory_space<hbm>>
        tpu.wait_dma2 semaphore(%run_scoped3A : memref<!tpu.dma_semaphore, #tpu.memory_space<semaphore_mem>>) src(%arg11 : memref<80x16xf32, #tpu.memory_space<vmem>>) dst(%dma_wait3A_244 : memref<80x16xf32, #tpu.memory_space<hbm>>)
        tpu.yield
      }) : () -> ()
    } else {
    }
    %add3A_219 = arith.constant 112 : i32
    %add3A_220 = arith.addi %arg1, %add3A_219 : i32
    %lt3A_221 = arith.constant 125 : i32
    %lt3A_222 = arith.cmpi slt, %add3A_220, %lt3A_221 : i32
    %convert_element_type3A_223 = arith.extui %lt3A_222 : i1 to i32
    %cond3A_224 = arith.constant 0 : i32
    %cond3A_225 = arith.cmpi ne, %convert_element_type3A_223, %cond3A_224 : i32
    scf.if %cond3A_225 {
      %mul3A_226 = arith.constant 80 : i32
      %mul3A_227 = arith.muli %add3A_220, %mul3A_226 : i32
      "tpu.region"() ({
        %run_scoped3A = tpu.sem_alloc : memref<!tpu.dma_semaphore, #tpu.memory_space<semaphore_mem>>
        %dma_start3A_234 = arith.constant 0 : i32
        %dma_start3A_235 = tpu.memref_slice %arg16[%mul3A_227, %dma_start3A_234] : memref<10000x16xf32, #tpu.memory_space<vmem_shared>> -> memref<80x16xf32, #tpu.memory_space<vmem_shared>>
        %dma_start3A_236 = arith.constant 0 : i32
        %dma_start3A_237 = tpu.memref_slice %arg16[%mul3A_227, %dma_start3A_236] : memref<10000x16xf32, #tpu.memory_space<vmem_shared>> -> memref<80x16xf32, #tpu.memory_space<vmem_shared>>
        tpu.enqueue_dma source(%dma_start3A_237 : memref<80x16xf32, #tpu.memory_space<vmem_shared>>) target(%arg11 : memref<80x16xf32, #tpu.memory_space<vmem>>) target_semaphore(%run_scoped3A : memref<!tpu.dma_semaphore, #tpu.memory_space<semaphore_mem>>)
        %dma_wait3A = arith.constant 0 : i32
        %dma_wait3A_238 = tpu.memref_slice %arg16[%mul3A_227, %dma_wait3A] : memref<10000x16xf32, #tpu.memory_space<vmem_shared>> -> memref<80x16xf32, #tpu.memory_space<vmem_shared>>
        %dma_wait3A_239 = arith.constant 0 : i32
        %dma_wait3A_240 = tpu.memref_slice %arg16[%mul3A_227, %dma_wait3A_239] : memref<10000x16xf32, #tpu.memory_space<vmem_shared>> -> memref<80x16xf32, #tpu.memory_space<vmem_shared>>
        tpu.wait_dma2 semaphore(%run_scoped3A : memref<!tpu.dma_semaphore, #tpu.memory_space<semaphore_mem>>) src(%dma_wait3A_240 : memref<80x16xf32, #tpu.memory_space<vmem_shared>>) dst(%arg11 : memref<80x16xf32, #tpu.memory_space<vmem>>)
        tpu.yield
      }) : () -> ()
      %mul3A_228 = arith.constant 80 : i32
      %mul3A_229 = arith.muli %add3A_220, %mul3A_228 : i32
      "tpu.region"() ({
        %run_scoped3A = tpu.sem_alloc : memref<!tpu.dma_semaphore, #tpu.memory_space<semaphore_mem>>
        %dma_start3A_234 = arith.constant 0 : i32
        %dma_start3A_235 = tpu.memref_slice %arg5[%arg0, %mul3A_229, %dma_start3A_234] : memref<2x10000x16xf32, #tpu.memory_space<hbm>> -> memref<1x80x16xf32, #tpu.memory_space<hbm>>
        %dma_start3A_236 = tpu.memref_squeeze %dma_start3A_235 : memref<1x80x16xf32, #tpu.memory_space<hbm>> -> memref<80x16xf32, #tpu.memory_space<hbm>>
        %dma_start3A_237 = arith.constant 0 : i32
        %dma_start3A_238 = tpu.memref_slice %arg5[%arg0, %mul3A_229, %dma_start3A_237] : memref<2x10000x16xf32, #tpu.memory_space<hbm>> -> memref<1x80x16xf32, #tpu.memory_space<hbm>>
        %dma_start3A_239 = tpu.memref_squeeze %dma_start3A_238 : memref<1x80x16xf32, #tpu.memory_space<hbm>> -> memref<80x16xf32, #tpu.memory_space<hbm>>
        tpu.enqueue_dma source(%arg11 : memref<80x16xf32, #tpu.memory_space<vmem>>) target(%dma_start3A_239 : memref<80x16xf32, #tpu.memory_space<hbm>>) target_semaphore(%run_scoped3A : memref<!tpu.dma_semaphore, #tpu.memory_space<semaphore_mem>>)
        %dma_wait3A = arith.constant 0 : i32
        %dma_wait3A_240 = tpu.memref_slice %arg5[%arg0, %mul3A_229, %dma_wait3A] : memref<2x10000x16xf32, #tpu.memory_space<hbm>> -> memref<1x80x16xf32, #tpu.memory_space<hbm>>
        %dma_wait3A_241 = tpu.memref_squeeze %dma_wait3A_240 : memref<1x80x16xf32, #tpu.memory_space<hbm>> -> memref<80x16xf32, #tpu.memory_space<hbm>>
        %dma_wait3A_242 = arith.constant 0 : i32
        %dma_wait3A_243 = tpu.memref_slice %arg5[%arg0, %mul3A_229, %dma_wait3A_242] : memref<2x10000x16xf32, #tpu.memory_space<hbm>> -> memref<1x80x16xf32, #tpu.memory_space<hbm>>
        %dma_wait3A_244 = tpu.memref_squeeze %dma_wait3A_243 : memref<1x80x16xf32, #tpu.memory_space<hbm>> -> memref<80x16xf32, #tpu.memory_space<hbm>>
        tpu.wait_dma2 semaphore(%run_scoped3A : memref<!tpu.dma_semaphore, #tpu.memory_space<semaphore_mem>>) src(%arg11 : memref<80x16xf32, #tpu.memory_space<vmem>>) dst(%dma_wait3A_244 : memref<80x16xf32, #tpu.memory_space<hbm>>)
        tpu.yield
      }) : () -> ()
      %mul3A_230 = arith.constant 80 : i32
      %mul3A_231 = arith.muli %add3A_220, %mul3A_230 : i32
      "tpu.region"() ({
        %run_scoped3A = tpu.sem_alloc : memref<!tpu.dma_semaphore, #tpu.memory_space<semaphore_mem>>
        %dma_start3A_234 = arith.constant 0 : i32
        %dma_start3A_235 = tpu.memref_slice %arg17[%mul3A_231, %dma_start3A_234] : memref<10000x16xf32, #tpu.memory_space<vmem_shared>> -> memref<80x16xf32, #tpu.memory_space<vmem_shared>>
        %dma_start3A_236 = arith.constant 0 : i32
        %dma_start3A_237 = tpu.memref_slice %arg17[%mul3A_231, %dma_start3A_236] : memref<10000x16xf32, #tpu.memory_space<vmem_shared>> -> memref<80x16xf32, #tpu.memory_space<vmem_shared>>
        tpu.enqueue_dma source(%dma_start3A_237 : memref<80x16xf32, #tpu.memory_space<vmem_shared>>) target(%arg11 : memref<80x16xf32, #tpu.memory_space<vmem>>) target_semaphore(%run_scoped3A : memref<!tpu.dma_semaphore, #tpu.memory_space<semaphore_mem>>)
        %dma_wait3A = arith.constant 0 : i32
        %dma_wait3A_238 = tpu.memref_slice %arg17[%mul3A_231, %dma_wait3A] : memref<10000x16xf32, #tpu.memory_space<vmem_shared>> -> memref<80x16xf32, #tpu.memory_space<vmem_shared>>
        %dma_wait3A_239 = arith.constant 0 : i32
        %dma_wait3A_240 = tpu.memref_slice %arg17[%mul3A_231, %dma_wait3A_239] : memref<10000x16xf32, #tpu.memory_space<vmem_shared>> -> memref<80x16xf32, #tpu.memory_space<vmem_shared>>
        tpu.wait_dma2 semaphore(%run_scoped3A : memref<!tpu.dma_semaphore, #tpu.memory_space<semaphore_mem>>) src(%dma_wait3A_240 : memref<80x16xf32, #tpu.memory_space<vmem_shared>>) dst(%arg11 : memref<80x16xf32, #tpu.memory_space<vmem>>)
        tpu.yield
      }) : () -> ()
      %mul3A_232 = arith.constant 80 : i32
      %mul3A_233 = arith.muli %add3A_220, %mul3A_232 : i32
      "tpu.region"() ({
        %run_scoped3A = tpu.sem_alloc : memref<!tpu.dma_semaphore, #tpu.memory_space<semaphore_mem>>
        %dma_start3A_234 = arith.constant 0 : i32
        %dma_start3A_235 = tpu.memref_slice %arg6[%arg0, %mul3A_233, %dma_start3A_234] : memref<2x10000x16xf32, #tpu.memory_space<hbm>> -> memref<1x80x16xf32, #tpu.memory_space<hbm>>
        %dma_start3A_236 = tpu.memref_squeeze %dma_start3A_235 : memref<1x80x16xf32, #tpu.memory_space<hbm>> -> memref<80x16xf32, #tpu.memory_space<hbm>>
        %dma_start3A_237 = arith.constant 0 : i32
        %dma_start3A_238 = tpu.memref_slice %arg6[%arg0, %mul3A_233, %dma_start3A_237] : memref<2x10000x16xf32, #tpu.memory_space<hbm>> -> memref<1x80x16xf32, #tpu.memory_space<hbm>>
        %dma_start3A_239 = tpu.memref_squeeze %dma_start3A_238 : memref<1x80x16xf32, #tpu.memory_space<hbm>> -> memref<80x16xf32, #tpu.memory_space<hbm>>
        tpu.enqueue_dma source(%arg11 : memref<80x16xf32, #tpu.memory_space<vmem>>) target(%dma_start3A_239 : memref<80x16xf32, #tpu.memory_space<hbm>>) target_semaphore(%run_scoped3A : memref<!tpu.dma_semaphore, #tpu.memory_space<semaphore_mem>>)
        %dma_wait3A = arith.constant 0 : i32
        %dma_wait3A_240 = tpu.memref_slice %arg6[%arg0, %mul3A_233, %dma_wait3A] : memref<2x10000x16xf32, #tpu.memory_space<hbm>> -> memref<1x80x16xf32, #tpu.memory_space<hbm>>
        %dma_wait3A_241 = tpu.memref_squeeze %dma_wait3A_240 : memref<1x80x16xf32, #tpu.memory_space<hbm>> -> memref<80x16xf32, #tpu.memory_space<hbm>>
        %dma_wait3A_242 = arith.constant 0 : i32
        %dma_wait3A_243 = tpu.memref_slice %arg6[%arg0, %mul3A_233, %dma_wait3A_242] : memref<2x10000x16xf32, #tpu.memory_space<hbm>> -> memref<1x80x16xf32, #tpu.memory_space<hbm>>
        %dma_wait3A_244 = tpu.memref_squeeze %dma_wait3A_243 : memref<1x80x16xf32, #tpu.memory_space<hbm>> -> memref<80x16xf32, #tpu.memory_space<hbm>>
        tpu.wait_dma2 semaphore(%run_scoped3A : memref<!tpu.dma_semaphore, #tpu.memory_space<semaphore_mem>>) src(%arg11 : memref<80x16xf32, #tpu.memory_space<vmem>>) dst(%dma_wait3A_244 : memref<80x16xf32, #tpu.memory_space<hbm>>)
        tpu.yield
      }) : () -> ()
    } else {
    }
    return
  }
}

#map = affine_map<(d0, d1) -> (0, 0)>
#map1 = affine_map<(d0, d1) -> (0)>
#map2 = affine_map<(d0, d1) -> (0, 0, 0)>
module attributes {stable_mosaic.version = 14 : i64} {
  func.func @_sc_hpass_kernel(%arg0: i32, %arg1: i32, %arg2: memref<10000x128xbf16, #tpu.memory_space<hbm>>, %arg3: memref<320000xi32, #tpu.memory_space<hbm>>, %arg4: memref<320000xi32, #tpu.memory_space<hbm>>, %arg5: memref<2x10000x128xbf16, #tpu.memory_space<hbm>>, %arg6: memref<80xi32, #tpu.memory_space<vmem>>, %arg7: memref<80xi32, #tpu.memory_space<vmem>>, %arg8: memref<80xi32, #tpu.memory_space<vmem>>, %arg9: memref<80xi32, #tpu.memory_space<vmem>>, %arg10: memref<80xi32, #tpu.memory_space<vmem>>, %arg11: memref<80xi32, #tpu.memory_space<vmem>>, %arg12: memref<80xi32, #tpu.memory_space<vmem>>, %arg13: memref<80xi32, #tpu.memory_space<vmem>>, %arg14: memref<80x128xbf16, #tpu.memory_space<vmem>>, %arg15: memref<80x128xbf16, #tpu.memory_space<vmem>>, %arg16: memref<80x128xbf16, #tpu.memory_space<vmem>>, %arg17: memref<80x128xbf16, #tpu.memory_space<vmem>>, %arg18: memref<10000x128xbf16, #tpu.memory_space<vmem_shared>>, %arg19: memref<!tpu.dma_semaphore, #tpu.memory_space<semaphore_mem>>, %arg20: memref<!tpu.dma_semaphore, #tpu.memory_space<semaphore_mem>>, %arg21: memref<!tpu.dma_semaphore, #tpu.memory_space<semaphore_mem>>, %arg22: memref<!tpu.dma_semaphore, #tpu.memory_space<semaphore_mem>>, %arg23: memref<!tpu.dma_semaphore, #tpu.memory_space<semaphore_mem>>, %arg24: memref<!tpu.dma_semaphore, #tpu.memory_space<semaphore_mem>>, %arg25: memref<!tpu.dma_semaphore, #tpu.memory_space<semaphore_mem>>, %arg26: memref<!tpu.dma_semaphore, #tpu.memory_space<semaphore_mem>>, %arg27: memref<!tpu.dma_semaphore, #tpu.memory_space<semaphore_mem>>, %arg28: memref<!tpu.dma_semaphore, #tpu.memory_space<semaphore_mem>>, %arg29: memref<!tpu.dma_semaphore, #tpu.memory_space<semaphore_mem>>, %arg30: memref<!tpu.dma_semaphore, #tpu.memory_space<semaphore_mem>>, %arg31: memref<!tpu.dma_semaphore, #tpu.memory_space<semaphore_mem>>) attributes {dimension_semantics = [#tpu.dimension_semantics<core_parallel>, #tpu.dimension_semantics<subcore_parallel>], iteration_bounds = array<i64: 2, 16>, scalar_prefetch = 0 : i64, scratch_operands = 26 : i64, tpu.core_type = #tpu.core_type<sc_vector_subcore>, window_params = [{transform_indices = #map}, {transform_indices = #map1}, {transform_indices = #map1}, {transform_indices = #map2}]} {
    %mul3A = arith.constant 16 : i32
    %mul3A_0 = arith.muli %arg0, %mul3A : i32
    %add3A = arith.addi %mul3A_0, %arg1 : i32
    %mul3A_1 = arith.constant 10000 : i32
    %mul3A_2 = arith.muli %add3A, %mul3A_1 : i32
    %broadcast_in_dim3A = arith.constant 0.000000e+00 : bf16
    %broadcast_in_dim3A_3 = vector.broadcast %broadcast_in_dim3A : bf16 to vector<32xbf16>
    %scan3A = arith.constant 0 : i32
    %scan3A_4 = arith.constant 0 : i32
    %scan3A_5 = arith.constant 80 : i32
    %scan3A_6 = arith.addi %scan3A_4, %scan3A_5 : i32
    %scan3A_7 = arith.constant 1 : i32
    %scan3A_8 = scf.for %scan3A_177 = %scan3A_4 to %scan3A_6 step %scan3A_7 iter_args(%scan3A_178 = %scan3A) -> (i32)  : i32 {
      %swap3A = arith.index_cast %scan3A_177 : i32 to index
      %swap3A_179 = arith.constant 0 : index
      %swap3A_180 = tpu.vector_load %arg14[%swap3A, %swap3A_179] {strides = array<i32>} : memref<80x128xbf16, #tpu.memory_space<vmem>>, vector<1x32xbf16>,
      %swap3A_181 = vector.shape_cast %swap3A_180 : vector<1x32xbf16> to vector<32xbf16>
      %swap3A_182 = vector.shape_cast %broadcast_in_dim3A_3 : vector<32xbf16> to vector<1x32xbf16>
      tpu.vector_store %arg14[%swap3A, %swap3A_179], %swap3A_182 {strides = array<i32>} : memref<80x128xbf16, #tpu.memory_space<vmem>>, vector<1x32xbf16>,
      %swap3A_183 = arith.index_cast %scan3A_177 : i32 to index
      %swap3A_184 = arith.constant 32 : index
      %swap3A_185 = tpu.vector_load %arg14[%swap3A_183, %swap3A_184] {strides = array<i32>} : memref<80x128xbf16, #tpu.memory_space<vmem>>, vector<1x32xbf16>,
      %swap3A_186 = vector.shape_cast %swap3A_185 : vector<1x32xbf16> to vector<32xbf16>
      %swap3A_187 = vector.shape_cast %broadcast_in_dim3A_3 : vector<32xbf16> to vector<1x32xbf16>
      tpu.vector_store %arg14[%swap3A_183, %swap3A_184], %swap3A_187 {strides = array<i32>} : memref<80x128xbf16, #tpu.memory_space<vmem>>, vector<1x32xbf16>,
      %swap3A_188 = arith.index_cast %scan3A_177 : i32 to index
      %swap3A_189 = arith.constant 64 : index
      %swap3A_190 = tpu.vector_load %arg14[%swap3A_188, %swap3A_189] {strides = array<i32>} : memref<80x128xbf16, #tpu.memory_space<vmem>>, vector<1x32xbf16>,
      %swap3A_191 = vector.shape_cast %swap3A_190 : vector<1x32xbf16> to vector<32xbf16>
      %swap3A_192 = vector.shape_cast %broadcast_in_dim3A_3 : vector<32xbf16> to vector<1x32xbf16>
      tpu.vector_store %arg14[%swap3A_188, %swap3A_189], %swap3A_192 {strides = array<i32>} : memref<80x128xbf16, #tpu.memory_space<vmem>>, vector<1x32xbf16>,
      %swap3A_193 = arith.index_cast %scan3A_177 : i32 to index
      %swap3A_194 = arith.constant 96 : index
      %swap3A_195 = tpu.vector_load %arg14[%swap3A_193, %swap3A_194] {strides = array<i32>} : memref<80x128xbf16, #tpu.memory_space<vmem>>, vector<1x32xbf16>,
      %swap3A_196 = vector.shape_cast %swap3A_195 : vector<1x32xbf16> to vector<32xbf16>
      %swap3A_197 = vector.shape_cast %broadcast_in_dim3A_3 : vector<32xbf16> to vector<1x32xbf16>
      tpu.vector_store %arg14[%swap3A_193, %swap3A_194], %swap3A_197 {strides = array<i32>} : memref<80x128xbf16, #tpu.memory_space<vmem>>, vector<1x32xbf16>,
      %scan3A_198 = arith.constant 0 : i32
      scf.yield %scan3A_198 : i32
    }
    %scan3A_9 = arith.constant 80 : i32
    %add3A_10 = arith.constant 0 : i32
    %add3A_11 = arith.addi %arg1, %add3A_10 : i32
    %lt3A = arith.constant 125 : i32
    %lt3A_12 = arith.cmpi slt, %add3A_11, %lt3A : i32
    %convert_element_type3A = arith.extui %lt3A_12 : i1 to i32
    %cond3A = arith.constant 0 : i32
    %cond3A_13 = arith.cmpi ne, %convert_element_type3A, %cond3A : i32
    scf.if %cond3A_13 {
      %mul3A_177 = arith.constant 80 : i32
      %mul3A_178 = arith.muli %add3A_11, %mul3A_177 : i32
      "tpu.region"() ({
        %run_scoped3A = tpu.sem_alloc : memref<!tpu.dma_semaphore, #tpu.memory_space<semaphore_mem>>
        %dma_start3A_179 = arith.constant 0 : i32
        %dma_start3A_180 = tpu.memref_slice %arg18[%mul3A_178, %dma_start3A_179] : memref<10000x128xbf16, #tpu.memory_space<vmem_shared>> -> memref<80x128xbf16, #tpu.memory_space<vmem_shared>>
        %dma_start3A_181 = arith.constant 0 : i32
        %dma_start3A_182 = tpu.memref_slice %arg18[%mul3A_178, %dma_start3A_181] : memref<10000x128xbf16, #tpu.memory_space<vmem_shared>> -> memref<80x128xbf16, #tpu.memory_space<vmem_shared>>
        tpu.enqueue_dma source(%arg14 : memref<80x128xbf16, #tpu.memory_space<vmem>>) target(%dma_start3A_182 : memref<80x128xbf16, #tpu.memory_space<vmem_shared>>) target_semaphore(%run_scoped3A : memref<!tpu.dma_semaphore, #tpu.memory_space<semaphore_mem>>)
        %dma_wait3A_183 = arith.constant 0 : i32
        %dma_wait3A_184 = tpu.memref_slice %arg18[%mul3A_178, %dma_wait3A_183] : memref<10000x128xbf16, #tpu.memory_space<vmem_shared>> -> memref<80x128xbf16, #tpu.memory_space<vmem_shared>>
        %dma_wait3A_185 = arith.constant 0 : i32
        %dma_wait3A_186 = tpu.memref_slice %arg18[%mul3A_178, %dma_wait3A_185] : memref<10000x128xbf16, #tpu.memory_space<vmem_shared>> -> memref<80x128xbf16, #tpu.memory_space<vmem_shared>>
        tpu.wait_dma2 semaphore(%run_scoped3A : memref<!tpu.dma_semaphore, #tpu.memory_space<semaphore_mem>>) src(%arg14 : memref<80x128xbf16, #tpu.memory_space<vmem>>) dst(%dma_wait3A_186 : memref<80x128xbf16, #tpu.memory_space<vmem_shared>>)
        tpu.yield
      }) : () -> ()
    } else {
    }
    %add3A_14 = arith.constant 16 : i32
    %add3A_15 = arith.addi %arg1, %add3A_14 : i32
    %lt3A_16 = arith.constant 125 : i32
    %lt3A_17 = arith.cmpi slt, %add3A_15, %lt3A_16 : i32
    %convert_element_type3A_18 = arith.extui %lt3A_17 : i1 to i32
    %cond3A_19 = arith.constant 0 : i32
    %cond3A_20 = arith.cmpi ne, %convert_element_type3A_18, %cond3A_19 : i32
    scf.if %cond3A_20 {
      %mul3A_177 = arith.constant 80 : i32
      %mul3A_178 = arith.muli %add3A_15, %mul3A_177 : i32
      "tpu.region"() ({
        %run_scoped3A = tpu.sem_alloc : memref<!tpu.dma_semaphore, #tpu.memory_space<semaphore_mem>>
        %dma_start3A_179 = arith.constant 0 : i32
        %dma_start3A_180 = tpu.memref_slice %arg18[%mul3A_178, %dma_start3A_179] : memref<10000x128xbf16, #tpu.memory_space<vmem_shared>> -> memref<80x128xbf16, #tpu.memory_space<vmem_shared>>
        %dma_start3A_181 = arith.constant 0 : i32
        %dma_start3A_182 = tpu.memref_slice %arg18[%mul3A_178, %dma_start3A_181] : memref<10000x128xbf16, #tpu.memory_space<vmem_shared>> -> memref<80x128xbf16, #tpu.memory_space<vmem_shared>>
        tpu.enqueue_dma source(%arg14 : memref<80x128xbf16, #tpu.memory_space<vmem>>) target(%dma_start3A_182 : memref<80x128xbf16, #tpu.memory_space<vmem_shared>>) target_semaphore(%run_scoped3A : memref<!tpu.dma_semaphore, #tpu.memory_space<semaphore_mem>>)
        %dma_wait3A_183 = arith.constant 0 : i32
        %dma_wait3A_184 = tpu.memref_slice %arg18[%mul3A_178, %dma_wait3A_183] : memref<10000x128xbf16, #tpu.memory_space<vmem_shared>> -> memref<80x128xbf16, #tpu.memory_space<vmem_shared>>
        %dma_wait3A_185 = arith.constant 0 : i32
        %dma_wait3A_186 = tpu.memref_slice %arg18[%mul3A_178, %dma_wait3A_185] : memref<10000x128xbf16, #tpu.memory_space<vmem_shared>> -> memref<80x128xbf16, #tpu.memory_space<vmem_shared>>
        tpu.wait_dma2 semaphore(%run_scoped3A : memref<!tpu.dma_semaphore, #tpu.memory_space<semaphore_mem>>) src(%arg14 : memref<80x128xbf16, #tpu.memory_space<vmem>>) dst(%dma_wait3A_186 : memref<80x128xbf16, #tpu.memory_space<vmem_shared>>)
        tpu.yield
      }) : () -> ()
    } else {
    }
    %add3A_21 = arith.constant 32 : i32
    %add3A_22 = arith.addi %arg1, %add3A_21 : i32
    %lt3A_23 = arith.constant 125 : i32
    %lt3A_24 = arith.cmpi slt, %add3A_22, %lt3A_23 : i32
    %convert_element_type3A_25 = arith.extui %lt3A_24 : i1 to i32
    %cond3A_26 = arith.constant 0 : i32
    %cond3A_27 = arith.cmpi ne, %convert_element_type3A_25, %cond3A_26 : i32
    scf.if %cond3A_27 {
      %mul3A_177 = arith.constant 80 : i32
      %mul3A_178 = arith.muli %add3A_22, %mul3A_177 : i32
      "tpu.region"() ({
        %run_scoped3A = tpu.sem_alloc : memref<!tpu.dma_semaphore, #tpu.memory_space<semaphore_mem>>
        %dma_start3A_179 = arith.constant 0 : i32
        %dma_start3A_180 = tpu.memref_slice %arg18[%mul3A_178, %dma_start3A_179] : memref<10000x128xbf16, #tpu.memory_space<vmem_shared>> -> memref<80x128xbf16, #tpu.memory_space<vmem_shared>>
        %dma_start3A_181 = arith.constant 0 : i32
        %dma_start3A_182 = tpu.memref_slice %arg18[%mul3A_178, %dma_start3A_181] : memref<10000x128xbf16, #tpu.memory_space<vmem_shared>> -> memref<80x128xbf16, #tpu.memory_space<vmem_shared>>
        tpu.enqueue_dma source(%arg14 : memref<80x128xbf16, #tpu.memory_space<vmem>>) target(%dma_start3A_182 : memref<80x128xbf16, #tpu.memory_space<vmem_shared>>) target_semaphore(%run_scoped3A : memref<!tpu.dma_semaphore, #tpu.memory_space<semaphore_mem>>)
        %dma_wait3A_183 = arith.constant 0 : i32
        %dma_wait3A_184 = tpu.memref_slice %arg18[%mul3A_178, %dma_wait3A_183] : memref<10000x128xbf16, #tpu.memory_space<vmem_shared>> -> memref<80x128xbf16, #tpu.memory_space<vmem_shared>>
        %dma_wait3A_185 = arith.constant 0 : i32
        %dma_wait3A_186 = tpu.memref_slice %arg18[%mul3A_178, %dma_wait3A_185] : memref<10000x128xbf16, #tpu.memory_space<vmem_shared>> -> memref<80x128xbf16, #tpu.memory_space<vmem_shared>>
        tpu.wait_dma2 semaphore(%run_scoped3A : memref<!tpu.dma_semaphore, #tpu.memory_space<semaphore_mem>>) src(%arg14 : memref<80x128xbf16, #tpu.memory_space<vmem>>) dst(%dma_wait3A_186 : memref<80x128xbf16, #tpu.memory_space<vmem_shared>>)
        tpu.yield
      }) : () -> ()
    } else {
    }
    %add3A_28 = arith.constant 48 : i32
    %add3A_29 = arith.addi %arg1, %add3A_28 : i32
    %lt3A_30 = arith.constant 125 : i32
    %lt3A_31 = arith.cmpi slt, %add3A_29, %lt3A_30 : i32
    %convert_element_type3A_32 = arith.extui %lt3A_31 : i1 to i32
    %cond3A_33 = arith.constant 0 : i32
    %cond3A_34 = arith.cmpi ne, %convert_element_type3A_32, %cond3A_33 : i32
    scf.if %cond3A_34 {
      %mul3A_177 = arith.constant 80 : i32
      %mul3A_178 = arith.muli %add3A_29, %mul3A_177 : i32
      "tpu.region"() ({
        %run_scoped3A = tpu.sem_alloc : memref<!tpu.dma_semaphore, #tpu.memory_space<semaphore_mem>>
        %dma_start3A_179 = arith.constant 0 : i32
        %dma_start3A_180 = tpu.memref_slice %arg18[%mul3A_178, %dma_start3A_179] : memref<10000x128xbf16, #tpu.memory_space<vmem_shared>> -> memref<80x128xbf16, #tpu.memory_space<vmem_shared>>
        %dma_start3A_181 = arith.constant 0 : i32
        %dma_start3A_182 = tpu.memref_slice %arg18[%mul3A_178, %dma_start3A_181] : memref<10000x128xbf16, #tpu.memory_space<vmem_shared>> -> memref<80x128xbf16, #tpu.memory_space<vmem_shared>>
        tpu.enqueue_dma source(%arg14 : memref<80x128xbf16, #tpu.memory_space<vmem>>) target(%dma_start3A_182 : memref<80x128xbf16, #tpu.memory_space<vmem_shared>>) target_semaphore(%run_scoped3A : memref<!tpu.dma_semaphore, #tpu.memory_space<semaphore_mem>>)
        %dma_wait3A_183 = arith.constant 0 : i32
        %dma_wait3A_184 = tpu.memref_slice %arg18[%mul3A_178, %dma_wait3A_183] : memref<10000x128xbf16, #tpu.memory_space<vmem_shared>> -> memref<80x128xbf16, #tpu.memory_space<vmem_shared>>
        %dma_wait3A_185 = arith.constant 0 : i32
        %dma_wait3A_186 = tpu.memref_slice %arg18[%mul3A_178, %dma_wait3A_185] : memref<10000x128xbf16, #tpu.memory_space<vmem_shared>> -> memref<80x128xbf16, #tpu.memory_space<vmem_shared>>
        tpu.wait_dma2 semaphore(%run_scoped3A : memref<!tpu.dma_semaphore, #tpu.memory_space<semaphore_mem>>) src(%arg14 : memref<80x128xbf16, #tpu.memory_space<vmem>>) dst(%dma_wait3A_186 : memref<80x128xbf16, #tpu.memory_space<vmem_shared>>)
        tpu.yield
      }) : () -> ()
    } else {
    }
    %add3A_35 = arith.constant 64 : i32
    %add3A_36 = arith.addi %arg1, %add3A_35 : i32
    %lt3A_37 = arith.constant 125 : i32
    %lt3A_38 = arith.cmpi slt, %add3A_36, %lt3A_37 : i32
    %convert_element_type3A_39 = arith.extui %lt3A_38 : i1 to i32
    %cond3A_40 = arith.constant 0 : i32
    %cond3A_41 = arith.cmpi ne, %convert_element_type3A_39, %cond3A_40 : i32
    scf.if %cond3A_41 {
      %mul3A_177 = arith.constant 80 : i32
      %mul3A_178 = arith.muli %add3A_36, %mul3A_177 : i32
      "tpu.region"() ({
        %run_scoped3A = tpu.sem_alloc : memref<!tpu.dma_semaphore, #tpu.memory_space<semaphore_mem>>
        %dma_start3A_179 = arith.constant 0 : i32
        %dma_start3A_180 = tpu.memref_slice %arg18[%mul3A_178, %dma_start3A_179] : memref<10000x128xbf16, #tpu.memory_space<vmem_shared>> -> memref<80x128xbf16, #tpu.memory_space<vmem_shared>>
        %dma_start3A_181 = arith.constant 0 : i32
        %dma_start3A_182 = tpu.memref_slice %arg18[%mul3A_178, %dma_start3A_181] : memref<10000x128xbf16, #tpu.memory_space<vmem_shared>> -> memref<80x128xbf16, #tpu.memory_space<vmem_shared>>
        tpu.enqueue_dma source(%arg14 : memref<80x128xbf16, #tpu.memory_space<vmem>>) target(%dma_start3A_182 : memref<80x128xbf16, #tpu.memory_space<vmem_shared>>) target_semaphore(%run_scoped3A : memref<!tpu.dma_semaphore, #tpu.memory_space<semaphore_mem>>)
        %dma_wait3A_183 = arith.constant 0 : i32
        %dma_wait3A_184 = tpu.memref_slice %arg18[%mul3A_178, %dma_wait3A_183] : memref<10000x128xbf16, #tpu.memory_space<vmem_shared>> -> memref<80x128xbf16, #tpu.memory_space<vmem_shared>>
        %dma_wait3A_185 = arith.constant 0 : i32
        %dma_wait3A_186 = tpu.memref_slice %arg18[%mul3A_178, %dma_wait3A_185] : memref<10000x128xbf16, #tpu.memory_space<vmem_shared>> -> memref<80x128xbf16, #tpu.memory_space<vmem_shared>>
        tpu.wait_dma2 semaphore(%run_scoped3A : memref<!tpu.dma_semaphore, #tpu.memory_space<semaphore_mem>>) src(%arg14 : memref<80x128xbf16, #tpu.memory_space<vmem>>) dst(%dma_wait3A_186 : memref<80x128xbf16, #tpu.memory_space<vmem_shared>>)
        tpu.yield
      }) : () -> ()
    } else {
    }
    %add3A_42 = arith.constant 80 : i32
    %add3A_43 = arith.addi %arg1, %add3A_42 : i32
    %lt3A_44 = arith.constant 125 : i32
    %lt3A_45 = arith.cmpi slt, %add3A_43, %lt3A_44 : i32
    %convert_element_type3A_46 = arith.extui %lt3A_45 : i1 to i32
    %cond3A_47 = arith.constant 0 : i32
    %cond3A_48 = arith.cmpi ne, %convert_element_type3A_46, %cond3A_47 : i32
    scf.if %cond3A_48 {
      %mul3A_177 = arith.constant 80 : i32
      %mul3A_178 = arith.muli %add3A_43, %mul3A_177 : i32
      "tpu.region"() ({
        %run_scoped3A = tpu.sem_alloc : memref<!tpu.dma_semaphore, #tpu.memory_space<semaphore_mem>>
        %dma_start3A_179 = arith.constant 0 : i32
        %dma_start3A_180 = tpu.memref_slice %arg18[%mul3A_178, %dma_start3A_179] : memref<10000x128xbf16, #tpu.memory_space<vmem_shared>> -> memref<80x128xbf16, #tpu.memory_space<vmem_shared>>
        %dma_start3A_181 = arith.constant 0 : i32
        %dma_start3A_182 = tpu.memref_slice %arg18[%mul3A_178, %dma_start3A_181] : memref<10000x128xbf16, #tpu.memory_space<vmem_shared>> -> memref<80x128xbf16, #tpu.memory_space<vmem_shared>>
        tpu.enqueue_dma source(%arg14 : memref<80x128xbf16, #tpu.memory_space<vmem>>) target(%dma_start3A_182 : memref<80x128xbf16, #tpu.memory_space<vmem_shared>>) target_semaphore(%run_scoped3A : memref<!tpu.dma_semaphore, #tpu.memory_space<semaphore_mem>>)
        %dma_wait3A_183 = arith.constant 0 : i32
        %dma_wait3A_184 = tpu.memref_slice %arg18[%mul3A_178, %dma_wait3A_183] : memref<10000x128xbf16, #tpu.memory_space<vmem_shared>> -> memref<80x128xbf16, #tpu.memory_space<vmem_shared>>
        %dma_wait3A_185 = arith.constant 0 : i32
        %dma_wait3A_186 = tpu.memref_slice %arg18[%mul3A_178, %dma_wait3A_185] : memref<10000x128xbf16, #tpu.memory_space<vmem_shared>> -> memref<80x128xbf16, #tpu.memory_space<vmem_shared>>
        tpu.wait_dma2 semaphore(%run_scoped3A : memref<!tpu.dma_semaphore, #tpu.memory_space<semaphore_mem>>) src(%arg14 : memref<80x128xbf16, #tpu.memory_space<vmem>>) dst(%dma_wait3A_186 : memref<80x128xbf16, #tpu.memory_space<vmem_shared>>)
        tpu.yield
      }) : () -> ()
    } else {
    }
    %add3A_49 = arith.constant 96 : i32
    %add3A_50 = arith.addi %arg1, %add3A_49 : i32
    %lt3A_51 = arith.constant 125 : i32
    %lt3A_52 = arith.cmpi slt, %add3A_50, %lt3A_51 : i32
    %convert_element_type3A_53 = arith.extui %lt3A_52 : i1 to i32
    %cond3A_54 = arith.constant 0 : i32
    %cond3A_55 = arith.cmpi ne, %convert_element_type3A_53, %cond3A_54 : i32
    scf.if %cond3A_55 {
      %mul3A_177 = arith.constant 80 : i32
      %mul3A_178 = arith.muli %add3A_50, %mul3A_177 : i32
      "tpu.region"() ({
        %run_scoped3A = tpu.sem_alloc : memref<!tpu.dma_semaphore, #tpu.memory_space<semaphore_mem>>
        %dma_start3A_179 = arith.constant 0 : i32
        %dma_start3A_180 = tpu.memref_slice %arg18[%mul3A_178, %dma_start3A_179] : memref<10000x128xbf16, #tpu.memory_space<vmem_shared>> -> memref<80x128xbf16, #tpu.memory_space<vmem_shared>>
        %dma_start3A_181 = arith.constant 0 : i32
        %dma_start3A_182 = tpu.memref_slice %arg18[%mul3A_178, %dma_start3A_181] : memref<10000x128xbf16, #tpu.memory_space<vmem_shared>> -> memref<80x128xbf16, #tpu.memory_space<vmem_shared>>
        tpu.enqueue_dma source(%arg14 : memref<80x128xbf16, #tpu.memory_space<vmem>>) target(%dma_start3A_182 : memref<80x128xbf16, #tpu.memory_space<vmem_shared>>) target_semaphore(%run_scoped3A : memref<!tpu.dma_semaphore, #tpu.memory_space<semaphore_mem>>)
        %dma_wait3A_183 = arith.constant 0 : i32
        %dma_wait3A_184 = tpu.memref_slice %arg18[%mul3A_178, %dma_wait3A_183] : memref<10000x128xbf16, #tpu.memory_space<vmem_shared>> -> memref<80x128xbf16, #tpu.memory_space<vmem_shared>>
        %dma_wait3A_185 = arith.constant 0 : i32
        %dma_wait3A_186 = tpu.memref_slice %arg18[%mul3A_178, %dma_wait3A_185] : memref<10000x128xbf16, #tpu.memory_space<vmem_shared>> -> memref<80x128xbf16, #tpu.memory_space<vmem_shared>>
        tpu.wait_dma2 semaphore(%run_scoped3A : memref<!tpu.dma_semaphore, #tpu.memory_space<semaphore_mem>>) src(%arg14 : memref<80x128xbf16, #tpu.memory_space<vmem>>) dst(%dma_wait3A_186 : memref<80x128xbf16, #tpu.memory_space<vmem_shared>>)
        tpu.yield
      }) : () -> ()
    } else {
    }
    %add3A_56 = arith.constant 112 : i32
    %add3A_57 = arith.addi %arg1, %add3A_56 : i32
    %lt3A_58 = arith.constant 125 : i32
    %lt3A_59 = arith.cmpi slt, %add3A_57, %lt3A_58 : i32
    %convert_element_type3A_60 = arith.extui %lt3A_59 : i1 to i32
    %cond3A_61 = arith.constant 0 : i32
    %cond3A_62 = arith.cmpi ne, %convert_element_type3A_60, %cond3A_61 : i32
    scf.if %cond3A_62 {
      %mul3A_177 = arith.constant 80 : i32
      %mul3A_178 = arith.muli %add3A_57, %mul3A_177 : i32
      "tpu.region"() ({
        %run_scoped3A = tpu.sem_alloc : memref<!tpu.dma_semaphore, #tpu.memory_space<semaphore_mem>>
        %dma_start3A_179 = arith.constant 0 : i32
        %dma_start3A_180 = tpu.memref_slice %arg18[%mul3A_178, %dma_start3A_179] : memref<10000x128xbf16, #tpu.memory_space<vmem_shared>> -> memref<80x128xbf16, #tpu.memory_space<vmem_shared>>
        %dma_start3A_181 = arith.constant 0 : i32
        %dma_start3A_182 = tpu.memref_slice %arg18[%mul3A_178, %dma_start3A_181] : memref<10000x128xbf16, #tpu.memory_space<vmem_shared>> -> memref<80x128xbf16, #tpu.memory_space<vmem_shared>>
        tpu.enqueue_dma source(%arg14 : memref<80x128xbf16, #tpu.memory_space<vmem>>) target(%dma_start3A_182 : memref<80x128xbf16, #tpu.memory_space<vmem_shared>>) target_semaphore(%run_scoped3A : memref<!tpu.dma_semaphore, #tpu.memory_space<semaphore_mem>>)
        %dma_wait3A_183 = arith.constant 0 : i32
        %dma_wait3A_184 = tpu.memref_slice %arg18[%mul3A_178, %dma_wait3A_183] : memref<10000x128xbf16, #tpu.memory_space<vmem_shared>> -> memref<80x128xbf16, #tpu.memory_space<vmem_shared>>
        %dma_wait3A_185 = arith.constant 0 : i32
        %dma_wait3A_186 = tpu.memref_slice %arg18[%mul3A_178, %dma_wait3A_185] : memref<10000x128xbf16, #tpu.memory_space<vmem_shared>> -> memref<80x128xbf16, #tpu.memory_space<vmem_shared>>
        tpu.wait_dma2 semaphore(%run_scoped3A : memref<!tpu.dma_semaphore, #tpu.memory_space<semaphore_mem>>) src(%arg14 : memref<80x128xbf16, #tpu.memory_space<vmem>>) dst(%dma_wait3A_186 : memref<80x128xbf16, #tpu.memory_space<vmem_shared>>)
        tpu.yield
      }) : () -> ()
    } else {
    }
    %barrier3A = arith.constant 0 : index
    tpu.barrier barrier_id(%barrier3A)
    %add3A_63 = arith.constant 0 : i32
    %add3A_64 = arith.addi %mul3A_2, %add3A_63 : i32
    %dma_start3A = tpu.memref_slice %arg3[%add3A_64] : memref<320000xi32, #tpu.memory_space<hbm>> -> memref<80xi32, #tpu.memory_space<hbm>>
    %dma_start3A_65 = tpu.memref_slice %arg3[%add3A_64] : memref<320000xi32, #tpu.memory_space<hbm>> -> memref<80xi32, #tpu.memory_space<hbm>>
    tpu.enqueue_dma source(%dma_start3A_65 : memref<80xi32, #tpu.memory_space<hbm>>) target(%arg6 : memref<80xi32, #tpu.memory_space<vmem>>) target_semaphore(%arg19 : memref<!tpu.dma_semaphore, #tpu.memory_space<semaphore_mem>>)
    %dma_start3A_66 = tpu.memref_slice %arg4[%add3A_64] : memref<320000xi32, #tpu.memory_space<hbm>> -> memref<80xi32, #tpu.memory_space<hbm>>
    %dma_start3A_67 = tpu.memref_slice %arg4[%add3A_64] : memref<320000xi32, #tpu.memory_space<hbm>> -> memref<80xi32, #tpu.memory_space<hbm>>
    tpu.enqueue_dma source(%dma_start3A_67 : memref<80xi32, #tpu.memory_space<hbm>>) target(%arg10 : memref<80xi32, #tpu.memory_space<vmem>>) target_semaphore(%arg23 : memref<!tpu.dma_semaphore, #tpu.memory_space<semaphore_mem>>)
    %add3A_68 = arith.constant 80 : i32
    %add3A_69 = arith.addi %mul3A_2, %add3A_68 : i32
    %dma_start3A_70 = tpu.memref_slice %arg3[%add3A_69] : memref<320000xi32, #tpu.memory_space<hbm>> -> memref<80xi32, #tpu.memory_space<hbm>>
    %dma_start3A_71 = tpu.memref_slice %arg3[%add3A_69] : memref<320000xi32, #tpu.memory_space<hbm>> -> memref<80xi32, #tpu.memory_space<hbm>>
    tpu.enqueue_dma source(%dma_start3A_71 : memref<80xi32, #tpu.memory_space<hbm>>) target(%arg7 : memref<80xi32, #tpu.memory_space<vmem>>) target_semaphore(%arg20 : memref<!tpu.dma_semaphore, #tpu.memory_space<semaphore_mem>>)
    %dma_start3A_72 = tpu.memref_slice %arg4[%add3A_69] : memref<320000xi32, #tpu.memory_space<hbm>> -> memref<80xi32, #tpu.memory_space<hbm>>
    %dma_start3A_73 = tpu.memref_slice %arg4[%add3A_69] : memref<320000xi32, #tpu.memory_space<hbm>> -> memref<80xi32, #tpu.memory_space<hbm>>
    tpu.enqueue_dma source(%dma_start3A_73 : memref<80xi32, #tpu.memory_space<hbm>>) target(%arg11 : memref<80xi32, #tpu.memory_space<vmem>>) target_semaphore(%arg24 : memref<!tpu.dma_semaphore, #tpu.memory_space<semaphore_mem>>)
    %add3A_74 = arith.constant 160 : i32
    %add3A_75 = arith.addi %mul3A_2, %add3A_74 : i32
    %dma_start3A_76 = tpu.memref_slice %arg3[%add3A_75] : memref<320000xi32, #tpu.memory_space<hbm>> -> memref<80xi32, #tpu.memory_space<hbm>>
    %dma_start3A_77 = tpu.memref_slice %arg3[%add3A_75] : memref<320000xi32, #tpu.memory_space<hbm>> -> memref<80xi32, #tpu.memory_space<hbm>>
    tpu.enqueue_dma source(%dma_start3A_77 : memref<80xi32, #tpu.memory_space<hbm>>) target(%arg8 : memref<80xi32, #tpu.memory_space<vmem>>) target_semaphore(%arg21 : memref<!tpu.dma_semaphore, #tpu.memory_space<semaphore_mem>>)
    %dma_start3A_78 = tpu.memref_slice %arg4[%add3A_75] : memref<320000xi32, #tpu.memory_space<hbm>> -> memref<80xi32, #tpu.memory_space<hbm>>
    %dma_start3A_79 = tpu.memref_slice %arg4[%add3A_75] : memref<320000xi32, #tpu.memory_space<hbm>> -> memref<80xi32, #tpu.memory_space<hbm>>
    tpu.enqueue_dma source(%dma_start3A_79 : memref<80xi32, #tpu.memory_space<hbm>>) target(%arg12 : memref<80xi32, #tpu.memory_space<vmem>>) target_semaphore(%arg25 : memref<!tpu.dma_semaphore, #tpu.memory_space<semaphore_mem>>)
    %add3A_80 = arith.constant 240 : i32
    %add3A_81 = arith.addi %mul3A_2, %add3A_80 : i32
    %dma_start3A_82 = tpu.memref_slice %arg3[%add3A_81] : memref<320000xi32, #tpu.memory_space<hbm>> -> memref<80xi32, #tpu.memory_space<hbm>>
    %dma_start3A_83 = tpu.memref_slice %arg3[%add3A_81] : memref<320000xi32, #tpu.memory_space<hbm>> -> memref<80xi32, #tpu.memory_space<hbm>>
    tpu.enqueue_dma source(%dma_start3A_83 : memref<80xi32, #tpu.memory_space<hbm>>) target(%arg9 : memref<80xi32, #tpu.memory_space<vmem>>) target_semaphore(%arg22 : memref<!tpu.dma_semaphore, #tpu.memory_space<semaphore_mem>>)
    %dma_start3A_84 = tpu.memref_slice %arg4[%add3A_81] : memref<320000xi32, #tpu.memory_space<hbm>> -> memref<80xi32, #tpu.memory_space<hbm>>
    %dma_start3A_85 = tpu.memref_slice %arg4[%add3A_81] : memref<320000xi32, #tpu.memory_space<hbm>> -> memref<80xi32, #tpu.memory_space<hbm>>
    tpu.enqueue_dma source(%dma_start3A_85 : memref<80xi32, #tpu.memory_space<hbm>>) target(%arg13 : memref<80xi32, #tpu.memory_space<vmem>>) target_semaphore(%arg26 : memref<!tpu.dma_semaphore, #tpu.memory_space<semaphore_mem>>)
    %add3A_86 = arith.constant 0 : i32
    %add3A_87 = arith.addi %mul3A_2, %add3A_86 : i32
    %dma_wait3A = tpu.memref_slice %arg3[%add3A_87] : memref<320000xi32, #tpu.memory_space<hbm>> -> memref<80xi32, #tpu.memory_space<hbm>>
    %dma_wait3A_88 = tpu.memref_slice %arg3[%add3A_87] : memref<320000xi32, #tpu.memory_space<hbm>> -> memref<80xi32, #tpu.memory_space<hbm>>
    tpu.wait_dma2 semaphore(%arg19 : memref<!tpu.dma_semaphore, #tpu.memory_space<semaphore_mem>>) src(%dma_wait3A_88 : memref<80xi32, #tpu.memory_space<hbm>>) dst(%arg6 : memref<80xi32, #tpu.memory_space<vmem>>)
    %dma_start3A_89 = arith.constant 0 : i32
    %dma_start3A_90 = arith.constant 0 : i32
    %dma_start3A_91 = tpu.memref_slice %arg2[%dma_start3A_89, %dma_start3A_90] : memref<10000x128xbf16, #tpu.memory_space<hbm>> -> memref<10000x128xbf16, #tpu.memory_space<hbm>>
    tpu.enqueue_indirect_dma source(%dma_start3A_91 : memref<10000x128xbf16, #tpu.memory_space<hbm>>) target(%arg14 : memref<80x128xbf16, #tpu.memory_space<vmem>>) offsets(%arg6 : memref<80xi32, #tpu.memory_space<vmem>>) semaphore(%arg27 : memref<!tpu.dma_semaphore, #tpu.memory_space<semaphore_mem>>)
    %add3A_92 = arith.constant 80 : i32
    %add3A_93 = arith.addi %mul3A_2, %add3A_92 : i32
    %dma_wait3A_94 = tpu.memref_slice %arg3[%add3A_93] : memref<320000xi32, #tpu.memory_space<hbm>> -> memref<80xi32, #tpu.memory_space<hbm>>
    %dma_wait3A_95 = tpu.memref_slice %arg3[%add3A_93] : memref<320000xi32, #tpu.memory_space<hbm>> -> memref<80xi32, #tpu.memory_space<hbm>>
    tpu.wait_dma2 semaphore(%arg20 : memref<!tpu.dma_semaphore, #tpu.memory_space<semaphore_mem>>) src(%dma_wait3A_95 : memref<80xi32, #tpu.memory_space<hbm>>) dst(%arg7 : memref<80xi32, #tpu.memory_space<vmem>>)
    %dma_start3A_96 = arith.constant 0 : i32
    %dma_start3A_97 = arith.constant 0 : i32
    %dma_start3A_98 = tpu.memref_slice %arg2[%dma_start3A_96, %dma_start3A_97] : memref<10000x128xbf16, #tpu.memory_space<hbm>> -> memref<10000x128xbf16, #tpu.memory_space<hbm>>
    tpu.enqueue_indirect_dma source(%dma_start3A_98 : memref<10000x128xbf16, #tpu.memory_space<hbm>>) target(%arg15 : memref<80x128xbf16, #tpu.memory_space<vmem>>) offsets(%arg7 : memref<80xi32, #tpu.memory_space<vmem>>) semaphore(%arg28 : memref<!tpu.dma_semaphore, #tpu.memory_space<semaphore_mem>>)
    %add3A_99 = arith.constant 160 : i32
    %add3A_100 = arith.addi %mul3A_2, %add3A_99 : i32
    %dma_wait3A_101 = tpu.memref_slice %arg3[%add3A_100] : memref<320000xi32, #tpu.memory_space<hbm>> -> memref<80xi32, #tpu.memory_space<hbm>>
    %dma_wait3A_102 = tpu.memref_slice %arg3[%add3A_100] : memref<320000xi32, #tpu.memory_space<hbm>> -> memref<80xi32, #tpu.memory_space<hbm>>
    tpu.wait_dma2 semaphore(%arg21 : memref<!tpu.dma_semaphore, #tpu.memory_space<semaphore_mem>>) src(%dma_wait3A_102 : memref<80xi32, #tpu.memory_space<hbm>>) dst(%arg8 : memref<80xi32, #tpu.memory_space<vmem>>)
    %dma_start3A_103 = arith.constant 0 : i32
    %dma_start3A_104 = arith.constant 0 : i32
    %dma_start3A_105 = tpu.memref_slice %arg2[%dma_start3A_103, %dma_start3A_104] : memref<10000x128xbf16, #tpu.memory_space<hbm>> -> memref<10000x128xbf16, #tpu.memory_space<hbm>>
    tpu.enqueue_indirect_dma source(%dma_start3A_105 : memref<10000x128xbf16, #tpu.memory_space<hbm>>) target(%arg16 : memref<80x128xbf16, #tpu.memory_space<vmem>>) offsets(%arg8 : memref<80xi32, #tpu.memory_space<vmem>>) semaphore(%arg29 : memref<!tpu.dma_semaphore, #tpu.memory_space<semaphore_mem>>)
    %add3A_106 = arith.constant 240 : i32
    %add3A_107 = arith.addi %mul3A_2, %add3A_106 : i32
    %dma_wait3A_108 = tpu.memref_slice %arg3[%add3A_107] : memref<320000xi32, #tpu.memory_space<hbm>> -> memref<80xi32, #tpu.memory_space<hbm>>
    %dma_wait3A_109 = tpu.memref_slice %arg3[%add3A_107] : memref<320000xi32, #tpu.memory_space<hbm>> -> memref<80xi32, #tpu.memory_space<hbm>>
    tpu.wait_dma2 semaphore(%arg22 : memref<!tpu.dma_semaphore, #tpu.memory_space<semaphore_mem>>) src(%dma_wait3A_109 : memref<80xi32, #tpu.memory_space<hbm>>) dst(%arg9 : memref<80xi32, #tpu.memory_space<vmem>>)
    %dma_start3A_110 = arith.constant 0 : i32
    %dma_start3A_111 = arith.constant 0 : i32
    %dma_start3A_112 = tpu.memref_slice %arg2[%dma_start3A_110, %dma_start3A_111] : memref<10000x128xbf16, #tpu.memory_space<hbm>> -> memref<10000x128xbf16, #tpu.memory_space<hbm>>
    tpu.enqueue_indirect_dma source(%dma_start3A_112 : memref<10000x128xbf16, #tpu.memory_space<hbm>>) target(%arg17 : memref<80x128xbf16, #tpu.memory_space<vmem>>) offsets(%arg9 : memref<80xi32, #tpu.memory_space<vmem>>) semaphore(%arg30 : memref<!tpu.dma_semaphore, #tpu.memory_space<semaphore_mem>>)
    %scan3A_113 = arith.constant 0 : i32
    %scan3A_114 = arith.constant 0 : i32
    %scan3A_115 = arith.constant 32 : i32
    %scan3A_116 = arith.addi %scan3A_114, %scan3A_115 : i32
    %scan3A_117 = arith.constant 1 : i32
    %scan3A_118 = scf.for %scan3A_177 = %scan3A_114 to %scan3A_116 step %scan3A_117 iter_args(%scan3A_178 = %scan3A_113) -> (i32)  : i32 {
      %mul3A_179 = arith.constant 4 : i32
      %mul3A_180 = arith.muli %scan3A_177, %mul3A_179 : i32
      %add3A_181 = arith.constant 0 : i32
      %add3A_182 = arith.addi %mul3A_180, %add3A_181 : i32
      %lt3A_183 = arith.constant 125 : i32
      %lt3A_184 = arith.cmpi slt, %add3A_182, %lt3A_183 : i32
      %convert_element_type3A_185 = arith.extui %lt3A_184 : i1 to i32
      %cond3A_186 = arith.constant 0 : i32
      %cond3A_187 = arith.cmpi ne, %convert_element_type3A_185, %cond3A_186 : i32
      scf.if %cond3A_187 {
        %mul3A_223 = arith.constant 80 : i32
        %mul3A_224 = arith.muli %add3A_182, %mul3A_223 : i32
        %add3A_225 = arith.addi %mul3A_2, %mul3A_224 : i32
        %dma_wait3A_226 = arith.constant 0 : i32
        %dma_wait3A_227 = arith.constant 0 : i32
        %dma_wait3A_228 = tpu.memref_slice %arg2[%dma_wait3A_226, %dma_wait3A_227] : memref<10000x128xbf16, #tpu.memory_space<hbm>> -> memref<10000x128xbf16, #tpu.memory_space<hbm>>
        tpu.wait_indirect_dma semaphore(%arg27 : memref<!tpu.dma_semaphore, #tpu.memory_space<semaphore_mem>>) src(%dma_wait3A_228 : memref<10000x128xbf16, #tpu.memory_space<hbm>>) dst(%arg14 : memref<80x128xbf16, #tpu.memory_space<vmem>>)
        %dma_wait3A_229 = tpu.memref_slice %arg4[%add3A_225] : memref<320000xi32, #tpu.memory_space<hbm>> -> memref<80xi32, #tpu.memory_space<hbm>>
        %dma_wait3A_230 = tpu.memref_slice %arg4[%add3A_225] : memref<320000xi32, #tpu.memory_space<hbm>> -> memref<80xi32, #tpu.memory_space<hbm>>
        tpu.wait_dma2 semaphore(%arg23 : memref<!tpu.dma_semaphore, #tpu.memory_space<semaphore_mem>>) src(%dma_wait3A_230 : memref<80xi32, #tpu.memory_space<hbm>>) dst(%arg10 : memref<80xi32, #tpu.memory_space<vmem>>)
        "tpu.region"() ({
          %run_scoped3A = tpu.sem_alloc : memref<!tpu.dma_semaphore, #tpu.memory_space<semaphore_mem>>
          %dma_start3A_238 = arith.constant 0 : i32
          %dma_start3A_239 = arith.constant 0 : i32
          %dma_start3A_240 = tpu.memref_slice %arg18[%dma_start3A_238, %dma_start3A_239] : memref<10000x128xbf16, #tpu.memory_space<vmem_shared>> -> memref<10000x128xbf16, #tpu.memory_space<vmem_shared>>
          tpu.enqueue_indirect_dma source(%arg14 : memref<80x128xbf16, #tpu.memory_space<vmem>>) target(%dma_start3A_240 : memref<10000x128xbf16, #tpu.memory_space<vmem_shared>>) offsets(%arg10 : memref<80xi32, #tpu.memory_space<vmem>>) semaphore(%run_scoped3A : memref<!tpu.dma_semaphore, #tpu.memory_space<semaphore_mem>>) {add = true}
          %dma_wait3A_241 = arith.constant 0 : i32
          %dma_wait3A_242 = arith.constant 0 : i32
          %dma_wait3A_243 = tpu.memref_slice %arg18[%dma_wait3A_241, %dma_wait3A_242] : memref<10000x128xbf16, #tpu.memory_space<vmem_shared>> -> memref<10000x128xbf16, #tpu.memory_space<vmem_shared>>
          tpu.wait_indirect_dma semaphore(%run_scoped3A : memref<!tpu.dma_semaphore, #tpu.memory_space<semaphore_mem>>) src(%arg14 : memref<80x128xbf16, #tpu.memory_space<vmem>>) dst(%dma_wait3A_243 : memref<10000x128xbf16, #tpu.memory_space<vmem_shared>>)
          tpu.yield
        }) : () -> ()
        %add3A_231 = arith.constant 4 : i32
        %add3A_232 = arith.addi %add3A_182, %add3A_231 : i32
        %lt3A_233 = arith.constant 125 : i32
        %lt3A_234 = arith.cmpi slt, %add3A_232, %lt3A_233 : i32
        %convert_element_type3A_235 = arith.extui %lt3A_234 : i1 to i32
        %cond3A_236 = arith.constant 0 : i32
        %cond3A_237 = arith.cmpi ne, %convert_element_type3A_235, %cond3A_236 : i32
        scf.if %cond3A_237 {
          %add3A_238 = arith.constant 4 : i32
          %add3A_239 = arith.addi %add3A_182, %add3A_238 : i32
          %mul3A_240 = arith.constant 80 : i32
          %mul3A_241 = arith.muli %add3A_239, %mul3A_240 : i32
          %add3A_242 = arith.addi %mul3A_2, %mul3A_241 : i32
          %dma_start3A_243 = tpu.memref_slice %arg3[%add3A_242] : memref<320000xi32, #tpu.memory_space<hbm>> -> memref<80xi32, #tpu.memory_space<hbm>>
          %dma_start3A_244 = tpu.memref_slice %arg3[%add3A_242] : memref<320000xi32, #tpu.memory_space<hbm>> -> memref<80xi32, #tpu.memory_space<hbm>>
          tpu.enqueue_dma source(%dma_start3A_244 : memref<80xi32, #tpu.memory_space<hbm>>) target(%arg6 : memref<80xi32, #tpu.memory_space<vmem>>) target_semaphore(%arg19 : memref<!tpu.dma_semaphore, #tpu.memory_space<semaphore_mem>>)
          %dma_start3A_245 = tpu.memref_slice %arg4[%add3A_242] : memref<320000xi32, #tpu.memory_space<hbm>> -> memref<80xi32, #tpu.memory_space<hbm>>
          %dma_start3A_246 = tpu.memref_slice %arg4[%add3A_242] : memref<320000xi32, #tpu.memory_space<hbm>> -> memref<80xi32, #tpu.memory_space<hbm>>
          tpu.enqueue_dma source(%dma_start3A_246 : memref<80xi32, #tpu.memory_space<hbm>>) target(%arg10 : memref<80xi32, #tpu.memory_space<vmem>>) target_semaphore(%arg23 : memref<!tpu.dma_semaphore, #tpu.memory_space<semaphore_mem>>)
        } else {
        }
      } else {
      }
      %mul3A_188 = arith.constant 4 : i32
      %mul3A_189 = arith.muli %scan3A_177, %mul3A_188 : i32
      %add3A_190 = arith.constant 1 : i32
      %add3A_191 = arith.addi %mul3A_189, %add3A_190 : i32
      %lt3A_192 = arith.constant 125 : i32
      %lt3A_193 = arith.cmpi slt, %add3A_191, %lt3A_192 : i32
      %convert_element_type3A_194 = arith.extui %lt3A_193 : i1 to i32
      %cond3A_195 = arith.constant 0 : i32
      %cond3A_196 = arith.cmpi ne, %convert_element_type3A_194, %cond3A_195 : i32
      scf.if %cond3A_196 {
        %mul3A_223 = arith.constant 80 : i32
        %mul3A_224 = arith.muli %add3A_191, %mul3A_223 : i32
        %add3A_225 = arith.addi %mul3A_2, %mul3A_224 : i32
        %dma_wait3A_226 = arith.constant 0 : i32
        %dma_wait3A_227 = arith.constant 0 : i32
        %dma_wait3A_228 = tpu.memref_slice %arg2[%dma_wait3A_226, %dma_wait3A_227] : memref<10000x128xbf16, #tpu.memory_space<hbm>> -> memref<10000x128xbf16, #tpu.memory_space<hbm>>
        tpu.wait_indirect_dma semaphore(%arg28 : memref<!tpu.dma_semaphore, #tpu.memory_space<semaphore_mem>>) src(%dma_wait3A_228 : memref<10000x128xbf16, #tpu.memory_space<hbm>>) dst(%arg15 : memref<80x128xbf16, #tpu.memory_space<vmem>>)
        %dma_wait3A_229 = tpu.memref_slice %arg4[%add3A_225] : memref<320000xi32, #tpu.memory_space<hbm>> -> memref<80xi32, #tpu.memory_space<hbm>>
        %dma_wait3A_230 = tpu.memref_slice %arg4[%add3A_225] : memref<320000xi32, #tpu.memory_space<hbm>> -> memref<80xi32, #tpu.memory_space<hbm>>
        tpu.wait_dma2 semaphore(%arg24 : memref<!tpu.dma_semaphore, #tpu.memory_space<semaphore_mem>>) src(%dma_wait3A_230 : memref<80xi32, #tpu.memory_space<hbm>>) dst(%arg11 : memref<80xi32, #tpu.memory_space<vmem>>)
        "tpu.region"() ({
          %run_scoped3A = tpu.sem_alloc : memref<!tpu.dma_semaphore, #tpu.memory_space<semaphore_mem>>
          %dma_start3A_238 = arith.constant 0 : i32
          %dma_start3A_239 = arith.constant 0 : i32
          %dma_start3A_240 = tpu.memref_slice %arg18[%dma_start3A_238, %dma_start3A_239] : memref<10000x128xbf16, #tpu.memory_space<vmem_shared>> -> memref<10000x128xbf16, #tpu.memory_space<vmem_shared>>
          tpu.enqueue_indirect_dma source(%arg15 : memref<80x128xbf16, #tpu.memory_space<vmem>>) target(%dma_start3A_240 : memref<10000x128xbf16, #tpu.memory_space<vmem_shared>>) offsets(%arg11 : memref<80xi32, #tpu.memory_space<vmem>>) semaphore(%run_scoped3A : memref<!tpu.dma_semaphore, #tpu.memory_space<semaphore_mem>>) {add = true}
          %dma_wait3A_241 = arith.constant 0 : i32
          %dma_wait3A_242 = arith.constant 0 : i32
          %dma_wait3A_243 = tpu.memref_slice %arg18[%dma_wait3A_241, %dma_wait3A_242] : memref<10000x128xbf16, #tpu.memory_space<vmem_shared>> -> memref<10000x128xbf16, #tpu.memory_space<vmem_shared>>
          tpu.wait_indirect_dma semaphore(%run_scoped3A : memref<!tpu.dma_semaphore, #tpu.memory_space<semaphore_mem>>) src(%arg15 : memref<80x128xbf16, #tpu.memory_space<vmem>>) dst(%dma_wait3A_243 : memref<10000x128xbf16, #tpu.memory_space<vmem_shared>>)
          tpu.yield
        }) : () -> ()
        %add3A_231 = arith.constant 4 : i32
        %add3A_232 = arith.addi %add3A_191, %add3A_231 : i32
        %lt3A_233 = arith.constant 125 : i32
        %lt3A_234 = arith.cmpi slt, %add3A_232, %lt3A_233 : i32
        %convert_element_type3A_235 = arith.extui %lt3A_234 : i1 to i32
        %cond3A_236 = arith.constant 0 : i32
        %cond3A_237 = arith.cmpi ne, %convert_element_type3A_235, %cond3A_236 : i32
        scf.if %cond3A_237 {
          %add3A_238 = arith.constant 4 : i32
          %add3A_239 = arith.addi %add3A_191, %add3A_238 : i32
          %mul3A_240 = arith.constant 80 : i32
          %mul3A_241 = arith.muli %add3A_239, %mul3A_240 : i32
          %add3A_242 = arith.addi %mul3A_2, %mul3A_241 : i32
          %dma_start3A_243 = tpu.memref_slice %arg3[%add3A_242] : memref<320000xi32, #tpu.memory_space<hbm>> -> memref<80xi32, #tpu.memory_space<hbm>>
          %dma_start3A_244 = tpu.memref_slice %arg3[%add3A_242] : memref<320000xi32, #tpu.memory_space<hbm>> -> memref<80xi32, #tpu.memory_space<hbm>>
          tpu.enqueue_dma source(%dma_start3A_244 : memref<80xi32, #tpu.memory_space<hbm>>) target(%arg7 : memref<80xi32, #tpu.memory_space<vmem>>) target_semaphore(%arg20 : memref<!tpu.dma_semaphore, #tpu.memory_space<semaphore_mem>>)
          %dma_start3A_245 = tpu.memref_slice %arg4[%add3A_242] : memref<320000xi32, #tpu.memory_space<hbm>> -> memref<80xi32, #tpu.memory_space<hbm>>
          %dma_start3A_246 = tpu.memref_slice %arg4[%add3A_242] : memref<320000xi32, #tpu.memory_space<hbm>> -> memref<80xi32, #tpu.memory_space<hbm>>
          tpu.enqueue_dma source(%dma_start3A_246 : memref<80xi32, #tpu.memory_space<hbm>>) target(%arg11 : memref<80xi32, #tpu.memory_space<vmem>>) target_semaphore(%arg24 : memref<!tpu.dma_semaphore, #tpu.memory_space<semaphore_mem>>)
        } else {
        }
      } else {
      }
      %mul3A_197 = arith.constant 4 : i32
      %mul3A_198 = arith.muli %scan3A_177, %mul3A_197 : i32
      %add3A_199 = arith.constant 2 : i32
      %add3A_200 = arith.addi %mul3A_198, %add3A_199 : i32
      %lt3A_201 = arith.constant 125 : i32
      %lt3A_202 = arith.cmpi slt, %add3A_200, %lt3A_201 : i32
      %convert_element_type3A_203 = arith.extui %lt3A_202 : i1 to i32
      %cond3A_204 = arith.constant 0 : i32
      %cond3A_205 = arith.cmpi ne, %convert_element_type3A_203, %cond3A_204 : i32
      scf.if %cond3A_205 {
        %mul3A_223 = arith.constant 80 : i32
        %mul3A_224 = arith.muli %add3A_200, %mul3A_223 : i32
        %add3A_225 = arith.addi %mul3A_2, %mul3A_224 : i32
        %dma_wait3A_226 = arith.constant 0 : i32
        %dma_wait3A_227 = arith.constant 0 : i32
        %dma_wait3A_228 = tpu.memref_slice %arg2[%dma_wait3A_226, %dma_wait3A_227] : memref<10000x128xbf16, #tpu.memory_space<hbm>> -> memref<10000x128xbf16, #tpu.memory_space<hbm>>
        tpu.wait_indirect_dma semaphore(%arg29 : memref<!tpu.dma_semaphore, #tpu.memory_space<semaphore_mem>>) src(%dma_wait3A_228 : memref<10000x128xbf16, #tpu.memory_space<hbm>>) dst(%arg16 : memref<80x128xbf16, #tpu.memory_space<vmem>>)
        %dma_wait3A_229 = tpu.memref_slice %arg4[%add3A_225] : memref<320000xi32, #tpu.memory_space<hbm>> -> memref<80xi32, #tpu.memory_space<hbm>>
        %dma_wait3A_230 = tpu.memref_slice %arg4[%add3A_225] : memref<320000xi32, #tpu.memory_space<hbm>> -> memref<80xi32, #tpu.memory_space<hbm>>
        tpu.wait_dma2 semaphore(%arg25 : memref<!tpu.dma_semaphore, #tpu.memory_space<semaphore_mem>>) src(%dma_wait3A_230 : memref<80xi32, #tpu.memory_space<hbm>>) dst(%arg12 : memref<80xi32, #tpu.memory_space<vmem>>)
        "tpu.region"() ({
          %run_scoped3A = tpu.sem_alloc : memref<!tpu.dma_semaphore, #tpu.memory_space<semaphore_mem>>
          %dma_start3A_238 = arith.constant 0 : i32
          %dma_start3A_239 = arith.constant 0 : i32
          %dma_start3A_240 = tpu.memref_slice %arg18[%dma_start3A_238, %dma_start3A_239] : memref<10000x128xbf16, #tpu.memory_space<vmem_shared>> -> memref<10000x128xbf16, #tpu.memory_space<vmem_shared>>
          tpu.enqueue_indirect_dma source(%arg16 : memref<80x128xbf16, #tpu.memory_space<vmem>>) target(%dma_start3A_240 : memref<10000x128xbf16, #tpu.memory_space<vmem_shared>>) offsets(%arg12 : memref<80xi32, #tpu.memory_space<vmem>>) semaphore(%run_scoped3A : memref<!tpu.dma_semaphore, #tpu.memory_space<semaphore_mem>>) {add = true}
          %dma_wait3A_241 = arith.constant 0 : i32
          %dma_wait3A_242 = arith.constant 0 : i32
          %dma_wait3A_243 = tpu.memref_slice %arg18[%dma_wait3A_241, %dma_wait3A_242] : memref<10000x128xbf16, #tpu.memory_space<vmem_shared>> -> memref<10000x128xbf16, #tpu.memory_space<vmem_shared>>
          tpu.wait_indirect_dma semaphore(%run_scoped3A : memref<!tpu.dma_semaphore, #tpu.memory_space<semaphore_mem>>) src(%arg16 : memref<80x128xbf16, #tpu.memory_space<vmem>>) dst(%dma_wait3A_243 : memref<10000x128xbf16, #tpu.memory_space<vmem_shared>>)
          tpu.yield
        }) : () -> ()
        %add3A_231 = arith.constant 4 : i32
        %add3A_232 = arith.addi %add3A_200, %add3A_231 : i32
        %lt3A_233 = arith.constant 125 : i32
        %lt3A_234 = arith.cmpi slt, %add3A_232, %lt3A_233 : i32
        %convert_element_type3A_235 = arith.extui %lt3A_234 : i1 to i32
        %cond3A_236 = arith.constant 0 : i32
        %cond3A_237 = arith.cmpi ne, %convert_element_type3A_235, %cond3A_236 : i32
        scf.if %cond3A_237 {
          %add3A_238 = arith.constant 4 : i32
          %add3A_239 = arith.addi %add3A_200, %add3A_238 : i32
          %mul3A_240 = arith.constant 80 : i32
          %mul3A_241 = arith.muli %add3A_239, %mul3A_240 : i32
          %add3A_242 = arith.addi %mul3A_2, %mul3A_241 : i32
          %dma_start3A_243 = tpu.memref_slice %arg3[%add3A_242] : memref<320000xi32, #tpu.memory_space<hbm>> -> memref<80xi32, #tpu.memory_space<hbm>>
          %dma_start3A_244 = tpu.memref_slice %arg3[%add3A_242] : memref<320000xi32, #tpu.memory_space<hbm>> -> memref<80xi32, #tpu.memory_space<hbm>>
          tpu.enqueue_dma source(%dma_start3A_244 : memref<80xi32, #tpu.memory_space<hbm>>) target(%arg8 : memref<80xi32, #tpu.memory_space<vmem>>) target_semaphore(%arg21 : memref<!tpu.dma_semaphore, #tpu.memory_space<semaphore_mem>>)
          %dma_start3A_245 = tpu.memref_slice %arg4[%add3A_242] : memref<320000xi32, #tpu.memory_space<hbm>> -> memref<80xi32, #tpu.memory_space<hbm>>
          %dma_start3A_246 = tpu.memref_slice %arg4[%add3A_242] : memref<320000xi32, #tpu.memory_space<hbm>> -> memref<80xi32, #tpu.memory_space<hbm>>
          tpu.enqueue_dma source(%dma_start3A_246 : memref<80xi32, #tpu.memory_space<hbm>>) target(%arg12 : memref<80xi32, #tpu.memory_space<vmem>>) target_semaphore(%arg25 : memref<!tpu.dma_semaphore, #tpu.memory_space<semaphore_mem>>)
        } else {
        }
      } else {
      }
      %mul3A_206 = arith.constant 4 : i32
      %mul3A_207 = arith.muli %scan3A_177, %mul3A_206 : i32
      %add3A_208 = arith.constant 3 : i32
      %add3A_209 = arith.addi %mul3A_207, %add3A_208 : i32
      %lt3A_210 = arith.constant 125 : i32
      %lt3A_211 = arith.cmpi slt, %add3A_209, %lt3A_210 : i32
      %convert_element_type3A_212 = arith.extui %lt3A_211 : i1 to i32
      %cond3A_213 = arith.constant 0 : i32
      %cond3A_214 = arith.cmpi ne, %convert_element_type3A_212, %cond3A_213 : i32
      scf.if %cond3A_214 {
        %mul3A_223 = arith.constant 80 : i32
        %mul3A_224 = arith.muli %add3A_209, %mul3A_223 : i32
        %add3A_225 = arith.addi %mul3A_2, %mul3A_224 : i32
        %dma_wait3A_226 = arith.constant 0 : i32
        %dma_wait3A_227 = arith.constant 0 : i32
        %dma_wait3A_228 = tpu.memref_slice %arg2[%dma_wait3A_226, %dma_wait3A_227] : memref<10000x128xbf16, #tpu.memory_space<hbm>> -> memref<10000x128xbf16, #tpu.memory_space<hbm>>
        tpu.wait_indirect_dma semaphore(%arg30 : memref<!tpu.dma_semaphore, #tpu.memory_space<semaphore_mem>>) src(%dma_wait3A_228 : memref<10000x128xbf16, #tpu.memory_space<hbm>>) dst(%arg17 : memref<80x128xbf16, #tpu.memory_space<vmem>>)
        %dma_wait3A_229 = tpu.memref_slice %arg4[%add3A_225] : memref<320000xi32, #tpu.memory_space<hbm>> -> memref<80xi32, #tpu.memory_space<hbm>>
        %dma_wait3A_230 = tpu.memref_slice %arg4[%add3A_225] : memref<320000xi32, #tpu.memory_space<hbm>> -> memref<80xi32, #tpu.memory_space<hbm>>
        tpu.wait_dma2 semaphore(%arg26 : memref<!tpu.dma_semaphore, #tpu.memory_space<semaphore_mem>>) src(%dma_wait3A_230 : memref<80xi32, #tpu.memory_space<hbm>>) dst(%arg13 : memref<80xi32, #tpu.memory_space<vmem>>)
        "tpu.region"() ({
          %run_scoped3A = tpu.sem_alloc : memref<!tpu.dma_semaphore, #tpu.memory_space<semaphore_mem>>
          %dma_start3A_238 = arith.constant 0 : i32
          %dma_start3A_239 = arith.constant 0 : i32
          %dma_start3A_240 = tpu.memref_slice %arg18[%dma_start3A_238, %dma_start3A_239] : memref<10000x128xbf16, #tpu.memory_space<vmem_shared>> -> memref<10000x128xbf16, #tpu.memory_space<vmem_shared>>
          tpu.enqueue_indirect_dma source(%arg17 : memref<80x128xbf16, #tpu.memory_space<vmem>>) target(%dma_start3A_240 : memref<10000x128xbf16, #tpu.memory_space<vmem_shared>>) offsets(%arg13 : memref<80xi32, #tpu.memory_space<vmem>>) semaphore(%run_scoped3A : memref<!tpu.dma_semaphore, #tpu.memory_space<semaphore_mem>>) {add = true}
          %dma_wait3A_241 = arith.constant 0 : i32
          %dma_wait3A_242 = arith.constant 0 : i32
          %dma_wait3A_243 = tpu.memref_slice %arg18[%dma_wait3A_241, %dma_wait3A_242] : memref<10000x128xbf16, #tpu.memory_space<vmem_shared>> -> memref<10000x128xbf16, #tpu.memory_space<vmem_shared>>
          tpu.wait_indirect_dma semaphore(%run_scoped3A : memref<!tpu.dma_semaphore, #tpu.memory_space<semaphore_mem>>) src(%arg17 : memref<80x128xbf16, #tpu.memory_space<vmem>>) dst(%dma_wait3A_243 : memref<10000x128xbf16, #tpu.memory_space<vmem_shared>>)
          tpu.yield
        }) : () -> ()
        %add3A_231 = arith.constant 4 : i32
        %add3A_232 = arith.addi %add3A_209, %add3A_231 : i32
        %lt3A_233 = arith.constant 125 : i32
        %lt3A_234 = arith.cmpi slt, %add3A_232, %lt3A_233 : i32
        %convert_element_type3A_235 = arith.extui %lt3A_234 : i1 to i32
        %cond3A_236 = arith.constant 0 : i32
        %cond3A_237 = arith.cmpi ne, %convert_element_type3A_235, %cond3A_236 : i32
        scf.if %cond3A_237 {
          %add3A_238 = arith.constant 4 : i32
          %add3A_239 = arith.addi %add3A_209, %add3A_238 : i32
          %mul3A_240 = arith.constant 80 : i32
          %mul3A_241 = arith.muli %add3A_239, %mul3A_240 : i32
          %add3A_242 = arith.addi %mul3A_2, %mul3A_241 : i32
          %dma_start3A_243 = tpu.memref_slice %arg3[%add3A_242] : memref<320000xi32, #tpu.memory_space<hbm>> -> memref<80xi32, #tpu.memory_space<hbm>>
          %dma_start3A_244 = tpu.memref_slice %arg3[%add3A_242] : memref<320000xi32, #tpu.memory_space<hbm>> -> memref<80xi32, #tpu.memory_space<hbm>>
          tpu.enqueue_dma source(%dma_start3A_244 : memref<80xi32, #tpu.memory_space<hbm>>) target(%arg9 : memref<80xi32, #tpu.memory_space<vmem>>) target_semaphore(%arg22 : memref<!tpu.dma_semaphore, #tpu.memory_space<semaphore_mem>>)
          %dma_start3A_245 = tpu.memref_slice %arg4[%add3A_242] : memref<320000xi32, #tpu.memory_space<hbm>> -> memref<80xi32, #tpu.memory_space<hbm>>
          %dma_start3A_246 = tpu.memref_slice %arg4[%add3A_242] : memref<320000xi32, #tpu.memory_space<hbm>> -> memref<80xi32, #tpu.memory_space<hbm>>
          tpu.enqueue_dma source(%dma_start3A_246 : memref<80xi32, #tpu.memory_space<hbm>>) target(%arg13 : memref<80xi32, #tpu.memory_space<vmem>>) target_semaphore(%arg26 : memref<!tpu.dma_semaphore, #tpu.memory_space<semaphore_mem>>)
        } else {
        }
      } else {
      }
      %add3A_215 = arith.constant 1 : i32
      %add3A_216 = arith.addi %scan3A_177, %add3A_215 : i32
      %lt3A_217 = arith.constant 32 : i32
      %lt3A_218 = arith.cmpi slt, %add3A_216, %lt3A_217 : i32
      %convert_element_type3A_219 = arith.extui %lt3A_218 : i1 to i32
      %cond3A_220 = arith.constant 0 : i32
      %cond3A_221 = arith.cmpi ne, %convert_element_type3A_219, %cond3A_220 : i32
      scf.if %cond3A_221 {
        %add3A_223 = arith.constant 1 : i32
        %add3A_224 = arith.addi %scan3A_177, %add3A_223 : i32
        %mul3A_225 = arith.constant 4 : i32
        %mul3A_226 = arith.muli %add3A_224, %mul3A_225 : i32
        %add3A_227 = arith.constant 0 : i32
        %add3A_228 = arith.addi %mul3A_226, %add3A_227 : i32
        %lt3A_229 = arith.constant 125 : i32
        %lt3A_230 = arith.cmpi slt, %add3A_228, %lt3A_229 : i32
        %convert_element_type3A_231 = arith.extui %lt3A_230 : i1 to i32
        %cond3A_232 = arith.constant 0 : i32
        %cond3A_233 = arith.cmpi ne, %convert_element_type3A_231, %cond3A_232 : i32
        scf.if %cond3A_233 {
          %mul3A_261 = arith.constant 80 : i32
          %mul3A_262 = arith.muli %add3A_228, %mul3A_261 : i32
          %add3A_263 = arith.addi %mul3A_2, %mul3A_262 : i32
          %dma_wait3A_264 = tpu.memref_slice %arg3[%add3A_263] : memref<320000xi32, #tpu.memory_space<hbm>> -> memref<80xi32, #tpu.memory_space<hbm>>
          %dma_wait3A_265 = tpu.memref_slice %arg3[%add3A_263] : memref<320000xi32, #tpu.memory_space<hbm>> -> memref<80xi32, #tpu.memory_space<hbm>>
          tpu.wait_dma2 semaphore(%arg19 : memref<!tpu.dma_semaphore, #tpu.memory_space<semaphore_mem>>) src(%dma_wait3A_265 : memref<80xi32, #tpu.memory_space<hbm>>) dst(%arg6 : memref<80xi32, #tpu.memory_space<vmem>>)
          %dma_start3A_266 = arith.constant 0 : i32
          %dma_start3A_267 = arith.constant 0 : i32
          %dma_start3A_268 = tpu.memref_slice %arg2[%dma_start3A_266, %dma_start3A_267] : memref<10000x128xbf16, #tpu.memory_space<hbm>> -> memref<10000x128xbf16, #tpu.memory_space<hbm>>
          tpu.enqueue_indirect_dma source(%dma_start3A_268 : memref<10000x128xbf16, #tpu.memory_space<hbm>>) target(%arg14 : memref<80x128xbf16, #tpu.memory_space<vmem>>) offsets(%arg6 : memref<80xi32, #tpu.memory_space<vmem>>) semaphore(%arg27 : memref<!tpu.dma_semaphore, #tpu.memory_space<semaphore_mem>>)
        } else {
        }
        %mul3A_234 = arith.constant 4 : i32
        %mul3A_235 = arith.muli %add3A_224, %mul3A_234 : i32
        %add3A_236 = arith.constant 1 : i32
        %add3A_237 = arith.addi %mul3A_235, %add3A_236 : i32
        %lt3A_238 = arith.constant 125 : i32
        %lt3A_239 = arith.cmpi slt, %add3A_237, %lt3A_238 : i32
        %convert_element_type3A_240 = arith.extui %lt3A_239 : i1 to i32
        %cond3A_241 = arith.constant 0 : i32
        %cond3A_242 = arith.cmpi ne, %convert_element_type3A_240, %cond3A_241 : i32
        scf.if %cond3A_242 {
          %mul3A_261 = arith.constant 80 : i32
          %mul3A_262 = arith.muli %add3A_237, %mul3A_261 : i32
          %add3A_263 = arith.addi %mul3A_2, %mul3A_262 : i32
          %dma_wait3A_264 = tpu.memref_slice %arg3[%add3A_263] : memref<320000xi32, #tpu.memory_space<hbm>> -> memref<80xi32, #tpu.memory_space<hbm>>
          %dma_wait3A_265 = tpu.memref_slice %arg3[%add3A_263] : memref<320000xi32, #tpu.memory_space<hbm>> -> memref<80xi32, #tpu.memory_space<hbm>>
          tpu.wait_dma2 semaphore(%arg20 : memref<!tpu.dma_semaphore, #tpu.memory_space<semaphore_mem>>) src(%dma_wait3A_265 : memref<80xi32, #tpu.memory_space<hbm>>) dst(%arg7 : memref<80xi32, #tpu.memory_space<vmem>>)
          %dma_start3A_266 = arith.constant 0 : i32
          %dma_start3A_267 = arith.constant 0 : i32
          %dma_start3A_268 = tpu.memref_slice %arg2[%dma_start3A_266, %dma_start3A_267] : memref<10000x128xbf16, #tpu.memory_space<hbm>> -> memref<10000x128xbf16, #tpu.memory_space<hbm>>
          tpu.enqueue_indirect_dma source(%dma_start3A_268 : memref<10000x128xbf16, #tpu.memory_space<hbm>>) target(%arg15 : memref<80x128xbf16, #tpu.memory_space<vmem>>) offsets(%arg7 : memref<80xi32, #tpu.memory_space<vmem>>) semaphore(%arg28 : memref<!tpu.dma_semaphore, #tpu.memory_space<semaphore_mem>>)
        } else {
        }
        %mul3A_243 = arith.constant 4 : i32
        %mul3A_244 = arith.muli %add3A_224, %mul3A_243 : i32
        %add3A_245 = arith.constant 2 : i32
        %add3A_246 = arith.addi %mul3A_244, %add3A_245 : i32
        %lt3A_247 = arith.constant 125 : i32
        %lt3A_248 = arith.cmpi slt, %add3A_246, %lt3A_247 : i32
        %convert_element_type3A_249 = arith.extui %lt3A_248 : i1 to i32
        %cond3A_250 = arith.constant 0 : i32
        %cond3A_251 = arith.cmpi ne, %convert_element_type3A_249, %cond3A_250 : i32
        scf.if %cond3A_251 {
          %mul3A_261 = arith.constant 80 : i32
          %mul3A_262 = arith.muli %add3A_246, %mul3A_261 : i32
          %add3A_263 = arith.addi %mul3A_2, %mul3A_262 : i32
          %dma_wait3A_264 = tpu.memref_slice %arg3[%add3A_263] : memref<320000xi32, #tpu.memory_space<hbm>> -> memref<80xi32, #tpu.memory_space<hbm>>
          %dma_wait3A_265 = tpu.memref_slice %arg3[%add3A_263] : memref<320000xi32, #tpu.memory_space<hbm>> -> memref<80xi32, #tpu.memory_space<hbm>>
          tpu.wait_dma2 semaphore(%arg21 : memref<!tpu.dma_semaphore, #tpu.memory_space<semaphore_mem>>) src(%dma_wait3A_265 : memref<80xi32, #tpu.memory_space<hbm>>) dst(%arg8 : memref<80xi32, #tpu.memory_space<vmem>>)
          %dma_start3A_266 = arith.constant 0 : i32
          %dma_start3A_267 = arith.constant 0 : i32
          %dma_start3A_268 = tpu.memref_slice %arg2[%dma_start3A_266, %dma_start3A_267] : memref<10000x128xbf16, #tpu.memory_space<hbm>> -> memref<10000x128xbf16, #tpu.memory_space<hbm>>
          tpu.enqueue_indirect_dma source(%dma_start3A_268 : memref<10000x128xbf16, #tpu.memory_space<hbm>>) target(%arg16 : memref<80x128xbf16, #tpu.memory_space<vmem>>) offsets(%arg8 : memref<80xi32, #tpu.memory_space<vmem>>) semaphore(%arg29 : memref<!tpu.dma_semaphore, #tpu.memory_space<semaphore_mem>>)
        } else {
        }
        %mul3A_252 = arith.constant 4 : i32
        %mul3A_253 = arith.muli %add3A_224, %mul3A_252 : i32
        %add3A_254 = arith.constant 3 : i32
        %add3A_255 = arith.addi %mul3A_253, %add3A_254 : i32
        %lt3A_256 = arith.constant 125 : i32
        %lt3A_257 = arith.cmpi slt, %add3A_255, %lt3A_256 : i32
        %convert_element_type3A_258 = arith.extui %lt3A_257 : i1 to i32
        %cond3A_259 = arith.constant 0 : i32
        %cond3A_260 = arith.cmpi ne, %convert_element_type3A_258, %cond3A_259 : i32
        scf.if %cond3A_260 {
          %mul3A_261 = arith.constant 80 : i32
          %mul3A_262 = arith.muli %add3A_255, %mul3A_261 : i32
          %add3A_263 = arith.addi %mul3A_2, %mul3A_262 : i32
          %dma_wait3A_264 = tpu.memref_slice %arg3[%add3A_263] : memref<320000xi32, #tpu.memory_space<hbm>> -> memref<80xi32, #tpu.memory_space<hbm>>
          %dma_wait3A_265 = tpu.memref_slice %arg3[%add3A_263] : memref<320000xi32, #tpu.memory_space<hbm>> -> memref<80xi32, #tpu.memory_space<hbm>>
          tpu.wait_dma2 semaphore(%arg22 : memref<!tpu.dma_semaphore, #tpu.memory_space<semaphore_mem>>) src(%dma_wait3A_265 : memref<80xi32, #tpu.memory_space<hbm>>) dst(%arg9 : memref<80xi32, #tpu.memory_space<vmem>>)
          %dma_start3A_266 = arith.constant 0 : i32
          %dma_start3A_267 = arith.constant 0 : i32
          %dma_start3A_268 = tpu.memref_slice %arg2[%dma_start3A_266, %dma_start3A_267] : memref<10000x128xbf16, #tpu.memory_space<hbm>> -> memref<10000x128xbf16, #tpu.memory_space<hbm>>
          tpu.enqueue_indirect_dma source(%dma_start3A_268 : memref<10000x128xbf16, #tpu.memory_space<hbm>>) target(%arg17 : memref<80x128xbf16, #tpu.memory_space<vmem>>) offsets(%arg9 : memref<80xi32, #tpu.memory_space<vmem>>) semaphore(%arg30 : memref<!tpu.dma_semaphore, #tpu.memory_space<semaphore_mem>>)
        } else {
        }
      } else {
      }
      %scan3A_222 = arith.constant 0 : i32
      scf.yield %scan3A_222 : i32
    }
    %scan3A_119 = arith.constant 32 : i32
    %barrier3A_120 = arith.constant 0 : index
    tpu.barrier barrier_id(%barrier3A_120)
    %add3A_121 = arith.constant 0 : i32
    %add3A_122 = arith.addi %arg1, %add3A_121 : i32
    %lt3A_123 = arith.constant 125 : i32
    %lt3A_124 = arith.cmpi slt, %add3A_122, %lt3A_123 : i32
    %convert_element_type3A_125 = arith.extui %lt3A_124 : i1 to i32
    %cond3A_126 = arith.constant 0 : i32
    %cond3A_127 = arith.cmpi ne, %convert_element_type3A_125, %cond3A_126 : i32
    scf.if %cond3A_127 {
      %mul3A_177 = arith.constant 80 : i32
      %mul3A_178 = arith.muli %add3A_122, %mul3A_177 : i32
      "tpu.region"() ({
        %run_scoped3A = tpu.sem_alloc : memref<!tpu.dma_semaphore, #tpu.memory_space<semaphore_mem>>
        %dma_start3A_181 = arith.constant 0 : i32
        %dma_start3A_182 = tpu.memref_slice %arg18[%mul3A_178, %dma_start3A_181] : memref<10000x128xbf16, #tpu.memory_space<vmem_shared>> -> memref<80x128xbf16, #tpu.memory_space<vmem_shared>>
        %dma_start3A_183 = arith.constant 0 : i32
        %dma_start3A_184 = tpu.memref_slice %arg18[%mul3A_178, %dma_start3A_183] : memref<10000x128xbf16, #tpu.memory_space<vmem_shared>> -> memref<80x128xbf16, #tpu.memory_space<vmem_shared>>
        tpu.enqueue_dma source(%dma_start3A_184 : memref<80x128xbf16, #tpu.memory_space<vmem_shared>>) target(%arg14 : memref<80x128xbf16, #tpu.memory_space<vmem>>) target_semaphore(%run_scoped3A : memref<!tpu.dma_semaphore, #tpu.memory_space<semaphore_mem>>)
        %dma_wait3A_185 = arith.constant 0 : i32
        %dma_wait3A_186 = tpu.memref_slice %arg18[%mul3A_178, %dma_wait3A_185] : memref<10000x128xbf16, #tpu.memory_space<vmem_shared>> -> memref<80x128xbf16, #tpu.memory_space<vmem_shared>>
        %dma_wait3A_187 = arith.constant 0 : i32
        %dma_wait3A_188 = tpu.memref_slice %arg18[%mul3A_178, %dma_wait3A_187] : memref<10000x128xbf16, #tpu.memory_space<vmem_shared>> -> memref<80x128xbf16, #tpu.memory_space<vmem_shared>>
        tpu.wait_dma2 semaphore(%run_scoped3A : memref<!tpu.dma_semaphore, #tpu.memory_space<semaphore_mem>>) src(%dma_wait3A_188 : memref<80x128xbf16, #tpu.memory_space<vmem_shared>>) dst(%arg14 : memref<80x128xbf16, #tpu.memory_space<vmem>>)
        tpu.yield
      }) : () -> ()
      %mul3A_179 = arith.constant 80 : i32
      %mul3A_180 = arith.muli %add3A_122, %mul3A_179 : i32
      "tpu.region"() ({
        %run_scoped3A = tpu.sem_alloc : memref<!tpu.dma_semaphore, #tpu.memory_space<semaphore_mem>>
        %dma_start3A_181 = arith.constant 0 : i32
        %dma_start3A_182 = tpu.memref_slice %arg5[%arg0, %mul3A_180, %dma_start3A_181] : memref<2x10000x128xbf16, #tpu.memory_space<hbm>> -> memref<1x80x128xbf16, #tpu.memory_space<hbm>>
        %dma_start3A_183 = tpu.memref_squeeze %dma_start3A_182 : memref<1x80x128xbf16, #tpu.memory_space<hbm>> -> memref<80x128xbf16, #tpu.memory_space<hbm>>
        %dma_start3A_184 = arith.constant 0 : i32
        %dma_start3A_185 = tpu.memref_slice %arg5[%arg0, %mul3A_180, %dma_start3A_184] : memref<2x10000x128xbf16, #tpu.memory_space<hbm>> -> memref<1x80x128xbf16, #tpu.memory_space<hbm>>
        %dma_start3A_186 = tpu.memref_squeeze %dma_start3A_185 : memref<1x80x128xbf16, #tpu.memory_space<hbm>> -> memref<80x128xbf16, #tpu.memory_space<hbm>>
        tpu.enqueue_dma source(%arg14 : memref<80x128xbf16, #tpu.memory_space<vmem>>) target(%dma_start3A_186 : memref<80x128xbf16, #tpu.memory_space<hbm>>) target_semaphore(%run_scoped3A : memref<!tpu.dma_semaphore, #tpu.memory_space<semaphore_mem>>)
        %dma_wait3A_187 = arith.constant 0 : i32
        %dma_wait3A_188 = tpu.memref_slice %arg5[%arg0, %mul3A_180, %dma_wait3A_187] : memref<2x10000x128xbf16, #tpu.memory_space<hbm>> -> memref<1x80x128xbf16, #tpu.memory_space<hbm>>
        %dma_wait3A_189 = tpu.memref_squeeze %dma_wait3A_188 : memref<1x80x128xbf16, #tpu.memory_space<hbm>> -> memref<80x128xbf16, #tpu.memory_space<hbm>>
        %dma_wait3A_190 = arith.constant 0 : i32
        %dma_wait3A_191 = tpu.memref_slice %arg5[%arg0, %mul3A_180, %dma_wait3A_190] : memref<2x10000x128xbf16, #tpu.memory_space<hbm>> -> memref<1x80x128xbf16, #tpu.memory_space<hbm>>
        %dma_wait3A_192 = tpu.memref_squeeze %dma_wait3A_191 : memref<1x80x128xbf16, #tpu.memory_space<hbm>> -> memref<80x128xbf16, #tpu.memory_space<hbm>>
        tpu.wait_dma2 semaphore(%run_scoped3A : memref<!tpu.dma_semaphore, #tpu.memory_space<semaphore_mem>>) src(%arg14 : memref<80x128xbf16, #tpu.memory_space<vmem>>) dst(%dma_wait3A_192 : memref<80x128xbf16, #tpu.memory_space<hbm>>)
        tpu.yield
      }) : () -> ()
    } else {
    }
    %add3A_128 = arith.constant 16 : i32
    %add3A_129 = arith.addi %arg1, %add3A_128 : i32
    %lt3A_130 = arith.constant 125 : i32
    %lt3A_131 = arith.cmpi slt, %add3A_129, %lt3A_130 : i32
    %convert_element_type3A_132 = arith.extui %lt3A_131 : i1 to i32
    %cond3A_133 = arith.constant 0 : i32
    %cond3A_134 = arith.cmpi ne, %convert_element_type3A_132, %cond3A_133 : i32
    scf.if %cond3A_134 {
      %mul3A_177 = arith.constant 80 : i32
      %mul3A_178 = arith.muli %add3A_129, %mul3A_177 : i32
      "tpu.region"() ({
        %run_scoped3A = tpu.sem_alloc : memref<!tpu.dma_semaphore, #tpu.memory_space<semaphore_mem>>
        %dma_start3A_181 = arith.constant 0 : i32
        %dma_start3A_182 = tpu.memref_slice %arg18[%mul3A_178, %dma_start3A_181] : memref<10000x128xbf16, #tpu.memory_space<vmem_shared>> -> memref<80x128xbf16, #tpu.memory_space<vmem_shared>>
        %dma_start3A_183 = arith.constant 0 : i32
        %dma_start3A_184 = tpu.memref_slice %arg18[%mul3A_178, %dma_start3A_183] : memref<10000x128xbf16, #tpu.memory_space<vmem_shared>> -> memref<80x128xbf16, #tpu.memory_space<vmem_shared>>
        tpu.enqueue_dma source(%dma_start3A_184 : memref<80x128xbf16, #tpu.memory_space<vmem_shared>>) target(%arg14 : memref<80x128xbf16, #tpu.memory_space<vmem>>) target_semaphore(%run_scoped3A : memref<!tpu.dma_semaphore, #tpu.memory_space<semaphore_mem>>)
        %dma_wait3A_185 = arith.constant 0 : i32
        %dma_wait3A_186 = tpu.memref_slice %arg18[%mul3A_178, %dma_wait3A_185] : memref<10000x128xbf16, #tpu.memory_space<vmem_shared>> -> memref<80x128xbf16, #tpu.memory_space<vmem_shared>>
        %dma_wait3A_187 = arith.constant 0 : i32
        %dma_wait3A_188 = tpu.memref_slice %arg18[%mul3A_178, %dma_wait3A_187] : memref<10000x128xbf16, #tpu.memory_space<vmem_shared>> -> memref<80x128xbf16, #tpu.memory_space<vmem_shared>>
        tpu.wait_dma2 semaphore(%run_scoped3A : memref<!tpu.dma_semaphore, #tpu.memory_space<semaphore_mem>>) src(%dma_wait3A_188 : memref<80x128xbf16, #tpu.memory_space<vmem_shared>>) dst(%arg14 : memref<80x128xbf16, #tpu.memory_space<vmem>>)
        tpu.yield
      }) : () -> ()
      %mul3A_179 = arith.constant 80 : i32
      %mul3A_180 = arith.muli %add3A_129, %mul3A_179 : i32
      "tpu.region"() ({
        %run_scoped3A = tpu.sem_alloc : memref<!tpu.dma_semaphore, #tpu.memory_space<semaphore_mem>>
        %dma_start3A_181 = arith.constant 0 : i32
        %dma_start3A_182 = tpu.memref_slice %arg5[%arg0, %mul3A_180, %dma_start3A_181] : memref<2x10000x128xbf16, #tpu.memory_space<hbm>> -> memref<1x80x128xbf16, #tpu.memory_space<hbm>>
        %dma_start3A_183 = tpu.memref_squeeze %dma_start3A_182 : memref<1x80x128xbf16, #tpu.memory_space<hbm>> -> memref<80x128xbf16, #tpu.memory_space<hbm>>
        %dma_start3A_184 = arith.constant 0 : i32
        %dma_start3A_185 = tpu.memref_slice %arg5[%arg0, %mul3A_180, %dma_start3A_184] : memref<2x10000x128xbf16, #tpu.memory_space<hbm>> -> memref<1x80x128xbf16, #tpu.memory_space<hbm>>
        %dma_start3A_186 = tpu.memref_squeeze %dma_start3A_185 : memref<1x80x128xbf16, #tpu.memory_space<hbm>> -> memref<80x128xbf16, #tpu.memory_space<hbm>>
        tpu.enqueue_dma source(%arg14 : memref<80x128xbf16, #tpu.memory_space<vmem>>) target(%dma_start3A_186 : memref<80x128xbf16, #tpu.memory_space<hbm>>) target_semaphore(%run_scoped3A : memref<!tpu.dma_semaphore, #tpu.memory_space<semaphore_mem>>)
        %dma_wait3A_187 = arith.constant 0 : i32
        %dma_wait3A_188 = tpu.memref_slice %arg5[%arg0, %mul3A_180, %dma_wait3A_187] : memref<2x10000x128xbf16, #tpu.memory_space<hbm>> -> memref<1x80x128xbf16, #tpu.memory_space<hbm>>
        %dma_wait3A_189 = tpu.memref_squeeze %dma_wait3A_188 : memref<1x80x128xbf16, #tpu.memory_space<hbm>> -> memref<80x128xbf16, #tpu.memory_space<hbm>>
        %dma_wait3A_190 = arith.constant 0 : i32
        %dma_wait3A_191 = tpu.memref_slice %arg5[%arg0, %mul3A_180, %dma_wait3A_190] : memref<2x10000x128xbf16, #tpu.memory_space<hbm>> -> memref<1x80x128xbf16, #tpu.memory_space<hbm>>
        %dma_wait3A_192 = tpu.memref_squeeze %dma_wait3A_191 : memref<1x80x128xbf16, #tpu.memory_space<hbm>> -> memref<80x128xbf16, #tpu.memory_space<hbm>>
        tpu.wait_dma2 semaphore(%run_scoped3A : memref<!tpu.dma_semaphore, #tpu.memory_space<semaphore_mem>>) src(%arg14 : memref<80x128xbf16, #tpu.memory_space<vmem>>) dst(%dma_wait3A_192 : memref<80x128xbf16, #tpu.memory_space<hbm>>)
        tpu.yield
      }) : () -> ()
    } else {
    }
    %add3A_135 = arith.constant 32 : i32
    %add3A_136 = arith.addi %arg1, %add3A_135 : i32
    %lt3A_137 = arith.constant 125 : i32
    %lt3A_138 = arith.cmpi slt, %add3A_136, %lt3A_137 : i32
    %convert_element_type3A_139 = arith.extui %lt3A_138 : i1 to i32
    %cond3A_140 = arith.constant 0 : i32
    %cond3A_141 = arith.cmpi ne, %convert_element_type3A_139, %cond3A_140 : i32
    scf.if %cond3A_141 {
      %mul3A_177 = arith.constant 80 : i32
      %mul3A_178 = arith.muli %add3A_136, %mul3A_177 : i32
      "tpu.region"() ({
        %run_scoped3A = tpu.sem_alloc : memref<!tpu.dma_semaphore, #tpu.memory_space<semaphore_mem>>
        %dma_start3A_181 = arith.constant 0 : i32
        %dma_start3A_182 = tpu.memref_slice %arg18[%mul3A_178, %dma_start3A_181] : memref<10000x128xbf16, #tpu.memory_space<vmem_shared>> -> memref<80x128xbf16, #tpu.memory_space<vmem_shared>>
        %dma_start3A_183 = arith.constant 0 : i32
        %dma_start3A_184 = tpu.memref_slice %arg18[%mul3A_178, %dma_start3A_183] : memref<10000x128xbf16, #tpu.memory_space<vmem_shared>> -> memref<80x128xbf16, #tpu.memory_space<vmem_shared>>
        tpu.enqueue_dma source(%dma_start3A_184 : memref<80x128xbf16, #tpu.memory_space<vmem_shared>>) target(%arg14 : memref<80x128xbf16, #tpu.memory_space<vmem>>) target_semaphore(%run_scoped3A : memref<!tpu.dma_semaphore, #tpu.memory_space<semaphore_mem>>)
        %dma_wait3A_185 = arith.constant 0 : i32
        %dma_wait3A_186 = tpu.memref_slice %arg18[%mul3A_178, %dma_wait3A_185] : memref<10000x128xbf16, #tpu.memory_space<vmem_shared>> -> memref<80x128xbf16, #tpu.memory_space<vmem_shared>>
        %dma_wait3A_187 = arith.constant 0 : i32
        %dma_wait3A_188 = tpu.memref_slice %arg18[%mul3A_178, %dma_wait3A_187] : memref<10000x128xbf16, #tpu.memory_space<vmem_shared>> -> memref<80x128xbf16, #tpu.memory_space<vmem_shared>>
        tpu.wait_dma2 semaphore(%run_scoped3A : memref<!tpu.dma_semaphore, #tpu.memory_space<semaphore_mem>>) src(%dma_wait3A_188 : memref<80x128xbf16, #tpu.memory_space<vmem_shared>>) dst(%arg14 : memref<80x128xbf16, #tpu.memory_space<vmem>>)
        tpu.yield
      }) : () -> ()
      %mul3A_179 = arith.constant 80 : i32
      %mul3A_180 = arith.muli %add3A_136, %mul3A_179 : i32
      "tpu.region"() ({
        %run_scoped3A = tpu.sem_alloc : memref<!tpu.dma_semaphore, #tpu.memory_space<semaphore_mem>>
        %dma_start3A_181 = arith.constant 0 : i32
        %dma_start3A_182 = tpu.memref_slice %arg5[%arg0, %mul3A_180, %dma_start3A_181] : memref<2x10000x128xbf16, #tpu.memory_space<hbm>> -> memref<1x80x128xbf16, #tpu.memory_space<hbm>>
        %dma_start3A_183 = tpu.memref_squeeze %dma_start3A_182 : memref<1x80x128xbf16, #tpu.memory_space<hbm>> -> memref<80x128xbf16, #tpu.memory_space<hbm>>
        %dma_start3A_184 = arith.constant 0 : i32
        %dma_start3A_185 = tpu.memref_slice %arg5[%arg0, %mul3A_180, %dma_start3A_184] : memref<2x10000x128xbf16, #tpu.memory_space<hbm>> -> memref<1x80x128xbf16, #tpu.memory_space<hbm>>
        %dma_start3A_186 = tpu.memref_squeeze %dma_start3A_185 : memref<1x80x128xbf16, #tpu.memory_space<hbm>> -> memref<80x128xbf16, #tpu.memory_space<hbm>>
        tpu.enqueue_dma source(%arg14 : memref<80x128xbf16, #tpu.memory_space<vmem>>) target(%dma_start3A_186 : memref<80x128xbf16, #tpu.memory_space<hbm>>) target_semaphore(%run_scoped3A : memref<!tpu.dma_semaphore, #tpu.memory_space<semaphore_mem>>)
        %dma_wait3A_187 = arith.constant 0 : i32
        %dma_wait3A_188 = tpu.memref_slice %arg5[%arg0, %mul3A_180, %dma_wait3A_187] : memref<2x10000x128xbf16, #tpu.memory_space<hbm>> -> memref<1x80x128xbf16, #tpu.memory_space<hbm>>
        %dma_wait3A_189 = tpu.memref_squeeze %dma_wait3A_188 : memref<1x80x128xbf16, #tpu.memory_space<hbm>> -> memref<80x128xbf16, #tpu.memory_space<hbm>>
        %dma_wait3A_190 = arith.constant 0 : i32
        %dma_wait3A_191 = tpu.memref_slice %arg5[%arg0, %mul3A_180, %dma_wait3A_190] : memref<2x10000x128xbf16, #tpu.memory_space<hbm>> -> memref<1x80x128xbf16, #tpu.memory_space<hbm>>
        %dma_wait3A_192 = tpu.memref_squeeze %dma_wait3A_191 : memref<1x80x128xbf16, #tpu.memory_space<hbm>> -> memref<80x128xbf16, #tpu.memory_space<hbm>>
        tpu.wait_dma2 semaphore(%run_scoped3A : memref<!tpu.dma_semaphore, #tpu.memory_space<semaphore_mem>>) src(%arg14 : memref<80x128xbf16, #tpu.memory_space<vmem>>) dst(%dma_wait3A_192 : memref<80x128xbf16, #tpu.memory_space<hbm>>)
        tpu.yield
      }) : () -> ()
    } else {
    }
    %add3A_142 = arith.constant 48 : i32
    %add3A_143 = arith.addi %arg1, %add3A_142 : i32
    %lt3A_144 = arith.constant 125 : i32
    %lt3A_145 = arith.cmpi slt, %add3A_143, %lt3A_144 : i32
    %convert_element_type3A_146 = arith.extui %lt3A_145 : i1 to i32
    %cond3A_147 = arith.constant 0 : i32
    %cond3A_148 = arith.cmpi ne, %convert_element_type3A_146, %cond3A_147 : i32
    scf.if %cond3A_148 {
      %mul3A_177 = arith.constant 80 : i32
      %mul3A_178 = arith.muli %add3A_143, %mul3A_177 : i32
      "tpu.region"() ({
        %run_scoped3A = tpu.sem_alloc : memref<!tpu.dma_semaphore, #tpu.memory_space<semaphore_mem>>
        %dma_start3A_181 = arith.constant 0 : i32
        %dma_start3A_182 = tpu.memref_slice %arg18[%mul3A_178, %dma_start3A_181] : memref<10000x128xbf16, #tpu.memory_space<vmem_shared>> -> memref<80x128xbf16, #tpu.memory_space<vmem_shared>>
        %dma_start3A_183 = arith.constant 0 : i32
        %dma_start3A_184 = tpu.memref_slice %arg18[%mul3A_178, %dma_start3A_183] : memref<10000x128xbf16, #tpu.memory_space<vmem_shared>> -> memref<80x128xbf16, #tpu.memory_space<vmem_shared>>
        tpu.enqueue_dma source(%dma_start3A_184 : memref<80x128xbf16, #tpu.memory_space<vmem_shared>>) target(%arg14 : memref<80x128xbf16, #tpu.memory_space<vmem>>) target_semaphore(%run_scoped3A : memref<!tpu.dma_semaphore, #tpu.memory_space<semaphore_mem>>)
        %dma_wait3A_185 = arith.constant 0 : i32
        %dma_wait3A_186 = tpu.memref_slice %arg18[%mul3A_178, %dma_wait3A_185] : memref<10000x128xbf16, #tpu.memory_space<vmem_shared>> -> memref<80x128xbf16, #tpu.memory_space<vmem_shared>>
        %dma_wait3A_187 = arith.constant 0 : i32
        %dma_wait3A_188 = tpu.memref_slice %arg18[%mul3A_178, %dma_wait3A_187] : memref<10000x128xbf16, #tpu.memory_space<vmem_shared>> -> memref<80x128xbf16, #tpu.memory_space<vmem_shared>>
        tpu.wait_dma2 semaphore(%run_scoped3A : memref<!tpu.dma_semaphore, #tpu.memory_space<semaphore_mem>>) src(%dma_wait3A_188 : memref<80x128xbf16, #tpu.memory_space<vmem_shared>>) dst(%arg14 : memref<80x128xbf16, #tpu.memory_space<vmem>>)
        tpu.yield
      }) : () -> ()
      %mul3A_179 = arith.constant 80 : i32
      %mul3A_180 = arith.muli %add3A_143, %mul3A_179 : i32
      "tpu.region"() ({
        %run_scoped3A = tpu.sem_alloc : memref<!tpu.dma_semaphore, #tpu.memory_space<semaphore_mem>>
        %dma_start3A_181 = arith.constant 0 : i32
        %dma_start3A_182 = tpu.memref_slice %arg5[%arg0, %mul3A_180, %dma_start3A_181] : memref<2x10000x128xbf16, #tpu.memory_space<hbm>> -> memref<1x80x128xbf16, #tpu.memory_space<hbm>>
        %dma_start3A_183 = tpu.memref_squeeze %dma_start3A_182 : memref<1x80x128xbf16, #tpu.memory_space<hbm>> -> memref<80x128xbf16, #tpu.memory_space<hbm>>
        %dma_start3A_184 = arith.constant 0 : i32
        %dma_start3A_185 = tpu.memref_slice %arg5[%arg0, %mul3A_180, %dma_start3A_184] : memref<2x10000x128xbf16, #tpu.memory_space<hbm>> -> memref<1x80x128xbf16, #tpu.memory_space<hbm>>
        %dma_start3A_186 = tpu.memref_squeeze %dma_start3A_185 : memref<1x80x128xbf16, #tpu.memory_space<hbm>> -> memref<80x128xbf16, #tpu.memory_space<hbm>>
        tpu.enqueue_dma source(%arg14 : memref<80x128xbf16, #tpu.memory_space<vmem>>) target(%dma_start3A_186 : memref<80x128xbf16, #tpu.memory_space<hbm>>) target_semaphore(%run_scoped3A : memref<!tpu.dma_semaphore, #tpu.memory_space<semaphore_mem>>)
        %dma_wait3A_187 = arith.constant 0 : i32
        %dma_wait3A_188 = tpu.memref_slice %arg5[%arg0, %mul3A_180, %dma_wait3A_187] : memref<2x10000x128xbf16, #tpu.memory_space<hbm>> -> memref<1x80x128xbf16, #tpu.memory_space<hbm>>
        %dma_wait3A_189 = tpu.memref_squeeze %dma_wait3A_188 : memref<1x80x128xbf16, #tpu.memory_space<hbm>> -> memref<80x128xbf16, #tpu.memory_space<hbm>>
        %dma_wait3A_190 = arith.constant 0 : i32
        %dma_wait3A_191 = tpu.memref_slice %arg5[%arg0, %mul3A_180, %dma_wait3A_190] : memref<2x10000x128xbf16, #tpu.memory_space<hbm>> -> memref<1x80x128xbf16, #tpu.memory_space<hbm>>
        %dma_wait3A_192 = tpu.memref_squeeze %dma_wait3A_191 : memref<1x80x128xbf16, #tpu.memory_space<hbm>> -> memref<80x128xbf16, #tpu.memory_space<hbm>>
        tpu.wait_dma2 semaphore(%run_scoped3A : memref<!tpu.dma_semaphore, #tpu.memory_space<semaphore_mem>>) src(%arg14 : memref<80x128xbf16, #tpu.memory_space<vmem>>) dst(%dma_wait3A_192 : memref<80x128xbf16, #tpu.memory_space<hbm>>)
        tpu.yield
      }) : () -> ()
    } else {
    }
    %add3A_149 = arith.constant 64 : i32
    %add3A_150 = arith.addi %arg1, %add3A_149 : i32
    %lt3A_151 = arith.constant 125 : i32
    %lt3A_152 = arith.cmpi slt, %add3A_150, %lt3A_151 : i32
    %convert_element_type3A_153 = arith.extui %lt3A_152 : i1 to i32
    %cond3A_154 = arith.constant 0 : i32
    %cond3A_155 = arith.cmpi ne, %convert_element_type3A_153, %cond3A_154 : i32
    scf.if %cond3A_155 {
      %mul3A_177 = arith.constant 80 : i32
      %mul3A_178 = arith.muli %add3A_150, %mul3A_177 : i32
      "tpu.region"() ({
        %run_scoped3A = tpu.sem_alloc : memref<!tpu.dma_semaphore, #tpu.memory_space<semaphore_mem>>
        %dma_start3A_181 = arith.constant 0 : i32
        %dma_start3A_182 = tpu.memref_slice %arg18[%mul3A_178, %dma_start3A_181] : memref<10000x128xbf16, #tpu.memory_space<vmem_shared>> -> memref<80x128xbf16, #tpu.memory_space<vmem_shared>>
        %dma_start3A_183 = arith.constant 0 : i32
        %dma_start3A_184 = tpu.memref_slice %arg18[%mul3A_178, %dma_start3A_183] : memref<10000x128xbf16, #tpu.memory_space<vmem_shared>> -> memref<80x128xbf16, #tpu.memory_space<vmem_shared>>
        tpu.enqueue_dma source(%dma_start3A_184 : memref<80x128xbf16, #tpu.memory_space<vmem_shared>>) target(%arg14 : memref<80x128xbf16, #tpu.memory_space<vmem>>) target_semaphore(%run_scoped3A : memref<!tpu.dma_semaphore, #tpu.memory_space<semaphore_mem>>)
        %dma_wait3A_185 = arith.constant 0 : i32
        %dma_wait3A_186 = tpu.memref_slice %arg18[%mul3A_178, %dma_wait3A_185] : memref<10000x128xbf16, #tpu.memory_space<vmem_shared>> -> memref<80x128xbf16, #tpu.memory_space<vmem_shared>>
        %dma_wait3A_187 = arith.constant 0 : i32
        %dma_wait3A_188 = tpu.memref_slice %arg18[%mul3A_178, %dma_wait3A_187] : memref<10000x128xbf16, #tpu.memory_space<vmem_shared>> -> memref<80x128xbf16, #tpu.memory_space<vmem_shared>>
        tpu.wait_dma2 semaphore(%run_scoped3A : memref<!tpu.dma_semaphore, #tpu.memory_space<semaphore_mem>>) src(%dma_wait3A_188 : memref<80x128xbf16, #tpu.memory_space<vmem_shared>>) dst(%arg14 : memref<80x128xbf16, #tpu.memory_space<vmem>>)
        tpu.yield
      }) : () -> ()
      %mul3A_179 = arith.constant 80 : i32
      %mul3A_180 = arith.muli %add3A_150, %mul3A_179 : i32
      "tpu.region"() ({
        %run_scoped3A = tpu.sem_alloc : memref<!tpu.dma_semaphore, #tpu.memory_space<semaphore_mem>>
        %dma_start3A_181 = arith.constant 0 : i32
        %dma_start3A_182 = tpu.memref_slice %arg5[%arg0, %mul3A_180, %dma_start3A_181] : memref<2x10000x128xbf16, #tpu.memory_space<hbm>> -> memref<1x80x128xbf16, #tpu.memory_space<hbm>>
        %dma_start3A_183 = tpu.memref_squeeze %dma_start3A_182 : memref<1x80x128xbf16, #tpu.memory_space<hbm>> -> memref<80x128xbf16, #tpu.memory_space<hbm>>
        %dma_start3A_184 = arith.constant 0 : i32
        %dma_start3A_185 = tpu.memref_slice %arg5[%arg0, %mul3A_180, %dma_start3A_184] : memref<2x10000x128xbf16, #tpu.memory_space<hbm>> -> memref<1x80x128xbf16, #tpu.memory_space<hbm>>
        %dma_start3A_186 = tpu.memref_squeeze %dma_start3A_185 : memref<1x80x128xbf16, #tpu.memory_space<hbm>> -> memref<80x128xbf16, #tpu.memory_space<hbm>>
        tpu.enqueue_dma source(%arg14 : memref<80x128xbf16, #tpu.memory_space<vmem>>) target(%dma_start3A_186 : memref<80x128xbf16, #tpu.memory_space<hbm>>) target_semaphore(%run_scoped3A : memref<!tpu.dma_semaphore, #tpu.memory_space<semaphore_mem>>)
        %dma_wait3A_187 = arith.constant 0 : i32
        %dma_wait3A_188 = tpu.memref_slice %arg5[%arg0, %mul3A_180, %dma_wait3A_187] : memref<2x10000x128xbf16, #tpu.memory_space<hbm>> -> memref<1x80x128xbf16, #tpu.memory_space<hbm>>
        %dma_wait3A_189 = tpu.memref_squeeze %dma_wait3A_188 : memref<1x80x128xbf16, #tpu.memory_space<hbm>> -> memref<80x128xbf16, #tpu.memory_space<hbm>>
        %dma_wait3A_190 = arith.constant 0 : i32
        %dma_wait3A_191 = tpu.memref_slice %arg5[%arg0, %mul3A_180, %dma_wait3A_190] : memref<2x10000x128xbf16, #tpu.memory_space<hbm>> -> memref<1x80x128xbf16, #tpu.memory_space<hbm>>
        %dma_wait3A_192 = tpu.memref_squeeze %dma_wait3A_191 : memref<1x80x128xbf16, #tpu.memory_space<hbm>> -> memref<80x128xbf16, #tpu.memory_space<hbm>>
        tpu.wait_dma2 semaphore(%run_scoped3A : memref<!tpu.dma_semaphore, #tpu.memory_space<semaphore_mem>>) src(%arg14 : memref<80x128xbf16, #tpu.memory_space<vmem>>) dst(%dma_wait3A_192 : memref<80x128xbf16, #tpu.memory_space<hbm>>)
        tpu.yield
      }) : () -> ()
    } else {
    }
    %add3A_156 = arith.constant 80 : i32
    %add3A_157 = arith.addi %arg1, %add3A_156 : i32
    %lt3A_158 = arith.constant 125 : i32
    %lt3A_159 = arith.cmpi slt, %add3A_157, %lt3A_158 : i32
    %convert_element_type3A_160 = arith.extui %lt3A_159 : i1 to i32
    %cond3A_161 = arith.constant 0 : i32
    %cond3A_162 = arith.cmpi ne, %convert_element_type3A_160, %cond3A_161 : i32
    scf.if %cond3A_162 {
      %mul3A_177 = arith.constant 80 : i32
      %mul3A_178 = arith.muli %add3A_157, %mul3A_177 : i32
      "tpu.region"() ({
        %run_scoped3A = tpu.sem_alloc : memref<!tpu.dma_semaphore, #tpu.memory_space<semaphore_mem>>
        %dma_start3A_181 = arith.constant 0 : i32
        %dma_start3A_182 = tpu.memref_slice %arg18[%mul3A_178, %dma_start3A_181] : memref<10000x128xbf16, #tpu.memory_space<vmem_shared>> -> memref<80x128xbf16, #tpu.memory_space<vmem_shared>>
        %dma_start3A_183 = arith.constant 0 : i32
        %dma_start3A_184 = tpu.memref_slice %arg18[%mul3A_178, %dma_start3A_183] : memref<10000x128xbf16, #tpu.memory_space<vmem_shared>> -> memref<80x128xbf16, #tpu.memory_space<vmem_shared>>
        tpu.enqueue_dma source(%dma_start3A_184 : memref<80x128xbf16, #tpu.memory_space<vmem_shared>>) target(%arg14 : memref<80x128xbf16, #tpu.memory_space<vmem>>) target_semaphore(%run_scoped3A : memref<!tpu.dma_semaphore, #tpu.memory_space<semaphore_mem>>)
        %dma_wait3A_185 = arith.constant 0 : i32
        %dma_wait3A_186 = tpu.memref_slice %arg18[%mul3A_178, %dma_wait3A_185] : memref<10000x128xbf16, #tpu.memory_space<vmem_shared>> -> memref<80x128xbf16, #tpu.memory_space<vmem_shared>>
        %dma_wait3A_187 = arith.constant 0 : i32
        %dma_wait3A_188 = tpu.memref_slice %arg18[%mul3A_178, %dma_wait3A_187] : memref<10000x128xbf16, #tpu.memory_space<vmem_shared>> -> memref<80x128xbf16, #tpu.memory_space<vmem_shared>>
        tpu.wait_dma2 semaphore(%run_scoped3A : memref<!tpu.dma_semaphore, #tpu.memory_space<semaphore_mem>>) src(%dma_wait3A_188 : memref<80x128xbf16, #tpu.memory_space<vmem_shared>>) dst(%arg14 : memref<80x128xbf16, #tpu.memory_space<vmem>>)
        tpu.yield
      }) : () -> ()
      %mul3A_179 = arith.constant 80 : i32
      %mul3A_180 = arith.muli %add3A_157, %mul3A_179 : i32
      "tpu.region"() ({
        %run_scoped3A = tpu.sem_alloc : memref<!tpu.dma_semaphore, #tpu.memory_space<semaphore_mem>>
        %dma_start3A_181 = arith.constant 0 : i32
        %dma_start3A_182 = tpu.memref_slice %arg5[%arg0, %mul3A_180, %dma_start3A_181] : memref<2x10000x128xbf16, #tpu.memory_space<hbm>> -> memref<1x80x128xbf16, #tpu.memory_space<hbm>>
        %dma_start3A_183 = tpu.memref_squeeze %dma_start3A_182 : memref<1x80x128xbf16, #tpu.memory_space<hbm>> -> memref<80x128xbf16, #tpu.memory_space<hbm>>
        %dma_start3A_184 = arith.constant 0 : i32
        %dma_start3A_185 = tpu.memref_slice %arg5[%arg0, %mul3A_180, %dma_start3A_184] : memref<2x10000x128xbf16, #tpu.memory_space<hbm>> -> memref<1x80x128xbf16, #tpu.memory_space<hbm>>
        %dma_start3A_186 = tpu.memref_squeeze %dma_start3A_185 : memref<1x80x128xbf16, #tpu.memory_space<hbm>> -> memref<80x128xbf16, #tpu.memory_space<hbm>>
        tpu.enqueue_dma source(%arg14 : memref<80x128xbf16, #tpu.memory_space<vmem>>) target(%dma_start3A_186 : memref<80x128xbf16, #tpu.memory_space<hbm>>) target_semaphore(%run_scoped3A : memref<!tpu.dma_semaphore, #tpu.memory_space<semaphore_mem>>)
        %dma_wait3A_187 = arith.constant 0 : i32
        %dma_wait3A_188 = tpu.memref_slice %arg5[%arg0, %mul3A_180, %dma_wait3A_187] : memref<2x10000x128xbf16, #tpu.memory_space<hbm>> -> memref<1x80x128xbf16, #tpu.memory_space<hbm>>
        %dma_wait3A_189 = tpu.memref_squeeze %dma_wait3A_188 : memref<1x80x128xbf16, #tpu.memory_space<hbm>> -> memref<80x128xbf16, #tpu.memory_space<hbm>>
        %dma_wait3A_190 = arith.constant 0 : i32
        %dma_wait3A_191 = tpu.memref_slice %arg5[%arg0, %mul3A_180, %dma_wait3A_190] : memref<2x10000x128xbf16, #tpu.memory_space<hbm>> -> memref<1x80x128xbf16, #tpu.memory_space<hbm>>
        %dma_wait3A_192 = tpu.memref_squeeze %dma_wait3A_191 : memref<1x80x128xbf16, #tpu.memory_space<hbm>> -> memref<80x128xbf16, #tpu.memory_space<hbm>>
        tpu.wait_dma2 semaphore(%run_scoped3A : memref<!tpu.dma_semaphore, #tpu.memory_space<semaphore_mem>>) src(%arg14 : memref<80x128xbf16, #tpu.memory_space<vmem>>) dst(%dma_wait3A_192 : memref<80x128xbf16, #tpu.memory_space<hbm>>)
        tpu.yield
      }) : () -> ()
    } else {
    }
    %add3A_163 = arith.constant 96 : i32
    %add3A_164 = arith.addi %arg1, %add3A_163 : i32
    %lt3A_165 = arith.constant 125 : i32
    %lt3A_166 = arith.cmpi slt, %add3A_164, %lt3A_165 : i32
    %convert_element_type3A_167 = arith.extui %lt3A_166 : i1 to i32
    %cond3A_168 = arith.constant 0 : i32
    %cond3A_169 = arith.cmpi ne, %convert_element_type3A_167, %cond3A_168 : i32
    scf.if %cond3A_169 {
      %mul3A_177 = arith.constant 80 : i32
      %mul3A_178 = arith.muli %add3A_164, %mul3A_177 : i32
      "tpu.region"() ({
        %run_scoped3A = tpu.sem_alloc : memref<!tpu.dma_semaphore, #tpu.memory_space<semaphore_mem>>
        %dma_start3A_181 = arith.constant 0 : i32
        %dma_start3A_182 = tpu.memref_slice %arg18[%mul3A_178, %dma_start3A_181] : memref<10000x128xbf16, #tpu.memory_space<vmem_shared>> -> memref<80x128xbf16, #tpu.memory_space<vmem_shared>>
        %dma_start3A_183 = arith.constant 0 : i32
        %dma_start3A_184 = tpu.memref_slice %arg18[%mul3A_178, %dma_start3A_183] : memref<10000x128xbf16, #tpu.memory_space<vmem_shared>> -> memref<80x128xbf16, #tpu.memory_space<vmem_shared>>
        tpu.enqueue_dma source(%dma_start3A_184 : memref<80x128xbf16, #tpu.memory_space<vmem_shared>>) target(%arg14 : memref<80x128xbf16, #tpu.memory_space<vmem>>) target_semaphore(%run_scoped3A : memref<!tpu.dma_semaphore, #tpu.memory_space<semaphore_mem>>)
        %dma_wait3A_185 = arith.constant 0 : i32
        %dma_wait3A_186 = tpu.memref_slice %arg18[%mul3A_178, %dma_wait3A_185] : memref<10000x128xbf16, #tpu.memory_space<vmem_shared>> -> memref<80x128xbf16, #tpu.memory_space<vmem_shared>>
        %dma_wait3A_187 = arith.constant 0 : i32
        %dma_wait3A_188 = tpu.memref_slice %arg18[%mul3A_178, %dma_wait3A_187] : memref<10000x128xbf16, #tpu.memory_space<vmem_shared>> -> memref<80x128xbf16, #tpu.memory_space<vmem_shared>>
        tpu.wait_dma2 semaphore(%run_scoped3A : memref<!tpu.dma_semaphore, #tpu.memory_space<semaphore_mem>>) src(%dma_wait3A_188 : memref<80x128xbf16, #tpu.memory_space<vmem_shared>>) dst(%arg14 : memref<80x128xbf16, #tpu.memory_space<vmem>>)
        tpu.yield
      }) : () -> ()
      %mul3A_179 = arith.constant 80 : i32
      %mul3A_180 = arith.muli %add3A_164, %mul3A_179 : i32
      "tpu.region"() ({
        %run_scoped3A = tpu.sem_alloc : memref<!tpu.dma_semaphore, #tpu.memory_space<semaphore_mem>>
        %dma_start3A_181 = arith.constant 0 : i32
        %dma_start3A_182 = tpu.memref_slice %arg5[%arg0, %mul3A_180, %dma_start3A_181] : memref<2x10000x128xbf16, #tpu.memory_space<hbm>> -> memref<1x80x128xbf16, #tpu.memory_space<hbm>>
        %dma_start3A_183 = tpu.memref_squeeze %dma_start3A_182 : memref<1x80x128xbf16, #tpu.memory_space<hbm>> -> memref<80x128xbf16, #tpu.memory_space<hbm>>
        %dma_start3A_184 = arith.constant 0 : i32
        %dma_start3A_185 = tpu.memref_slice %arg5[%arg0, %mul3A_180, %dma_start3A_184] : memref<2x10000x128xbf16, #tpu.memory_space<hbm>> -> memref<1x80x128xbf16, #tpu.memory_space<hbm>>
        %dma_start3A_186 = tpu.memref_squeeze %dma_start3A_185 : memref<1x80x128xbf16, #tpu.memory_space<hbm>> -> memref<80x128xbf16, #tpu.memory_space<hbm>>
        tpu.enqueue_dma source(%arg14 : memref<80x128xbf16, #tpu.memory_space<vmem>>) target(%dma_start3A_186 : memref<80x128xbf16, #tpu.memory_space<hbm>>) target_semaphore(%run_scoped3A : memref<!tpu.dma_semaphore, #tpu.memory_space<semaphore_mem>>)
        %dma_wait3A_187 = arith.constant 0 : i32
        %dma_wait3A_188 = tpu.memref_slice %arg5[%arg0, %mul3A_180, %dma_wait3A_187] : memref<2x10000x128xbf16, #tpu.memory_space<hbm>> -> memref<1x80x128xbf16, #tpu.memory_space<hbm>>
        %dma_wait3A_189 = tpu.memref_squeeze %dma_wait3A_188 : memref<1x80x128xbf16, #tpu.memory_space<hbm>> -> memref<80x128xbf16, #tpu.memory_space<hbm>>
        %dma_wait3A_190 = arith.constant 0 : i32
        %dma_wait3A_191 = tpu.memref_slice %arg5[%arg0, %mul3A_180, %dma_wait3A_190] : memref<2x10000x128xbf16, #tpu.memory_space<hbm>> -> memref<1x80x128xbf16, #tpu.memory_space<hbm>>
        %dma_wait3A_192 = tpu.memref_squeeze %dma_wait3A_191 : memref<1x80x128xbf16, #tpu.memory_space<hbm>> -> memref<80x128xbf16, #tpu.memory_space<hbm>>
        tpu.wait_dma2 semaphore(%run_scoped3A : memref<!tpu.dma_semaphore, #tpu.memory_space<semaphore_mem>>) src(%arg14 : memref<80x128xbf16, #tpu.memory_space<vmem>>) dst(%dma_wait3A_192 : memref<80x128xbf16, #tpu.memory_space<hbm>>)
        tpu.yield
      }) : () -> ()
    } else {
    }
    %add3A_170 = arith.constant 112 : i32
    %add3A_171 = arith.addi %arg1, %add3A_170 : i32
    %lt3A_172 = arith.constant 125 : i32
    %lt3A_173 = arith.cmpi slt, %add3A_171, %lt3A_172 : i32
    %convert_element_type3A_174 = arith.extui %lt3A_173 : i1 to i32
    %cond3A_175 = arith.constant 0 : i32
    %cond3A_176 = arith.cmpi ne, %convert_element_type3A_174, %cond3A_175 : i32
    scf.if %cond3A_176 {
      %mul3A_177 = arith.constant 80 : i32
      %mul3A_178 = arith.muli %add3A_171, %mul3A_177 : i32
      "tpu.region"() ({
        %run_scoped3A = tpu.sem_alloc : memref<!tpu.dma_semaphore, #tpu.memory_space<semaphore_mem>>
        %dma_start3A_181 = arith.constant 0 : i32
        %dma_start3A_182 = tpu.memref_slice %arg18[%mul3A_178, %dma_start3A_181] : memref<10000x128xbf16, #tpu.memory_space<vmem_shared>> -> memref<80x128xbf16, #tpu.memory_space<vmem_shared>>
        %dma_start3A_183 = arith.constant 0 : i32
        %dma_start3A_184 = tpu.memref_slice %arg18[%mul3A_178, %dma_start3A_183] : memref<10000x128xbf16, #tpu.memory_space<vmem_shared>> -> memref<80x128xbf16, #tpu.memory_space<vmem_shared>>
        tpu.enqueue_dma source(%dma_start3A_184 : memref<80x128xbf16, #tpu.memory_space<vmem_shared>>) target(%arg14 : memref<80x128xbf16, #tpu.memory_space<vmem>>) target_semaphore(%run_scoped3A : memref<!tpu.dma_semaphore, #tpu.memory_space<semaphore_mem>>)
        %dma_wait3A_185 = arith.constant 0 : i32
        %dma_wait3A_186 = tpu.memref_slice %arg18[%mul3A_178, %dma_wait3A_185] : memref<10000x128xbf16, #tpu.memory_space<vmem_shared>> -> memref<80x128xbf16, #tpu.memory_space<vmem_shared>>
        %dma_wait3A_187 = arith.constant 0 : i32
        %dma_wait3A_188 = tpu.memref_slice %arg18[%mul3A_178, %dma_wait3A_187] : memref<10000x128xbf16, #tpu.memory_space<vmem_shared>> -> memref<80x128xbf16, #tpu.memory_space<vmem_shared>>
        tpu.wait_dma2 semaphore(%run_scoped3A : memref<!tpu.dma_semaphore, #tpu.memory_space<semaphore_mem>>) src(%dma_wait3A_188 : memref<80x128xbf16, #tpu.memory_space<vmem_shared>>) dst(%arg14 : memref<80x128xbf16, #tpu.memory_space<vmem>>)
        tpu.yield
      }) : () -> ()
      %mul3A_179 = arith.constant 80 : i32
      %mul3A_180 = arith.muli %add3A_171, %mul3A_179 : i32
      "tpu.region"() ({
        %run_scoped3A = tpu.sem_alloc : memref<!tpu.dma_semaphore, #tpu.memory_space<semaphore_mem>>
        %dma_start3A_181 = arith.constant 0 : i32
        %dma_start3A_182 = tpu.memref_slice %arg5[%arg0, %mul3A_180, %dma_start3A_181] : memref<2x10000x128xbf16, #tpu.memory_space<hbm>> -> memref<1x80x128xbf16, #tpu.memory_space<hbm>>
        %dma_start3A_183 = tpu.memref_squeeze %dma_start3A_182 : memref<1x80x128xbf16, #tpu.memory_space<hbm>> -> memref<80x128xbf16, #tpu.memory_space<hbm>>
        %dma_start3A_184 = arith.constant 0 : i32
        %dma_start3A_185 = tpu.memref_slice %arg5[%arg0, %mul3A_180, %dma_start3A_184] : memref<2x10000x128xbf16, #tpu.memory_space<hbm>> -> memref<1x80x128xbf16, #tpu.memory_space<hbm>>
        %dma_start3A_186 = tpu.memref_squeeze %dma_start3A_185 : memref<1x80x128xbf16, #tpu.memory_space<hbm>> -> memref<80x128xbf16, #tpu.memory_space<hbm>>
        tpu.enqueue_dma source(%arg14 : memref<80x128xbf16, #tpu.memory_space<vmem>>) target(%dma_start3A_186 : memref<80x128xbf16, #tpu.memory_space<hbm>>) target_semaphore(%run_scoped3A : memref<!tpu.dma_semaphore, #tpu.memory_space<semaphore_mem>>)
        %dma_wait3A_187 = arith.constant 0 : i32
        %dma_wait3A_188 = tpu.memref_slice %arg5[%arg0, %mul3A_180, %dma_wait3A_187] : memref<2x10000x128xbf16, #tpu.memory_space<hbm>> -> memref<1x80x128xbf16, #tpu.memory_space<hbm>>
        %dma_wait3A_189 = tpu.memref_squeeze %dma_wait3A_188 : memref<1x80x128xbf16, #tpu.memory_space<hbm>> -> memref<80x128xbf16, #tpu.memory_space<hbm>>
        %dma_wait3A_190 = arith.constant 0 : i32
        %dma_wait3A_191 = tpu.memref_slice %arg5[%arg0, %mul3A_180, %dma_wait3A_190] : memref<2x10000x128xbf16, #tpu.memory_space<hbm>> -> memref<1x80x128xbf16, #tpu.memory_space<hbm>>
        %dma_wait3A_192 = tpu.memref_squeeze %dma_wait3A_191 : memref<1x80x128xbf16, #tpu.memory_space<hbm>> -> memref<80x128xbf16, #tpu.memory_space<hbm>>
        tpu.wait_dma2 semaphore(%run_scoped3A : memref<!tpu.dma_semaphore, #tpu.memory_space<semaphore_mem>>) src(%arg14 : memref<80x128xbf16, #tpu.memory_space<vmem>>) dst(%dma_wait3A_192 : memref<80x128xbf16, #tpu.memory_space<hbm>>)
        tpu.yield
      }) : () -> ()
    } else {
    }
    return
  }
}

#map = affine_map<(d0, d1) -> (0, 0)>
#map1 = affine_map<(d0, d1) -> (0)>
#map2 = affine_map<(d0, d1) -> (0, 0, 0)>
module attributes {stable_mosaic.version = 14 : i64} {
  func.func @_sc_hpass_kernel(%arg0: i32, %arg1: i32, %arg2: memref<10000x128xbf16, #tpu.memory_space<hbm>>, %arg3: memref<320000xi32, #tpu.memory_space<hbm>>, %arg4: memref<320000xi32, #tpu.memory_space<hbm>>, %arg5: memref<2x10000x128xbf16, #tpu.memory_space<hbm>>, %arg6: memref<80xi32, #tpu.memory_space<vmem>>, %arg7: memref<80xi32, #tpu.memory_space<vmem>>, %arg8: memref<80xi32, #tpu.memory_space<vmem>>, %arg9: memref<80xi32, #tpu.memory_space<vmem>>, %arg10: memref<80xi32, #tpu.memory_space<vmem>>, %arg11: memref<80xi32, #tpu.memory_space<vmem>>, %arg12: memref<80xi32, #tpu.memory_space<vmem>>, %arg13: memref<80xi32, #tpu.memory_space<vmem>>, %arg14: memref<80x128xbf16, #tpu.memory_space<vmem>>, %arg15: memref<80x128xbf16, #tpu.memory_space<vmem>>, %arg16: memref<80x128xbf16, #tpu.memory_space<vmem>>, %arg17: memref<80x128xbf16, #tpu.memory_space<vmem>>, %arg18: memref<10000x128xbf16, #tpu.memory_space<vmem_shared>>, %arg19: memref<!tpu.dma_semaphore, #tpu.memory_space<semaphore_mem>>, %arg20: memref<!tpu.dma_semaphore, #tpu.memory_space<semaphore_mem>>, %arg21: memref<!tpu.dma_semaphore, #tpu.memory_space<semaphore_mem>>, %arg22: memref<!tpu.dma_semaphore, #tpu.memory_space<semaphore_mem>>, %arg23: memref<!tpu.dma_semaphore, #tpu.memory_space<semaphore_mem>>, %arg24: memref<!tpu.dma_semaphore, #tpu.memory_space<semaphore_mem>>, %arg25: memref<!tpu.dma_semaphore, #tpu.memory_space<semaphore_mem>>, %arg26: memref<!tpu.dma_semaphore, #tpu.memory_space<semaphore_mem>>, %arg27: memref<!tpu.dma_semaphore, #tpu.memory_space<semaphore_mem>>, %arg28: memref<!tpu.dma_semaphore, #tpu.memory_space<semaphore_mem>>, %arg29: memref<!tpu.dma_semaphore, #tpu.memory_space<semaphore_mem>>, %arg30: memref<!tpu.dma_semaphore, #tpu.memory_space<semaphore_mem>>, %arg31: memref<!tpu.dma_semaphore, #tpu.memory_space<semaphore_mem>>) attributes {dimension_semantics = [#tpu.dimension_semantics<core_parallel>, #tpu.dimension_semantics<subcore_parallel>], iteration_bounds = array<i64: 2, 16>, scalar_prefetch = 0 : i64, scratch_operands = 26 : i64, tpu.core_type = #tpu.core_type<sc_vector_subcore>, window_params = [{transform_indices = #map}, {transform_indices = #map1}, {transform_indices = #map1}, {transform_indices = #map2}]} {
    %mul3A = arith.constant 16 : i32
    %mul3A_0 = arith.muli %arg0, %mul3A : i32
    %add3A = arith.addi %mul3A_0, %arg1 : i32
    %mul3A_1 = arith.constant 10000 : i32
    %mul3A_2 = arith.muli %add3A, %mul3A_1 : i32
    %broadcast_in_dim3A = arith.constant 0.000000e+00 : bf16
    %broadcast_in_dim3A_3 = vector.broadcast %broadcast_in_dim3A : bf16 to vector<32xbf16>
    %scan3A = arith.constant 0 : i32
    %scan3A_4 = arith.constant 0 : i32
    %scan3A_5 = arith.constant 80 : i32
    %scan3A_6 = arith.addi %scan3A_4, %scan3A_5 : i32
    %scan3A_7 = arith.constant 1 : i32
    %scan3A_8 = scf.for %scan3A_177 = %scan3A_4 to %scan3A_6 step %scan3A_7 iter_args(%scan3A_178 = %scan3A) -> (i32)  : i32 {
      %swap3A = arith.index_cast %scan3A_177 : i32 to index
      %swap3A_179 = arith.constant 0 : index
      %swap3A_180 = tpu.vector_load %arg14[%swap3A, %swap3A_179] {strides = array<i32>} : memref<80x128xbf16, #tpu.memory_space<vmem>>, vector<1x32xbf16>,
      %swap3A_181 = vector.shape_cast %swap3A_180 : vector<1x32xbf16> to vector<32xbf16>
      %swap3A_182 = vector.shape_cast %broadcast_in_dim3A_3 : vector<32xbf16> to vector<1x32xbf16>
      tpu.vector_store %arg14[%swap3A, %swap3A_179], %swap3A_182 {strides = array<i32>} : memref<80x128xbf16, #tpu.memory_space<vmem>>, vector<1x32xbf16>,
      %swap3A_183 = arith.index_cast %scan3A_177 : i32 to index
      %swap3A_184 = arith.constant 32 : index
      %swap3A_185 = tpu.vector_load %arg14[%swap3A_183, %swap3A_184] {strides = array<i32>} : memref<80x128xbf16, #tpu.memory_space<vmem>>, vector<1x32xbf16>,
      %swap3A_186 = vector.shape_cast %swap3A_185 : vector<1x32xbf16> to vector<32xbf16>
      %swap3A_187 = vector.shape_cast %broadcast_in_dim3A_3 : vector<32xbf16> to vector<1x32xbf16>
      tpu.vector_store %arg14[%swap3A_183, %swap3A_184], %swap3A_187 {strides = array<i32>} : memref<80x128xbf16, #tpu.memory_space<vmem>>, vector<1x32xbf16>,
      %swap3A_188 = arith.index_cast %scan3A_177 : i32 to index
      %swap3A_189 = arith.constant 64 : index
      %swap3A_190 = tpu.vector_load %arg14[%swap3A_188, %swap3A_189] {strides = array<i32>} : memref<80x128xbf16, #tpu.memory_space<vmem>>, vector<1x32xbf16>,
      %swap3A_191 = vector.shape_cast %swap3A_190 : vector<1x32xbf16> to vector<32xbf16>
      %swap3A_192 = vector.shape_cast %broadcast_in_dim3A_3 : vector<32xbf16> to vector<1x32xbf16>
      tpu.vector_store %arg14[%swap3A_188, %swap3A_189], %swap3A_192 {strides = array<i32>} : memref<80x128xbf16, #tpu.memory_space<vmem>>, vector<1x32xbf16>,
      %swap3A_193 = arith.index_cast %scan3A_177 : i32 to index
      %swap3A_194 = arith.constant 96 : index
      %swap3A_195 = tpu.vector_load %arg14[%swap3A_193, %swap3A_194] {strides = array<i32>} : memref<80x128xbf16, #tpu.memory_space<vmem>>, vector<1x32xbf16>,
      %swap3A_196 = vector.shape_cast %swap3A_195 : vector<1x32xbf16> to vector<32xbf16>
      %swap3A_197 = vector.shape_cast %broadcast_in_dim3A_3 : vector<32xbf16> to vector<1x32xbf16>
      tpu.vector_store %arg14[%swap3A_193, %swap3A_194], %swap3A_197 {strides = array<i32>} : memref<80x128xbf16, #tpu.memory_space<vmem>>, vector<1x32xbf16>,
      %scan3A_198 = arith.constant 0 : i32
      scf.yield %scan3A_198 : i32
    }
    %scan3A_9 = arith.constant 80 : i32
    %add3A_10 = arith.constant 0 : i32
    %add3A_11 = arith.addi %arg1, %add3A_10 : i32
    %lt3A = arith.constant 125 : i32
    %lt3A_12 = arith.cmpi slt, %add3A_11, %lt3A : i32
    %convert_element_type3A = arith.extui %lt3A_12 : i1 to i32
    %cond3A = arith.constant 0 : i32
    %cond3A_13 = arith.cmpi ne, %convert_element_type3A, %cond3A : i32
    scf.if %cond3A_13 {
      %mul3A_177 = arith.constant 80 : i32
      %mul3A_178 = arith.muli %add3A_11, %mul3A_177 : i32
      "tpu.region"() ({
        %run_scoped3A = tpu.sem_alloc : memref<!tpu.dma_semaphore, #tpu.memory_space<semaphore_mem>>
        %dma_start3A_179 = arith.constant 0 : i32
        %dma_start3A_180 = tpu.memref_slice %arg18[%mul3A_178, %dma_start3A_179] : memref<10000x128xbf16, #tpu.memory_space<vmem_shared>> -> memref<80x128xbf16, #tpu.memory_space<vmem_shared>>
        %dma_start3A_181 = arith.constant 0 : i32
        %dma_start3A_182 = tpu.memref_slice %arg18[%mul3A_178, %dma_start3A_181] : memref<10000x128xbf16, #tpu.memory_space<vmem_shared>> -> memref<80x128xbf16, #tpu.memory_space<vmem_shared>>
        tpu.enqueue_dma source(%arg14 : memref<80x128xbf16, #tpu.memory_space<vmem>>) target(%dma_start3A_182 : memref<80x128xbf16, #tpu.memory_space<vmem_shared>>) target_semaphore(%run_scoped3A : memref<!tpu.dma_semaphore, #tpu.memory_space<semaphore_mem>>)
        %dma_wait3A_183 = arith.constant 0 : i32
        %dma_wait3A_184 = tpu.memref_slice %arg18[%mul3A_178, %dma_wait3A_183] : memref<10000x128xbf16, #tpu.memory_space<vmem_shared>> -> memref<80x128xbf16, #tpu.memory_space<vmem_shared>>
        %dma_wait3A_185 = arith.constant 0 : i32
        %dma_wait3A_186 = tpu.memref_slice %arg18[%mul3A_178, %dma_wait3A_185] : memref<10000x128xbf16, #tpu.memory_space<vmem_shared>> -> memref<80x128xbf16, #tpu.memory_space<vmem_shared>>
        tpu.wait_dma2 semaphore(%run_scoped3A : memref<!tpu.dma_semaphore, #tpu.memory_space<semaphore_mem>>) src(%arg14 : memref<80x128xbf16, #tpu.memory_space<vmem>>) dst(%dma_wait3A_186 : memref<80x128xbf16, #tpu.memory_space<vmem_shared>>)
        tpu.yield
      }) : () -> ()
    } else {
    }
    %add3A_14 = arith.constant 16 : i32
    %add3A_15 = arith.addi %arg1, %add3A_14 : i32
    %lt3A_16 = arith.constant 125 : i32
    %lt3A_17 = arith.cmpi slt, %add3A_15, %lt3A_16 : i32
    %convert_element_type3A_18 = arith.extui %lt3A_17 : i1 to i32
    %cond3A_19 = arith.constant 0 : i32
    %cond3A_20 = arith.cmpi ne, %convert_element_type3A_18, %cond3A_19 : i32
    scf.if %cond3A_20 {
      %mul3A_177 = arith.constant 80 : i32
      %mul3A_178 = arith.muli %add3A_15, %mul3A_177 : i32
      "tpu.region"() ({
        %run_scoped3A = tpu.sem_alloc : memref<!tpu.dma_semaphore, #tpu.memory_space<semaphore_mem>>
        %dma_start3A_179 = arith.constant 0 : i32
        %dma_start3A_180 = tpu.memref_slice %arg18[%mul3A_178, %dma_start3A_179] : memref<10000x128xbf16, #tpu.memory_space<vmem_shared>> -> memref<80x128xbf16, #tpu.memory_space<vmem_shared>>
        %dma_start3A_181 = arith.constant 0 : i32
        %dma_start3A_182 = tpu.memref_slice %arg18[%mul3A_178, %dma_start3A_181] : memref<10000x128xbf16, #tpu.memory_space<vmem_shared>> -> memref<80x128xbf16, #tpu.memory_space<vmem_shared>>
        tpu.enqueue_dma source(%arg14 : memref<80x128xbf16, #tpu.memory_space<vmem>>) target(%dma_start3A_182 : memref<80x128xbf16, #tpu.memory_space<vmem_shared>>) target_semaphore(%run_scoped3A : memref<!tpu.dma_semaphore, #tpu.memory_space<semaphore_mem>>)
        %dma_wait3A_183 = arith.constant 0 : i32
        %dma_wait3A_184 = tpu.memref_slice %arg18[%mul3A_178, %dma_wait3A_183] : memref<10000x128xbf16, #tpu.memory_space<vmem_shared>> -> memref<80x128xbf16, #tpu.memory_space<vmem_shared>>
        %dma_wait3A_185 = arith.constant 0 : i32
        %dma_wait3A_186 = tpu.memref_slice %arg18[%mul3A_178, %dma_wait3A_185] : memref<10000x128xbf16, #tpu.memory_space<vmem_shared>> -> memref<80x128xbf16, #tpu.memory_space<vmem_shared>>
        tpu.wait_dma2 semaphore(%run_scoped3A : memref<!tpu.dma_semaphore, #tpu.memory_space<semaphore_mem>>) src(%arg14 : memref<80x128xbf16, #tpu.memory_space<vmem>>) dst(%dma_wait3A_186 : memref<80x128xbf16, #tpu.memory_space<vmem_shared>>)
        tpu.yield
      }) : () -> ()
    } else {
    }
    %add3A_21 = arith.constant 32 : i32
    %add3A_22 = arith.addi %arg1, %add3A_21 : i32
    %lt3A_23 = arith.constant 125 : i32
    %lt3A_24 = arith.cmpi slt, %add3A_22, %lt3A_23 : i32
    %convert_element_type3A_25 = arith.extui %lt3A_24 : i1 to i32
    %cond3A_26 = arith.constant 0 : i32
    %cond3A_27 = arith.cmpi ne, %convert_element_type3A_25, %cond3A_26 : i32
    scf.if %cond3A_27 {
      %mul3A_177 = arith.constant 80 : i32
      %mul3A_178 = arith.muli %add3A_22, %mul3A_177 : i32
      "tpu.region"() ({
        %run_scoped3A = tpu.sem_alloc : memref<!tpu.dma_semaphore, #tpu.memory_space<semaphore_mem>>
        %dma_start3A_179 = arith.constant 0 : i32
        %dma_start3A_180 = tpu.memref_slice %arg18[%mul3A_178, %dma_start3A_179] : memref<10000x128xbf16, #tpu.memory_space<vmem_shared>> -> memref<80x128xbf16, #tpu.memory_space<vmem_shared>>
        %dma_start3A_181 = arith.constant 0 : i32
        %dma_start3A_182 = tpu.memref_slice %arg18[%mul3A_178, %dma_start3A_181] : memref<10000x128xbf16, #tpu.memory_space<vmem_shared>> -> memref<80x128xbf16, #tpu.memory_space<vmem_shared>>
        tpu.enqueue_dma source(%arg14 : memref<80x128xbf16, #tpu.memory_space<vmem>>) target(%dma_start3A_182 : memref<80x128xbf16, #tpu.memory_space<vmem_shared>>) target_semaphore(%run_scoped3A : memref<!tpu.dma_semaphore, #tpu.memory_space<semaphore_mem>>)
        %dma_wait3A_183 = arith.constant 0 : i32
        %dma_wait3A_184 = tpu.memref_slice %arg18[%mul3A_178, %dma_wait3A_183] : memref<10000x128xbf16, #tpu.memory_space<vmem_shared>> -> memref<80x128xbf16, #tpu.memory_space<vmem_shared>>
        %dma_wait3A_185 = arith.constant 0 : i32
        %dma_wait3A_186 = tpu.memref_slice %arg18[%mul3A_178, %dma_wait3A_185] : memref<10000x128xbf16, #tpu.memory_space<vmem_shared>> -> memref<80x128xbf16, #tpu.memory_space<vmem_shared>>
        tpu.wait_dma2 semaphore(%run_scoped3A : memref<!tpu.dma_semaphore, #tpu.memory_space<semaphore_mem>>) src(%arg14 : memref<80x128xbf16, #tpu.memory_space<vmem>>) dst(%dma_wait3A_186 : memref<80x128xbf16, #tpu.memory_space<vmem_shared>>)
        tpu.yield
      }) : () -> ()
    } else {
    }
    %add3A_28 = arith.constant 48 : i32
    %add3A_29 = arith.addi %arg1, %add3A_28 : i32
    %lt3A_30 = arith.constant 125 : i32
    %lt3A_31 = arith.cmpi slt, %add3A_29, %lt3A_30 : i32
    %convert_element_type3A_32 = arith.extui %lt3A_31 : i1 to i32
    %cond3A_33 = arith.constant 0 : i32
    %cond3A_34 = arith.cmpi ne, %convert_element_type3A_32, %cond3A_33 : i32
    scf.if %cond3A_34 {
      %mul3A_177 = arith.constant 80 : i32
      %mul3A_178 = arith.muli %add3A_29, %mul3A_177 : i32
      "tpu.region"() ({
        %run_scoped3A = tpu.sem_alloc : memref<!tpu.dma_semaphore, #tpu.memory_space<semaphore_mem>>
        %dma_start3A_179 = arith.constant 0 : i32
        %dma_start3A_180 = tpu.memref_slice %arg18[%mul3A_178, %dma_start3A_179] : memref<10000x128xbf16, #tpu.memory_space<vmem_shared>> -> memref<80x128xbf16, #tpu.memory_space<vmem_shared>>
        %dma_start3A_181 = arith.constant 0 : i32
        %dma_start3A_182 = tpu.memref_slice %arg18[%mul3A_178, %dma_start3A_181] : memref<10000x128xbf16, #tpu.memory_space<vmem_shared>> -> memref<80x128xbf16, #tpu.memory_space<vmem_shared>>
        tpu.enqueue_dma source(%arg14 : memref<80x128xbf16, #tpu.memory_space<vmem>>) target(%dma_start3A_182 : memref<80x128xbf16, #tpu.memory_space<vmem_shared>>) target_semaphore(%run_scoped3A : memref<!tpu.dma_semaphore, #tpu.memory_space<semaphore_mem>>)
        %dma_wait3A_183 = arith.constant 0 : i32
        %dma_wait3A_184 = tpu.memref_slice %arg18[%mul3A_178, %dma_wait3A_183] : memref<10000x128xbf16, #tpu.memory_space<vmem_shared>> -> memref<80x128xbf16, #tpu.memory_space<vmem_shared>>
        %dma_wait3A_185 = arith.constant 0 : i32
        %dma_wait3A_186 = tpu.memref_slice %arg18[%mul3A_178, %dma_wait3A_185] : memref<10000x128xbf16, #tpu.memory_space<vmem_shared>> -> memref<80x128xbf16, #tpu.memory_space<vmem_shared>>
        tpu.wait_dma2 semaphore(%run_scoped3A : memref<!tpu.dma_semaphore, #tpu.memory_space<semaphore_mem>>) src(%arg14 : memref<80x128xbf16, #tpu.memory_space<vmem>>) dst(%dma_wait3A_186 : memref<80x128xbf16, #tpu.memory_space<vmem_shared>>)
        tpu.yield
      }) : () -> ()
    } else {
    }
    %add3A_35 = arith.constant 64 : i32
    %add3A_36 = arith.addi %arg1, %add3A_35 : i32
    %lt3A_37 = arith.constant 125 : i32
    %lt3A_38 = arith.cmpi slt, %add3A_36, %lt3A_37 : i32
    %convert_element_type3A_39 = arith.extui %lt3A_38 : i1 to i32
    %cond3A_40 = arith.constant 0 : i32
    %cond3A_41 = arith.cmpi ne, %convert_element_type3A_39, %cond3A_40 : i32
    scf.if %cond3A_41 {
      %mul3A_177 = arith.constant 80 : i32
      %mul3A_178 = arith.muli %add3A_36, %mul3A_177 : i32
      "tpu.region"() ({
        %run_scoped3A = tpu.sem_alloc : memref<!tpu.dma_semaphore, #tpu.memory_space<semaphore_mem>>
        %dma_start3A_179 = arith.constant 0 : i32
        %dma_start3A_180 = tpu.memref_slice %arg18[%mul3A_178, %dma_start3A_179] : memref<10000x128xbf16, #tpu.memory_space<vmem_shared>> -> memref<80x128xbf16, #tpu.memory_space<vmem_shared>>
        %dma_start3A_181 = arith.constant 0 : i32
        %dma_start3A_182 = tpu.memref_slice %arg18[%mul3A_178, %dma_start3A_181] : memref<10000x128xbf16, #tpu.memory_space<vmem_shared>> -> memref<80x128xbf16, #tpu.memory_space<vmem_shared>>
        tpu.enqueue_dma source(%arg14 : memref<80x128xbf16, #tpu.memory_space<vmem>>) target(%dma_start3A_182 : memref<80x128xbf16, #tpu.memory_space<vmem_shared>>) target_semaphore(%run_scoped3A : memref<!tpu.dma_semaphore, #tpu.memory_space<semaphore_mem>>)
        %dma_wait3A_183 = arith.constant 0 : i32
        %dma_wait3A_184 = tpu.memref_slice %arg18[%mul3A_178, %dma_wait3A_183] : memref<10000x128xbf16, #tpu.memory_space<vmem_shared>> -> memref<80x128xbf16, #tpu.memory_space<vmem_shared>>
        %dma_wait3A_185 = arith.constant 0 : i32
        %dma_wait3A_186 = tpu.memref_slice %arg18[%mul3A_178, %dma_wait3A_185] : memref<10000x128xbf16, #tpu.memory_space<vmem_shared>> -> memref<80x128xbf16, #tpu.memory_space<vmem_shared>>
        tpu.wait_dma2 semaphore(%run_scoped3A : memref<!tpu.dma_semaphore, #tpu.memory_space<semaphore_mem>>) src(%arg14 : memref<80x128xbf16, #tpu.memory_space<vmem>>) dst(%dma_wait3A_186 : memref<80x128xbf16, #tpu.memory_space<vmem_shared>>)
        tpu.yield
      }) : () -> ()
    } else {
    }
    %add3A_42 = arith.constant 80 : i32
    %add3A_43 = arith.addi %arg1, %add3A_42 : i32
    %lt3A_44 = arith.constant 125 : i32
    %lt3A_45 = arith.cmpi slt, %add3A_43, %lt3A_44 : i32
    %convert_element_type3A_46 = arith.extui %lt3A_45 : i1 to i32
    %cond3A_47 = arith.constant 0 : i32
    %cond3A_48 = arith.cmpi ne, %convert_element_type3A_46, %cond3A_47 : i32
    scf.if %cond3A_48 {
      %mul3A_177 = arith.constant 80 : i32
      %mul3A_178 = arith.muli %add3A_43, %mul3A_177 : i32
      "tpu.region"() ({
        %run_scoped3A = tpu.sem_alloc : memref<!tpu.dma_semaphore, #tpu.memory_space<semaphore_mem>>
        %dma_start3A_179 = arith.constant 0 : i32
        %dma_start3A_180 = tpu.memref_slice %arg18[%mul3A_178, %dma_start3A_179] : memref<10000x128xbf16, #tpu.memory_space<vmem_shared>> -> memref<80x128xbf16, #tpu.memory_space<vmem_shared>>
        %dma_start3A_181 = arith.constant 0 : i32
        %dma_start3A_182 = tpu.memref_slice %arg18[%mul3A_178, %dma_start3A_181] : memref<10000x128xbf16, #tpu.memory_space<vmem_shared>> -> memref<80x128xbf16, #tpu.memory_space<vmem_shared>>
        tpu.enqueue_dma source(%arg14 : memref<80x128xbf16, #tpu.memory_space<vmem>>) target(%dma_start3A_182 : memref<80x128xbf16, #tpu.memory_space<vmem_shared>>) target_semaphore(%run_scoped3A : memref<!tpu.dma_semaphore, #tpu.memory_space<semaphore_mem>>)
        %dma_wait3A_183 = arith.constant 0 : i32
        %dma_wait3A_184 = tpu.memref_slice %arg18[%mul3A_178, %dma_wait3A_183] : memref<10000x128xbf16, #tpu.memory_space<vmem_shared>> -> memref<80x128xbf16, #tpu.memory_space<vmem_shared>>
        %dma_wait3A_185 = arith.constant 0 : i32
        %dma_wait3A_186 = tpu.memref_slice %arg18[%mul3A_178, %dma_wait3A_185] : memref<10000x128xbf16, #tpu.memory_space<vmem_shared>> -> memref<80x128xbf16, #tpu.memory_space<vmem_shared>>
        tpu.wait_dma2 semaphore(%run_scoped3A : memref<!tpu.dma_semaphore, #tpu.memory_space<semaphore_mem>>) src(%arg14 : memref<80x128xbf16, #tpu.memory_space<vmem>>) dst(%dma_wait3A_186 : memref<80x128xbf16, #tpu.memory_space<vmem_shared>>)
        tpu.yield
      }) : () -> ()
    } else {
    }
    %add3A_49 = arith.constant 96 : i32
    %add3A_50 = arith.addi %arg1, %add3A_49 : i32
    %lt3A_51 = arith.constant 125 : i32
    %lt3A_52 = arith.cmpi slt, %add3A_50, %lt3A_51 : i32
    %convert_element_type3A_53 = arith.extui %lt3A_52 : i1 to i32
    %cond3A_54 = arith.constant 0 : i32
    %cond3A_55 = arith.cmpi ne, %convert_element_type3A_53, %cond3A_54 : i32
    scf.if %cond3A_55 {
      %mul3A_177 = arith.constant 80 : i32
      %mul3A_178 = arith.muli %add3A_50, %mul3A_177 : i32
      "tpu.region"() ({
        %run_scoped3A = tpu.sem_alloc : memref<!tpu.dma_semaphore, #tpu.memory_space<semaphore_mem>>
        %dma_start3A_179 = arith.constant 0 : i32
        %dma_start3A_180 = tpu.memref_slice %arg18[%mul3A_178, %dma_start3A_179] : memref<10000x128xbf16, #tpu.memory_space<vmem_shared>> -> memref<80x128xbf16, #tpu.memory_space<vmem_shared>>
        %dma_start3A_181 = arith.constant 0 : i32
        %dma_start3A_182 = tpu.memref_slice %arg18[%mul3A_178, %dma_start3A_181] : memref<10000x128xbf16, #tpu.memory_space<vmem_shared>> -> memref<80x128xbf16, #tpu.memory_space<vmem_shared>>
        tpu.enqueue_dma source(%arg14 : memref<80x128xbf16, #tpu.memory_space<vmem>>) target(%dma_start3A_182 : memref<80x128xbf16, #tpu.memory_space<vmem_shared>>) target_semaphore(%run_scoped3A : memref<!tpu.dma_semaphore, #tpu.memory_space<semaphore_mem>>)
        %dma_wait3A_183 = arith.constant 0 : i32
        %dma_wait3A_184 = tpu.memref_slice %arg18[%mul3A_178, %dma_wait3A_183] : memref<10000x128xbf16, #tpu.memory_space<vmem_shared>> -> memref<80x128xbf16, #tpu.memory_space<vmem_shared>>
        %dma_wait3A_185 = arith.constant 0 : i32
        %dma_wait3A_186 = tpu.memref_slice %arg18[%mul3A_178, %dma_wait3A_185] : memref<10000x128xbf16, #tpu.memory_space<vmem_shared>> -> memref<80x128xbf16, #tpu.memory_space<vmem_shared>>
        tpu.wait_dma2 semaphore(%run_scoped3A : memref<!tpu.dma_semaphore, #tpu.memory_space<semaphore_mem>>) src(%arg14 : memref<80x128xbf16, #tpu.memory_space<vmem>>) dst(%dma_wait3A_186 : memref<80x128xbf16, #tpu.memory_space<vmem_shared>>)
        tpu.yield
      }) : () -> ()
    } else {
    }
    %add3A_56 = arith.constant 112 : i32
    %add3A_57 = arith.addi %arg1, %add3A_56 : i32
    %lt3A_58 = arith.constant 125 : i32
    %lt3A_59 = arith.cmpi slt, %add3A_57, %lt3A_58 : i32
    %convert_element_type3A_60 = arith.extui %lt3A_59 : i1 to i32
    %cond3A_61 = arith.constant 0 : i32
    %cond3A_62 = arith.cmpi ne, %convert_element_type3A_60, %cond3A_61 : i32
    scf.if %cond3A_62 {
      %mul3A_177 = arith.constant 80 : i32
      %mul3A_178 = arith.muli %add3A_57, %mul3A_177 : i32
      "tpu.region"() ({
        %run_scoped3A = tpu.sem_alloc : memref<!tpu.dma_semaphore, #tpu.memory_space<semaphore_mem>>
        %dma_start3A_179 = arith.constant 0 : i32
        %dma_start3A_180 = tpu.memref_slice %arg18[%mul3A_178, %dma_start3A_179] : memref<10000x128xbf16, #tpu.memory_space<vmem_shared>> -> memref<80x128xbf16, #tpu.memory_space<vmem_shared>>
        %dma_start3A_181 = arith.constant 0 : i32
        %dma_start3A_182 = tpu.memref_slice %arg18[%mul3A_178, %dma_start3A_181] : memref<10000x128xbf16, #tpu.memory_space<vmem_shared>> -> memref<80x128xbf16, #tpu.memory_space<vmem_shared>>
        tpu.enqueue_dma source(%arg14 : memref<80x128xbf16, #tpu.memory_space<vmem>>) target(%dma_start3A_182 : memref<80x128xbf16, #tpu.memory_space<vmem_shared>>) target_semaphore(%run_scoped3A : memref<!tpu.dma_semaphore, #tpu.memory_space<semaphore_mem>>)
        %dma_wait3A_183 = arith.constant 0 : i32
        %dma_wait3A_184 = tpu.memref_slice %arg18[%mul3A_178, %dma_wait3A_183] : memref<10000x128xbf16, #tpu.memory_space<vmem_shared>> -> memref<80x128xbf16, #tpu.memory_space<vmem_shared>>
        %dma_wait3A_185 = arith.constant 0 : i32
        %dma_wait3A_186 = tpu.memref_slice %arg18[%mul3A_178, %dma_wait3A_185] : memref<10000x128xbf16, #tpu.memory_space<vmem_shared>> -> memref<80x128xbf16, #tpu.memory_space<vmem_shared>>
        tpu.wait_dma2 semaphore(%run_scoped3A : memref<!tpu.dma_semaphore, #tpu.memory_space<semaphore_mem>>) src(%arg14 : memref<80x128xbf16, #tpu.memory_space<vmem>>) dst(%dma_wait3A_186 : memref<80x128xbf16, #tpu.memory_space<vmem_shared>>)
        tpu.yield
      }) : () -> ()
    } else {
    }
    %barrier3A = arith.constant 0 : index
    tpu.barrier barrier_id(%barrier3A)
    %add3A_63 = arith.constant 0 : i32
    %add3A_64 = arith.addi %mul3A_2, %add3A_63 : i32
    %dma_start3A = tpu.memref_slice %arg3[%add3A_64] : memref<320000xi32, #tpu.memory_space<hbm>> -> memref<80xi32, #tpu.memory_space<hbm>>
    %dma_start3A_65 = tpu.memref_slice %arg3[%add3A_64] : memref<320000xi32, #tpu.memory_space<hbm>> -> memref<80xi32, #tpu.memory_space<hbm>>
    tpu.enqueue_dma source(%dma_start3A_65 : memref<80xi32, #tpu.memory_space<hbm>>) target(%arg6 : memref<80xi32, #tpu.memory_space<vmem>>) target_semaphore(%arg19 : memref<!tpu.dma_semaphore, #tpu.memory_space<semaphore_mem>>)
    %dma_start3A_66 = tpu.memref_slice %arg4[%add3A_64] : memref<320000xi32, #tpu.memory_space<hbm>> -> memref<80xi32, #tpu.memory_space<hbm>>
    %dma_start3A_67 = tpu.memref_slice %arg4[%add3A_64] : memref<320000xi32, #tpu.memory_space<hbm>> -> memref<80xi32, #tpu.memory_space<hbm>>
    tpu.enqueue_dma source(%dma_start3A_67 : memref<80xi32, #tpu.memory_space<hbm>>) target(%arg10 : memref<80xi32, #tpu.memory_space<vmem>>) target_semaphore(%arg23 : memref<!tpu.dma_semaphore, #tpu.memory_space<semaphore_mem>>)
    %add3A_68 = arith.constant 80 : i32
    %add3A_69 = arith.addi %mul3A_2, %add3A_68 : i32
    %dma_start3A_70 = tpu.memref_slice %arg3[%add3A_69] : memref<320000xi32, #tpu.memory_space<hbm>> -> memref<80xi32, #tpu.memory_space<hbm>>
    %dma_start3A_71 = tpu.memref_slice %arg3[%add3A_69] : memref<320000xi32, #tpu.memory_space<hbm>> -> memref<80xi32, #tpu.memory_space<hbm>>
    tpu.enqueue_dma source(%dma_start3A_71 : memref<80xi32, #tpu.memory_space<hbm>>) target(%arg7 : memref<80xi32, #tpu.memory_space<vmem>>) target_semaphore(%arg20 : memref<!tpu.dma_semaphore, #tpu.memory_space<semaphore_mem>>)
    %dma_start3A_72 = tpu.memref_slice %arg4[%add3A_69] : memref<320000xi32, #tpu.memory_space<hbm>> -> memref<80xi32, #tpu.memory_space<hbm>>
    %dma_start3A_73 = tpu.memref_slice %arg4[%add3A_69] : memref<320000xi32, #tpu.memory_space<hbm>> -> memref<80xi32, #tpu.memory_space<hbm>>
    tpu.enqueue_dma source(%dma_start3A_73 : memref<80xi32, #tpu.memory_space<hbm>>) target(%arg11 : memref<80xi32, #tpu.memory_space<vmem>>) target_semaphore(%arg24 : memref<!tpu.dma_semaphore, #tpu.memory_space<semaphore_mem>>)
    %add3A_74 = arith.constant 160 : i32
    %add3A_75 = arith.addi %mul3A_2, %add3A_74 : i32
    %dma_start3A_76 = tpu.memref_slice %arg3[%add3A_75] : memref<320000xi32, #tpu.memory_space<hbm>> -> memref<80xi32, #tpu.memory_space<hbm>>
    %dma_start3A_77 = tpu.memref_slice %arg3[%add3A_75] : memref<320000xi32, #tpu.memory_space<hbm>> -> memref<80xi32, #tpu.memory_space<hbm>>
    tpu.enqueue_dma source(%dma_start3A_77 : memref<80xi32, #tpu.memory_space<hbm>>) target(%arg8 : memref<80xi32, #tpu.memory_space<vmem>>) target_semaphore(%arg21 : memref<!tpu.dma_semaphore, #tpu.memory_space<semaphore_mem>>)
    %dma_start3A_78 = tpu.memref_slice %arg4[%add3A_75] : memref<320000xi32, #tpu.memory_space<hbm>> -> memref<80xi32, #tpu.memory_space<hbm>>
    %dma_start3A_79 = tpu.memref_slice %arg4[%add3A_75] : memref<320000xi32, #tpu.memory_space<hbm>> -> memref<80xi32, #tpu.memory_space<hbm>>
    tpu.enqueue_dma source(%dma_start3A_79 : memref<80xi32, #tpu.memory_space<hbm>>) target(%arg12 : memref<80xi32, #tpu.memory_space<vmem>>) target_semaphore(%arg25 : memref<!tpu.dma_semaphore, #tpu.memory_space<semaphore_mem>>)
    %add3A_80 = arith.constant 240 : i32
    %add3A_81 = arith.addi %mul3A_2, %add3A_80 : i32
    %dma_start3A_82 = tpu.memref_slice %arg3[%add3A_81] : memref<320000xi32, #tpu.memory_space<hbm>> -> memref<80xi32, #tpu.memory_space<hbm>>
    %dma_start3A_83 = tpu.memref_slice %arg3[%add3A_81] : memref<320000xi32, #tpu.memory_space<hbm>> -> memref<80xi32, #tpu.memory_space<hbm>>
    tpu.enqueue_dma source(%dma_start3A_83 : memref<80xi32, #tpu.memory_space<hbm>>) target(%arg9 : memref<80xi32, #tpu.memory_space<vmem>>) target_semaphore(%arg22 : memref<!tpu.dma_semaphore, #tpu.memory_space<semaphore_mem>>)
    %dma_start3A_84 = tpu.memref_slice %arg4[%add3A_81] : memref<320000xi32, #tpu.memory_space<hbm>> -> memref<80xi32, #tpu.memory_space<hbm>>
    %dma_start3A_85 = tpu.memref_slice %arg4[%add3A_81] : memref<320000xi32, #tpu.memory_space<hbm>> -> memref<80xi32, #tpu.memory_space<hbm>>
    tpu.enqueue_dma source(%dma_start3A_85 : memref<80xi32, #tpu.memory_space<hbm>>) target(%arg13 : memref<80xi32, #tpu.memory_space<vmem>>) target_semaphore(%arg26 : memref<!tpu.dma_semaphore, #tpu.memory_space<semaphore_mem>>)
    %add3A_86 = arith.constant 0 : i32
    %add3A_87 = arith.addi %mul3A_2, %add3A_86 : i32
    %dma_wait3A = tpu.memref_slice %arg3[%add3A_87] : memref<320000xi32, #tpu.memory_space<hbm>> -> memref<80xi32, #tpu.memory_space<hbm>>
    %dma_wait3A_88 = tpu.memref_slice %arg3[%add3A_87] : memref<320000xi32, #tpu.memory_space<hbm>> -> memref<80xi32, #tpu.memory_space<hbm>>
    tpu.wait_dma2 semaphore(%arg19 : memref<!tpu.dma_semaphore, #tpu.memory_space<semaphore_mem>>) src(%dma_wait3A_88 : memref<80xi32, #tpu.memory_space<hbm>>) dst(%arg6 : memref<80xi32, #tpu.memory_space<vmem>>)
    %dma_start3A_89 = arith.constant 0 : i32
    %dma_start3A_90 = arith.constant 0 : i32
    %dma_start3A_91 = tpu.memref_slice %arg2[%dma_start3A_89, %dma_start3A_90] : memref<10000x128xbf16, #tpu.memory_space<hbm>> -> memref<10000x128xbf16, #tpu.memory_space<hbm>>
    tpu.enqueue_indirect_dma source(%dma_start3A_91 : memref<10000x128xbf16, #tpu.memory_space<hbm>>) target(%arg14 : memref<80x128xbf16, #tpu.memory_space<vmem>>) offsets(%arg6 : memref<80xi32, #tpu.memory_space<vmem>>) semaphore(%arg27 : memref<!tpu.dma_semaphore, #tpu.memory_space<semaphore_mem>>)
    %add3A_92 = arith.constant 80 : i32
    %add3A_93 = arith.addi %mul3A_2, %add3A_92 : i32
    %dma_wait3A_94 = tpu.memref_slice %arg3[%add3A_93] : memref<320000xi32, #tpu.memory_space<hbm>> -> memref<80xi32, #tpu.memory_space<hbm>>
    %dma_wait3A_95 = tpu.memref_slice %arg3[%add3A_93] : memref<320000xi32, #tpu.memory_space<hbm>> -> memref<80xi32, #tpu.memory_space<hbm>>
    tpu.wait_dma2 semaphore(%arg20 : memref<!tpu.dma_semaphore, #tpu.memory_space<semaphore_mem>>) src(%dma_wait3A_95 : memref<80xi32, #tpu.memory_space<hbm>>) dst(%arg7 : memref<80xi32, #tpu.memory_space<vmem>>)
    %dma_start3A_96 = arith.constant 0 : i32
    %dma_start3A_97 = arith.constant 0 : i32
    %dma_start3A_98 = tpu.memref_slice %arg2[%dma_start3A_96, %dma_start3A_97] : memref<10000x128xbf16, #tpu.memory_space<hbm>> -> memref<10000x128xbf16, #tpu.memory_space<hbm>>
    tpu.enqueue_indirect_dma source(%dma_start3A_98 : memref<10000x128xbf16, #tpu.memory_space<hbm>>) target(%arg15 : memref<80x128xbf16, #tpu.memory_space<vmem>>) offsets(%arg7 : memref<80xi32, #tpu.memory_space<vmem>>) semaphore(%arg28 : memref<!tpu.dma_semaphore, #tpu.memory_space<semaphore_mem>>)
    %add3A_99 = arith.constant 160 : i32
    %add3A_100 = arith.addi %mul3A_2, %add3A_99 : i32
    %dma_wait3A_101 = tpu.memref_slice %arg3[%add3A_100] : memref<320000xi32, #tpu.memory_space<hbm>> -> memref<80xi32, #tpu.memory_space<hbm>>
    %dma_wait3A_102 = tpu.memref_slice %arg3[%add3A_100] : memref<320000xi32, #tpu.memory_space<hbm>> -> memref<80xi32, #tpu.memory_space<hbm>>
    tpu.wait_dma2 semaphore(%arg21 : memref<!tpu.dma_semaphore, #tpu.memory_space<semaphore_mem>>) src(%dma_wait3A_102 : memref<80xi32, #tpu.memory_space<hbm>>) dst(%arg8 : memref<80xi32, #tpu.memory_space<vmem>>)
    %dma_start3A_103 = arith.constant 0 : i32
    %dma_start3A_104 = arith.constant 0 : i32
    %dma_start3A_105 = tpu.memref_slice %arg2[%dma_start3A_103, %dma_start3A_104] : memref<10000x128xbf16, #tpu.memory_space<hbm>> -> memref<10000x128xbf16, #tpu.memory_space<hbm>>
    tpu.enqueue_indirect_dma source(%dma_start3A_105 : memref<10000x128xbf16, #tpu.memory_space<hbm>>) target(%arg16 : memref<80x128xbf16, #tpu.memory_space<vmem>>) offsets(%arg8 : memref<80xi32, #tpu.memory_space<vmem>>) semaphore(%arg29 : memref<!tpu.dma_semaphore, #tpu.memory_space<semaphore_mem>>)
    %add3A_106 = arith.constant 240 : i32
    %add3A_107 = arith.addi %mul3A_2, %add3A_106 : i32
    %dma_wait3A_108 = tpu.memref_slice %arg3[%add3A_107] : memref<320000xi32, #tpu.memory_space<hbm>> -> memref<80xi32, #tpu.memory_space<hbm>>
    %dma_wait3A_109 = tpu.memref_slice %arg3[%add3A_107] : memref<320000xi32, #tpu.memory_space<hbm>> -> memref<80xi32, #tpu.memory_space<hbm>>
    tpu.wait_dma2 semaphore(%arg22 : memref<!tpu.dma_semaphore, #tpu.memory_space<semaphore_mem>>) src(%dma_wait3A_109 : memref<80xi32, #tpu.memory_space<hbm>>) dst(%arg9 : memref<80xi32, #tpu.memory_space<vmem>>)
    %dma_start3A_110 = arith.constant 0 : i32
    %dma_start3A_111 = arith.constant 0 : i32
    %dma_start3A_112 = tpu.memref_slice %arg2[%dma_start3A_110, %dma_start3A_111] : memref<10000x128xbf16, #tpu.memory_space<hbm>> -> memref<10000x128xbf16, #tpu.memory_space<hbm>>
    tpu.enqueue_indirect_dma source(%dma_start3A_112 : memref<10000x128xbf16, #tpu.memory_space<hbm>>) target(%arg17 : memref<80x128xbf16, #tpu.memory_space<vmem>>) offsets(%arg9 : memref<80xi32, #tpu.memory_space<vmem>>) semaphore(%arg30 : memref<!tpu.dma_semaphore, #tpu.memory_space<semaphore_mem>>)
    %scan3A_113 = arith.constant 0 : i32
    %scan3A_114 = arith.constant 0 : i32
    %scan3A_115 = arith.constant 32 : i32
    %scan3A_116 = arith.addi %scan3A_114, %scan3A_115 : i32
    %scan3A_117 = arith.constant 1 : i32
    %scan3A_118 = scf.for %scan3A_177 = %scan3A_114 to %scan3A_116 step %scan3A_117 iter_args(%scan3A_178 = %scan3A_113) -> (i32)  : i32 {
      %mul3A_179 = arith.constant 4 : i32
      %mul3A_180 = arith.muli %scan3A_177, %mul3A_179 : i32
      %add3A_181 = arith.constant 0 : i32
      %add3A_182 = arith.addi %mul3A_180, %add3A_181 : i32
      %lt3A_183 = arith.constant 125 : i32
      %lt3A_184 = arith.cmpi slt, %add3A_182, %lt3A_183 : i32
      %convert_element_type3A_185 = arith.extui %lt3A_184 : i1 to i32
      %cond3A_186 = arith.constant 0 : i32
      %cond3A_187 = arith.cmpi ne, %convert_element_type3A_185, %cond3A_186 : i32
      scf.if %cond3A_187 {
        %mul3A_223 = arith.constant 80 : i32
        %mul3A_224 = arith.muli %add3A_182, %mul3A_223 : i32
        %add3A_225 = arith.addi %mul3A_2, %mul3A_224 : i32
        %dma_wait3A_226 = arith.constant 0 : i32
        %dma_wait3A_227 = arith.constant 0 : i32
        %dma_wait3A_228 = tpu.memref_slice %arg2[%dma_wait3A_226, %dma_wait3A_227] : memref<10000x128xbf16, #tpu.memory_space<hbm>> -> memref<10000x128xbf16, #tpu.memory_space<hbm>>
        tpu.wait_indirect_dma semaphore(%arg27 : memref<!tpu.dma_semaphore, #tpu.memory_space<semaphore_mem>>) src(%dma_wait3A_228 : memref<10000x128xbf16, #tpu.memory_space<hbm>>) dst(%arg14 : memref<80x128xbf16, #tpu.memory_space<vmem>>)
        %dma_wait3A_229 = tpu.memref_slice %arg4[%add3A_225] : memref<320000xi32, #tpu.memory_space<hbm>> -> memref<80xi32, #tpu.memory_space<hbm>>
        %dma_wait3A_230 = tpu.memref_slice %arg4[%add3A_225] : memref<320000xi32, #tpu.memory_space<hbm>> -> memref<80xi32, #tpu.memory_space<hbm>>
        tpu.wait_dma2 semaphore(%arg23 : memref<!tpu.dma_semaphore, #tpu.memory_space<semaphore_mem>>) src(%dma_wait3A_230 : memref<80xi32, #tpu.memory_space<hbm>>) dst(%arg10 : memref<80xi32, #tpu.memory_space<vmem>>)
        "tpu.region"() ({
          %run_scoped3A = tpu.sem_alloc : memref<!tpu.dma_semaphore, #tpu.memory_space<semaphore_mem>>
          %dma_start3A_238 = arith.constant 0 : i32
          %dma_start3A_239 = arith.constant 0 : i32
          %dma_start3A_240 = tpu.memref_slice %arg18[%dma_start3A_238, %dma_start3A_239] : memref<10000x128xbf16, #tpu.memory_space<vmem_shared>> -> memref<10000x128xbf16, #tpu.memory_space<vmem_shared>>
          tpu.enqueue_indirect_dma source(%arg14 : memref<80x128xbf16, #tpu.memory_space<vmem>>) target(%dma_start3A_240 : memref<10000x128xbf16, #tpu.memory_space<vmem_shared>>) offsets(%arg10 : memref<80xi32, #tpu.memory_space<vmem>>) semaphore(%run_scoped3A : memref<!tpu.dma_semaphore, #tpu.memory_space<semaphore_mem>>) {add = true}
          %dma_wait3A_241 = arith.constant 0 : i32
          %dma_wait3A_242 = arith.constant 0 : i32
          %dma_wait3A_243 = tpu.memref_slice %arg18[%dma_wait3A_241, %dma_wait3A_242] : memref<10000x128xbf16, #tpu.memory_space<vmem_shared>> -> memref<10000x128xbf16, #tpu.memory_space<vmem_shared>>
          tpu.wait_indirect_dma semaphore(%run_scoped3A : memref<!tpu.dma_semaphore, #tpu.memory_space<semaphore_mem>>) src(%arg14 : memref<80x128xbf16, #tpu.memory_space<vmem>>) dst(%dma_wait3A_243 : memref<10000x128xbf16, #tpu.memory_space<vmem_shared>>)
          tpu.yield
        }) : () -> ()
        %add3A_231 = arith.constant 4 : i32
        %add3A_232 = arith.addi %add3A_182, %add3A_231 : i32
        %lt3A_233 = arith.constant 125 : i32
        %lt3A_234 = arith.cmpi slt, %add3A_232, %lt3A_233 : i32
        %convert_element_type3A_235 = arith.extui %lt3A_234 : i1 to i32
        %cond3A_236 = arith.constant 0 : i32
        %cond3A_237 = arith.cmpi ne, %convert_element_type3A_235, %cond3A_236 : i32
        scf.if %cond3A_237 {
          %add3A_238 = arith.constant 4 : i32
          %add3A_239 = arith.addi %add3A_182, %add3A_238 : i32
          %mul3A_240 = arith.constant 80 : i32
          %mul3A_241 = arith.muli %add3A_239, %mul3A_240 : i32
          %add3A_242 = arith.addi %mul3A_2, %mul3A_241 : i32
          %dma_start3A_243 = tpu.memref_slice %arg3[%add3A_242] : memref<320000xi32, #tpu.memory_space<hbm>> -> memref<80xi32, #tpu.memory_space<hbm>>
          %dma_start3A_244 = tpu.memref_slice %arg3[%add3A_242] : memref<320000xi32, #tpu.memory_space<hbm>> -> memref<80xi32, #tpu.memory_space<hbm>>
          tpu.enqueue_dma source(%dma_start3A_244 : memref<80xi32, #tpu.memory_space<hbm>>) target(%arg6 : memref<80xi32, #tpu.memory_space<vmem>>) target_semaphore(%arg19 : memref<!tpu.dma_semaphore, #tpu.memory_space<semaphore_mem>>)
          %dma_start3A_245 = tpu.memref_slice %arg4[%add3A_242] : memref<320000xi32, #tpu.memory_space<hbm>> -> memref<80xi32, #tpu.memory_space<hbm>>
          %dma_start3A_246 = tpu.memref_slice %arg4[%add3A_242] : memref<320000xi32, #tpu.memory_space<hbm>> -> memref<80xi32, #tpu.memory_space<hbm>>
          tpu.enqueue_dma source(%dma_start3A_246 : memref<80xi32, #tpu.memory_space<hbm>>) target(%arg10 : memref<80xi32, #tpu.memory_space<vmem>>) target_semaphore(%arg23 : memref<!tpu.dma_semaphore, #tpu.memory_space<semaphore_mem>>)
        } else {
        }
      } else {
      }
      %mul3A_188 = arith.constant 4 : i32
      %mul3A_189 = arith.muli %scan3A_177, %mul3A_188 : i32
      %add3A_190 = arith.constant 1 : i32
      %add3A_191 = arith.addi %mul3A_189, %add3A_190 : i32
      %lt3A_192 = arith.constant 125 : i32
      %lt3A_193 = arith.cmpi slt, %add3A_191, %lt3A_192 : i32
      %convert_element_type3A_194 = arith.extui %lt3A_193 : i1 to i32
      %cond3A_195 = arith.constant 0 : i32
      %cond3A_196 = arith.cmpi ne, %convert_element_type3A_194, %cond3A_195 : i32
      scf.if %cond3A_196 {
        %mul3A_223 = arith.constant 80 : i32
        %mul3A_224 = arith.muli %add3A_191, %mul3A_223 : i32
        %add3A_225 = arith.addi %mul3A_2, %mul3A_224 : i32
        %dma_wait3A_226 = arith.constant 0 : i32
        %dma_wait3A_227 = arith.constant 0 : i32
        %dma_wait3A_228 = tpu.memref_slice %arg2[%dma_wait3A_226, %dma_wait3A_227] : memref<10000x128xbf16, #tpu.memory_space<hbm>> -> memref<10000x128xbf16, #tpu.memory_space<hbm>>
        tpu.wait_indirect_dma semaphore(%arg28 : memref<!tpu.dma_semaphore, #tpu.memory_space<semaphore_mem>>) src(%dma_wait3A_228 : memref<10000x128xbf16, #tpu.memory_space<hbm>>) dst(%arg15 : memref<80x128xbf16, #tpu.memory_space<vmem>>)
        %dma_wait3A_229 = tpu.memref_slice %arg4[%add3A_225] : memref<320000xi32, #tpu.memory_space<hbm>> -> memref<80xi32, #tpu.memory_space<hbm>>
        %dma_wait3A_230 = tpu.memref_slice %arg4[%add3A_225] : memref<320000xi32, #tpu.memory_space<hbm>> -> memref<80xi32, #tpu.memory_space<hbm>>
        tpu.wait_dma2 semaphore(%arg24 : memref<!tpu.dma_semaphore, #tpu.memory_space<semaphore_mem>>) src(%dma_wait3A_230 : memref<80xi32, #tpu.memory_space<hbm>>) dst(%arg11 : memref<80xi32, #tpu.memory_space<vmem>>)
        "tpu.region"() ({
          %run_scoped3A = tpu.sem_alloc : memref<!tpu.dma_semaphore, #tpu.memory_space<semaphore_mem>>
          %dma_start3A_238 = arith.constant 0 : i32
          %dma_start3A_239 = arith.constant 0 : i32
          %dma_start3A_240 = tpu.memref_slice %arg18[%dma_start3A_238, %dma_start3A_239] : memref<10000x128xbf16, #tpu.memory_space<vmem_shared>> -> memref<10000x128xbf16, #tpu.memory_space<vmem_shared>>
          tpu.enqueue_indirect_dma source(%arg15 : memref<80x128xbf16, #tpu.memory_space<vmem>>) target(%dma_start3A_240 : memref<10000x128xbf16, #tpu.memory_space<vmem_shared>>) offsets(%arg11 : memref<80xi32, #tpu.memory_space<vmem>>) semaphore(%run_scoped3A : memref<!tpu.dma_semaphore, #tpu.memory_space<semaphore_mem>>) {add = true}
          %dma_wait3A_241 = arith.constant 0 : i32
          %dma_wait3A_242 = arith.constant 0 : i32
          %dma_wait3A_243 = tpu.memref_slice %arg18[%dma_wait3A_241, %dma_wait3A_242] : memref<10000x128xbf16, #tpu.memory_space<vmem_shared>> -> memref<10000x128xbf16, #tpu.memory_space<vmem_shared>>
          tpu.wait_indirect_dma semaphore(%run_scoped3A : memref<!tpu.dma_semaphore, #tpu.memory_space<semaphore_mem>>) src(%arg15 : memref<80x128xbf16, #tpu.memory_space<vmem>>) dst(%dma_wait3A_243 : memref<10000x128xbf16, #tpu.memory_space<vmem_shared>>)
          tpu.yield
        }) : () -> ()
        %add3A_231 = arith.constant 4 : i32
        %add3A_232 = arith.addi %add3A_191, %add3A_231 : i32
        %lt3A_233 = arith.constant 125 : i32
        %lt3A_234 = arith.cmpi slt, %add3A_232, %lt3A_233 : i32
        %convert_element_type3A_235 = arith.extui %lt3A_234 : i1 to i32
        %cond3A_236 = arith.constant 0 : i32
        %cond3A_237 = arith.cmpi ne, %convert_element_type3A_235, %cond3A_236 : i32
        scf.if %cond3A_237 {
          %add3A_238 = arith.constant 4 : i32
          %add3A_239 = arith.addi %add3A_191, %add3A_238 : i32
          %mul3A_240 = arith.constant 80 : i32
          %mul3A_241 = arith.muli %add3A_239, %mul3A_240 : i32
          %add3A_242 = arith.addi %mul3A_2, %mul3A_241 : i32
          %dma_start3A_243 = tpu.memref_slice %arg3[%add3A_242] : memref<320000xi32, #tpu.memory_space<hbm>> -> memref<80xi32, #tpu.memory_space<hbm>>
          %dma_start3A_244 = tpu.memref_slice %arg3[%add3A_242] : memref<320000xi32, #tpu.memory_space<hbm>> -> memref<80xi32, #tpu.memory_space<hbm>>
          tpu.enqueue_dma source(%dma_start3A_244 : memref<80xi32, #tpu.memory_space<hbm>>) target(%arg7 : memref<80xi32, #tpu.memory_space<vmem>>) target_semaphore(%arg20 : memref<!tpu.dma_semaphore, #tpu.memory_space<semaphore_mem>>)
          %dma_start3A_245 = tpu.memref_slice %arg4[%add3A_242] : memref<320000xi32, #tpu.memory_space<hbm>> -> memref<80xi32, #tpu.memory_space<hbm>>
          %dma_start3A_246 = tpu.memref_slice %arg4[%add3A_242] : memref<320000xi32, #tpu.memory_space<hbm>> -> memref<80xi32, #tpu.memory_space<hbm>>
          tpu.enqueue_dma source(%dma_start3A_246 : memref<80xi32, #tpu.memory_space<hbm>>) target(%arg11 : memref<80xi32, #tpu.memory_space<vmem>>) target_semaphore(%arg24 : memref<!tpu.dma_semaphore, #tpu.memory_space<semaphore_mem>>)
        } else {
        }
      } else {
      }
      %mul3A_197 = arith.constant 4 : i32
      %mul3A_198 = arith.muli %scan3A_177, %mul3A_197 : i32
      %add3A_199 = arith.constant 2 : i32
      %add3A_200 = arith.addi %mul3A_198, %add3A_199 : i32
      %lt3A_201 = arith.constant 125 : i32
      %lt3A_202 = arith.cmpi slt, %add3A_200, %lt3A_201 : i32
      %convert_element_type3A_203 = arith.extui %lt3A_202 : i1 to i32
      %cond3A_204 = arith.constant 0 : i32
      %cond3A_205 = arith.cmpi ne, %convert_element_type3A_203, %cond3A_204 : i32
      scf.if %cond3A_205 {
        %mul3A_223 = arith.constant 80 : i32
        %mul3A_224 = arith.muli %add3A_200, %mul3A_223 : i32
        %add3A_225 = arith.addi %mul3A_2, %mul3A_224 : i32
        %dma_wait3A_226 = arith.constant 0 : i32
        %dma_wait3A_227 = arith.constant 0 : i32
        %dma_wait3A_228 = tpu.memref_slice %arg2[%dma_wait3A_226, %dma_wait3A_227] : memref<10000x128xbf16, #tpu.memory_space<hbm>> -> memref<10000x128xbf16, #tpu.memory_space<hbm>>
        tpu.wait_indirect_dma semaphore(%arg29 : memref<!tpu.dma_semaphore, #tpu.memory_space<semaphore_mem>>) src(%dma_wait3A_228 : memref<10000x128xbf16, #tpu.memory_space<hbm>>) dst(%arg16 : memref<80x128xbf16, #tpu.memory_space<vmem>>)
        %dma_wait3A_229 = tpu.memref_slice %arg4[%add3A_225] : memref<320000xi32, #tpu.memory_space<hbm>> -> memref<80xi32, #tpu.memory_space<hbm>>
        %dma_wait3A_230 = tpu.memref_slice %arg4[%add3A_225] : memref<320000xi32, #tpu.memory_space<hbm>> -> memref<80xi32, #tpu.memory_space<hbm>>
        tpu.wait_dma2 semaphore(%arg25 : memref<!tpu.dma_semaphore, #tpu.memory_space<semaphore_mem>>) src(%dma_wait3A_230 : memref<80xi32, #tpu.memory_space<hbm>>) dst(%arg12 : memref<80xi32, #tpu.memory_space<vmem>>)
        "tpu.region"() ({
          %run_scoped3A = tpu.sem_alloc : memref<!tpu.dma_semaphore, #tpu.memory_space<semaphore_mem>>
          %dma_start3A_238 = arith.constant 0 : i32
          %dma_start3A_239 = arith.constant 0 : i32
          %dma_start3A_240 = tpu.memref_slice %arg18[%dma_start3A_238, %dma_start3A_239] : memref<10000x128xbf16, #tpu.memory_space<vmem_shared>> -> memref<10000x128xbf16, #tpu.memory_space<vmem_shared>>
          tpu.enqueue_indirect_dma source(%arg16 : memref<80x128xbf16, #tpu.memory_space<vmem>>) target(%dma_start3A_240 : memref<10000x128xbf16, #tpu.memory_space<vmem_shared>>) offsets(%arg12 : memref<80xi32, #tpu.memory_space<vmem>>) semaphore(%run_scoped3A : memref<!tpu.dma_semaphore, #tpu.memory_space<semaphore_mem>>) {add = true}
          %dma_wait3A_241 = arith.constant 0 : i32
          %dma_wait3A_242 = arith.constant 0 : i32
          %dma_wait3A_243 = tpu.memref_slice %arg18[%dma_wait3A_241, %dma_wait3A_242] : memref<10000x128xbf16, #tpu.memory_space<vmem_shared>> -> memref<10000x128xbf16, #tpu.memory_space<vmem_shared>>
          tpu.wait_indirect_dma semaphore(%run_scoped3A : memref<!tpu.dma_semaphore, #tpu.memory_space<semaphore_mem>>) src(%arg16 : memref<80x128xbf16, #tpu.memory_space<vmem>>) dst(%dma_wait3A_243 : memref<10000x128xbf16, #tpu.memory_space<vmem_shared>>)
          tpu.yield
        }) : () -> ()
        %add3A_231 = arith.constant 4 : i32
        %add3A_232 = arith.addi %add3A_200, %add3A_231 : i32
        %lt3A_233 = arith.constant 125 : i32
        %lt3A_234 = arith.cmpi slt, %add3A_232, %lt3A_233 : i32
        %convert_element_type3A_235 = arith.extui %lt3A_234 : i1 to i32
        %cond3A_236 = arith.constant 0 : i32
        %cond3A_237 = arith.cmpi ne, %convert_element_type3A_235, %cond3A_236 : i32
        scf.if %cond3A_237 {
          %add3A_238 = arith.constant 4 : i32
          %add3A_239 = arith.addi %add3A_200, %add3A_238 : i32
          %mul3A_240 = arith.constant 80 : i32
          %mul3A_241 = arith.muli %add3A_239, %mul3A_240 : i32
          %add3A_242 = arith.addi %mul3A_2, %mul3A_241 : i32
          %dma_start3A_243 = tpu.memref_slice %arg3[%add3A_242] : memref<320000xi32, #tpu.memory_space<hbm>> -> memref<80xi32, #tpu.memory_space<hbm>>
          %dma_start3A_244 = tpu.memref_slice %arg3[%add3A_242] : memref<320000xi32, #tpu.memory_space<hbm>> -> memref<80xi32, #tpu.memory_space<hbm>>
          tpu.enqueue_dma source(%dma_start3A_244 : memref<80xi32, #tpu.memory_space<hbm>>) target(%arg8 : memref<80xi32, #tpu.memory_space<vmem>>) target_semaphore(%arg21 : memref<!tpu.dma_semaphore, #tpu.memory_space<semaphore_mem>>)
          %dma_start3A_245 = tpu.memref_slice %arg4[%add3A_242] : memref<320000xi32, #tpu.memory_space<hbm>> -> memref<80xi32, #tpu.memory_space<hbm>>
          %dma_start3A_246 = tpu.memref_slice %arg4[%add3A_242] : memref<320000xi32, #tpu.memory_space<hbm>> -> memref<80xi32, #tpu.memory_space<hbm>>
          tpu.enqueue_dma source(%dma_start3A_246 : memref<80xi32, #tpu.memory_space<hbm>>) target(%arg12 : memref<80xi32, #tpu.memory_space<vmem>>) target_semaphore(%arg25 : memref<!tpu.dma_semaphore, #tpu.memory_space<semaphore_mem>>)
        } else {
        }
      } else {
      }
      %mul3A_206 = arith.constant 4 : i32
      %mul3A_207 = arith.muli %scan3A_177, %mul3A_206 : i32
      %add3A_208 = arith.constant 3 : i32
      %add3A_209 = arith.addi %mul3A_207, %add3A_208 : i32
      %lt3A_210 = arith.constant 125 : i32
      %lt3A_211 = arith.cmpi slt, %add3A_209, %lt3A_210 : i32
      %convert_element_type3A_212 = arith.extui %lt3A_211 : i1 to i32
      %cond3A_213 = arith.constant 0 : i32
      %cond3A_214 = arith.cmpi ne, %convert_element_type3A_212, %cond3A_213 : i32
      scf.if %cond3A_214 {
        %mul3A_223 = arith.constant 80 : i32
        %mul3A_224 = arith.muli %add3A_209, %mul3A_223 : i32
        %add3A_225 = arith.addi %mul3A_2, %mul3A_224 : i32
        %dma_wait3A_226 = arith.constant 0 : i32
        %dma_wait3A_227 = arith.constant 0 : i32
        %dma_wait3A_228 = tpu.memref_slice %arg2[%dma_wait3A_226, %dma_wait3A_227] : memref<10000x128xbf16, #tpu.memory_space<hbm>> -> memref<10000x128xbf16, #tpu.memory_space<hbm>>
        tpu.wait_indirect_dma semaphore(%arg30 : memref<!tpu.dma_semaphore, #tpu.memory_space<semaphore_mem>>) src(%dma_wait3A_228 : memref<10000x128xbf16, #tpu.memory_space<hbm>>) dst(%arg17 : memref<80x128xbf16, #tpu.memory_space<vmem>>)
        %dma_wait3A_229 = tpu.memref_slice %arg4[%add3A_225] : memref<320000xi32, #tpu.memory_space<hbm>> -> memref<80xi32, #tpu.memory_space<hbm>>
        %dma_wait3A_230 = tpu.memref_slice %arg4[%add3A_225] : memref<320000xi32, #tpu.memory_space<hbm>> -> memref<80xi32, #tpu.memory_space<hbm>>
        tpu.wait_dma2 semaphore(%arg26 : memref<!tpu.dma_semaphore, #tpu.memory_space<semaphore_mem>>) src(%dma_wait3A_230 : memref<80xi32, #tpu.memory_space<hbm>>) dst(%arg13 : memref<80xi32, #tpu.memory_space<vmem>>)
        "tpu.region"() ({
          %run_scoped3A = tpu.sem_alloc : memref<!tpu.dma_semaphore, #tpu.memory_space<semaphore_mem>>
          %dma_start3A_238 = arith.constant 0 : i32
          %dma_start3A_239 = arith.constant 0 : i32
          %dma_start3A_240 = tpu.memref_slice %arg18[%dma_start3A_238, %dma_start3A_239] : memref<10000x128xbf16, #tpu.memory_space<vmem_shared>> -> memref<10000x128xbf16, #tpu.memory_space<vmem_shared>>
          tpu.enqueue_indirect_dma source(%arg17 : memref<80x128xbf16, #tpu.memory_space<vmem>>) target(%dma_start3A_240 : memref<10000x128xbf16, #tpu.memory_space<vmem_shared>>) offsets(%arg13 : memref<80xi32, #tpu.memory_space<vmem>>) semaphore(%run_scoped3A : memref<!tpu.dma_semaphore, #tpu.memory_space<semaphore_mem>>) {add = true}
          %dma_wait3A_241 = arith.constant 0 : i32
          %dma_wait3A_242 = arith.constant 0 : i32
          %dma_wait3A_243 = tpu.memref_slice %arg18[%dma_wait3A_241, %dma_wait3A_242] : memref<10000x128xbf16, #tpu.memory_space<vmem_shared>> -> memref<10000x128xbf16, #tpu.memory_space<vmem_shared>>
          tpu.wait_indirect_dma semaphore(%run_scoped3A : memref<!tpu.dma_semaphore, #tpu.memory_space<semaphore_mem>>) src(%arg17 : memref<80x128xbf16, #tpu.memory_space<vmem>>) dst(%dma_wait3A_243 : memref<10000x128xbf16, #tpu.memory_space<vmem_shared>>)
          tpu.yield
        }) : () -> ()
        %add3A_231 = arith.constant 4 : i32
        %add3A_232 = arith.addi %add3A_209, %add3A_231 : i32
        %lt3A_233 = arith.constant 125 : i32
        %lt3A_234 = arith.cmpi slt, %add3A_232, %lt3A_233 : i32
        %convert_element_type3A_235 = arith.extui %lt3A_234 : i1 to i32
        %cond3A_236 = arith.constant 0 : i32
        %cond3A_237 = arith.cmpi ne, %convert_element_type3A_235, %cond3A_236 : i32
        scf.if %cond3A_237 {
          %add3A_238 = arith.constant 4 : i32
          %add3A_239 = arith.addi %add3A_209, %add3A_238 : i32
          %mul3A_240 = arith.constant 80 : i32
          %mul3A_241 = arith.muli %add3A_239, %mul3A_240 : i32
          %add3A_242 = arith.addi %mul3A_2, %mul3A_241 : i32
          %dma_start3A_243 = tpu.memref_slice %arg3[%add3A_242] : memref<320000xi32, #tpu.memory_space<hbm>> -> memref<80xi32, #tpu.memory_space<hbm>>
          %dma_start3A_244 = tpu.memref_slice %arg3[%add3A_242] : memref<320000xi32, #tpu.memory_space<hbm>> -> memref<80xi32, #tpu.memory_space<hbm>>
          tpu.enqueue_dma source(%dma_start3A_244 : memref<80xi32, #tpu.memory_space<hbm>>) target(%arg9 : memref<80xi32, #tpu.memory_space<vmem>>) target_semaphore(%arg22 : memref<!tpu.dma_semaphore, #tpu.memory_space<semaphore_mem>>)
          %dma_start3A_245 = tpu.memref_slice %arg4[%add3A_242] : memref<320000xi32, #tpu.memory_space<hbm>> -> memref<80xi32, #tpu.memory_space<hbm>>
          %dma_start3A_246 = tpu.memref_slice %arg4[%add3A_242] : memref<320000xi32, #tpu.memory_space<hbm>> -> memref<80xi32, #tpu.memory_space<hbm>>
          tpu.enqueue_dma source(%dma_start3A_246 : memref<80xi32, #tpu.memory_space<hbm>>) target(%arg13 : memref<80xi32, #tpu.memory_space<vmem>>) target_semaphore(%arg26 : memref<!tpu.dma_semaphore, #tpu.memory_space<semaphore_mem>>)
        } else {
        }
      } else {
      }
      %add3A_215 = arith.constant 1 : i32
      %add3A_216 = arith.addi %scan3A_177, %add3A_215 : i32
      %lt3A_217 = arith.constant 32 : i32
      %lt3A_218 = arith.cmpi slt, %add3A_216, %lt3A_217 : i32
      %convert_element_type3A_219 = arith.extui %lt3A_218 : i1 to i32
      %cond3A_220 = arith.constant 0 : i32
      %cond3A_221 = arith.cmpi ne, %convert_element_type3A_219, %cond3A_220 : i32
      scf.if %cond3A_221 {
        %add3A_223 = arith.constant 1 : i32
        %add3A_224 = arith.addi %scan3A_177, %add3A_223 : i32
        %mul3A_225 = arith.constant 4 : i32
        %mul3A_226 = arith.muli %add3A_224, %mul3A_225 : i32
        %add3A_227 = arith.constant 0 : i32
        %add3A_228 = arith.addi %mul3A_226, %add3A_227 : i32
        %lt3A_229 = arith.constant 125 : i32
        %lt3A_230 = arith.cmpi slt, %add3A_228, %lt3A_229 : i32
        %convert_element_type3A_231 = arith.extui %lt3A_230 : i1 to i32
        %cond3A_232 = arith.constant 0 : i32
        %cond3A_233 = arith.cmpi ne, %convert_element_type3A_231, %cond3A_232 : i32
        scf.if %cond3A_233 {
          %mul3A_261 = arith.constant 80 : i32
          %mul3A_262 = arith.muli %add3A_228, %mul3A_261 : i32
          %add3A_263 = arith.addi %mul3A_2, %mul3A_262 : i32
          %dma_wait3A_264 = tpu.memref_slice %arg3[%add3A_263] : memref<320000xi32, #tpu.memory_space<hbm>> -> memref<80xi32, #tpu.memory_space<hbm>>
          %dma_wait3A_265 = tpu.memref_slice %arg3[%add3A_263] : memref<320000xi32, #tpu.memory_space<hbm>> -> memref<80xi32, #tpu.memory_space<hbm>>
          tpu.wait_dma2 semaphore(%arg19 : memref<!tpu.dma_semaphore, #tpu.memory_space<semaphore_mem>>) src(%dma_wait3A_265 : memref<80xi32, #tpu.memory_space<hbm>>) dst(%arg6 : memref<80xi32, #tpu.memory_space<vmem>>)
          %dma_start3A_266 = arith.constant 0 : i32
          %dma_start3A_267 = arith.constant 0 : i32
          %dma_start3A_268 = tpu.memref_slice %arg2[%dma_start3A_266, %dma_start3A_267] : memref<10000x128xbf16, #tpu.memory_space<hbm>> -> memref<10000x128xbf16, #tpu.memory_space<hbm>>
          tpu.enqueue_indirect_dma source(%dma_start3A_268 : memref<10000x128xbf16, #tpu.memory_space<hbm>>) target(%arg14 : memref<80x128xbf16, #tpu.memory_space<vmem>>) offsets(%arg6 : memref<80xi32, #tpu.memory_space<vmem>>) semaphore(%arg27 : memref<!tpu.dma_semaphore, #tpu.memory_space<semaphore_mem>>)
        } else {
        }
        %mul3A_234 = arith.constant 4 : i32
        %mul3A_235 = arith.muli %add3A_224, %mul3A_234 : i32
        %add3A_236 = arith.constant 1 : i32
        %add3A_237 = arith.addi %mul3A_235, %add3A_236 : i32
        %lt3A_238 = arith.constant 125 : i32
        %lt3A_239 = arith.cmpi slt, %add3A_237, %lt3A_238 : i32
        %convert_element_type3A_240 = arith.extui %lt3A_239 : i1 to i32
        %cond3A_241 = arith.constant 0 : i32
        %cond3A_242 = arith.cmpi ne, %convert_element_type3A_240, %cond3A_241 : i32
        scf.if %cond3A_242 {
          %mul3A_261 = arith.constant 80 : i32
          %mul3A_262 = arith.muli %add3A_237, %mul3A_261 : i32
          %add3A_263 = arith.addi %mul3A_2, %mul3A_262 : i32
          %dma_wait3A_264 = tpu.memref_slice %arg3[%add3A_263] : memref<320000xi32, #tpu.memory_space<hbm>> -> memref<80xi32, #tpu.memory_space<hbm>>
          %dma_wait3A_265 = tpu.memref_slice %arg3[%add3A_263] : memref<320000xi32, #tpu.memory_space<hbm>> -> memref<80xi32, #tpu.memory_space<hbm>>
          tpu.wait_dma2 semaphore(%arg20 : memref<!tpu.dma_semaphore, #tpu.memory_space<semaphore_mem>>) src(%dma_wait3A_265 : memref<80xi32, #tpu.memory_space<hbm>>) dst(%arg7 : memref<80xi32, #tpu.memory_space<vmem>>)
          %dma_start3A_266 = arith.constant 0 : i32
          %dma_start3A_267 = arith.constant 0 : i32
          %dma_start3A_268 = tpu.memref_slice %arg2[%dma_start3A_266, %dma_start3A_267] : memref<10000x128xbf16, #tpu.memory_space<hbm>> -> memref<10000x128xbf16, #tpu.memory_space<hbm>>
          tpu.enqueue_indirect_dma source(%dma_start3A_268 : memref<10000x128xbf16, #tpu.memory_space<hbm>>) target(%arg15 : memref<80x128xbf16, #tpu.memory_space<vmem>>) offsets(%arg7 : memref<80xi32, #tpu.memory_space<vmem>>) semaphore(%arg28 : memref<!tpu.dma_semaphore, #tpu.memory_space<semaphore_mem>>)
        } else {
        }
        %mul3A_243 = arith.constant 4 : i32
        %mul3A_244 = arith.muli %add3A_224, %mul3A_243 : i32
        %add3A_245 = arith.constant 2 : i32
        %add3A_246 = arith.addi %mul3A_244, %add3A_245 : i32
        %lt3A_247 = arith.constant 125 : i32
        %lt3A_248 = arith.cmpi slt, %add3A_246, %lt3A_247 : i32
        %convert_element_type3A_249 = arith.extui %lt3A_248 : i1 to i32
        %cond3A_250 = arith.constant 0 : i32
        %cond3A_251 = arith.cmpi ne, %convert_element_type3A_249, %cond3A_250 : i32
        scf.if %cond3A_251 {
          %mul3A_261 = arith.constant 80 : i32
          %mul3A_262 = arith.muli %add3A_246, %mul3A_261 : i32
          %add3A_263 = arith.addi %mul3A_2, %mul3A_262 : i32
          %dma_wait3A_264 = tpu.memref_slice %arg3[%add3A_263] : memref<320000xi32, #tpu.memory_space<hbm>> -> memref<80xi32, #tpu.memory_space<hbm>>
          %dma_wait3A_265 = tpu.memref_slice %arg3[%add3A_263] : memref<320000xi32, #tpu.memory_space<hbm>> -> memref<80xi32, #tpu.memory_space<hbm>>
          tpu.wait_dma2 semaphore(%arg21 : memref<!tpu.dma_semaphore, #tpu.memory_space<semaphore_mem>>) src(%dma_wait3A_265 : memref<80xi32, #tpu.memory_space<hbm>>) dst(%arg8 : memref<80xi32, #tpu.memory_space<vmem>>)
          %dma_start3A_266 = arith.constant 0 : i32
          %dma_start3A_267 = arith.constant 0 : i32
          %dma_start3A_268 = tpu.memref_slice %arg2[%dma_start3A_266, %dma_start3A_267] : memref<10000x128xbf16, #tpu.memory_space<hbm>> -> memref<10000x128xbf16, #tpu.memory_space<hbm>>
          tpu.enqueue_indirect_dma source(%dma_start3A_268 : memref<10000x128xbf16, #tpu.memory_space<hbm>>) target(%arg16 : memref<80x128xbf16, #tpu.memory_space<vmem>>) offsets(%arg8 : memref<80xi32, #tpu.memory_space<vmem>>) semaphore(%arg29 : memref<!tpu.dma_semaphore, #tpu.memory_space<semaphore_mem>>)
        } else {
        }
        %mul3A_252 = arith.constant 4 : i32
        %mul3A_253 = arith.muli %add3A_224, %mul3A_252 : i32
        %add3A_254 = arith.constant 3 : i32
        %add3A_255 = arith.addi %mul3A_253, %add3A_254 : i32
        %lt3A_256 = arith.constant 125 : i32
        %lt3A_257 = arith.cmpi slt, %add3A_255, %lt3A_256 : i32
        %convert_element_type3A_258 = arith.extui %lt3A_257 : i1 to i32
        %cond3A_259 = arith.constant 0 : i32
        %cond3A_260 = arith.cmpi ne, %convert_element_type3A_258, %cond3A_259 : i32
        scf.if %cond3A_260 {
          %mul3A_261 = arith.constant 80 : i32
          %mul3A_262 = arith.muli %add3A_255, %mul3A_261 : i32
          %add3A_263 = arith.addi %mul3A_2, %mul3A_262 : i32
          %dma_wait3A_264 = tpu.memref_slice %arg3[%add3A_263] : memref<320000xi32, #tpu.memory_space<hbm>> -> memref<80xi32, #tpu.memory_space<hbm>>
          %dma_wait3A_265 = tpu.memref_slice %arg3[%add3A_263] : memref<320000xi32, #tpu.memory_space<hbm>> -> memref<80xi32, #tpu.memory_space<hbm>>
          tpu.wait_dma2 semaphore(%arg22 : memref<!tpu.dma_semaphore, #tpu.memory_space<semaphore_mem>>) src(%dma_wait3A_265 : memref<80xi32, #tpu.memory_space<hbm>>) dst(%arg9 : memref<80xi32, #tpu.memory_space<vmem>>)
          %dma_start3A_266 = arith.constant 0 : i32
          %dma_start3A_267 = arith.constant 0 : i32
          %dma_start3A_268 = tpu.memref_slice %arg2[%dma_start3A_266, %dma_start3A_267] : memref<10000x128xbf16, #tpu.memory_space<hbm>> -> memref<10000x128xbf16, #tpu.memory_space<hbm>>
          tpu.enqueue_indirect_dma source(%dma_start3A_268 : memref<10000x128xbf16, #tpu.memory_space<hbm>>) target(%arg17 : memref<80x128xbf16, #tpu.memory_space<vmem>>) offsets(%arg9 : memref<80xi32, #tpu.memory_space<vmem>>) semaphore(%arg30 : memref<!tpu.dma_semaphore, #tpu.memory_space<semaphore_mem>>)
        } else {
        }
      } else {
      }
      %scan3A_222 = arith.constant 0 : i32
      scf.yield %scan3A_222 : i32
    }
    %scan3A_119 = arith.constant 32 : i32
    %barrier3A_120 = arith.constant 0 : index
    tpu.barrier barrier_id(%barrier3A_120)
    %add3A_121 = arith.constant 0 : i32
    %add3A_122 = arith.addi %arg1, %add3A_121 : i32
    %lt3A_123 = arith.constant 125 : i32
    %lt3A_124 = arith.cmpi slt, %add3A_122, %lt3A_123 : i32
    %convert_element_type3A_125 = arith.extui %lt3A_124 : i1 to i32
    %cond3A_126 = arith.constant 0 : i32
    %cond3A_127 = arith.cmpi ne, %convert_element_type3A_125, %cond3A_126 : i32
    scf.if %cond3A_127 {
      %mul3A_177 = arith.constant 80 : i32
      %mul3A_178 = arith.muli %add3A_122, %mul3A_177 : i32
      "tpu.region"() ({
        %run_scoped3A = tpu.sem_alloc : memref<!tpu.dma_semaphore, #tpu.memory_space<semaphore_mem>>
        %dma_start3A_181 = arith.constant 0 : i32
        %dma_start3A_182 = tpu.memref_slice %arg18[%mul3A_178, %dma_start3A_181] : memref<10000x128xbf16, #tpu.memory_space<vmem_shared>> -> memref<80x128xbf16, #tpu.memory_space<vmem_shared>>
        %dma_start3A_183 = arith.constant 0 : i32
        %dma_start3A_184 = tpu.memref_slice %arg18[%mul3A_178, %dma_start3A_183] : memref<10000x128xbf16, #tpu.memory_space<vmem_shared>> -> memref<80x128xbf16, #tpu.memory_space<vmem_shared>>
        tpu.enqueue_dma source(%dma_start3A_184 : memref<80x128xbf16, #tpu.memory_space<vmem_shared>>) target(%arg14 : memref<80x128xbf16, #tpu.memory_space<vmem>>) target_semaphore(%run_scoped3A : memref<!tpu.dma_semaphore, #tpu.memory_space<semaphore_mem>>)
        %dma_wait3A_185 = arith.constant 0 : i32
        %dma_wait3A_186 = tpu.memref_slice %arg18[%mul3A_178, %dma_wait3A_185] : memref<10000x128xbf16, #tpu.memory_space<vmem_shared>> -> memref<80x128xbf16, #tpu.memory_space<vmem_shared>>
        %dma_wait3A_187 = arith.constant 0 : i32
        %dma_wait3A_188 = tpu.memref_slice %arg18[%mul3A_178, %dma_wait3A_187] : memref<10000x128xbf16, #tpu.memory_space<vmem_shared>> -> memref<80x128xbf16, #tpu.memory_space<vmem_shared>>
        tpu.wait_dma2 semaphore(%run_scoped3A : memref<!tpu.dma_semaphore, #tpu.memory_space<semaphore_mem>>) src(%dma_wait3A_188 : memref<80x128xbf16, #tpu.memory_space<vmem_shared>>) dst(%arg14 : memref<80x128xbf16, #tpu.memory_space<vmem>>)
        tpu.yield
      }) : () -> ()
      %mul3A_179 = arith.constant 80 : i32
      %mul3A_180 = arith.muli %add3A_122, %mul3A_179 : i32
      "tpu.region"() ({
        %run_scoped3A = tpu.sem_alloc : memref<!tpu.dma_semaphore, #tpu.memory_space<semaphore_mem>>
        %dma_start3A_181 = arith.constant 0 : i32
        %dma_start3A_182 = tpu.memref_slice %arg5[%arg0, %mul3A_180, %dma_start3A_181] : memref<2x10000x128xbf16, #tpu.memory_space<hbm>> -> memref<1x80x128xbf16, #tpu.memory_space<hbm>>
        %dma_start3A_183 = tpu.memref_squeeze %dma_start3A_182 : memref<1x80x128xbf16, #tpu.memory_space<hbm>> -> memref<80x128xbf16, #tpu.memory_space<hbm>>
        %dma_start3A_184 = arith.constant 0 : i32
        %dma_start3A_185 = tpu.memref_slice %arg5[%arg0, %mul3A_180, %dma_start3A_184] : memref<2x10000x128xbf16, #tpu.memory_space<hbm>> -> memref<1x80x128xbf16, #tpu.memory_space<hbm>>
        %dma_start3A_186 = tpu.memref_squeeze %dma_start3A_185 : memref<1x80x128xbf16, #tpu.memory_space<hbm>> -> memref<80x128xbf16, #tpu.memory_space<hbm>>
        tpu.enqueue_dma source(%arg14 : memref<80x128xbf16, #tpu.memory_space<vmem>>) target(%dma_start3A_186 : memref<80x128xbf16, #tpu.memory_space<hbm>>) target_semaphore(%run_scoped3A : memref<!tpu.dma_semaphore, #tpu.memory_space<semaphore_mem>>)
        %dma_wait3A_187 = arith.constant 0 : i32
        %dma_wait3A_188 = tpu.memref_slice %arg5[%arg0, %mul3A_180, %dma_wait3A_187] : memref<2x10000x128xbf16, #tpu.memory_space<hbm>> -> memref<1x80x128xbf16, #tpu.memory_space<hbm>>
        %dma_wait3A_189 = tpu.memref_squeeze %dma_wait3A_188 : memref<1x80x128xbf16, #tpu.memory_space<hbm>> -> memref<80x128xbf16, #tpu.memory_space<hbm>>
        %dma_wait3A_190 = arith.constant 0 : i32
        %dma_wait3A_191 = tpu.memref_slice %arg5[%arg0, %mul3A_180, %dma_wait3A_190] : memref<2x10000x128xbf16, #tpu.memory_space<hbm>> -> memref<1x80x128xbf16, #tpu.memory_space<hbm>>
        %dma_wait3A_192 = tpu.memref_squeeze %dma_wait3A_191 : memref<1x80x128xbf16, #tpu.memory_space<hbm>> -> memref<80x128xbf16, #tpu.memory_space<hbm>>
        tpu.wait_dma2 semaphore(%run_scoped3A : memref<!tpu.dma_semaphore, #tpu.memory_space<semaphore_mem>>) src(%arg14 : memref<80x128xbf16, #tpu.memory_space<vmem>>) dst(%dma_wait3A_192 : memref<80x128xbf16, #tpu.memory_space<hbm>>)
        tpu.yield
      }) : () -> ()
    } else {
    }
    %add3A_128 = arith.constant 16 : i32
    %add3A_129 = arith.addi %arg1, %add3A_128 : i32
    %lt3A_130 = arith.constant 125 : i32
    %lt3A_131 = arith.cmpi slt, %add3A_129, %lt3A_130 : i32
    %convert_element_type3A_132 = arith.extui %lt3A_131 : i1 to i32
    %cond3A_133 = arith.constant 0 : i32
    %cond3A_134 = arith.cmpi ne, %convert_element_type3A_132, %cond3A_133 : i32
    scf.if %cond3A_134 {
      %mul3A_177 = arith.constant 80 : i32
      %mul3A_178 = arith.muli %add3A_129, %mul3A_177 : i32
      "tpu.region"() ({
        %run_scoped3A = tpu.sem_alloc : memref<!tpu.dma_semaphore, #tpu.memory_space<semaphore_mem>>
        %dma_start3A_181 = arith.constant 0 : i32
        %dma_start3A_182 = tpu.memref_slice %arg18[%mul3A_178, %dma_start3A_181] : memref<10000x128xbf16, #tpu.memory_space<vmem_shared>> -> memref<80x128xbf16, #tpu.memory_space<vmem_shared>>
        %dma_start3A_183 = arith.constant 0 : i32
        %dma_start3A_184 = tpu.memref_slice %arg18[%mul3A_178, %dma_start3A_183] : memref<10000x128xbf16, #tpu.memory_space<vmem_shared>> -> memref<80x128xbf16, #tpu.memory_space<vmem_shared>>
        tpu.enqueue_dma source(%dma_start3A_184 : memref<80x128xbf16, #tpu.memory_space<vmem_shared>>) target(%arg14 : memref<80x128xbf16, #tpu.memory_space<vmem>>) target_semaphore(%run_scoped3A : memref<!tpu.dma_semaphore, #tpu.memory_space<semaphore_mem>>)
        %dma_wait3A_185 = arith.constant 0 : i32
        %dma_wait3A_186 = tpu.memref_slice %arg18[%mul3A_178, %dma_wait3A_185] : memref<10000x128xbf16, #tpu.memory_space<vmem_shared>> -> memref<80x128xbf16, #tpu.memory_space<vmem_shared>>
        %dma_wait3A_187 = arith.constant 0 : i32
        %dma_wait3A_188 = tpu.memref_slice %arg18[%mul3A_178, %dma_wait3A_187] : memref<10000x128xbf16, #tpu.memory_space<vmem_shared>> -> memref<80x128xbf16, #tpu.memory_space<vmem_shared>>
        tpu.wait_dma2 semaphore(%run_scoped3A : memref<!tpu.dma_semaphore, #tpu.memory_space<semaphore_mem>>) src(%dma_wait3A_188 : memref<80x128xbf16, #tpu.memory_space<vmem_shared>>) dst(%arg14 : memref<80x128xbf16, #tpu.memory_space<vmem>>)
        tpu.yield
      }) : () -> ()
      %mul3A_179 = arith.constant 80 : i32
      %mul3A_180 = arith.muli %add3A_129, %mul3A_179 : i32
      "tpu.region"() ({
        %run_scoped3A = tpu.sem_alloc : memref<!tpu.dma_semaphore, #tpu.memory_space<semaphore_mem>>
        %dma_start3A_181 = arith.constant 0 : i32
        %dma_start3A_182 = tpu.memref_slice %arg5[%arg0, %mul3A_180, %dma_start3A_181] : memref<2x10000x128xbf16, #tpu.memory_space<hbm>> -> memref<1x80x128xbf16, #tpu.memory_space<hbm>>
        %dma_start3A_183 = tpu.memref_squeeze %dma_start3A_182 : memref<1x80x128xbf16, #tpu.memory_space<hbm>> -> memref<80x128xbf16, #tpu.memory_space<hbm>>
        %dma_start3A_184 = arith.constant 0 : i32
        %dma_start3A_185 = tpu.memref_slice %arg5[%arg0, %mul3A_180, %dma_start3A_184] : memref<2x10000x128xbf16, #tpu.memory_space<hbm>> -> memref<1x80x128xbf16, #tpu.memory_space<hbm>>
        %dma_start3A_186 = tpu.memref_squeeze %dma_start3A_185 : memref<1x80x128xbf16, #tpu.memory_space<hbm>> -> memref<80x128xbf16, #tpu.memory_space<hbm>>
        tpu.enqueue_dma source(%arg14 : memref<80x128xbf16, #tpu.memory_space<vmem>>) target(%dma_start3A_186 : memref<80x128xbf16, #tpu.memory_space<hbm>>) target_semaphore(%run_scoped3A : memref<!tpu.dma_semaphore, #tpu.memory_space<semaphore_mem>>)
        %dma_wait3A_187 = arith.constant 0 : i32
        %dma_wait3A_188 = tpu.memref_slice %arg5[%arg0, %mul3A_180, %dma_wait3A_187] : memref<2x10000x128xbf16, #tpu.memory_space<hbm>> -> memref<1x80x128xbf16, #tpu.memory_space<hbm>>
        %dma_wait3A_189 = tpu.memref_squeeze %dma_wait3A_188 : memref<1x80x128xbf16, #tpu.memory_space<hbm>> -> memref<80x128xbf16, #tpu.memory_space<hbm>>
        %dma_wait3A_190 = arith.constant 0 : i32
        %dma_wait3A_191 = tpu.memref_slice %arg5[%arg0, %mul3A_180, %dma_wait3A_190] : memref<2x10000x128xbf16, #tpu.memory_space<hbm>> -> memref<1x80x128xbf16, #tpu.memory_space<hbm>>
        %dma_wait3A_192 = tpu.memref_squeeze %dma_wait3A_191 : memref<1x80x128xbf16, #tpu.memory_space<hbm>> -> memref<80x128xbf16, #tpu.memory_space<hbm>>
        tpu.wait_dma2 semaphore(%run_scoped3A : memref<!tpu.dma_semaphore, #tpu.memory_space<semaphore_mem>>) src(%arg14 : memref<80x128xbf16, #tpu.memory_space<vmem>>) dst(%dma_wait3A_192 : memref<80x128xbf16, #tpu.memory_space<hbm>>)
        tpu.yield
      }) : () -> ()
    } else {
    }
    %add3A_135 = arith.constant 32 : i32
    %add3A_136 = arith.addi %arg1, %add3A_135 : i32
    %lt3A_137 = arith.constant 125 : i32
    %lt3A_138 = arith.cmpi slt, %add3A_136, %lt3A_137 : i32
    %convert_element_type3A_139 = arith.extui %lt3A_138 : i1 to i32
    %cond3A_140 = arith.constant 0 : i32
    %cond3A_141 = arith.cmpi ne, %convert_element_type3A_139, %cond3A_140 : i32
    scf.if %cond3A_141 {
      %mul3A_177 = arith.constant 80 : i32
      %mul3A_178 = arith.muli %add3A_136, %mul3A_177 : i32
      "tpu.region"() ({
        %run_scoped3A = tpu.sem_alloc : memref<!tpu.dma_semaphore, #tpu.memory_space<semaphore_mem>>
        %dma_start3A_181 = arith.constant 0 : i32
        %dma_start3A_182 = tpu.memref_slice %arg18[%mul3A_178, %dma_start3A_181] : memref<10000x128xbf16, #tpu.memory_space<vmem_shared>> -> memref<80x128xbf16, #tpu.memory_space<vmem_shared>>
        %dma_start3A_183 = arith.constant 0 : i32
        %dma_start3A_184 = tpu.memref_slice %arg18[%mul3A_178, %dma_start3A_183] : memref<10000x128xbf16, #tpu.memory_space<vmem_shared>> -> memref<80x128xbf16, #tpu.memory_space<vmem_shared>>
        tpu.enqueue_dma source(%dma_start3A_184 : memref<80x128xbf16, #tpu.memory_space<vmem_shared>>) target(%arg14 : memref<80x128xbf16, #tpu.memory_space<vmem>>) target_semaphore(%run_scoped3A : memref<!tpu.dma_semaphore, #tpu.memory_space<semaphore_mem>>)
        %dma_wait3A_185 = arith.constant 0 : i32
        %dma_wait3A_186 = tpu.memref_slice %arg18[%mul3A_178, %dma_wait3A_185] : memref<10000x128xbf16, #tpu.memory_space<vmem_shared>> -> memref<80x128xbf16, #tpu.memory_space<vmem_shared>>
        %dma_wait3A_187 = arith.constant 0 : i32
        %dma_wait3A_188 = tpu.memref_slice %arg18[%mul3A_178, %dma_wait3A_187] : memref<10000x128xbf16, #tpu.memory_space<vmem_shared>> -> memref<80x128xbf16, #tpu.memory_space<vmem_shared>>
        tpu.wait_dma2 semaphore(%run_scoped3A : memref<!tpu.dma_semaphore, #tpu.memory_space<semaphore_mem>>) src(%dma_wait3A_188 : memref<80x128xbf16, #tpu.memory_space<vmem_shared>>) dst(%arg14 : memref<80x128xbf16, #tpu.memory_space<vmem>>)
        tpu.yield
      }) : () -> ()
      %mul3A_179 = arith.constant 80 : i32
      %mul3A_180 = arith.muli %add3A_136, %mul3A_179 : i32
      "tpu.region"() ({
        %run_scoped3A = tpu.sem_alloc : memref<!tpu.dma_semaphore, #tpu.memory_space<semaphore_mem>>
        %dma_start3A_181 = arith.constant 0 : i32
        %dma_start3A_182 = tpu.memref_slice %arg5[%arg0, %mul3A_180, %dma_start3A_181] : memref<2x10000x128xbf16, #tpu.memory_space<hbm>> -> memref<1x80x128xbf16, #tpu.memory_space<hbm>>
        %dma_start3A_183 = tpu.memref_squeeze %dma_start3A_182 : memref<1x80x128xbf16, #tpu.memory_space<hbm>> -> memref<80x128xbf16, #tpu.memory_space<hbm>>
        %dma_start3A_184 = arith.constant 0 : i32
        %dma_start3A_185 = tpu.memref_slice %arg5[%arg0, %mul3A_180, %dma_start3A_184] : memref<2x10000x128xbf16, #tpu.memory_space<hbm>> -> memref<1x80x128xbf16, #tpu.memory_space<hbm>>
        %dma_start3A_186 = tpu.memref_squeeze %dma_start3A_185 : memref<1x80x128xbf16, #tpu.memory_space<hbm>> -> memref<80x128xbf16, #tpu.memory_space<hbm>>
        tpu.enqueue_dma source(%arg14 : memref<80x128xbf16, #tpu.memory_space<vmem>>) target(%dma_start3A_186 : memref<80x128xbf16, #tpu.memory_space<hbm>>) target_semaphore(%run_scoped3A : memref<!tpu.dma_semaphore, #tpu.memory_space<semaphore_mem>>)
        %dma_wait3A_187 = arith.constant 0 : i32
        %dma_wait3A_188 = tpu.memref_slice %arg5[%arg0, %mul3A_180, %dma_wait3A_187] : memref<2x10000x128xbf16, #tpu.memory_space<hbm>> -> memref<1x80x128xbf16, #tpu.memory_space<hbm>>
        %dma_wait3A_189 = tpu.memref_squeeze %dma_wait3A_188 : memref<1x80x128xbf16, #tpu.memory_space<hbm>> -> memref<80x128xbf16, #tpu.memory_space<hbm>>
        %dma_wait3A_190 = arith.constant 0 : i32
        %dma_wait3A_191 = tpu.memref_slice %arg5[%arg0, %mul3A_180, %dma_wait3A_190] : memref<2x10000x128xbf16, #tpu.memory_space<hbm>> -> memref<1x80x128xbf16, #tpu.memory_space<hbm>>
        %dma_wait3A_192 = tpu.memref_squeeze %dma_wait3A_191 : memref<1x80x128xbf16, #tpu.memory_space<hbm>> -> memref<80x128xbf16, #tpu.memory_space<hbm>>
        tpu.wait_dma2 semaphore(%run_scoped3A : memref<!tpu.dma_semaphore, #tpu.memory_space<semaphore_mem>>) src(%arg14 : memref<80x128xbf16, #tpu.memory_space<vmem>>) dst(%dma_wait3A_192 : memref<80x128xbf16, #tpu.memory_space<hbm>>)
        tpu.yield
      }) : () -> ()
    } else {
    }
    %add3A_142 = arith.constant 48 : i32
    %add3A_143 = arith.addi %arg1, %add3A_142 : i32
    %lt3A_144 = arith.constant 125 : i32
    %lt3A_145 = arith.cmpi slt, %add3A_143, %lt3A_144 : i32
    %convert_element_type3A_146 = arith.extui %lt3A_145 : i1 to i32
    %cond3A_147 = arith.constant 0 : i32
    %cond3A_148 = arith.cmpi ne, %convert_element_type3A_146, %cond3A_147 : i32
    scf.if %cond3A_148 {
      %mul3A_177 = arith.constant 80 : i32
      %mul3A_178 = arith.muli %add3A_143, %mul3A_177 : i32
      "tpu.region"() ({
        %run_scoped3A = tpu.sem_alloc : memref<!tpu.dma_semaphore, #tpu.memory_space<semaphore_mem>>
        %dma_start3A_181 = arith.constant 0 : i32
        %dma_start3A_182 = tpu.memref_slice %arg18[%mul3A_178, %dma_start3A_181] : memref<10000x128xbf16, #tpu.memory_space<vmem_shared>> -> memref<80x128xbf16, #tpu.memory_space<vmem_shared>>
        %dma_start3A_183 = arith.constant 0 : i32
        %dma_start3A_184 = tpu.memref_slice %arg18[%mul3A_178, %dma_start3A_183] : memref<10000x128xbf16, #tpu.memory_space<vmem_shared>> -> memref<80x128xbf16, #tpu.memory_space<vmem_shared>>
        tpu.enqueue_dma source(%dma_start3A_184 : memref<80x128xbf16, #tpu.memory_space<vmem_shared>>) target(%arg14 : memref<80x128xbf16, #tpu.memory_space<vmem>>) target_semaphore(%run_scoped3A : memref<!tpu.dma_semaphore, #tpu.memory_space<semaphore_mem>>)
        %dma_wait3A_185 = arith.constant 0 : i32
        %dma_wait3A_186 = tpu.memref_slice %arg18[%mul3A_178, %dma_wait3A_185] : memref<10000x128xbf16, #tpu.memory_space<vmem_shared>> -> memref<80x128xbf16, #tpu.memory_space<vmem_shared>>
        %dma_wait3A_187 = arith.constant 0 : i32
        %dma_wait3A_188 = tpu.memref_slice %arg18[%mul3A_178, %dma_wait3A_187] : memref<10000x128xbf16, #tpu.memory_space<vmem_shared>> -> memref<80x128xbf16, #tpu.memory_space<vmem_shared>>
        tpu.wait_dma2 semaphore(%run_scoped3A : memref<!tpu.dma_semaphore, #tpu.memory_space<semaphore_mem>>) src(%dma_wait3A_188 : memref<80x128xbf16, #tpu.memory_space<vmem_shared>>) dst(%arg14 : memref<80x128xbf16, #tpu.memory_space<vmem>>)
        tpu.yield
      }) : () -> ()
      %mul3A_179 = arith.constant 80 : i32
      %mul3A_180 = arith.muli %add3A_143, %mul3A_179 : i32
      "tpu.region"() ({
        %run_scoped3A = tpu.sem_alloc : memref<!tpu.dma_semaphore, #tpu.memory_space<semaphore_mem>>
        %dma_start3A_181 = arith.constant 0 : i32
        %dma_start3A_182 = tpu.memref_slice %arg5[%arg0, %mul3A_180, %dma_start3A_181] : memref<2x10000x128xbf16, #tpu.memory_space<hbm>> -> memref<1x80x128xbf16, #tpu.memory_space<hbm>>
        %dma_start3A_183 = tpu.memref_squeeze %dma_start3A_182 : memref<1x80x128xbf16, #tpu.memory_space<hbm>> -> memref<80x128xbf16, #tpu.memory_space<hbm>>
        %dma_start3A_184 = arith.constant 0 : i32
        %dma_start3A_185 = tpu.memref_slice %arg5[%arg0, %mul3A_180, %dma_start3A_184] : memref<2x10000x128xbf16, #tpu.memory_space<hbm>> -> memref<1x80x128xbf16, #tpu.memory_space<hbm>>
        %dma_start3A_186 = tpu.memref_squeeze %dma_start3A_185 : memref<1x80x128xbf16, #tpu.memory_space<hbm>> -> memref<80x128xbf16, #tpu.memory_space<hbm>>
        tpu.enqueue_dma source(%arg14 : memref<80x128xbf16, #tpu.memory_space<vmem>>) target(%dma_start3A_186 : memref<80x128xbf16, #tpu.memory_space<hbm>>) target_semaphore(%run_scoped3A : memref<!tpu.dma_semaphore, #tpu.memory_space<semaphore_mem>>)
        %dma_wait3A_187 = arith.constant 0 : i32
        %dma_wait3A_188 = tpu.memref_slice %arg5[%arg0, %mul3A_180, %dma_wait3A_187] : memref<2x10000x128xbf16, #tpu.memory_space<hbm>> -> memref<1x80x128xbf16, #tpu.memory_space<hbm>>
        %dma_wait3A_189 = tpu.memref_squeeze %dma_wait3A_188 : memref<1x80x128xbf16, #tpu.memory_space<hbm>> -> memref<80x128xbf16, #tpu.memory_space<hbm>>
        %dma_wait3A_190 = arith.constant 0 : i32
        %dma_wait3A_191 = tpu.memref_slice %arg5[%arg0, %mul3A_180, %dma_wait3A_190] : memref<2x10000x128xbf16, #tpu.memory_space<hbm>> -> memref<1x80x128xbf16, #tpu.memory_space<hbm>>
        %dma_wait3A_192 = tpu.memref_squeeze %dma_wait3A_191 : memref<1x80x128xbf16, #tpu.memory_space<hbm>> -> memref<80x128xbf16, #tpu.memory_space<hbm>>
        tpu.wait_dma2 semaphore(%run_scoped3A : memref<!tpu.dma_semaphore, #tpu.memory_space<semaphore_mem>>) src(%arg14 : memref<80x128xbf16, #tpu.memory_space<vmem>>) dst(%dma_wait3A_192 : memref<80x128xbf16, #tpu.memory_space<hbm>>)
        tpu.yield
      }) : () -> ()
    } else {
    }
    %add3A_149 = arith.constant 64 : i32
    %add3A_150 = arith.addi %arg1, %add3A_149 : i32
    %lt3A_151 = arith.constant 125 : i32
    %lt3A_152 = arith.cmpi slt, %add3A_150, %lt3A_151 : i32
    %convert_element_type3A_153 = arith.extui %lt3A_152 : i1 to i32
    %cond3A_154 = arith.constant 0 : i32
    %cond3A_155 = arith.cmpi ne, %convert_element_type3A_153, %cond3A_154 : i32
    scf.if %cond3A_155 {
      %mul3A_177 = arith.constant 80 : i32
      %mul3A_178 = arith.muli %add3A_150, %mul3A_177 : i32
      "tpu.region"() ({
        %run_scoped3A = tpu.sem_alloc : memref<!tpu.dma_semaphore, #tpu.memory_space<semaphore_mem>>
        %dma_start3A_181 = arith.constant 0 : i32
        %dma_start3A_182 = tpu.memref_slice %arg18[%mul3A_178, %dma_start3A_181] : memref<10000x128xbf16, #tpu.memory_space<vmem_shared>> -> memref<80x128xbf16, #tpu.memory_space<vmem_shared>>
        %dma_start3A_183 = arith.constant 0 : i32
        %dma_start3A_184 = tpu.memref_slice %arg18[%mul3A_178, %dma_start3A_183] : memref<10000x128xbf16, #tpu.memory_space<vmem_shared>> -> memref<80x128xbf16, #tpu.memory_space<vmem_shared>>
        tpu.enqueue_dma source(%dma_start3A_184 : memref<80x128xbf16, #tpu.memory_space<vmem_shared>>) target(%arg14 : memref<80x128xbf16, #tpu.memory_space<vmem>>) target_semaphore(%run_scoped3A : memref<!tpu.dma_semaphore, #tpu.memory_space<semaphore_mem>>)
        %dma_wait3A_185 = arith.constant 0 : i32
        %dma_wait3A_186 = tpu.memref_slice %arg18[%mul3A_178, %dma_wait3A_185] : memref<10000x128xbf16, #tpu.memory_space<vmem_shared>> -> memref<80x128xbf16, #tpu.memory_space<vmem_shared>>
        %dma_wait3A_187 = arith.constant 0 : i32
        %dma_wait3A_188 = tpu.memref_slice %arg18[%mul3A_178, %dma_wait3A_187] : memref<10000x128xbf16, #tpu.memory_space<vmem_shared>> -> memref<80x128xbf16, #tpu.memory_space<vmem_shared>>
        tpu.wait_dma2 semaphore(%run_scoped3A : memref<!tpu.dma_semaphore, #tpu.memory_space<semaphore_mem>>) src(%dma_wait3A_188 : memref<80x128xbf16, #tpu.memory_space<vmem_shared>>) dst(%arg14 : memref<80x128xbf16, #tpu.memory_space<vmem>>)
        tpu.yield
      }) : () -> ()
      %mul3A_179 = arith.constant 80 : i32
      %mul3A_180 = arith.muli %add3A_150, %mul3A_179 : i32
      "tpu.region"() ({
        %run_scoped3A = tpu.sem_alloc : memref<!tpu.dma_semaphore, #tpu.memory_space<semaphore_mem>>
        %dma_start3A_181 = arith.constant 0 : i32
        %dma_start3A_182 = tpu.memref_slice %arg5[%arg0, %mul3A_180, %dma_start3A_181] : memref<2x10000x128xbf16, #tpu.memory_space<hbm>> -> memref<1x80x128xbf16, #tpu.memory_space<hbm>>
        %dma_start3A_183 = tpu.memref_squeeze %dma_start3A_182 : memref<1x80x128xbf16, #tpu.memory_space<hbm>> -> memref<80x128xbf16, #tpu.memory_space<hbm>>
        %dma_start3A_184 = arith.constant 0 : i32
        %dma_start3A_185 = tpu.memref_slice %arg5[%arg0, %mul3A_180, %dma_start3A_184] : memref<2x10000x128xbf16, #tpu.memory_space<hbm>> -> memref<1x80x128xbf16, #tpu.memory_space<hbm>>
        %dma_start3A_186 = tpu.memref_squeeze %dma_start3A_185 : memref<1x80x128xbf16, #tpu.memory_space<hbm>> -> memref<80x128xbf16, #tpu.memory_space<hbm>>
        tpu.enqueue_dma source(%arg14 : memref<80x128xbf16, #tpu.memory_space<vmem>>) target(%dma_start3A_186 : memref<80x128xbf16, #tpu.memory_space<hbm>>) target_semaphore(%run_scoped3A : memref<!tpu.dma_semaphore, #tpu.memory_space<semaphore_mem>>)
        %dma_wait3A_187 = arith.constant 0 : i32
        %dma_wait3A_188 = tpu.memref_slice %arg5[%arg0, %mul3A_180, %dma_wait3A_187] : memref<2x10000x128xbf16, #tpu.memory_space<hbm>> -> memref<1x80x128xbf16, #tpu.memory_space<hbm>>
        %dma_wait3A_189 = tpu.memref_squeeze %dma_wait3A_188 : memref<1x80x128xbf16, #tpu.memory_space<hbm>> -> memref<80x128xbf16, #tpu.memory_space<hbm>>
        %dma_wait3A_190 = arith.constant 0 : i32
        %dma_wait3A_191 = tpu.memref_slice %arg5[%arg0, %mul3A_180, %dma_wait3A_190] : memref<2x10000x128xbf16, #tpu.memory_space<hbm>> -> memref<1x80x128xbf16, #tpu.memory_space<hbm>>
        %dma_wait3A_192 = tpu.memref_squeeze %dma_wait3A_191 : memref<1x80x128xbf16, #tpu.memory_space<hbm>> -> memref<80x128xbf16, #tpu.memory_space<hbm>>
        tpu.wait_dma2 semaphore(%run_scoped3A : memref<!tpu.dma_semaphore, #tpu.memory_space<semaphore_mem>>) src(%arg14 : memref<80x128xbf16, #tpu.memory_space<vmem>>) dst(%dma_wait3A_192 : memref<80x128xbf16, #tpu.memory_space<hbm>>)
        tpu.yield
      }) : () -> ()
    } else {
    }
    %add3A_156 = arith.constant 80 : i32
    %add3A_157 = arith.addi %arg1, %add3A_156 : i32
    %lt3A_158 = arith.constant 125 : i32
    %lt3A_159 = arith.cmpi slt, %add3A_157, %lt3A_158 : i32
    %convert_element_type3A_160 = arith.extui %lt3A_159 : i1 to i32
    %cond3A_161 = arith.constant 0 : i32
    %cond3A_162 = arith.cmpi ne, %convert_element_type3A_160, %cond3A_161 : i32
    scf.if %cond3A_162 {
      %mul3A_177 = arith.constant 80 : i32
      %mul3A_178 = arith.muli %add3A_157, %mul3A_177 : i32
      "tpu.region"() ({
        %run_scoped3A = tpu.sem_alloc : memref<!tpu.dma_semaphore, #tpu.memory_space<semaphore_mem>>
        %dma_start3A_181 = arith.constant 0 : i32
        %dma_start3A_182 = tpu.memref_slice %arg18[%mul3A_178, %dma_start3A_181] : memref<10000x128xbf16, #tpu.memory_space<vmem_shared>> -> memref<80x128xbf16, #tpu.memory_space<vmem_shared>>
        %dma_start3A_183 = arith.constant 0 : i32
        %dma_start3A_184 = tpu.memref_slice %arg18[%mul3A_178, %dma_start3A_183] : memref<10000x128xbf16, #tpu.memory_space<vmem_shared>> -> memref<80x128xbf16, #tpu.memory_space<vmem_shared>>
        tpu.enqueue_dma source(%dma_start3A_184 : memref<80x128xbf16, #tpu.memory_space<vmem_shared>>) target(%arg14 : memref<80x128xbf16, #tpu.memory_space<vmem>>) target_semaphore(%run_scoped3A : memref<!tpu.dma_semaphore, #tpu.memory_space<semaphore_mem>>)
        %dma_wait3A_185 = arith.constant 0 : i32
        %dma_wait3A_186 = tpu.memref_slice %arg18[%mul3A_178, %dma_wait3A_185] : memref<10000x128xbf16, #tpu.memory_space<vmem_shared>> -> memref<80x128xbf16, #tpu.memory_space<vmem_shared>>
        %dma_wait3A_187 = arith.constant 0 : i32
        %dma_wait3A_188 = tpu.memref_slice %arg18[%mul3A_178, %dma_wait3A_187] : memref<10000x128xbf16, #tpu.memory_space<vmem_shared>> -> memref<80x128xbf16, #tpu.memory_space<vmem_shared>>
        tpu.wait_dma2 semaphore(%run_scoped3A : memref<!tpu.dma_semaphore, #tpu.memory_space<semaphore_mem>>) src(%dma_wait3A_188 : memref<80x128xbf16, #tpu.memory_space<vmem_shared>>) dst(%arg14 : memref<80x128xbf16, #tpu.memory_space<vmem>>)
        tpu.yield
      }) : () -> ()
      %mul3A_179 = arith.constant 80 : i32
      %mul3A_180 = arith.muli %add3A_157, %mul3A_179 : i32
      "tpu.region"() ({
        %run_scoped3A = tpu.sem_alloc : memref<!tpu.dma_semaphore, #tpu.memory_space<semaphore_mem>>
        %dma_start3A_181 = arith.constant 0 : i32
        %dma_start3A_182 = tpu.memref_slice %arg5[%arg0, %mul3A_180, %dma_start3A_181] : memref<2x10000x128xbf16, #tpu.memory_space<hbm>> -> memref<1x80x128xbf16, #tpu.memory_space<hbm>>
        %dma_start3A_183 = tpu.memref_squeeze %dma_start3A_182 : memref<1x80x128xbf16, #tpu.memory_space<hbm>> -> memref<80x128xbf16, #tpu.memory_space<hbm>>
        %dma_start3A_184 = arith.constant 0 : i32
        %dma_start3A_185 = tpu.memref_slice %arg5[%arg0, %mul3A_180, %dma_start3A_184] : memref<2x10000x128xbf16, #tpu.memory_space<hbm>> -> memref<1x80x128xbf16, #tpu.memory_space<hbm>>
        %dma_start3A_186 = tpu.memref_squeeze %dma_start3A_185 : memref<1x80x128xbf16, #tpu.memory_space<hbm>> -> memref<80x128xbf16, #tpu.memory_space<hbm>>
        tpu.enqueue_dma source(%arg14 : memref<80x128xbf16, #tpu.memory_space<vmem>>) target(%dma_start3A_186 : memref<80x128xbf16, #tpu.memory_space<hbm>>) target_semaphore(%run_scoped3A : memref<!tpu.dma_semaphore, #tpu.memory_space<semaphore_mem>>)
        %dma_wait3A_187 = arith.constant 0 : i32
        %dma_wait3A_188 = tpu.memref_slice %arg5[%arg0, %mul3A_180, %dma_wait3A_187] : memref<2x10000x128xbf16, #tpu.memory_space<hbm>> -> memref<1x80x128xbf16, #tpu.memory_space<hbm>>
        %dma_wait3A_189 = tpu.memref_squeeze %dma_wait3A_188 : memref<1x80x128xbf16, #tpu.memory_space<hbm>> -> memref<80x128xbf16, #tpu.memory_space<hbm>>
        %dma_wait3A_190 = arith.constant 0 : i32
        %dma_wait3A_191 = tpu.memref_slice %arg5[%arg0, %mul3A_180, %dma_wait3A_190] : memref<2x10000x128xbf16, #tpu.memory_space<hbm>> -> memref<1x80x128xbf16, #tpu.memory_space<hbm>>
        %dma_wait3A_192 = tpu.memref_squeeze %dma_wait3A_191 : memref<1x80x128xbf16, #tpu.memory_space<hbm>> -> memref<80x128xbf16, #tpu.memory_space<hbm>>
        tpu.wait_dma2 semaphore(%run_scoped3A : memref<!tpu.dma_semaphore, #tpu.memory_space<semaphore_mem>>) src(%arg14 : memref<80x128xbf16, #tpu.memory_space<vmem>>) dst(%dma_wait3A_192 : memref<80x128xbf16, #tpu.memory_space<hbm>>)
        tpu.yield
      }) : () -> ()
    } else {
    }
    %add3A_163 = arith.constant 96 : i32
    %add3A_164 = arith.addi %arg1, %add3A_163 : i32
    %lt3A_165 = arith.constant 125 : i32
    %lt3A_166 = arith.cmpi slt, %add3A_164, %lt3A_165 : i32
    %convert_element_type3A_167 = arith.extui %lt3A_166 : i1 to i32
    %cond3A_168 = arith.constant 0 : i32
    %cond3A_169 = arith.cmpi ne, %convert_element_type3A_167, %cond3A_168 : i32
    scf.if %cond3A_169 {
      %mul3A_177 = arith.constant 80 : i32
      %mul3A_178 = arith.muli %add3A_164, %mul3A_177 : i32
      "tpu.region"() ({
        %run_scoped3A = tpu.sem_alloc : memref<!tpu.dma_semaphore, #tpu.memory_space<semaphore_mem>>
        %dma_start3A_181 = arith.constant 0 : i32
        %dma_start3A_182 = tpu.memref_slice %arg18[%mul3A_178, %dma_start3A_181] : memref<10000x128xbf16, #tpu.memory_space<vmem_shared>> -> memref<80x128xbf16, #tpu.memory_space<vmem_shared>>
        %dma_start3A_183 = arith.constant 0 : i32
        %dma_start3A_184 = tpu.memref_slice %arg18[%mul3A_178, %dma_start3A_183] : memref<10000x128xbf16, #tpu.memory_space<vmem_shared>> -> memref<80x128xbf16, #tpu.memory_space<vmem_shared>>
        tpu.enqueue_dma source(%dma_start3A_184 : memref<80x128xbf16, #tpu.memory_space<vmem_shared>>) target(%arg14 : memref<80x128xbf16, #tpu.memory_space<vmem>>) target_semaphore(%run_scoped3A : memref<!tpu.dma_semaphore, #tpu.memory_space<semaphore_mem>>)
        %dma_wait3A_185 = arith.constant 0 : i32
        %dma_wait3A_186 = tpu.memref_slice %arg18[%mul3A_178, %dma_wait3A_185] : memref<10000x128xbf16, #tpu.memory_space<vmem_shared>> -> memref<80x128xbf16, #tpu.memory_space<vmem_shared>>
        %dma_wait3A_187 = arith.constant 0 : i32
        %dma_wait3A_188 = tpu.memref_slice %arg18[%mul3A_178, %dma_wait3A_187] : memref<10000x128xbf16, #tpu.memory_space<vmem_shared>> -> memref<80x128xbf16, #tpu.memory_space<vmem_shared>>
        tpu.wait_dma2 semaphore(%run_scoped3A : memref<!tpu.dma_semaphore, #tpu.memory_space<semaphore_mem>>) src(%dma_wait3A_188 : memref<80x128xbf16, #tpu.memory_space<vmem_shared>>) dst(%arg14 : memref<80x128xbf16, #tpu.memory_space<vmem>>)
        tpu.yield
      }) : () -> ()
      %mul3A_179 = arith.constant 80 : i32
      %mul3A_180 = arith.muli %add3A_164, %mul3A_179 : i32
      "tpu.region"() ({
        %run_scoped3A = tpu.sem_alloc : memref<!tpu.dma_semaphore, #tpu.memory_space<semaphore_mem>>
        %dma_start3A_181 = arith.constant 0 : i32
        %dma_start3A_182 = tpu.memref_slice %arg5[%arg0, %mul3A_180, %dma_start3A_181] : memref<2x10000x128xbf16, #tpu.memory_space<hbm>> -> memref<1x80x128xbf16, #tpu.memory_space<hbm>>
        %dma_start3A_183 = tpu.memref_squeeze %dma_start3A_182 : memref<1x80x128xbf16, #tpu.memory_space<hbm>> -> memref<80x128xbf16, #tpu.memory_space<hbm>>
        %dma_start3A_184 = arith.constant 0 : i32
        %dma_start3A_185 = tpu.memref_slice %arg5[%arg0, %mul3A_180, %dma_start3A_184] : memref<2x10000x128xbf16, #tpu.memory_space<hbm>> -> memref<1x80x128xbf16, #tpu.memory_space<hbm>>
        %dma_start3A_186 = tpu.memref_squeeze %dma_start3A_185 : memref<1x80x128xbf16, #tpu.memory_space<hbm>> -> memref<80x128xbf16, #tpu.memory_space<hbm>>
        tpu.enqueue_dma source(%arg14 : memref<80x128xbf16, #tpu.memory_space<vmem>>) target(%dma_start3A_186 : memref<80x128xbf16, #tpu.memory_space<hbm>>) target_semaphore(%run_scoped3A : memref<!tpu.dma_semaphore, #tpu.memory_space<semaphore_mem>>)
        %dma_wait3A_187 = arith.constant 0 : i32
        %dma_wait3A_188 = tpu.memref_slice %arg5[%arg0, %mul3A_180, %dma_wait3A_187] : memref<2x10000x128xbf16, #tpu.memory_space<hbm>> -> memref<1x80x128xbf16, #tpu.memory_space<hbm>>
        %dma_wait3A_189 = tpu.memref_squeeze %dma_wait3A_188 : memref<1x80x128xbf16, #tpu.memory_space<hbm>> -> memref<80x128xbf16, #tpu.memory_space<hbm>>
        %dma_wait3A_190 = arith.constant 0 : i32
        %dma_wait3A_191 = tpu.memref_slice %arg5[%arg0, %mul3A_180, %dma_wait3A_190] : memref<2x10000x128xbf16, #tpu.memory_space<hbm>> -> memref<1x80x128xbf16, #tpu.memory_space<hbm>>
        %dma_wait3A_192 = tpu.memref_squeeze %dma_wait3A_191 : memref<1x80x128xbf16, #tpu.memory_space<hbm>> -> memref<80x128xbf16, #tpu.memory_space<hbm>>
        tpu.wait_dma2 semaphore(%run_scoped3A : memref<!tpu.dma_semaphore, #tpu.memory_space<semaphore_mem>>) src(%arg14 : memref<80x128xbf16, #tpu.memory_space<vmem>>) dst(%dma_wait3A_192 : memref<80x128xbf16, #tpu.memory_space<hbm>>)
        tpu.yield
      }) : () -> ()
    } else {
    }
    %add3A_170 = arith.constant 112 : i32
    %add3A_171 = arith.addi %arg1, %add3A_170 : i32
    %lt3A_172 = arith.constant 125 : i32
    %lt3A_173 = arith.cmpi slt, %add3A_171, %lt3A_172 : i32
    %convert_element_type3A_174 = arith.extui %lt3A_173 : i1 to i32
    %cond3A_175 = arith.constant 0 : i32
    %cond3A_176 = arith.cmpi ne, %convert_element_type3A_174, %cond3A_175 : i32
    scf.if %cond3A_176 {
      %mul3A_177 = arith.constant 80 : i32
      %mul3A_178 = arith.muli %add3A_171, %mul3A_177 : i32
      "tpu.region"() ({
        %run_scoped3A = tpu.sem_alloc : memref<!tpu.dma_semaphore, #tpu.memory_space<semaphore_mem>>
        %dma_start3A_181 = arith.constant 0 : i32
        %dma_start3A_182 = tpu.memref_slice %arg18[%mul3A_178, %dma_start3A_181] : memref<10000x128xbf16, #tpu.memory_space<vmem_shared>> -> memref<80x128xbf16, #tpu.memory_space<vmem_shared>>
        %dma_start3A_183 = arith.constant 0 : i32
        %dma_start3A_184 = tpu.memref_slice %arg18[%mul3A_178, %dma_start3A_183] : memref<10000x128xbf16, #tpu.memory_space<vmem_shared>> -> memref<80x128xbf16, #tpu.memory_space<vmem_shared>>
        tpu.enqueue_dma source(%dma_start3A_184 : memref<80x128xbf16, #tpu.memory_space<vmem_shared>>) target(%arg14 : memref<80x128xbf16, #tpu.memory_space<vmem>>) target_semaphore(%run_scoped3A : memref<!tpu.dma_semaphore, #tpu.memory_space<semaphore_mem>>)
        %dma_wait3A_185 = arith.constant 0 : i32
        %dma_wait3A_186 = tpu.memref_slice %arg18[%mul3A_178, %dma_wait3A_185] : memref<10000x128xbf16, #tpu.memory_space<vmem_shared>> -> memref<80x128xbf16, #tpu.memory_space<vmem_shared>>
        %dma_wait3A_187 = arith.constant 0 : i32
        %dma_wait3A_188 = tpu.memref_slice %arg18[%mul3A_178, %dma_wait3A_187] : memref<10000x128xbf16, #tpu.memory_space<vmem_shared>> -> memref<80x128xbf16, #tpu.memory_space<vmem_shared>>
        tpu.wait_dma2 semaphore(%run_scoped3A : memref<!tpu.dma_semaphore, #tpu.memory_space<semaphore_mem>>) src(%dma_wait3A_188 : memref<80x128xbf16, #tpu.memory_space<vmem_shared>>) dst(%arg14 : memref<80x128xbf16, #tpu.memory_space<vmem>>)
        tpu.yield
      }) : () -> ()
      %mul3A_179 = arith.constant 80 : i32
      %mul3A_180 = arith.muli %add3A_171, %mul3A_179 : i32
      "tpu.region"() ({
        %run_scoped3A = tpu.sem_alloc : memref<!tpu.dma_semaphore, #tpu.memory_space<semaphore_mem>>
        %dma_start3A_181 = arith.constant 0 : i32
        %dma_start3A_182 = tpu.memref_slice %arg5[%arg0, %mul3A_180, %dma_start3A_181] : memref<2x10000x128xbf16, #tpu.memory_space<hbm>> -> memref<1x80x128xbf16, #tpu.memory_space<hbm>>
        %dma_start3A_183 = tpu.memref_squeeze %dma_start3A_182 : memref<1x80x128xbf16, #tpu.memory_space<hbm>> -> memref<80x128xbf16, #tpu.memory_space<hbm>>
        %dma_start3A_184 = arith.constant 0 : i32
        %dma_start3A_185 = tpu.memref_slice %arg5[%arg0, %mul3A_180, %dma_start3A_184] : memref<2x10000x128xbf16, #tpu.memory_space<hbm>> -> memref<1x80x128xbf16, #tpu.memory_space<hbm>>
        %dma_start3A_186 = tpu.memref_squeeze %dma_start3A_185 : memref<1x80x128xbf16, #tpu.memory_space<hbm>> -> memref<80x128xbf16, #tpu.memory_space<hbm>>
        tpu.enqueue_dma source(%arg14 : memref<80x128xbf16, #tpu.memory_space<vmem>>) target(%dma_start3A_186 : memref<80x128xbf16, #tpu.memory_space<hbm>>) target_semaphore(%run_scoped3A : memref<!tpu.dma_semaphore, #tpu.memory_space<semaphore_mem>>)
        %dma_wait3A_187 = arith.constant 0 : i32
        %dma_wait3A_188 = tpu.memref_slice %arg5[%arg0, %mul3A_180, %dma_wait3A_187] : memref<2x10000x128xbf16, #tpu.memory_space<hbm>> -> memref<1x80x128xbf16, #tpu.memory_space<hbm>>
        %dma_wait3A_189 = tpu.memref_squeeze %dma_wait3A_188 : memref<1x80x128xbf16, #tpu.memory_space<hbm>> -> memref<80x128xbf16, #tpu.memory_space<hbm>>
        %dma_wait3A_190 = arith.constant 0 : i32
        %dma_wait3A_191 = tpu.memref_slice %arg5[%arg0, %mul3A_180, %dma_wait3A_190] : memref<2x10000x128xbf16, #tpu.memory_space<hbm>> -> memref<1x80x128xbf16, #tpu.memory_space<hbm>>
        %dma_wait3A_192 = tpu.memref_squeeze %dma_wait3A_191 : memref<1x80x128xbf16, #tpu.memory_space<hbm>> -> memref<80x128xbf16, #tpu.memory_space<hbm>>
        tpu.wait_dma2 semaphore(%run_scoped3A : memref<!tpu.dma_semaphore, #tpu.memory_space<semaphore_mem>>) src(%arg14 : memref<80x128xbf16, #tpu.memory_space<vmem>>) dst(%dma_wait3A_192 : memref<80x128xbf16, #tpu.memory_space<hbm>>)
        tpu.yield
      }) : () -> ()
    } else {
    }
    return
  }
}

module attributes {stable_mosaic.version = 14 : i64} {
  func.func @_tc0_body(%arg0: i32, %arg1: memref<1000x128xf32, #tpu.memory_space<vmem>>, %arg2: memref<128x128xf32, #tpu.memory_space<vmem>>, %arg3: memref<1x128xf32, #tpu.memory_space<vmem>>, %arg4: memref<1000x128xbf16, #tpu.memory_space<vmem>>) attributes {dimension_semantics = [#tpu.dimension_semantics<arbitrary>], iteration_bounds = array<i64: 10>, scalar_prefetch = 0 : i64, scratch_operands = 0 : i64, tpu.core_type = #tpu.core_type<tc>, window_params = [{transform_indices = @transform_0, window_bounds = array<i64: 1000, 128>}, {pipeline_mode = #tpu.pipeline_mode<synchronous>, transform_indices = @transform_1, window_bounds = array<i64: 128, 128>}, {pipeline_mode = #tpu.pipeline_mode<synchronous>, transform_indices = @transform_2, window_bounds = array<i64: 1, 128>}, {transform_indices = @transform_3, window_bounds = array<i64: 1000, 128>}]} {
    %get3A = arith.constant 0 : index
    %get3A_0 = arith.constant 0 : index
    %get3A_1 = vector.load %arg1[%get3A, %get3A_0] : memref<1000x128xf32, #tpu.memory_space<vmem>>, vector<1000x128xf32>
    %get3A_2 = arith.constant 0 : index
    %get3A_3 = arith.constant 0 : index
    %get3A_4 = vector.load %arg2[%get3A_2, %get3A_3] : memref<128x128xf32, #tpu.memory_space<vmem>>, vector<128x128xf32>
    %dot_general3A = arith.constant dense<0.000000e+00> : vector<1000x128xf32>
    %dot_general3A_5 = tpu.matmul %get3A_1, %get3A_4, %dot_general3A {dimension_numbers = #tpu.dot_dimension_numbers<[1], [0], [0], [1], [0, 0, 1, 1], [], []>, transpose_lhs_hint = false} : vector<1000x128xf32>, vector<128x128xf32>, vector<1000x128xf32> -> vector<1000x128xf32>
    %get3A_6 = arith.constant 0 : index
    %get3A_7 = arith.constant 0 : index
    %get3A_8 = vector.load %arg3[%get3A_6, %get3A_7] : memref<1x128xf32, #tpu.memory_space<vmem>>, vector<1x128xf32>
    %add3A = vector.broadcast %get3A_8 : vector<1x128xf32> to vector<1000x128xf32>
    %add3A_9 = arith.addf %dot_general3A_5, %add3A : vector<1000x128xf32>
    %integer_pow3A = arith.mulf %add3A_9, %add3A_9 : vector<1000x128xf32>
    %integer_pow3A_10 = arith.mulf %add3A_9, %integer_pow3A : vector<1000x128xf32>
    %mul3A = arith.constant 4.471500e-02 : f32
    %mul3A_11 = vector.broadcast %mul3A : f32 to vector<1000x128xf32>
    %mul3A_12 = arith.mulf %mul3A_11, %integer_pow3A_10 : vector<1000x128xf32>
    %add3A_13 = arith.addf %add3A_9, %mul3A_12 : vector<1000x128xf32>
    %mul3A_14 = arith.constant 0.797884583 : f32
    %mul3A_15 = vector.broadcast %mul3A_14 : f32 to vector<1000x128xf32>
    %mul3A_16 = arith.mulf %mul3A_15, %add3A_13 : vector<1000x128xf32>
    %tanh3A = math.tanh %mul3A_16 : vector<1000x128xf32>
    %add3A_17 = arith.constant 1.000000e+00 : f32
    %add3A_18 = vector.broadcast %add3A_17 : f32 to vector<1000x128xf32>
    %add3A_19 = arith.addf %add3A_18, %tanh3A : vector<1000x128xf32>
    %mul3A_20 = arith.constant 5.000000e-01 : f32
    %mul3A_21 = vector.broadcast %mul3A_20 : f32 to vector<1000x128xf32>
    %mul3A_22 = arith.mulf %mul3A_21, %add3A_19 : vector<1000x128xf32>
    %mul3A_23 = arith.mulf %add3A_9, %mul3A_22 : vector<1000x128xf32>
    %convert_element_type3A = arith.truncf %mul3A_23 : vector<1000x128xf32> to vector<1000x128xbf16>
    %swap3A = arith.constant 0 : index
    %swap3A_24 = arith.constant 0 : index
    %swap3A_25 = vector.load %arg4[%swap3A, %swap3A_24] : memref<1000x128xbf16, #tpu.memory_space<vmem>>, vector<1000x128xbf16>
    tpu.vector_store %arg4[%swap3A, %swap3A_24], %convert_element_type3A {strides = array<i32>} : memref<1000x128xbf16, #tpu.memory_space<vmem>>, vector<1000x128xbf16>,
    return
  }
  func.func @transform_0(%arg0: i32) -> (i32, i32) {
    %c0_i32 = arith.constant 0 : i32
    %c0_i32_0 = arith.constant 0 : i32
    return %arg0, %c0_i32 : i32, i32
  }
  func.func @transform_1(%arg0: i32) -> (i32, i32) {
    %c0_i32 = arith.constant 0 : i32
    %c0_i32_0 = arith.constant 0 : i32
    %c0_i32_1 = arith.constant 0 : i32
    return %c0_i32, %c0_i32_0 : i32, i32
  }
  func.func @transform_2(%arg0: i32) -> (i32, i32) {
    %c0_i32 = arith.constant 0 : i32
    %c0_i32_0 = arith.constant 0 : i32
    %c0_i32_1 = arith.constant 0 : i32
    return %c0_i32, %c0_i32_0 : i32, i32
  }
  func.func @transform_3(%arg0: i32) -> (i32, i32) {
    %c0_i32 = arith.constant 0 : i32
    %c0_i32_0 = arith.constant 0 : i32
    return %arg0, %c0_i32 : i32, i32
  }
}

module attributes {stable_mosaic.version = 14 : i64} {
  func.func @_tc_mid_body(%arg0: i32, %arg1: memref<1000x128xbf16, #tpu.memory_space<vmem>>, %arg2: memref<2x1000x128xbf16, #tpu.memory_space<vmem>>, %arg3: memref<2x1000x16xf32, #tpu.memory_space<vmem>>, %arg4: memref<2x1000x16xf32, #tpu.memory_space<vmem>>, %arg5: memref<128x128xf32, #tpu.memory_space<vmem>>, %arg6: memref<16x128xf32, #tpu.memory_space<vmem>>, %arg7: memref<16x128xf32, #tpu.memory_space<vmem>>, %arg8: memref<1000x128xbf16, #tpu.memory_space<vmem>>) attributes {dimension_semantics = [#tpu.dimension_semantics<arbitrary>], iteration_bounds = array<i64: 10>, scalar_prefetch = 0 : i64, scratch_operands = 0 : i64, tpu.core_type = #tpu.core_type<tc>, window_params = [{transform_indices = @transform_0, window_bounds = array<i64: 1000, 128>}, {transform_indices = @transform_1, window_bounds = array<i64: 2, 1000, 128>}, {transform_indices = @transform_2, window_bounds = array<i64: 2, 1000, 16>}, {transform_indices = @transform_3, window_bounds = array<i64: 2, 1000, 16>}, {pipeline_mode = #tpu.pipeline_mode<synchronous>, transform_indices = @transform_4, window_bounds = array<i64: 128, 128>}, {pipeline_mode = #tpu.pipeline_mode<synchronous>, transform_indices = @transform_5, window_bounds = array<i64: 16, 128>}, {pipeline_mode = #tpu.pipeline_mode<synchronous>, transform_indices = @transform_6, window_bounds = array<i64: 16, 128>}, {transform_indices = @transform_7, window_bounds = array<i64: 1000, 128>}]} {
    %get3A = arith.constant 0 : index
    %get3A_0 = arith.constant 0 : index
    %get3A_1 = arith.constant 0 : index
    %get3A_2 = vector.load %arg2[%get3A, %get3A_0, %get3A_1] : memref<2x1000x128xbf16, #tpu.memory_space<vmem>>, vector<1x1000x128xbf16>
    %get3A_3 = vector.shape_cast %get3A_2 : vector<1x1000x128xbf16> to vector<1000x128xbf16>
    %convert_element_type3A = arith.extf %get3A_3 : vector<1000x128xbf16> to vector<1000x128xf32>
    %get3A_4 = arith.constant 1 : index
    %get3A_5 = arith.constant 0 : index
    %get3A_6 = arith.constant 0 : index
    %get3A_7 = vector.load %arg2[%get3A_4, %get3A_5, %get3A_6] : memref<2x1000x128xbf16, #tpu.memory_space<vmem>>, vector<1x1000x128xbf16>
    %get3A_8 = vector.shape_cast %get3A_7 : vector<1x1000x128xbf16> to vector<1000x128xbf16>
    %convert_element_type3A_9 = arith.extf %get3A_8 : vector<1000x128xbf16> to vector<1000x128xf32>
    %add3A = arith.addf %convert_element_type3A, %convert_element_type3A_9 : vector<1000x128xf32>
    %get3A_10 = arith.constant 0 : index
    %get3A_11 = arith.constant 0 : index
    %get3A_12 = arith.constant 0 : index
    %get3A_13 = vector.load %arg3[%get3A_10, %get3A_11, %get3A_12] : memref<2x1000x16xf32, #tpu.memory_space<vmem>>, vector<1x1000x16xf32>
    %get3A_14 = vector.shape_cast %get3A_13 : vector<1x1000x16xf32> to vector<1000x16xf32>
    %get3A_15 = arith.constant 1 : index
    %get3A_16 = arith.constant 0 : index
    %get3A_17 = arith.constant 0 : index
    %get3A_18 = vector.load %arg3[%get3A_15, %get3A_16, %get3A_17] : memref<2x1000x16xf32, #tpu.memory_space<vmem>>, vector<1x1000x16xf32>
    %get3A_19 = vector.shape_cast %get3A_18 : vector<1x1000x16xf32> to vector<1000x16xf32>
    %add3A_20 = arith.addf %get3A_14, %get3A_19 : vector<1000x16xf32>
    %get3A_21 = arith.constant 0 : index
    %get3A_22 = arith.constant 0 : index
    %get3A_23 = arith.constant 0 : index
    %get3A_24 = vector.load %arg4[%get3A_21, %get3A_22, %get3A_23] : memref<2x1000x16xf32, #tpu.memory_space<vmem>>, vector<1x1000x16xf32>
    %get3A_25 = vector.shape_cast %get3A_24 : vector<1x1000x16xf32> to vector<1000x16xf32>
    %get3A_26 = arith.constant 1 : index
    %get3A_27 = arith.constant 0 : index
    %get3A_28 = arith.constant 0 : index
    %get3A_29 = vector.load %arg4[%get3A_26, %get3A_27, %get3A_28] : memref<2x1000x16xf32, #tpu.memory_space<vmem>>, vector<1x1000x16xf32>
    %get3A_30 = vector.shape_cast %get3A_29 : vector<1x1000x16xf32> to vector<1000x16xf32>
    %add3A_31 = arith.addf %get3A_25, %get3A_30 : vector<1000x16xf32>
    %get3A_32 = arith.constant 0 : index
    %get3A_33 = arith.constant 0 : index
    %get3A_34 = vector.load %arg5[%get3A_32, %get3A_33] : memref<128x128xf32, #tpu.memory_space<vmem>>, vector<128x128xf32>
    %dot_general3A = arith.constant dense<0.000000e+00> : vector<1000x128xf32>
    %dot_general3A_35 = tpu.matmul %add3A, %get3A_34, %dot_general3A {dimension_numbers = #tpu.dot_dimension_numbers<[1], [0], [0], [1], [0, 0, 1, 1], [], []>, transpose_lhs_hint = false} : vector<1000x128xf32>, vector<128x128xf32>, vector<1000x128xf32> -> vector<1000x128xf32>
    %get3A_36 = arith.constant 0 : index
    %get3A_37 = arith.constant 0 : index
    %get3A_38 = vector.load %arg6[%get3A_36, %get3A_37] : memref<16x128xf32, #tpu.memory_space<vmem>>, vector<16x128xf32>
    %dot_general3A_39 = arith.constant dense<0.000000e+00> : vector<1000x128xf32>
    %dot_general3A_40 = tpu.matmul %add3A_20, %get3A_38, %dot_general3A_39 {dimension_numbers = #tpu.dot_dimension_numbers<[1], [0], [0], [1], [0, 0, 1, 1], [], []>, transpose_lhs_hint = false} : vector<1000x16xf32>, vector<16x128xf32>, vector<1000x128xf32> -> vector<1000x128xf32>
    %add3A_41 = arith.addf %dot_general3A_35, %dot_general3A_40 : vector<1000x128xf32>
    %get3A_42 = arith.constant 0 : index
    %get3A_43 = arith.constant 0 : index
    %get3A_44 = vector.load %arg7[%get3A_42, %get3A_43] : memref<16x128xf32, #tpu.memory_space<vmem>>, vector<16x128xf32>
    %dot_general3A_45 = arith.constant dense<0.000000e+00> : vector<1000x128xf32>
    %dot_general3A_46 = tpu.matmul %add3A_31, %get3A_44, %dot_general3A_45 {dimension_numbers = #tpu.dot_dimension_numbers<[1], [0], [0], [1], [0, 0, 1, 1], [], []>, transpose_lhs_hint = false} : vector<1000x16xf32>, vector<16x128xf32>, vector<1000x128xf32> -> vector<1000x128xf32>
    %add3A_47 = arith.addf %add3A_41, %dot_general3A_46 : vector<1000x128xf32>
    %get3A_48 = arith.constant 0 : index
    %get3A_49 = arith.constant 0 : index
    %get3A_50 = vector.load %arg1[%get3A_48, %get3A_49] : memref<1000x128xbf16, #tpu.memory_space<vmem>>, vector<1000x128xbf16>
    %convert_element_type3A_51 = arith.extf %get3A_50 : vector<1000x128xbf16> to vector<1000x128xf32>
    %integer_pow3A = arith.mulf %add3A_47, %add3A_47 : vector<1000x128xf32>
    %integer_pow3A_52 = arith.mulf %add3A_47, %integer_pow3A : vector<1000x128xf32>
    %mul3A = arith.constant 4.471500e-02 : f32
    %mul3A_53 = vector.broadcast %mul3A : f32 to vector<1000x128xf32>
    %mul3A_54 = arith.mulf %mul3A_53, %integer_pow3A_52 : vector<1000x128xf32>
    %add3A_55 = arith.addf %add3A_47, %mul3A_54 : vector<1000x128xf32>
    %mul3A_56 = arith.constant 0.797884583 : f32
    %mul3A_57 = vector.broadcast %mul3A_56 : f32 to vector<1000x128xf32>
    %mul3A_58 = arith.mulf %mul3A_57, %add3A_55 : vector<1000x128xf32>
    %tanh3A = math.tanh %mul3A_58 : vector<1000x128xf32>
    %add3A_59 = arith.constant 1.000000e+00 : f32
    %add3A_60 = vector.broadcast %add3A_59 : f32 to vector<1000x128xf32>
    %add3A_61 = arith.addf %add3A_60, %tanh3A : vector<1000x128xf32>
    %mul3A_62 = arith.constant 5.000000e-01 : f32
    %mul3A_63 = vector.broadcast %mul3A_62 : f32 to vector<1000x128xf32>
    %mul3A_64 = arith.mulf %mul3A_63, %add3A_61 : vector<1000x128xf32>
    %mul3A_65 = arith.mulf %add3A_47, %mul3A_64 : vector<1000x128xf32>
    %add3A_66 = arith.addf %convert_element_type3A_51, %mul3A_65 : vector<1000x128xf32>
    %convert_element_type3A_67 = arith.truncf %add3A_66 : vector<1000x128xf32> to vector<1000x128xbf16>
    %swap3A = arith.constant 0 : index
    %swap3A_68 = arith.constant 0 : index
    %swap3A_69 = vector.load %arg8[%swap3A, %swap3A_68] : memref<1000x128xbf16, #tpu.memory_space<vmem>>, vector<1000x128xbf16>
    tpu.vector_store %arg8[%swap3A, %swap3A_68], %convert_element_type3A_67 {strides = array<i32>} : memref<1000x128xbf16, #tpu.memory_space<vmem>>, vector<1000x128xbf16>,
    return
  }
  func.func @transform_0(%arg0: i32) -> (i32, i32) {
    %c0_i32 = arith.constant 0 : i32
    %c0_i32_0 = arith.constant 0 : i32
    return %arg0, %c0_i32 : i32, i32
  }
  func.func @transform_1(%arg0: i32) -> (i32, i32, i32) {
    %c0_i32 = arith.constant 0 : i32
    %c0_i32_0 = arith.constant 0 : i32
    %c0_i32_1 = arith.constant 0 : i32
    return %c0_i32, %arg0, %c0_i32_0 : i32, i32, i32
  }
  func.func @transform_2(%arg0: i32) -> (i32, i32, i32) {
    %c0_i32 = arith.constant 0 : i32
    %c0_i32_0 = arith.constant 0 : i32
    %c0_i32_1 = arith.constant 0 : i32
    return %c0_i32, %arg0, %c0_i32_0 : i32, i32, i32
  }
  func.func @transform_3(%arg0: i32) -> (i32, i32, i32) {
    %c0_i32 = arith.constant 0 : i32
    %c0_i32_0 = arith.constant 0 : i32
    %c0_i32_1 = arith.constant 0 : i32
    return %c0_i32, %arg0, %c0_i32_0 : i32, i32, i32
  }
  func.func @transform_4(%arg0: i32) -> (i32, i32) {
    %c0_i32 = arith.constant 0 : i32
    %c0_i32_0 = arith.constant 0 : i32
    %c0_i32_1 = arith.constant 0 : i32
    return %c0_i32, %c0_i32_0 : i32, i32
  }
  func.func @transform_5(%arg0: i32) -> (i32, i32) {
    %c0_i32 = arith.constant 0 : i32
    %c0_i32_0 = arith.constant 0 : i32
    %c0_i32_1 = arith.constant 0 : i32
    return %c0_i32, %c0_i32_0 : i32, i32
  }
  func.func @transform_6(%arg0: i32) -> (i32, i32) {
    %c0_i32 = arith.constant 0 : i32
    %c0_i32_0 = arith.constant 0 : i32
    %c0_i32_1 = arith.constant 0 : i32
    return %c0_i32, %c0_i32_0 : i32, i32
  }
  func.func @transform_7(%arg0: i32) -> (i32, i32) {
    %c0_i32 = arith.constant 0 : i32
    %c0_i32_0 = arith.constant 0 : i32
    return %arg0, %c0_i32 : i32, i32
  }
}

module attributes {stable_mosaic.version = 14 : i64} {
  func.func @_tc_fin_body(%arg0: i32, %arg1: memref<1000x128xbf16, #tpu.memory_space<vmem>>, %arg2: memref<2x1000x128xbf16, #tpu.memory_space<vmem>>, %arg3: memref<2x1000x16xf32, #tpu.memory_space<vmem>>, %arg4: memref<2x1000x16xf32, #tpu.memory_space<vmem>>, %arg5: memref<128x128xf32, #tpu.memory_space<vmem>>, %arg6: memref<16x128xf32, #tpu.memory_space<vmem>>, %arg7: memref<16x128xf32, #tpu.memory_space<vmem>>, %arg8: memref<128x128xf32, #tpu.memory_space<vmem>>, %arg9: memref<1x128xf32, #tpu.memory_space<vmem>>, %arg10: memref<1000x128xf32, #tpu.memory_space<vmem>>) attributes {dimension_semantics = [#tpu.dimension_semantics<arbitrary>], iteration_bounds = array<i64: 10>, scalar_prefetch = 0 : i64, scratch_operands = 0 : i64, tpu.core_type = #tpu.core_type<tc>, window_params = [{transform_indices = @transform_0, window_bounds = array<i64: 1000, 128>}, {transform_indices = @transform_1, window_bounds = array<i64: 2, 1000, 128>}, {transform_indices = @transform_2, window_bounds = array<i64: 2, 1000, 16>}, {transform_indices = @transform_3, window_bounds = array<i64: 2, 1000, 16>}, {pipeline_mode = #tpu.pipeline_mode<synchronous>, transform_indices = @transform_4, window_bounds = array<i64: 128, 128>}, {pipeline_mode = #tpu.pipeline_mode<synchronous>, transform_indices = @transform_5, window_bounds = array<i64: 16, 128>}, {pipeline_mode = #tpu.pipeline_mode<synchronous>, transform_indices = @transform_6, window_bounds = array<i64: 16, 128>}, {pipeline_mode = #tpu.pipeline_mode<synchronous>, transform_indices = @transform_7, window_bounds = array<i64: 128, 128>}, {pipeline_mode = #tpu.pipeline_mode<synchronous>, transform_indices = @transform_8, window_bounds = array<i64: 1, 128>}, {transform_indices = @transform_9, window_bounds = array<i64: 1000, 128>}]} {
    %get3A = arith.constant 0 : index
    %get3A_0 = arith.constant 0 : index
    %get3A_1 = arith.constant 0 : index
    %get3A_2 = vector.load %arg2[%get3A, %get3A_0, %get3A_1] : memref<2x1000x128xbf16, #tpu.memory_space<vmem>>, vector<1x1000x128xbf16>
    %get3A_3 = vector.shape_cast %get3A_2 : vector<1x1000x128xbf16> to vector<1000x128xbf16>
    %convert_element_type3A = arith.extf %get3A_3 : vector<1000x128xbf16> to vector<1000x128xf32>
    %get3A_4 = arith.constant 1 : index
    %get3A_5 = arith.constant 0 : index
    %get3A_6 = arith.constant 0 : index
    %get3A_7 = vector.load %arg2[%get3A_4, %get3A_5, %get3A_6] : memref<2x1000x128xbf16, #tpu.memory_space<vmem>>, vector<1x1000x128xbf16>
    %get3A_8 = vector.shape_cast %get3A_7 : vector<1x1000x128xbf16> to vector<1000x128xbf16>
    %convert_element_type3A_9 = arith.extf %get3A_8 : vector<1000x128xbf16> to vector<1000x128xf32>
    %add3A = arith.addf %convert_element_type3A, %convert_element_type3A_9 : vector<1000x128xf32>
    %get3A_10 = arith.constant 0 : index
    %get3A_11 = arith.constant 0 : index
    %get3A_12 = arith.constant 0 : index
    %get3A_13 = vector.load %arg3[%get3A_10, %get3A_11, %get3A_12] : memref<2x1000x16xf32, #tpu.memory_space<vmem>>, vector<1x1000x16xf32>
    %get3A_14 = vector.shape_cast %get3A_13 : vector<1x1000x16xf32> to vector<1000x16xf32>
    %get3A_15 = arith.constant 1 : index
    %get3A_16 = arith.constant 0 : index
    %get3A_17 = arith.constant 0 : index
    %get3A_18 = vector.load %arg3[%get3A_15, %get3A_16, %get3A_17] : memref<2x1000x16xf32, #tpu.memory_space<vmem>>, vector<1x1000x16xf32>
    %get3A_19 = vector.shape_cast %get3A_18 : vector<1x1000x16xf32> to vector<1000x16xf32>
    %add3A_20 = arith.addf %get3A_14, %get3A_19 : vector<1000x16xf32>
    %get3A_21 = arith.constant 0 : index
    %get3A_22 = arith.constant 0 : index
    %get3A_23 = arith.constant 0 : index
    %get3A_24 = vector.load %arg4[%get3A_21, %get3A_22, %get3A_23] : memref<2x1000x16xf32, #tpu.memory_space<vmem>>, vector<1x1000x16xf32>
    %get3A_25 = vector.shape_cast %get3A_24 : vector<1x1000x16xf32> to vector<1000x16xf32>
    %get3A_26 = arith.constant 1 : index
    %get3A_27 = arith.constant 0 : index
    %get3A_28 = arith.constant 0 : index
    %get3A_29 = vector.load %arg4[%get3A_26, %get3A_27, %get3A_28] : memref<2x1000x16xf32, #tpu.memory_space<vmem>>, vector<1x1000x16xf32>
    %get3A_30 = vector.shape_cast %get3A_29 : vector<1x1000x16xf32> to vector<1000x16xf32>
    %add3A_31 = arith.addf %get3A_25, %get3A_30 : vector<1000x16xf32>
    %get3A_32 = arith.constant 0 : index
    %get3A_33 = arith.constant 0 : index
    %get3A_34 = vector.load %arg5[%get3A_32, %get3A_33] : memref<128x128xf32, #tpu.memory_space<vmem>>, vector<128x128xf32>
    %dot_general3A = arith.constant dense<0.000000e+00> : vector<1000x128xf32>
    %dot_general3A_35 = tpu.matmul %add3A, %get3A_34, %dot_general3A {dimension_numbers = #tpu.dot_dimension_numbers<[1], [0], [0], [1], [0, 0, 1, 1], [], []>, transpose_lhs_hint = false} : vector<1000x128xf32>, vector<128x128xf32>, vector<1000x128xf32> -> vector<1000x128xf32>
    %get3A_36 = arith.constant 0 : index
    %get3A_37 = arith.constant 0 : index
    %get3A_38 = vector.load %arg6[%get3A_36, %get3A_37] : memref<16x128xf32, #tpu.memory_space<vmem>>, vector<16x128xf32>
    %dot_general3A_39 = arith.constant dense<0.000000e+00> : vector<1000x128xf32>
    %dot_general3A_40 = tpu.matmul %add3A_20, %get3A_38, %dot_general3A_39 {dimension_numbers = #tpu.dot_dimension_numbers<[1], [0], [0], [1], [0, 0, 1, 1], [], []>, transpose_lhs_hint = false} : vector<1000x16xf32>, vector<16x128xf32>, vector<1000x128xf32> -> vector<1000x128xf32>
    %add3A_41 = arith.addf %dot_general3A_35, %dot_general3A_40 : vector<1000x128xf32>
    %get3A_42 = arith.constant 0 : index
    %get3A_43 = arith.constant 0 : index
    %get3A_44 = vector.load %arg7[%get3A_42, %get3A_43] : memref<16x128xf32, #tpu.memory_space<vmem>>, vector<16x128xf32>
    %dot_general3A_45 = arith.constant dense<0.000000e+00> : vector<1000x128xf32>
    %dot_general3A_46 = tpu.matmul %add3A_31, %get3A_44, %dot_general3A_45 {dimension_numbers = #tpu.dot_dimension_numbers<[1], [0], [0], [1], [0, 0, 1, 1], [], []>, transpose_lhs_hint = false} : vector<1000x16xf32>, vector<16x128xf32>, vector<1000x128xf32> -> vector<1000x128xf32>
    %add3A_47 = arith.addf %add3A_41, %dot_general3A_46 : vector<1000x128xf32>
    %get3A_48 = arith.constant 0 : index
    %get3A_49 = arith.constant 0 : index
    %get3A_50 = vector.load %arg1[%get3A_48, %get3A_49] : memref<1000x128xbf16, #tpu.memory_space<vmem>>, vector<1000x128xbf16>
    %convert_element_type3A_51 = arith.extf %get3A_50 : vector<1000x128xbf16> to vector<1000x128xf32>
    %integer_pow3A = arith.mulf %add3A_47, %add3A_47 : vector<1000x128xf32>
    %integer_pow3A_52 = arith.mulf %add3A_47, %integer_pow3A : vector<1000x128xf32>
    %mul3A = arith.constant 4.471500e-02 : f32
    %mul3A_53 = vector.broadcast %mul3A : f32 to vector<1000x128xf32>
    %mul3A_54 = arith.mulf %mul3A_53, %integer_pow3A_52 : vector<1000x128xf32>
    %add3A_55 = arith.addf %add3A_47, %mul3A_54 : vector<1000x128xf32>
    %mul3A_56 = arith.constant 0.797884583 : f32
    %mul3A_57 = vector.broadcast %mul3A_56 : f32 to vector<1000x128xf32>
    %mul3A_58 = arith.mulf %mul3A_57, %add3A_55 : vector<1000x128xf32>
    %tanh3A = math.tanh %mul3A_58 : vector<1000x128xf32>
    %add3A_59 = arith.constant 1.000000e+00 : f32
    %add3A_60 = vector.broadcast %add3A_59 : f32 to vector<1000x128xf32>
    %add3A_61 = arith.addf %add3A_60, %tanh3A : vector<1000x128xf32>
    %mul3A_62 = arith.constant 5.000000e-01 : f32
    %mul3A_63 = vector.broadcast %mul3A_62 : f32 to vector<1000x128xf32>
    %mul3A_64 = arith.mulf %mul3A_63, %add3A_61 : vector<1000x128xf32>
    %mul3A_65 = arith.mulf %add3A_47, %mul3A_64 : vector<1000x128xf32>
    %add3A_66 = arith.addf %convert_element_type3A_51, %mul3A_65 : vector<1000x128xf32>
    %get3A_67 = arith.constant 0 : index
    %get3A_68 = arith.constant 0 : index
    %get3A_69 = vector.load %arg8[%get3A_67, %get3A_68] : memref<128x128xf32, #tpu.memory_space<vmem>>, vector<128x128xf32>
    %dot_general3A_70 = arith.constant dense<0.000000e+00> : vector<1000x128xf32>
    %dot_general3A_71 = tpu.matmul %add3A_66, %get3A_69, %dot_general3A_70 {dimension_numbers = #tpu.dot_dimension_numbers<[1], [0], [0], [1], [0, 0, 1, 1], [], []>, transpose_lhs_hint = false} : vector<1000x128xf32>, vector<128x128xf32>, vector<1000x128xf32> -> vector<1000x128xf32>
    %get3A_72 = arith.constant 0 : index
    %get3A_73 = arith.constant 0 : index
    %get3A_74 = vector.load %arg9[%get3A_72, %get3A_73] : memref<1x128xf32, #tpu.memory_space<vmem>>, vector<1x128xf32>
    %add3A_75 = vector.broadcast %get3A_74 : vector<1x128xf32> to vector<1000x128xf32>
    %add3A_76 = arith.addf %dot_general3A_71, %add3A_75 : vector<1000x128xf32>
    %swap3A = arith.constant 0 : index
    %swap3A_77 = arith.constant 0 : index
    %swap3A_78 = vector.load %arg10[%swap3A, %swap3A_77] : memref<1000x128xf32, #tpu.memory_space<vmem>>, vector<1000x128xf32>
    tpu.vector_store %arg10[%swap3A, %swap3A_77], %add3A_76 {strides = array<i32>} : memref<1000x128xf32, #tpu.memory_space<vmem>>, vector<1000x128xf32>,
    return
  }
  func.func @transform_0(%arg0: i32) -> (i32, i32) {
    %c0_i32 = arith.constant 0 : i32
    %c0_i32_0 = arith.constant 0 : i32
    return %arg0, %c0_i32 : i32, i32
  }
  func.func @transform_1(%arg0: i32) -> (i32, i32, i32) {
    %c0_i32 = arith.constant 0 : i32
    %c0_i32_0 = arith.constant 0 : i32
    %c0_i32_1 = arith.constant 0 : i32
    return %c0_i32, %arg0, %c0_i32_0 : i32, i32, i32
  }
  func.func @transform_2(%arg0: i32) -> (i32, i32, i32) {
    %c0_i32 = arith.constant 0 : i32
    %c0_i32_0 = arith.constant 0 : i32
    %c0_i32_1 = arith.constant 0 : i32
    return %c0_i32, %arg0, %c0_i32_0 : i32, i32, i32
  }
  func.func @transform_3(%arg0: i32) -> (i32, i32, i32) {
    %c0_i32 = arith.constant 0 : i32
    %c0_i32_0 = arith.constant 0 : i32
    %c0_i32_1 = arith.constant 0 : i32
    return %c0_i32, %arg0, %c0_i32_0 : i32, i32, i32
  }
  func.func @transform_4(%arg0: i32) -> (i32, i32) {
    %c0_i32 = arith.constant 0 : i32
    %c0_i32_0 = arith.constant 0 : i32
    %c0_i32_1 = arith.constant 0 : i32
    return %c0_i32, %c0_i32_0 : i32, i32
  }
  func.func @transform_5(%arg0: i32) -> (i32, i32) {
    %c0_i32 = arith.constant 0 : i32
    %c0_i32_0 = arith.constant 0 : i32
    %c0_i32_1 = arith.constant 0 : i32
    return %c0_i32, %c0_i32_0 : i32, i32
  }
  func.func @transform_6(%arg0: i32) -> (i32, i32) {
    %c0_i32 = arith.constant 0 : i32
    %c0_i32_0 = arith.constant 0 : i32
    %c0_i32_1 = arith.constant 0 : i32
    return %c0_i32, %c0_i32_0 : i32, i32
  }
  func.func @transform_7(%arg0: i32) -> (i32, i32) {
    %c0_i32 = arith.constant 0 : i32
    %c0_i32_0 = arith.constant 0 : i32
    %c0_i32_1 = arith.constant 0 : i32
    return %c0_i32, %c0_i32_0 : i32, i32
  }
  func.func @transform_8(%arg0: i32) -> (i32, i32) {
    %c0_i32 = arith.constant 0 : i32
    %c0_i32_0 = arith.constant 0 : i32
    %c0_i32_1 = arith.constant 0 : i32
    return %c0_i32, %c0_i32_0 : i32, i32
  }
  func.func @transform_9(%arg0: i32) -> (i32, i32) {
    %c0_i32 = arith.constant 0 : i32
    %c0_i32_0 = arith.constant 0 : i32
    return %arg0, %c0_i32 : i32, i32
  }
}

</mosaic_0001>

<sc_bundles>
// kernel: kernel.11.cloned.1.call-start
scs
__scs_entry_jumppad:
0x0: {  	(pc) =	sbr.rel $0x88, $3  }
0x1: {  	(tag) =	ssettag $0x0;
	lr =	simm.s32 $0x1  }
0x2: {  	[smem:$0x3F96] =	sst lr;
	_ =	strace $0xD0000000  }
0x3: {  	_ = 	snop  }
0x4: {  	_ = 	snop  }
0x5: {  	_ = 	snop  }
0x6: {  	_ = 	snop  }
0x7: {  	_ = 	snop  }
__scs_overlays_trampoline_lowered:
0x8: {  	[smem:$0x3FA5] =	sst s0  }
0x9: {  	[smem:$0x3FA6] =	sst s1  }
0xa: {  	[smem:$0x3FA7] =	sst s2  }
0xb: {  	[smem:$0x3FA8] =	sst s3  }
0xc: {  	[smem:$0x3FA9] =	sst s4  }
0xd: {  	[smem:$0x3FAA] =	sst s5  }
0xe: {  	[smem:$0x3FAB] =	sst s6  }
0xf: {  	[smem:$0x3FAC] =	sst s7  }
0x10: {  	[smem:$0x3FAD] =	sst s8  }
0x11: {  	[smem:$0x3FAE] =	sst s9;
	s0 =	simm.s32 @!p0 $0x0  }
0x12: {  	s1 =	sld [smem:$0x3F94];
	s0 =	simm.s32 @p0 $0x1  }
0x13: {  	[smem:$0x3FAF] =	sst s0;
	s0 =	simm.s32 @!p1 $0x0  }
0x14: {  	s2 =	sld [smem:$0x3F93];
	s0 =	simm.s32 @p1 $0x1  }
0x15: {  	[smem:$0x3FB0] =	sst s0;
	s0 =	simm.s32 @!p2 $0x0  }
0x16: {  	s3 =	sld [smem:$0x3FDB];
	s0 =	simm.s32 @p2 $0x1  }
0x17: {  	s4 =	simm.s32 $0x1BF5;
	[smem:$0x3FB2] =	sst s0  }
0x18: {  	s0 =	sld [smem:$0x3F95];
	_ =	swait.ge [sflag:s4], $0x0  }
0x19: {  	s7 =	sld [smem:$0x3F96]  }
0x1a: {  	s8 =	sadd.s32 $0xFFFFE003, lr  }
0x1b: {  	s9 =	sadd.s32 $0xFFFFFEF7, lr;
	s5 =	simm.s32 $0xFFFFFFFF;
	p2 =	slt.u32 s8, $0xFFFFF086  }
0x1c: {  	p1 =	slt.u32 s9, $0xF7A;
	s5 =	simm.s32 @!p2 $0x0  }
0x1d: {  	s5 =	simm.s32 @p1 $0x1;
	p0 =	seq.s32 s7, s2  }
0x1e: {  	s7 =	smul.u32 @!p0 $0xF7A, s2;
	p2 =	seq.s32 @!p0 s5, $0x0  }
0x1f: {  	s9 =	smul.u32 $0xF7A, s1;
	s8 =	simm.s32 @!p0 $0x1BF5;
	p2 =	por !p2, p0  }
0x20: {  	[sflag:s8] =	ssyncset.s32 @!p0 $0xFFFFF086;
	s6 =	sadd.s32 @!p0 s3, s7;
	s7 =	simm.s32 @!p0 $0x108  }
0x21: {  	s3 =	sadd.s32 s3, s9;
	s6 =	sadd.s32 @!p0 $0x88, s6;
	s7 =	simm.s32 @p2 $0x1082  }
0x22: {  	[simem:s7], [sflag:s8] =	dma.local @!p0 [hbm:s6], $0xF7A  }
0x23: {  	s9 =	sor.u32 $0xD0000000, s2;
	s6 =	simm.s32 $0x108;
	_ =	swait.ge @!p0 [sflag:s8], $0x0  }
0x24: {  	s3 =	sadd.s32 $0x88, s3;
	s6 =	simm.s32 @!p1 $0x1082;
	[sflag:s4] =	ssyncset.s32 $0xFFFFF086  }
0x25: {  	[simem:s6], [sflag:s4] =	dma.local [hbm:s3], $0xF7A  }
0x26: {  	[smem:$0x3F96] =	sst s1;
	(tag) =	ssettag s2;
	_ =	strace s9  }
0x27: {  	s1 =	sld [smem:$0x3FA6]  }
0x28: {  	s2 =	sld [smem:$0x3FA7]  }
0x29: {  	s4 =	sld [smem:$0x3FA9]  }
0x2a: {  	p0 =	seq.s32 s5, $0x0;
	s5 =	sld [smem:$0x3FAA]  }
0x2b: {  	s6 =	sld [smem:$0x3FAB]  }
0x2c: {  	s7 =	sld [smem:$0x3FAC]  }
0x2d: {  	s3 =	simm.s32 $0x108;
	s8 =	sld [smem:$0x3FAD]  }
0x2e: {  	s3 =	simm.s32 @!p0 $0x1082;
	s9 =	sld [smem:$0x3FAE]  }
0x2f: {  	lr =	sadd.s32 s0, s3;
	s0 =	sld [smem:$0x3FA5]  }
0x30: {  	s3 =	sld [smem:$0x3FA8]  }
0x31: {  	[smem:$0x3FB1] =	sst s10  }
0x32: {  	s10 =	sld [smem:$0x3FAF];
	_ =	sdelay $0x3  }
0x33: {  	p0 =	seq.s32 s10, $0x1;
	s10 =	sld [smem:$0x3FB1];
	_ =	sdelay $0x3  }
0x34: {  	[smem:$0x3FB1] =	sst s10  }
0x35: {  	s10 =	sld [smem:$0x3FB0];
	_ =	sdelay $0x3  }
0x36: {  	p1 =	seq.s32 s10, $0x1;
	s10 =	sld [smem:$0x3FB1];
	_ =	sdelay $0x3  }
0x37: {  	[smem:$0x3FB1] =	sst s10  }
0x38: {  	s10 =	sld [smem:$0x3FB2]  }
0x39: {  	_ = 	snop;
	(pc) =	sbr.ind lr, $3  }
0x3a: {  	_ = 	snop  }
0x3b: {  	_ = 	snop  }
0x3c: {  	p2 =	seq.s32 s10, $0x1;
	s10 =	sld [smem:$0x3FB1]  }
0x3d: {  	_ =	shalt  }
0x3e: {  	_ =	shalt  }
0x3f: {  	_ =	shalt  }
0x40: {  	_ =	shalt  }
0x41: {  	_ =	shalt  }
0x42: {  	_ =	shalt  }
0x43: {  	_ =	shalt  }
0x44: {  	_ =	shalt  }
0x45: {  	_ =	shalt  }
0x46: {  	_ =	shalt  }
0x47: {  	_ =	shalt  }
0x48: {  	_ =	shalt  }
0x49: {  	_ =	shalt  }
0x4a: {  	_ =	shalt  }
0x4b: {  	_ =	shalt  }
0x4c: {  	_ =	shalt  }
0x4d: {  	_ =	shalt  }
0x4e: {  	_ =	shalt  }
0x4f: {  	_ =	shalt  }
0x50: {  	_ =	shalt  }
0x51: {  	_ =	shalt  }
0x52: {  	_ =	shalt  }
0x53: {  	_ =	shalt  }
0x54: {  	_ =	shalt  }
0x55: {  	_ =	shalt  }
0x56: {  	_ =	shalt  }
0x57: {  	_ =	shalt  }
0x58: {  	_ =	shalt  }
0x59: {  	_ =	shalt  }
0x5a: {  	_ =	shalt  }
0x5b: {  	_ =	shalt  }
0x5c: {  	_ =	shalt  }
0x5d: {  	_ =	shalt  }
0x5e: {  	_ =	shalt  }
0x5f: {  	_ =	shalt  }
0x60: {  	_ =	shalt  }
0x61: {  	_ =	shalt  }
0x62: {  	_ =	shalt  }
0x63: {  	_ =	shalt  }
0x64: {  	_ =	shalt  }
0x65: {  	_ =	shalt  }
0x66: {  	_ =	shalt  }
0x67: {  	_ =	shalt  }
0x68: {  	_ =	shalt  }
0x69: {  	_ =	shalt  }
0x6a: {  	_ =	shalt  }
0x6b: {  	_ =	shalt  }
0x6c: {  	_ =	shalt  }
0x6d: {  	_ =	shalt  }
0x6e: {  	_ =	shalt  }
0x6f: {  	_ =	shalt  }
0x70: {  	_ =	shalt  }
0x71: {  	_ =	shalt  }
0x72: {  	_ =	shalt  }
0x73: {  	_ =	shalt  }
0x74: {  	_ =	shalt  }
0x75: {  	_ =	shalt  }
0x76: {  	_ =	shalt  }
0x77: {  	_ =	shalt  }
0x78: {  	_ =	shalt  }
0x79: {  	_ =	shalt  }
0x7a: {  	_ =	shalt  }
0x7b: {  	_ =	shalt  }
0x7c: {  	_ =	shalt  }
0x7d: {  	_ =	shalt  }
0x7e: {  	_ =	shalt  }
0x7f: {  	_ =	shalt  }
0x80: {  	_ =	shalt  }
0x81: {  	_ =	shalt  }
0x82: {  	_ =	shalt  }
0x83: {  	_ =	shalt  }
0x84: {  	_ =	shalt  }
0x85: {  	_ =	shalt  }
0x86: {  	_ =	shalt  }
0x87: {  	_ =	shalt  }
.Lfunc_end0:
.L_simem_size_0:
called_computation.1_lowered:
.L_overlay_start_0:
0x88: {  	s2 =	sld [smem:$0x3FD9]  }
0x89: {  	s3 =	sld [smem:$0x3FFE];
	_ =	sdelay $0x1  }
0x8a: {  	s1 =	srdreg.scid  }
0x8b: {  	s0 =	sand.u32 $0x1, s1  }
0x8c: {  	s16 =	sshll.u32 s0, $0xA;
	s2 =	sadd.s32 s3, s2  }
0x8d: {  	s2 =	sadd.s32 s2, s16  }
0x8e: {  	[smem:$0x3FBD] =	sst s2  }
0x8f: {  	_ = 	snop  }
0x90: {  	(tm) =	ssettm $0x1  }
0x91: {  	s17 =	sld [smem:$0x3FFB];
	_ =	sdelay $0x3  }
0x92: {  	_ =	strace s17  }
0x93: {  	s2 =	sld [smem:$0x3FFC];
	_ =	sdelay $0x3  }
0x94: {  	_ =	strace s2  }
0x95: {  	s2 =	sld [smem:$0x3FFD];
	_ =	sdelay $0x3  }
0x96: {  	_ =	strace s2  }
0x97: {  	_ =	strace $0x8FFFFFFF  }
0x98: {  	s18 =	sld [smem:$0x3FDB];
	_ =	sdelay $0x1  }
0x99: {  	s19 =	simm.s32 $_scs_section_size  }
0x9a: {  	s4 =	simm.s32 $_size__tile_overlayer_lowered;
	s5 =	simm.s32 $_tile_overlayer_lowered  }
0x9b: {  	s22 =	simm.s32 $0x1BFF;
	s21 =	sshll.u32 s5, $0x1;
	s2 =	sadd.s32 s19, s18  }
0x9c: {  	s6 =	simm.s32 $0x0;
	s20 =	sshll.u32 s4, $0x1;
	s4 =	sadd.s32 s21, s2  }
0x9d: {  	[timem:s6], [sflag:s22] =	dma.local [hbm:s4], s20  }
0x9e: {  	_ =	swait.ge [sflag:s22], s20  }
0x9f: {  	s3 =	ssub.s32 $0x0, s20;
	[sflag:s22] =	ssyncset.done $0x0  }
0xa0: {  	[sflag:s22] =	ssyncadd.s32 s3;
	_ =	sdelay $0x1  }
0xa1: {  	s23 =	simm.s32 $0x1B8B  }
0xa2: {  	_ =	swait.ge [sflag:s23], $0x1  }
0xa3: {  	[sflag:s23] =	ssyncset.done $0x0  }
0xa4: {  	s25 =	simm.s32 $0x1B8E;
	s24 =	sld [smem:$0x3FFE];
	[sflag:s23] =	ssyncadd.s32 $0xFFFFFFFF  }
0xa5: {  	s26 =	simm.s32 $execute0_lowered;
	[smem:$0x3FD2] =	sst s25  }
0xa6: {  	s4 =	sshll.u32 s26, $0x1;
	_ =	strace $0x80000049;
	[dreg:$0x1] =	wrdreg $0xFFFFFFFF  }
0xa7: {  	s28 =	simm.s32 $_size_execute0_lowered;
	s2 =	sadd.s32 s2, s4;
	[dreg:$0x0] =	wrdreg $0x0  }
0xa8: {  	s4 =	sshll.u32 s28, $0x1;
	[dreg:$0x2] =	wrdreg s2  }
0xa9: {  	[dreg:$0x3] =	wrdreg s4  }
0xaa: {  	[dreg:$0x4] =	wrdreg $0xC0  }
0xab: {  	_ =	task [dreg:s6], $0x5FFFF  }
0xac: {  	[dreg:$0x1] =	wrdreg $0xFFFFFFFF  }
0xad: {  	[dreg:$0x0] =	wrdreg $0x60  }
0xae: {  	[dreg:$0x2] =	wrdreg s24  }
0xaf: {  	[dreg:$0x3] =	wrdreg $0x1A400  }
0xb0: {  	[dreg:$0x4] =	wrdreg $0x41500  }
0xb1: {  	[dreg:$0x5] =	wrdreg $0x9  }
0xb2: {  	_ =	task.clear_ibuf [dreg:s6], $0x6FFFF;
	_ =	strace $0x90000049  }
0xb3: {  	s29 =	simm.s32 $0x9;
	_ =	strace $0x8000004B  }
0xb4: {  	_ =	swait.ge [sflag:s29], $0x1  }
0xb5: {  	[sflag:s29] =	ssyncadd.s32 $0xFFFFFFFF  }
0xb6: {  	_ =	strace $0x9000004B  }
0xb7: {  	_ =	sfence  }
0xb8: {  	s30 =	sld [smem:$0x0];
	_ =	sdelay $0x2  }
0xb9: {  	s31 =	sshll.u32 s1, $0xD;
	s1 =	sshrl.u32 s1, $0x2  }
0xba: {  	s3 =	sand.u32 $0x4000, s31;
	s1 =	sadd.s32 s1, s30  }
0xbb: {  	s0 =	sor.u32 s3, s0;
	s1 =	sshll.u32 s1, $0x11  }
0xbc: {  	s0 =	sor.u32 s1, s0  }
0xbd: {  	s0 =	sadd.s32 $0x8F2B, s0  }
0xbe: {  	[sflag:s0] =	ssyncadd.remote.s32 $0x1  }
0xbf: {  	_ =	sfence.sel $0xFFFF  }
0xc0: {  	[dreg:$0x0] =	wrdreg $0xFFFFFFFF;
	(pc) =	sbr.abs _section_cstart, $3  }
0xc1: {  	[dreg:$0x1] =	wrdreg $0xFFFFFFFF  }
0xc2: {  	_ =	task.clear_ibuf [dreg:s6], $0x2FFFF;
	_ =	strace $0x9FFFFFFF  }
0xc3: {  	(tm) =	ssettm $0x7FFFFFFF  }
tec
execute0_lowered:
.L_overlay_start_1:
0x0: {  	(tag) =	ssettag $0x1  }
0x1: {  	s12 =	rddreg [dreg:$0x0]  }
0x2: {  	s1 =	rddreg [dreg:$0x1]  }
0x3: {  	s2 =	rddreg [dreg:$0x2];
	s3 =	simm.s32 $0x0;
	s0 =	srdreg.scid  }
0x4: {  	s31 =	stileid.u32;
	[smem:$0x7FF] =	sst s3;
	s14 =	sadd.s32 $0x34A00, s12  }
0x5: {  	s15 =	sand.u32 $0x1, s0;
	s16 =	sadd.s32 $0x2AC00, s12;
	s4 =	smul.u32 $0x500, s31  }
0x6: {  	s17 =	sor.u32 $0x10, s31;
	s18 =	sor.u32 $0x20, s31;
	s19 =	sor.u32 $0x30, s31  }
0x7: {  	s20 =	sor.u32 $0x40, s31;
	s0 =	ssub.s32 $0x2, s15;
	s13 =	smul.u32 $0x27100, s15  }
0x8: {  	s28 =	sadd.s32 $0x520600, s12;
	_ =	strace $0x8000004A;
	s5 =	sshrl.u32 s0, $0x1  }
0x9: {  	s0 =	ssub.s32 s0, s5;
	s5 =	smul.u32 $0x500, s17;
	s6 =	sadd.s32 s4, s13  }
0xa: {  	s15 =	sshll.u32 s15, $0x4;
	s8 =	sshrl.u32 s6, $0x3;
	s6 =	smul.u32 $0x500, s18  }
0xb: {  	s0 =	smax.u32 s0, $0x1;
	s7 =	sadd.s32 s13, s5;
	s9 =	sadd.s32 s14, s8  }
0xc: {  	s8 =	sadd.s32 s16, s8;
	[dreg:$0x8] =	wrdreg s9;
	s11 =	sshrl.u32 s7, $0x3  }
0xd: {  	[dreg:$0x9] =	wrdreg s8;
	s22 =	sadd.s32 s13, s6;
	s21 =	sadd.s32 s14, s11  }
0xe: {  	s9 =	sadd.s32 s16, s11;
	s8 =	sshrl.u32 s22, $0x3;
	[dreg:$0xa] =	wrdreg s21  }
0xf: {  	s7 =	smul.u32 $0x500, s19;
	[dreg:$0xb] =	wrdreg s9;
	s10 =	sadd.s32 s14, s8  }
0x10: {  	s22 =	sor.u32 $0x60, s31;
	s8 =	sadd.s32 s16, s8;
	[dreg:$0xc] =	wrdreg s10  }
0x11: {  	s23 =	sadd.s32 s13, s7;
	s21 =	sor.u32 $0x50, s31;
	[dreg:$0xd] =	wrdreg s8  }
0x12: {  	s9 =	sshrl.u32 s23, $0x3;
	s8 =	smul.u32 $0x500, s20;
	s23 =	sor.u32 $0x70, s31  }
0x13: {  	s10 =	smul.u32 $0x500, s22;
	s24 =	sadd.s32 s14, s9;
	s9 =	sadd.s32 s16, s9  }
0x14: {  	[dreg:$0xf] =	wrdreg s9;
	s9 =	smul.u32 $0x500, s21;
	s11 =	sadd.s32 s13, s8  }
0x15: {  	[dreg:$0xe] =	wrdreg s24;
	s24 =	sshrl.u32 s11, $0x3;
	s11 =	smul.u32 $0x500, s23  }
0x16: {  	s25 =	sadd.s32 s13, s9;
	s26 =	sadd.s32 s14, s24;
	s24 =	sadd.s32 s16, s24  }
0x17: {  	s25 =	sshrl.u32 s25, $0x3;
	[dreg:$0x10] =	wrdreg s26;
	s26 =	smul.u32 $0x2710, s31  }
0x18: {  	[dreg:$0x11] =	wrdreg s24;
	s24 =	sadd.s32 s14, s25;
	s25 =	sadd.s32 s16, s25  }
0x19: {  	[dreg:$0x12] =	wrdreg s24;
	s24 =	sadd.s32 s26, s13;
	s26 =	sadd.s32 s13, s10  }
0x1a: {  	[dreg:$0x13] =	wrdreg s25;
	s13 =	sadd.s32 s13, s11;
	s25 =	sshrl.u32 s26, $0x3  }
0x1b: {  	[smem:$0x7FA] =	sst s0;
	s26 =	sshrl.u32 s13, $0x3;
	s29 =	sadd.s32 s14, s25  }
0x1c: {  	s13 =	sadd.s32 $0x230, s24;
	s25 =	sadd.s32 s16, s25;
	[dreg:$0x14] =	wrdreg s29  }
0x1d: {  	s14 =	sadd.s32 s14, s26;
	s16 =	sadd.s32 s16, s26;
	[dreg:$0x15] =	wrdreg s25  }
0x1e: {  	s29 =	sshll.u32 s13, $0x1;
	[dreg:$0x17] =	wrdreg s16;
	s16 =	smul.u32 $0x1400, s17  }
0x1f: {  	[dreg:$0x16] =	wrdreg s14;
	s17 =	smul.u32 $0x1400, s18;
	s18 =	sor.u32 s31, s15  }
0x20: {  	s14 =	sadd.s32 $0x1E0, s24;
	s25 =	sadd.s32 s29, s28;
	s29 =	smul.u32 $0x2710, s18  }
0x21: {  	s18 =	smul.u32 $0x4E20, s18;
	[dreg:$0x4] =	wrdreg s25;
	s25 =	sshll.u32 s14, $0x1  }
0x22: {  	s15 =	sadd.s32 $0x190, s24;
	s26 =	sadd.s32 s25, s28;
	s30 =	sadd.s32 $0x50, s29  }
0x23: {  	s18 =	sadd.s32 s28, s18;
	[dreg:$0x5] =	wrdreg s26;
	s26 =	sshll.u32 s15, $0x1  }
0x24: {  	[dreg:$0x18] =	wrdreg s18;
	s25 =	sadd.s32 s26, s28;
	s26 =	sshll.u32 s30, $0x1  }
0x25: {  	s18 =	sadd.s32 $0xA0, s29;
	[dreg:$0x6] =	wrdreg s25;
	s25 =	sadd.s32 s28, s26  }
0x26: {  	s26 =	sadd.s32 $0x140, s24;
	s24 =	sshll.u32 s18, $0x1;
	[dreg:$0x19] =	wrdreg s25  }
0x27: {  	s25 =	sadd.s32 $0xF0, s29;
	s24 =	sadd.s32 s28, s24;
	[dreg:$0x1a] =	wrdreg s26  }
0x28: {  	s26 =	sshll.u32 s26, $0x1;
	[dreg:$0x1b] =	wrdreg s24;
	s24 =	sshll.u32 s25, $0x1  }
0x29: {  	s26 =	sadd.s32 s26, s28;
	s24 =	sadd.s32 s28, s24;
	s28 =	smul.u32 $0x1400, s31  }
0x2a: {  	[dreg:$0x1c] =	wrdreg s24;
	s24 =	smul.u32 $0x1400, s22  }
0x2b: {  	[dreg:$0x7] =	wrdreg s26;
	s22 =	sshrl.u32 s28, $0x2  }
0x2c: {  	s26 =	sadd.s32 $0x3600, s12;
	s12 =	sshrl.u32 s24, $0x2;
	s24 =	sadd.s32 s22, s1  }
0x2d: {  	s16 =	sshrl.u32 s16, $0x2;
	s22 =	sadd.s32 s22, s2;
	[dreg:$0x1d] =	wrdreg s24  }
0x2e: {  	s19 =	smul.u32 $0x1400, s19;
	[dreg:$0x1e] =	wrdreg s22;
	s24 =	sadd.s32 s16, s1  }
0x2f: {  	s17 =	sshrl.u32 s17, $0x2;
	s16 =	sadd.s32 s16, s2;
	[dreg:$0x1f] =	wrdreg s24  }
0x30: {  	s19 =	sshrl.u32 s19, $0x2;
	s22 =	sadd.s32 s17, s1;
	[smem:$0x7D9] =	sst s16  }
0x31: {  	s20 =	smul.u32 $0x1400, s20;
	[smem:$0x7DA] =	sst s22;
	s24 =	sadd.s32 s17, s2  }
0x32: {  	s21 =	smul.u32 $0x1400, s21;
	s17 =	sadd.s32 s19, s1;
	[smem:$0x7DB] =	sst s24  }
0x33: {  	s20 =	sshrl.u32 s20, $0x2;
	s19 =	sadd.s32 s19, s2;
	[smem:$0x7DC] =	sst s17  }
0x34: {  	s22 =	sadd.s32 s20, s1;
	[smem:$0x7DD] =	sst s19  }
0x35: {  	s21 =	sshrl.u32 s21, $0x2;
	[smem:$0x7DE] =	sst s22;
	s24 =	sadd.s32 s20, s2  }
0x36: {  	s17 =	sadd.s32 s21, s1;
	[smem:$0x7DF] =	sst s24  }
0x37: {  	s23 =	smul.u32 $0x1400, s23;
	s19 =	sadd.s32 s21, s2;
	[smem:$0x7E0] =	sst s17  }
0x38: {  	s20 =	sadd.s32 s12, s1;
	[smem:$0x7E1] =	sst s19  }
0x39: {  	s23 =	sshrl.u32 s23, $0x2;
	s12 =	sadd.s32 s12, s2;
	[smem:$0x7E2] =	sst s20  }
0x3a: {  	s22 =	sadd.s32 s23, s1;
	[smem:$0x7E3] =	sst s12  }
0x3b: {  	s21 =	sshrl.u32 s29, $0x3;
	[smem:$0x7E4] =	sst s22;
	s24 =	sadd.s32 s23, s2  }
0x3c: {  	s12 =	sadd.s32 s26, s21;
	[smem:$0x7E5] =	sst s24  }
0x3d: {  	s21 =	sadd.s32 s4, s1;
	[smem:$0x7E6] =	sst s12  }
0x3e: {  	s4 =	sadd.s32 s4, s2;
	[smem:$0x7EA] =	sst s21  }
0x3f: {  	p0 =	sgt.u32 s31, $0xC;
	s22 =	sadd.s32 s5, s1;
	[smem:$0x7EB] =	sst s4  }
0x40: {  	s17 =	sshrl.u32 s18, $0x3;
	s23 =	sadd.s32 s5, s2;
	[smem:$0x7EC] =	sst s22  }
0x41: {  	s18 =	sshrl.u32 s25, $0x3;
	s25 =	sadd.s32 s6, s2;
	[smem:$0x7ED] =	sst s23  }
0x42: {  	s16 =	sshrl.u32 s30, $0x3;
	s5 =	sadd.s32 s7, s1;
	[smem:$0x7EF] =	sst s25  }
0x43: {  	s31 =	simm.s32 $0x4;
	s12 =	sadd.s32 s26, s16;
	[smem:$0x7F0] =	sst s5  }
0x44: {  	s28 =	simm.s32 $0x6;
	s19 =	sadd.s32 s26, s17;
	[smem:$0x7E7] =	sst s12  }
0x45: {  	s30 =	simm.s32 $0x7;
	s20 =	sadd.s32 s26, s18;
	[smem:$0x7E8] =	sst s19  }
0x46: {  	s29 =	simm.s32 $0x3;
	s24 =	sadd.s32 s6, s1;
	[smem:$0x7E9] =	sst s20  }
0x47: {  	s6 =	sadd.s32 s7, s2;
	s7 =	sadd.s32 s8, s1;
	[smem:$0x7EE] =	sst s24  }
0x48: {  	s16 =	sadd.s32 s9, s1;
	s17 =	sadd.s32 s9, s2;
	[smem:$0x7F1] =	sst s6  }
0x49: {  	s18 =	sadd.s32 s10, s1;
	s21 =	sadd.s32 s11, s2;
	[smem:$0x7F2] =	sst s7  }
0x4a: {  	s22 =	sshrl.u32 s13, $0x3;
	s23 =	sshrl.u32 s14, $0x3;
	[smem:$0x7F4] =	sst s16  }
0x4b: {  	s13 =	simm.s32 $0x140;
	s14 =	simm.s32 $0x9;
	[smem:$0x7F5] =	sst s17  }
0x4c: {  	s12 =	sadd.s32 s8, s2;
	[smem:$0x7F6] =	sst s18;
	s19 =	sadd.s32 s10, s2  }
0x4d: {  	s20 =	sadd.s32 s11, s1;
	[smem:$0x7F9] =	sst s21;
	s0 =	sadd.s32 s22, s26  }
0x4e: {  	s24 =	sshrl.u32 s15, $0x3;
	s15 =	simm.s32 $0x50;
	[smem:$0x7F3] =	sst s12  }
0x4f: {  	s16 =	simm.s32 $0x640;
	s17 =	simm.s32 $0xA0;
	[smem:$0x7F7] =	sst s19  }
0x50: {  	s18 =	simm.s32 $0xB40;
	s21 =	simm.s32 $0x1;
	[smem:$0x7F8] =	sst s20  }
0x51: {  	s22 =	simm.s32 $0x5;
	s6 =	simm.s32 $0x0;
	[smem:$0x7FB] =	sst s0  }
0x52: {  	s0 =	sadd.s32 s23, s26;
	s25 =	sadd.s32 s24, s26;
	s19 =	simm.s32 $0xF0  }
0x53: {  	v0 =	vimm.f32 $0.0e+00;
	vm0 =	vcmask $0x300;
	s20 =	simm.s32 $0x1040;
	s24 =	simm.s32 $0x1540;
	[smem:$0x7FC] =	sst s0  }
0x54: {  	v1 =	vsel vm0, $0x3F800000, v0;
	[smem:$0x7FD] =	sst s25;
	s25 =	simm.s32 $0x2;
	s0 =	simm.s32 $0x8  }
.LBB2_1:
0x55: {  	[smem:$0x7D8] =	sst s6;
	s5 =	simm.s32 $0x40;
	s6 =	simm.s32 $0x0  }
.LBB2_2:
0x56: {  	p1 =	sne.s32 s5, $0x13C0;
	[tilespmem:s6+$0x140] =	vst v0;
	s6 =	smov.u32 s5;
	s5 =	sadd.s32 $0x40, s5  }
.Ltmp0:
0x57: {  	(pc) =	sbr.rel @p1 .LBB2_2-.Ltmp0, $2  }
0x58: {  	_ =	sdelay $0x2  }
0x59: {  	s6 =	sshra.s32 s6, $0x2  }
0x5a: {  	[tilespmem:s6+$0x140] =	vst v0;
	s4 =	rddreg [dreg:$0x1d]  }
0x5b: {  	[spmem:s4] =	stream.linear.scatter [tilespmem:s13], [sflag:$0x9], $0x500, $0x38;
	[tilespmem:$0x6860] =	vst v63  }
0x5c: {  	_ =	swait.ge [sflag:s14], $0x500  }
0x5d: {  	[sflag:s14] =	ssyncset.done $0x0  }
0x5e: {  	s10 =	rddreg [dreg:$0x1f];
	[sflag:s14] =	ssyncadd.s32 $0xFFFFFB00  }
0x5f: {  	[spmem:s10] =	stream.linear.scatter [tilespmem:s13], [sflag:$0x9], $0x500, $0x38;
	[tilespmem:$0x6860] =	vst v63  }
0x60: {  	_ =	swait.ge [sflag:s14], $0x500  }
0x61: {  	s11 =	sld [smem:$0x7DA]  }
0x62: {  	[sflag:s14] =	ssyncset.done $0x0  }
0x63: {  	[sflag:s14] =	ssyncadd.s32 $0xFFFFFB00  }
0x64: {  	[spmem:s11] =	stream.linear.scatter [tilespmem:s13], [sflag:$0x9], $0x500, $0x38;
	[tilespmem:$0x6860] =	vst v63  }
0x65: {  	_ =	swait.ge [sflag:s14], $0x500  }
0x66: {  	s12 =	sld [smem:$0x7DC]  }
0x67: {  	[sflag:s14] =	ssyncset.done $0x0  }
0x68: {  	[sflag:s14] =	ssyncadd.s32 $0xFFFFFB00  }
0x69: {  	[spmem:s12] =	stream.linear.scatter [tilespmem:s13], [sflag:$0x9], $0x500, $0x38;
	[tilespmem:$0x6860] =	vst v63  }
0x6a: {  	_ =	swait.ge [sflag:s14], $0x500  }
0x6b: {  	s23 =	sld [smem:$0x7DE]  }
0x6c: {  	[sflag:s14] =	ssyncset.done $0x0  }
0x6d: {  	[sflag:s14] =	ssyncadd.s32 $0xFFFFFB00  }
0x6e: {  	[spmem:s23] =	stream.linear.scatter [tilespmem:s13], [sflag:$0x9], $0x500, $0x38;
	[tilespmem:$0x6860] =	vst v63  }
0x6f: {  	_ =	swait.ge [sflag:s14], $0x500  }
0x70: {  	s5 =	sld [smem:$0x7E0]  }
0x71: {  	[sflag:s14] =	ssyncset.done $0x0  }
0x72: {  	[sflag:s14] =	ssyncadd.s32 $0xFFFFFB00  }
0x73: {  	[spmem:s5] =	stream.linear.scatter [tilespmem:s13], [sflag:$0x9], $0x500, $0x38;
	[tilespmem:$0x6860] =	vst v63  }
0x74: {  	_ =	swait.ge [sflag:s14], $0x500  }
0x75: {  	s6 =	sld [smem:$0x7E2]  }
0x76: {  	[sflag:s14] =	ssyncset.done $0x0  }
0x77: {  	[sflag:s14] =	ssyncadd.s32 $0xFFFFFB00  }
0x78: {  	[spmem:s6] =	stream.linear.scatter [tilespmem:s13], [sflag:$0x9], $0x500, $0x38;
	[tilespmem:$0x6860] =	vst v63  }
0x79: {  	_ =	swait.ge [sflag:s14], $0x500  }
0x7a: {  	s4 =	sld [smem:$0x7E4]  }
0x7b: {  	[sflag:s14] =	ssyncset.done $0x0  }
0x7c: {  	s5 =	simm.s32 @!p0 $0x140;
	s6 =	simm.s32 @!p0 $0x9;
	[sflag:s14] =	ssyncadd.s32 $0xFFFFFB00  }
0x7d: {  	[spmem:s4] =	stream.linear.scatter @!p0 [tilespmem:s5], [sflag:$0x9], $0x500, $0x38;
	[tilespmem:$0x6860] =	vst v63  }
0x7e: {  	_ =	swait.ge @!p0 [sflag:s6], $0x500  }
0x7f: {  	[sflag:s6] =	ssyncset.done @!p0 $0x0  }
0x80: {  	s7 =	rddreg [dreg:$0x1e];
	[sflag:s6] =	ssyncadd.s32 @!p0 $0xFFFFFB00  }
0x81: {  	[spmem:s7] =	stream.linear.scatter [tilespmem:s13], [sflag:$0x9], $0x500, $0x38;
	[tilespmem:$0x6860] =	vst v63  }
0x82: {  	_ =	swait.ge [sflag:s14], $0x500  }
0x83: {  	s8 =	sld [smem:$0x7D9]  }
0x84: {  	[sflag:s14] =	ssyncset.done $0x0  }
0x85: {  	[sflag:s14] =	ssyncadd.s32 $0xFFFFFB00  }
0x86: {  	[spmem:s8] =	stream.linear.scatter [tilespmem:s13], [sflag:$0x9], $0x500, $0x38;
	[tilespmem:$0x6860] =	vst v63  }
0x87: {  	_ =	swait.ge [sflag:s14], $0x500  }
0x88: {  	s9 =	sld [smem:$0x7DB]  }
0x89: {  	[sflag:s14] =	ssyncset.done $0x0  }
0x8a: {  	[sflag:s14] =	ssyncadd.s32 $0xFFFFFB00  }
0x8b: {  	[spmem:s9] =	stream.linear.scatter [tilespmem:s13], [sflag:$0x9], $0x500, $0x38;
	[tilespmem:$0x6860] =	vst v63  }
0x8c: {  	_ =	swait.ge [sflag:s14], $0x500  }
0x8d: {  	s10 =	sld [smem:$0x7DD]  }
0x8e: {  	[sflag:s14] =	ssyncset.done $0x0  }
0x8f: {  	[sflag:s14] =	ssyncadd.s32 $0xFFFFFB00  }
0x90: {  	[spmem:s10] =	stream.linear.scatter [tilespmem:s13], [sflag:$0x9], $0x500, $0x38;
	[tilespmem:$0x6860] =	vst v63  }
0x91: {  	_ =	swait.ge [sflag:s14], $0x500  }
0x92: {  	s11 =	sld [smem:$0x7DF]  }
0x93: {  	[sflag:s14] =	ssyncset.done $0x0  }
0x94: {  	[sflag:s14] =	ssyncadd.s32 $0xFFFFFB00  }
0x95: {  	[spmem:s11] =	stream.linear.scatter [tilespmem:s13], [sflag:$0x9], $0x500, $0x38;
	[tilespmem:$0x6860] =	vst v63  }
0x96: {  	_ =	swait.ge [sflag:s14], $0x500  }
0x97: {  	s12 =	sld [smem:$0x7E1]  }
0x98: {  	[sflag:s14] =	ssyncset.done $0x0  }
0x99: {  	[sflag:s14] =	ssyncadd.s32 $0xFFFFFB00  }
0x9a: {  	[spmem:s12] =	stream.linear.scatter [tilespmem:s13], [sflag:$0x9], $0x500, $0x38;
	[tilespmem:$0x6860] =	vst v63  }
0x9b: {  	_ =	swait.ge [sflag:s14], $0x500  }
0x9c: {  	s23 =	sld [smem:$0x7E3]  }
0x9d: {  	[sflag:s14] =	ssyncset.done $0x0  }
0x9e: {  	[sflag:s14] =	ssyncadd.s32 $0xFFFFFB00  }
0x9f: {  	[spmem:s23] =	stream.linear.scatter [tilespmem:s13], [sflag:$0x9], $0x500, $0x38;
	[tilespmem:$0x6860] =	vst v63  }
0xa0: {  	_ =	swait.ge [sflag:s14], $0x500  }
0xa1: {  	s4 =	sld [smem:$0x7E5]  }
0xa2: {  	[sflag:s14] =	ssyncset.done $0x0  }
0xa3: {  	[sflag:s14] =	ssyncadd.s32 $0xFFFFFB00  }
0xa4: {  	[spmem:s4] =	stream.linear.scatter @!p0 [tilespmem:s5], [sflag:$0x9], $0x500, $0x38;
	[tilespmem:$0x6860] =	vst v63  }
0xa5: {  	_ =	swait.ge @!p0 [sflag:s6], $0x500  }
0xa6: {  	[sflag:s6] =	ssyncset.done @!p0 $0x0  }
0xa7: {  	s5 =	simm.s32 $0x40;
	[sflag:s6] =	ssyncadd.s32 @!p0 $0xFFFFFB00;
	s6 =	simm.s32 $0x0  }
.LBB2_4:
0xa8: {  	p1 =	sne.s32 s5, $0x13C0;
	[tilespmem:s6+$0x1540] =	vst v1;
	s6 =	smov.u32 s5;
	s5 =	sadd.s32 $0x40, s5  }
.Ltmp1:
0xa9: {  	(pc) =	sbr.rel @p1 .LBB2_4-.Ltmp1, $2  }
0xaa: {  	_ =	sdelay $0x2  }
0xab: {  	s6 =	sshra.s32 s6, $0x2  }
0xac: {  	[tilespmem:s6+$0x1540] =	vst v1  }
0xad: {  	[bflag:$0x0] =	sbarrier.arrive $0xFFFF  }
0xae: {  	s4 =	sld [smem:$0x7E6];
	_ =	sdelay $0x1  }
0xaf: {  	s5 =	simm.s32 $0x0;
	s12 =	rddreg [dreg:$0x18]  }
0xb0: {  	[tilespmem:s5], [sflag:$0x1] =	stream.linear.gather [hbm4b:s4+s5], $0x50, $0x38;
	[tilespmem:$0x6860] =	vst v63  }
0xb1: {  	s23 =	sld [smem:$0x7E7]  }
0xb2: {  	[tilespmem:s13], [sflag:$0x5] =	stream.linear.gather [hbm4b:s12+s5], $0x500, $0x38;
	[tilespmem:$0x6860] =	vst v63  }
0xb3: {  	s6 =	rddreg [dreg:$0x19]  }
0xb4: {  	[tilespmem:s15], [sflag:$0x2] =	stream.linear.gather [hbm4b:s23+s5], $0x50, $0x38;
	[tilespmem:$0x6860] =	vst v63  }
0xb5: {  	s7 =	sld [smem:$0x7E8]  }
0xb6: {  	[tilespmem:s16], [sflag:$0x6] =	stream.linear.gather [hbm4b:s6+s5], $0x500, $0x38;
	[tilespmem:$0x6860] =	vst v63  }
0xb7: {  	s8 =	rddreg [dreg:$0x1b]  }
0xb8: {  	[tilespmem:s17], [sflag:$0x3] =	stream.linear.gather [hbm4b:s7+s5], $0x50, $0x38;
	[tilespmem:$0x6860] =	vst v63  }
0xb9: {  	s9 =	sld [smem:$0x7E9]  }
0xba: {  	[tilespmem:s18], [sflag:$0x7] =	stream.linear.gather [hbm4b:s8+s5], $0x500, $0x38;
	[tilespmem:$0x6860] =	vst v63  }
0xbb: {  	_ = 	snop  }
0xbc: {  	[tilespmem:s19], [sflag:$0x4] =	stream.linear.gather [hbm4b:s9+s5], $0x50, $0x38;
	[tilespmem:$0x6860] =	vst v63  }
0xbd: {  	s10 =	rddreg [dreg:$0x1c]  }
0xbe: {  	[tilespmem:s20], [sflag:$0x8] =	stream.linear.gather [hbm4b:s10+s5], $0x500, $0x38;
	[tilespmem:$0x6860] =	vst v63  }
0xbf: {  	_ =	swait.ge [sflag:s21], $0x50  }
0xc0: {  	[sflag:s21] =	ssyncset.done $0x0  }
0xc1: {  	[sflag:s21] =	ssyncadd.s32 $0xFFFFFFB0  }
0xc2: {  	_ =	swait.ge [sflag:s22], $0x500  }
0xc3: {  	[sflag:s22] =	ssyncset.done $0x0  }
0xc4: {  	[sflag:s22] =	ssyncadd.s32 $0xFFFFFB00  }
0xc5: {  	[spmem:s1] =	stream.indirect.scatter.add.f32 [tilespmem:s13], [sflag:$0x9], $0x10, s5, s15, $0xb8;
	[tilespmem:$0x6860] =	vst v63  }
0xc6: {  	_ =	swait.ge [sflag:s14], $0x500  }
0xc7: {  	[sflag:s14] =	ssyncset.done $0x0  }
0xc8: {  	[sflag:s14] =	ssyncadd.s32 $0xFFFFFB00  }
0xc9: {  	[spmem:s2] =	stream.indirect.scatter.add.f32 [tilespmem:s24], [sflag:$0x9], $0x10, s5, s15, $0xb8;
	[tilespmem:$0x6860] =	vst v63  }
0xca: {  	_ =	swait.ge [sflag:s14], $0x500  }
0xcb: {  	s4 =	rddreg [dreg:$0x1a]  }
0xcc: {  	[sflag:s14] =	ssyncset.done $0x0;
	s11 =	sshrl.u32 s4, $0x3  }
0xcd: {  	s12 =	rddreg [dreg:$0x7];
	[sflag:s14] =	ssyncadd.s32 $0xFFFFFB00;
	s5 =	sadd.s32 s26, s11  }
0xce: {  	[tilespmem:s3], [sflag:$0x1] =	stream.linear.gather [hbm4b:s5+s3], $0x50, $0x38;
	[tilespmem:$0x6860] =	vst v63  }
0xcf: {  	s23 =	sadd.s32 $0x0, s12  }
0xd0: {  	[tilespmem:s13], [sflag:$0x5] =	stream.linear.gather [hbm4b:s23+s3], $0x500, $0x38;
	[tilespmem:$0x6860] =	vst v63  }
0xd1: {  	_ =	swait.ge [sflag:s25], $0x50  }
0xd2: {  	[sflag:s25] =	ssyncset.done $0x0  }
0xd3: {  	[sflag:s25] =	ssyncadd.s32 $0xFFFFFFB0  }
0xd4: {  	_ =	swait.ge [sflag:s28], $0x500  }
0xd5: {  	[sflag:s28] =	ssyncset.done $0x0  }
0xd6: {  	[sflag:s28] =	ssyncadd.s32 $0xFFFFFB00  }
0xd7: {  	[spmem:s1] =	stream.indirect.scatter.add.f32 [tilespmem:s16], [sflag:$0x9], $0x10, s15, s15, $0xb8;
	[tilespmem:$0x6860] =	vst v63  }
0xd8: {  	_ =	swait.ge [sflag:s14], $0x500  }
0xd9: {  	[sflag:s14] =	ssyncset.done $0x0  }
0xda: {  	[sflag:s14] =	ssyncadd.s32 $0xFFFFFB00  }
0xdb: {  	[spmem:s2] =	stream.indirect.scatter.add.f32 [tilespmem:s24], [sflag:$0x9], $0x10, s15, s15, $0xb8;
	[tilespmem:$0x6860] =	vst v63  }
0xdc: {  	_ =	swait.ge [sflag:s14], $0x500  }
0xdd: {  	p1 =	por $0x0, $0x0;
	s11 =	sld [smem:$0x7FD]  }
0xde: {  	s6 =	simm.s32 @!p1 $0x0;
	[sflag:s14] =	ssyncset.done $0x0  }
0xdf: {  	s7 =	simm.s32 @!p1 $0x50;
	s5 =	rddreg [dreg:$0x6];
	[sflag:s14] =	ssyncadd.s32 $0xFFFFFB00  }
0xe0: {  	[tilespmem:s7], [sflag:$0x2] =	stream.linear.gather @!p1 [hbm4b:s11+s6], $0x50, $0x38;
	[tilespmem:$0x6860] =	vst v63  }
0xe1: {  	s5 =	sadd.s32 @!p1 $0x0, s5;
	s7 =	simm.s32 @!p1 $0x640  }
0xe2: {  	[tilespmem:s7], [sflag:$0x6] =	stream.linear.gather @!p1 [hbm4b:s5+s6], $0x500, $0x38;
	[tilespmem:$0x6860] =	vst v63  }
0xe3: {  	_ =	swait.ge [sflag:s29], $0x50  }
0xe4: {  	[sflag:s29] =	ssyncset.done $0x0  }
0xe5: {  	[sflag:s29] =	ssyncadd.s32 $0xFFFFFFB0  }
0xe6: {  	_ =	swait.ge [sflag:s30], $0x500  }
0xe7: {  	[sflag:s30] =	ssyncset.done $0x0  }
0xe8: {  	[sflag:s30] =	ssyncadd.s32 $0xFFFFFB00  }
0xe9: {  	[spmem:s1] =	stream.indirect.scatter.add.f32 [tilespmem:s18], [sflag:$0x9], $0x10, s17, s15, $0xb8;
	[tilespmem:$0x6860] =	vst v63  }
0xea: {  	_ =	swait.ge [sflag:s14], $0x500  }
0xeb: {  	[sflag:s14] =	ssyncset.done $0x0  }
0xec: {  	[sflag:s14] =	ssyncadd.s32 $0xFFFFFB00  }
0xed: {  	[spmem:s2] =	stream.indirect.scatter.add.f32 [tilespmem:s24], [sflag:$0x9], $0x10, s17, s15, $0xb8;
	[tilespmem:$0x6860] =	vst v63  }
0xee: {  	_ =	swait.ge [sflag:s14], $0x500  }
0xef: {  	s8 =	sld [smem:$0x7FC]  }
0xf0: {  	[sflag:s14] =	ssyncset.done $0x0  }
0xf1: {  	s7 =	simm.s32 @!p1 $0xA0;
	s5 =	rddreg [dreg:$0x5];
	[sflag:s14] =	ssyncadd.s32 $0xFFFFFB00  }
0xf2: {  	[tilespmem:s7], [sflag:$0x3] =	stream.linear.gather @!p1 [hbm4b:s8+s6], $0x50, $0x38;
	[tilespmem:$0x6860] =	vst v63  }
0xf3: {  	s5 =	sadd.s32 @!p1 $0x0, s5;
	s7 =	simm.s32 @!p1 $0xB40  }
0xf4: {  	[tilespmem:s7], [sflag:$0x7] =	stream.linear.gather @!p1 [hbm4b:s5+s6], $0x500, $0x38;
	[tilespmem:$0x6860] =	vst v63  }
0xf5: {  	_ =	swait.ge [sflag:s31], $0x50  }
0xf6: {  	[sflag:s31] =	ssyncset.done $0x0  }
0xf7: {  	[sflag:s31] =	ssyncadd.s32 $0xFFFFFFB0  }
0xf8: {  	_ =	swait.ge [sflag:s0], $0x500  }
0xf9: {  	[sflag:s0] =	ssyncset.done $0x0  }
0xfa: {  	[sflag:s0] =	ssyncadd.s32 $0xFFFFFB00  }
0xfb: {  	[spmem:s1] =	stream.indirect.scatter.add.f32 [tilespmem:s20], [sflag:$0x9], $0x10, s19, s15, $0xb8;
	[tilespmem:$0x6860] =	vst v63  }
0xfc: {  	_ =	swait.ge [sflag:s14], $0x500  }
0xfd: {  	[sflag:s14] =	ssyncset.done $0x0  }
0xfe: {  	[sflag:s14] =	ssyncadd.s32 $0xFFFFFB00  }
0xff: {  	[spmem:s2] =	stream.indirect.scatter.add.f32 [tilespmem:s24], [sflag:$0x9], $0x10, s19, s15, $0xb8;
	[tilespmem:$0x6860] =	vst v63  }
0x100: {  	_ =	swait.ge [sflag:s14], $0x500  }
0x101: {  	s10 =	sld [smem:$0x7FB]  }
0x102: {  	[sflag:s14] =	ssyncset.done $0x0  }
0x103: {  	s7 =	simm.s32 @!p1 $0xF0;
	s5 =	rddreg [dreg:$0x4];
	[sflag:s14] =	ssyncadd.s32 $0xFFFFFB00  }
0x104: {  	[tilespmem:s7], [sflag:$0x4] =	stream.linear.gather @!p1 [hbm4b:s10+s6], $0x50, $0x38;
	[tilespmem:$0x6860] =	vst v63  }
0x105: {  	s5 =	sadd.s32 @!p1 $0x0, s5;
	s7 =	simm.s32 @!p1 $0x1040  }
0x106: {  	[tilespmem:s7], [sflag:$0x8] =	stream.linear.gather @!p1 [hbm4b:s5+s6], $0x500, $0x38;
	[tilespmem:$0x6860] =	vst v63  }
0x107: {  	_ =	swait.ge [sflag:s21], $0x50  }
0x108: {  	[sflag:s21] =	ssyncset.done $0x0  }
0x109: {  	[sflag:s21] =	ssyncadd.s32 $0xFFFFFFB0  }
0x10a: {  	_ =	swait.ge [sflag:s22], $0x500  }
0x10b: {  	[sflag:s22] =	ssyncset.done $0x0  }
0x10c: {  	[sflag:s22] =	ssyncadd.s32 $0xFFFFFB00  }
0x10d: {  	[spmem:s1] =	stream.indirect.scatter.add.f32 [tilespmem:s13], [sflag:$0x9], $0x10, s3, s15, $0xb8;
	[tilespmem:$0x6860] =	vst v63  }
0x10e: {  	_ =	swait.ge [sflag:s14], $0x500  }
0x10f: {  	s9 =	simm.s32 $0x500;
	s23 =	sadd.s32 $0x140, s4;
	[sflag:s14] =	ssyncset.done $0x0  }
0x110: {  	s5 =	simm.s32 $0x280;
	s7 =	sadd.s32 $0x28, s8;
	[sflag:s14] =	ssyncadd.s32 $0xFFFFFB00  }
0x111: {  	[spmem:s2] =	stream.indirect.scatter.add.f32 [tilespmem:s24], [sflag:$0x9], $0x10, s3, s15, $0xb8;
	[tilespmem:$0x6860] =	vst v63  }
0x112: {  	s8 =	sadd.s32 $0x28, s11;
	s6 =	sadd.s32 $0x28, s10;
	_ =	swait.ge [sflag:s14], $0x500  }
0x113: {  	s10 =	sshrl.u32 s23, $0x3;
	s11 =	rddreg [dreg:$0x7];
	[sflag:s14] =	ssyncset.done $0x0  }
.LBB2_6:
0x114: {  	s12 =	sadd.s32 s26, s10;
	[sflag:s14] =	ssyncadd.s32 $0xFFFFFB00  }
0x115: {  	[tilespmem:s3], [sflag:$0x1] =	stream.linear.gather [hbm4b:s12+s3], $0x50, $0x38;
	[tilespmem:$0x6860] =	vst v63  }
0x116: {  	s11 =	sadd.s32 s5, s11  }
0x117: {  	[tilespmem:s13], [sflag:$0x5] =	stream.linear.gather [hbm4b:s11+s3], $0x500, $0x38;
	[tilespmem:$0x6860] =	vst v63  }
0x118: {  	_ =	swait.ge [sflag:s25], $0x50  }
0x119: {  	[sflag:s25] =	ssyncset.done $0x0  }
0x11a: {  	[sflag:s25] =	ssyncadd.s32 $0xFFFFFFB0  }
0x11b: {  	_ =	swait.ge [sflag:s28], $0x500  }
0x11c: {  	[sflag:s28] =	ssyncset.done $0x0  }
0x11d: {  	[sflag:s28] =	ssyncadd.s32 $0xFFFFFB00  }
0x11e: {  	[spmem:s1] =	stream.indirect.scatter.add.f32 [tilespmem:s16], [sflag:$0x9], $0x10, s15, s15, $0xb8;
	[tilespmem:$0x6860] =	vst v63  }
0x11f: {  	_ =	swait.ge [sflag:s14], $0x500  }
0x120: {  	[sflag:s14] =	ssyncset.done $0x0  }
0x121: {  	[sflag:s14] =	ssyncadd.s32 $0xFFFFFB00  }
0x122: {  	[spmem:s2] =	stream.indirect.scatter.add.f32 [tilespmem:s24], [sflag:$0x9], $0x10, s15, s15, $0xb8;
	[tilespmem:$0x6860] =	vst v63  }
0x123: {  	p2 =	seq.s32 s5, $0x4B00;
	_ =	swait.ge [sflag:s14], $0x500  }
0x124: {  	s4 =	simm.s32 @!p2 $0x50;
	[sflag:s14] =	ssyncset.done $0x0  }
0x125: {  	s11 =	simm.s32 @!p2 $0x0;
	s12 =	rddreg [dreg:$0x6];
	[sflag:s14] =	ssyncadd.s32 $0xFFFFFB00  }
0x126: {  	[tilespmem:s4], [sflag:$0x2] =	stream.linear.gather @!p2 [hbm4b:s8+s11], $0x50, $0x38;
	[tilespmem:$0x6860] =	vst v63  }
0x127: {  	s4 =	sadd.s32 @!p2 s5, s12;
	s12 =	simm.s32 @!p2 $0x640  }
0x128: {  	[tilespmem:s12], [sflag:$0x6] =	stream.linear.gather @!p2 [hbm4b:s4+s11], $0x500, $0x38;
	[tilespmem:$0x6860] =	vst v63  }
0x129: {  	_ =	swait.ge [sflag:s29], $0x50  }
0x12a: {  	[sflag:s29] =	ssyncset.done $0x0  }
0x12b: {  	[sflag:s29] =	ssyncadd.s32 $0xFFFFFFB0  }
0x12c: {  	_ =	swait.ge [sflag:s30], $0x500  }
0x12d: {  	[sflag:s30] =	ssyncset.done $0x0  }
0x12e: {  	[sflag:s30] =	ssyncadd.s32 $0xFFFFFB00  }
0x12f: {  	[spmem:s1] =	stream.indirect.scatter.add.f32 [tilespmem:s18], [sflag:$0x9], $0x10, s17, s15, $0xb8;
	[tilespmem:$0x6860] =	vst v63  }
0x130: {  	_ =	swait.ge [sflag:s14], $0x500  }
0x131: {  	[sflag:s14] =	ssyncset.done $0x0  }
0x132: {  	[sflag:s14] =	ssyncadd.s32 $0xFFFFFB00  }
0x133: {  	[spmem:s2] =	stream.indirect.scatter.add.f32 [tilespmem:s24], [sflag:$0x9], $0x10, s17, s15, $0xb8;
	[tilespmem:$0x6860] =	vst v63  }
0x134: {  	_ =	swait.ge [sflag:s14], $0x500  }
0x135: {  	[sflag:s14] =	ssyncset.done $0x0  }
0x136: {  	s12 =	simm.s32 @!p2 $0xA0;
	s4 =	rddreg [dreg:$0x5];
	[sflag:s14] =	ssyncadd.s32 $0xFFFFFB00  }
0x137: {  	[tilespmem:s12], [sflag:$0x3] =	stream.linear.gather @!p2 [hbm4b:s7+s11], $0x50, $0x38;
	[tilespmem:$0x6860] =	vst v63  }
0x138: {  	s4 =	sadd.s32 @!p2 s5, s4;
	s12 =	simm.s32 @!p2 $0xB40  }
0x139: {  	[tilespmem:s12], [sflag:$0x7] =	stream.linear.gather @!p2 [hbm4b:s4+s11], $0x500, $0x38;
	[tilespmem:$0x6860] =	vst v63  }
0x13a: {  	_ =	swait.ge [sflag:s31], $0x50  }
0x13b: {  	[sflag:s31] =	ssyncset.done $0x0  }
0x13c: {  	[sflag:s31] =	ssyncadd.s32 $0xFFFFFFB0  }
0x13d: {  	_ =	swait.ge [sflag:s0], $0x500  }
0x13e: {  	[sflag:s0] =	ssyncset.done $0x0  }
0x13f: {  	[sflag:s0] =	ssyncadd.s32 $0xFFFFFB00  }
0x140: {  	[spmem:s1] =	stream.indirect.scatter.add.f32 [tilespmem:s20], [sflag:$0x9], $0x10, s19, s15, $0xb8;
	[tilespmem:$0x6860] =	vst v63  }
0x141: {  	_ =	swait.ge [sflag:s14], $0x500  }
0x142: {  	[sflag:s14] =	ssyncset.done $0x0  }
0x143: {  	[sflag:s14] =	ssyncadd.s32 $0xFFFFFB00  }
0x144: {  	[spmem:s2] =	stream.indirect.scatter.add.f32 [tilespmem:s24], [sflag:$0x9], $0x10, s19, s15, $0xb8;
	[tilespmem:$0x6860] =	vst v63  }
0x145: {  	_ =	swait.ge [sflag:s14], $0x500  }
0x146: {  	[sflag:s14] =	ssyncset.done $0x0  }
0x147: {  	s12 =	simm.s32 @!p2 $0xF0;
	s4 =	rddreg [dreg:$0x4];
	[sflag:s14] =	ssyncadd.s32 $0xFFFFFB00  }
0x148: {  	[tilespmem:s12], [sflag:$0x4] =	stream.linear.gather @!p2 [hbm4b:s6+s11], $0x50, $0x38;
	[tilespmem:$0x6860] =	vst v63  }
0x149: {  	s4 =	sadd.s32 @!p2 s5, s4;
	s12 =	simm.s32 @!p2 $0x1040  }
0x14a: {  	[tilespmem:s12], [sflag:$0x8] =	stream.linear.gather @!p2 [hbm4b:s4+s11], $0x500, $0x38;
	[tilespmem:$0x6860] =	vst v63  }
0x14b: {  	_ =	swait.ge [sflag:s21], $0x50  }
0x14c: {  	[sflag:s21] =	ssyncset.done $0x0  }
0x14d: {  	[sflag:s21] =	ssyncadd.s32 $0xFFFFFFB0  }
0x14e: {  	_ =	swait.ge [sflag:s22], $0x500  }
0x14f: {  	[sflag:s22] =	ssyncset.done $0x0  }
0x150: {  	s10 =	smov.u32 s9;
	s9 =	sadd.s32 $0x280, s9;
	[sflag:s22] =	ssyncadd.s32 $0xFFFFFB00  }
0x151: {  	[spmem:s1] =	stream.indirect.scatter.add.f32 [tilespmem:s13], [sflag:$0x9], $0x10, s3, s15, $0xb8;
	[tilespmem:$0x6860] =	vst v63  }
0x152: {  	p1 =	sne.s32 s9, $0x4D80;
	_ =	swait.ge [sflag:s14], $0x500  }
.Ltmp2:
0x153: {  	s23 =	sadd.s32 $0x140, s23;
	[sflag:s14] =	ssyncset.done $0x0;
	(pc) =	sbr.rel @p1 .LBB2_6-.Ltmp2, $4  }
0x154: {  	s8 =	sadd.s32 $0x28, s8;
	s7 =	sadd.s32 $0x28, s7;
	[sflag:s14] =	ssyncadd.s32 $0xFFFFFB00  }
0x155: {  	[spmem:s2] =	stream.indirect.scatter.add.f32 [tilespmem:s24], [sflag:$0x9], $0x10, s3, s15, $0xb8;
	[tilespmem:$0x6860] =	vst v63  }
0x156: {  	s5 =	smov.u32 s10;
	s10 =	sshrl.u32 s23, $0x3;
	_ =	swait.ge [sflag:s14], $0x500  }
0x157: {  	s6 =	sadd.s32 $0x28, s6;
	s11 =	rddreg [dreg:$0x7];
	[sflag:s14] =	ssyncset.done $0x0  }
0x158: {  	s4 =	sadd.s32 s26, s10;
	[sflag:s14] =	ssyncadd.s32 $0xFFFFFB00  }
0x159: {  	[tilespmem:s3], [sflag:$0x1] =	stream.linear.gather [hbm4b:s4+s3], $0x50, $0x38;
	[tilespmem:$0x6860] =	vst v63  }
0x15a: {  	s10 =	sadd.s32 s5, s11  }
0x15b: {  	[tilespmem:s13], [sflag:$0x5] =	stream.linear.gather [hbm4b:s10+s3], $0x500, $0x38;
	[tilespmem:$0x6860] =	vst v63  }
0x15c: {  	_ =	swait.ge [sflag:s25], $0x50  }
0x15d: {  	[sflag:s25] =	ssyncset.done $0x0  }
0x15e: {  	[sflag:s25] =	ssyncadd.s32 $0xFFFFFFB0  }
0x15f: {  	_ =	swait.ge [sflag:s28], $0x500  }
0x160: {  	[sflag:s28] =	ssyncset.done $0x0  }
0x161: {  	[sflag:s28] =	ssyncadd.s32 $0xFFFFFB00  }
0x162: {  	[spmem:s1] =	stream.indirect.scatter.add.f32 [tilespmem:s16], [sflag:$0x9], $0x10, s15, s15, $0xb8;
	[tilespmem:$0x6860] =	vst v63  }
0x163: {  	_ =	swait.ge [sflag:s14], $0x500  }
0x164: {  	[sflag:s14] =	ssyncset.done $0x0  }
0x165: {  	[sflag:s14] =	ssyncadd.s32 $0xFFFFFB00  }
0x166: {  	[spmem:s2] =	stream.indirect.scatter.add.f32 [tilespmem:s24], [sflag:$0x9], $0x10, s15, s15, $0xb8;
	[tilespmem:$0x6860] =	vst v63  }
0x167: {  	p1 =	seq.s32 s5, $0x4B00;
	_ =	swait.ge [sflag:s14], $0x500  }
0x168: {  	s9 =	simm.s32 @!p1 $0x0;
	[sflag:s14] =	ssyncset.done $0x0  }
0x169: {  	s10 =	simm.s32 @!p1 $0x50;
	s4 =	rddreg [dreg:$0x6];
	[sflag:s14] =	ssyncadd.s32 $0xFFFFFB00  }
0x16a: {  	[tilespmem:s10], [sflag:$0x2] =	stream.linear.gather @!p1 [hbm4b:s8+s9], $0x50, $0x38;
	[tilespmem:$0x6860] =	vst v63  }
0x16b: {  	s4 =	sadd.s32 @!p1 s5, s4;
	s8 =	simm.s32 @!p1 $0x640  }
0x16c: {  	[tilespmem:s8], [sflag:$0x6] =	stream.linear.gather @!p1 [hbm4b:s4+s9], $0x500, $0x38;
	[tilespmem:$0x6860] =	vst v63  }
0x16d: {  	_ =	swait.ge [sflag:s29], $0x50  }
0x16e: {  	[sflag:s29] =	ssyncset.done $0x0  }
0x16f: {  	[sflag:s29] =	ssyncadd.s32 $0xFFFFFFB0  }
0x170: {  	_ =	swait.ge [sflag:s30], $0x500  }
0x171: {  	[sflag:s30] =	ssyncset.done $0x0  }
0x172: {  	[sflag:s30] =	ssyncadd.s32 $0xFFFFFB00  }
0x173: {  	[spmem:s1] =	stream.indirect.scatter.add.f32 [tilespmem:s18], [sflag:$0x9], $0x10, s17, s15, $0xb8;
	[tilespmem:$0x6860] =	vst v63  }
0x174: {  	_ =	swait.ge [sflag:s14], $0x500  }
0x175: {  	[sflag:s14] =	ssyncset.done $0x0  }
0x176: {  	[sflag:s14] =	ssyncadd.s32 $0xFFFFFB00  }
0x177: {  	[spmem:s2] =	stream.indirect.scatter.add.f32 [tilespmem:s24], [sflag:$0x9], $0x10, s17, s15, $0xb8;
	[tilespmem:$0x6860] =	vst v63  }
0x178: {  	_ =	swait.ge [sflag:s14], $0x500  }
0x179: {  	[sflag:s14] =	ssyncset.done $0x0  }
0x17a: {  	s8 =	simm.s32 @!p1 $0xA0;
	s4 =	rddreg [dreg:$0x5];
	[sflag:s14] =	ssyncadd.s32 $0xFFFFFB00  }
0x17b: {  	[tilespmem:s8], [sflag:$0x3] =	stream.linear.gather @!p1 [hbm4b:s7+s9], $0x50, $0x38;
	[tilespmem:$0x6860] =	vst v63  }
0x17c: {  	s4 =	sadd.s32 @!p1 s5, s4;
	s7 =	simm.s32 @!p1 $0xB40  }
0x17d: {  	[tilespmem:s7], [sflag:$0x7] =	stream.linear.gather @!p1 [hbm4b:s4+s9], $0x500, $0x38;
	[tilespmem:$0x6860] =	vst v63  }
0x17e: {  	_ =	swait.ge [sflag:s31], $0x50  }
0x17f: {  	[sflag:s31] =	ssyncset.done $0x0  }
0x180: {  	[sflag:s31] =	ssyncadd.s32 $0xFFFFFFB0  }
0x181: {  	_ =	swait.ge [sflag:s0], $0x500  }
0x182: {  	[sflag:s0] =	ssyncset.done $0x0  }
0x183: {  	[sflag:s0] =	ssyncadd.s32 $0xFFFFFB00  }
0x184: {  	[spmem:s1] =	stream.indirect.scatter.add.f32 [tilespmem:s20], [sflag:$0x9], $0x10, s19, s15, $0xb8;
	[tilespmem:$0x6860] =	vst v63  }
0x185: {  	_ =	swait.ge [sflag:s14], $0x500  }
0x186: {  	[sflag:s14] =	ssyncset.done $0x0  }
0x187: {  	[sflag:s14] =	ssyncadd.s32 $0xFFFFFB00  }
0x188: {  	[spmem:s2] =	stream.indirect.scatter.add.f32 [tilespmem:s24], [sflag:$0x9], $0x10, s19, s15, $0xb8;
	[tilespmem:$0x6860] =	vst v63  }
0x189: {  	_ =	swait.ge [sflag:s14], $0x500  }
0x18a: {  	[sflag:s14] =	ssyncset.done $0x0  }
0x18b: {  	s7 =	simm.s32 @!p1 $0xF0;
	s4 =	rddreg [dreg:$0x4];
	[sflag:s14] =	ssyncadd.s32 $0xFFFFFB00  }
0x18c: {  	[tilespmem:s7], [sflag:$0x4] =	stream.linear.gather @!p1 [hbm4b:s6+s9], $0x50, $0x38;
	[tilespmem:$0x6860] =	vst v63  }
0x18d: {  	s4 =	sadd.s32 @!p1 s5, s4;
	s5 =	simm.s32 @!p1 $0x1040  }
0x18e: {  	[tilespmem:s5], [sflag:$0x8] =	stream.linear.gather @!p1 [hbm4b:s4+s9], $0x500, $0x38;
	[tilespmem:$0x6860] =	vst v63  }
0x18f: {  	_ =	swait.ge [sflag:s21], $0x50  }
0x190: {  	[sflag:s21] =	ssyncset.done $0x0  }
0x191: {  	[sflag:s21] =	ssyncadd.s32 $0xFFFFFFB0  }
0x192: {  	_ =	swait.ge [sflag:s22], $0x500  }
0x193: {  	[sflag:s22] =	ssyncset.done $0x0  }
0x194: {  	[sflag:s22] =	ssyncadd.s32 $0xFFFFFB00  }
0x195: {  	[spmem:s1] =	stream.indirect.scatter.add.f32 [tilespmem:s13], [sflag:$0x9], $0x10, s3, s15, $0xb8;
	[tilespmem:$0x6860] =	vst v63  }
0x196: {  	_ =	swait.ge [sflag:s14], $0x500  }
0x197: {  	[sflag:s14] =	ssyncset.done $0x0  }
0x198: {  	[sflag:s14] =	ssyncadd.s32 $0xFFFFFB00  }
0x199: {  	[spmem:s2] =	stream.indirect.scatter.add.f32 [tilespmem:s24], [sflag:$0x9], $0x10, s3, s15, $0xb8;
	[tilespmem:$0x6860] =	vst v63  }
0x19a: {  	_ =	swait.ge [sflag:s14], $0x500  }
0x19b: {  	[sflag:s14] =	ssyncset.done $0x0  }
0x19c: {  	[sflag:s14] =	ssyncadd.s32 $0xFFFFFB00  }
0x19d: {  	[bflag:$0x0] =	sbarrier.arrive $0xFFFF  }
0x19e: {  	s11 =	sld [smem:$0x7EA];
	_ =	sdelay $0x2  }
0x19f: {  	[tilespmem:s13], [sflag:$0x9] =	stream.linear.gather [spmem:s11], $0x500, $0x38;
	[tilespmem:$0x6860] =	vst v63  }
0x1a0: {  	_ =	swait.ge [sflag:s14], $0x500  }
0x1a1: {  	[sflag:s14] =	ssyncset.done $0x0  }
0x1a2: {  	s12 =	rddreg [dreg:$0x8];
	[sflag:s14] =	ssyncadd.s32 $0xFFFFFB00  }
0x1a3: {  	[hbm4b:s12+s3] =	stream.linear.scatter [tilespmem:s13], [sflag:$0x9], $0x500, $0x38;
	[tilespmem:$0x6860] =	vst v63  }
0x1a4: {  	_ =	swait.ge [sflag:s14], $0x500  }
0x1a5: {  	s23 =	sld [smem:$0x7EB]  }
0x1a6: {  	[sflag:s14] =	ssyncset.done $0x0  }
0x1a7: {  	[sflag:s14] =	ssyncadd.s32 $0xFFFFFB00  }
0x1a8: {  	[tilespmem:s13], [sflag:$0x9] =	stream.linear.gather [spmem:s23], $0x500, $0x38;
	[tilespmem:$0x6860] =	vst v63  }
0x1a9: {  	_ =	swait.ge [sflag:s14], $0x500  }
0x1aa: {  	[sflag:s14] =	ssyncset.done $0x0  }
0x1ab: {  	s5 =	rddreg [dreg:$0x9];
	[sflag:s14] =	ssyncadd.s32 $0xFFFFFB00  }
0x1ac: {  	[hbm4b:s5+s3] =	stream.linear.scatter [tilespmem:s13], [sflag:$0x9], $0x500, $0x38;
	[tilespmem:$0x6860] =	vst v63  }
0x1ad: {  	_ =	swait.ge [sflag:s14], $0x500  }
0x1ae: {  	s6 =	sld [smem:$0x7EC]  }
0x1af: {  	[sflag:s14] =	ssyncset.done $0x0  }
0x1b0: {  	[sflag:s14] =	ssyncadd.s32 $0xFFFFFB00  }
0x1b1: {  	[tilespmem:s13], [sflag:$0x9] =	stream.linear.gather [spmem:s6], $0x500, $0x38;
	[tilespmem:$0x6860] =	vst v63  }
0x1b2: {  	_ =	swait.ge [sflag:s14], $0x500  }
0x1b3: {  	[sflag:s14] =	ssyncset.done $0x0  }
0x1b4: {  	s7 =	rddreg [dreg:$0xa];
	[sflag:s14] =	ssyncadd.s32 $0xFFFFFB00  }
0x1b5: {  	[hbm4b:s7+s3] =	stream.linear.scatter [tilespmem:s13], [sflag:$0x9], $0x500, $0x38;
	[tilespmem:$0x6860] =	vst v63  }
0x1b6: {  	_ =	swait.ge [sflag:s14], $0x500  }
0x1b7: {  	s8 =	sld [smem:$0x7ED]  }
0x1b8: {  	[sflag:s14] =	ssyncset.done $0x0  }
0x1b9: {  	[sflag:s14] =	ssyncadd.s32 $0xFFFFFB00  }
0x1ba: {  	[tilespmem:s13], [sflag:$0x9] =	stream.linear.gather [spmem:s8], $0x500, $0x38;
	[tilespmem:$0x6860] =	vst v63  }
0x1bb: {  	_ =	swait.ge [sflag:s14], $0x500  }
0x1bc: {  	[sflag:s14] =	ssyncset.done $0x0  }
0x1bd: {  	s9 =	rddreg [dreg:$0xb];
	[sflag:s14] =	ssyncadd.s32 $0xFFFFFB00  }
0x1be: {  	[hbm4b:s9+s3] =	stream.linear.scatter [tilespmem:s13], [sflag:$0x9], $0x500, $0x38;
	[tilespmem:$0x6860] =	vst v63  }
0x1bf: {  	_ =	swait.ge [sflag:s14], $0x500  }
0x1c0: {  	s10 =	sld [smem:$0x7EE]  }
0x1c1: {  	[sflag:s14] =	ssyncset.done $0x0  }
0x1c2: {  	[sflag:s14] =	ssyncadd.s32 $0xFFFFFB00  }
0x1c3: {  	[tilespmem:s13], [sflag:$0x9] =	stream.linear.gather [spmem:s10], $0x500, $0x38;
	[tilespmem:$0x6860] =	vst v63  }
0x1c4: {  	_ =	swait.ge [sflag:s14], $0x500  }
0x1c5: {  	[sflag:s14] =	ssyncset.done $0x0  }
0x1c6: {  	s11 =	rddreg [dreg:$0xc];
	[sflag:s14] =	ssyncadd.s32 $0xFFFFFB00  }
0x1c7: {  	[hbm4b:s11+s3] =	stream.linear.scatter [tilespmem:s13], [sflag:$0x9], $0x500, $0x38;
	[tilespmem:$0x6860] =	vst v63  }
0x1c8: {  	_ =	swait.ge [sflag:s14], $0x500  }
0x1c9: {  	s12 =	sld [smem:$0x7EF]  }
0x1ca: {  	[sflag:s14] =	ssyncset.done $0x0  }
0x1cb: {  	[sflag:s14] =	ssyncadd.s32 $0xFFFFFB00  }
0x1cc: {  	[tilespmem:s13], [sflag:$0x9] =	stream.linear.gather [spmem:s12], $0x500, $0x38;
	[tilespmem:$0x6860] =	vst v63  }
0x1cd: {  	_ =	swait.ge [sflag:s14], $0x500  }
0x1ce: {  	[sflag:s14] =	ssyncset.done $0x0  }
0x1cf: {  	s23 =	rddreg [dreg:$0xd];
	[sflag:s14] =	ssyncadd.s32 $0xFFFFFB00  }
0x1d0: {  	[hbm4b:s23+s3] =	stream.linear.scatter [tilespmem:s13], [sflag:$0x9], $0x500, $0x38;
	[tilespmem:$0x6860] =	vst v63  }
0x1d1: {  	_ =	swait.ge [sflag:s14], $0x500  }
0x1d2: {  	s5 =	sld [smem:$0x7F0]  }
0x1d3: {  	[sflag:s14] =	ssyncset.done $0x0  }
0x1d4: {  	[sflag:s14] =	ssyncadd.s32 $0xFFFFFB00  }
0x1d5: {  	[tilespmem:s13], [sflag:$0x9] =	stream.linear.gather [spmem:s5], $0x500, $0x38;
	[tilespmem:$0x6860] =	vst v63  }
0x1d6: {  	_ =	swait.ge [sflag:s14], $0x500  }
0x1d7: {  	[sflag:s14] =	ssyncset.done $0x0  }
0x1d8: {  	s6 =	rddreg [dreg:$0xe];
	[sflag:s14] =	ssyncadd.s32 $0xFFFFFB00  }
0x1d9: {  	[hbm4b:s6+s3] =	stream.linear.scatter [tilespmem:s13], [sflag:$0x9], $0x500, $0x38;
	[tilespmem:$0x6860] =	vst v63  }
0x1da: {  	_ =	swait.ge [sflag:s14], $0x500  }
0x1db: {  	s7 =	sld [smem:$0x7F1]  }
0x1dc: {  	[sflag:s14] =	ssyncset.done $0x0  }
0x1dd: {  	[sflag:s14] =	ssyncadd.s32 $0xFFFFFB00  }
0x1de: {  	[tilespmem:s13], [sflag:$0x9] =	stream.linear.gather [spmem:s7], $0x500, $0x38;
	[tilespmem:$0x6860] =	vst v63  }
0x1df: {  	_ =	swait.ge [sflag:s14], $0x500  }
0x1e0: {  	[sflag:s14] =	ssyncset.done $0x0  }
0x1e1: {  	s8 =	rddreg [dreg:$0xf];
	[sflag:s14] =	ssyncadd.s32 $0xFFFFFB00  }
0x1e2: {  	[hbm4b:s8+s3] =	stream.linear.scatter [tilespmem:s13], [sflag:$0x9], $0x500, $0x38;
	[tilespmem:$0x6860] =	vst v63  }
0x1e3: {  	_ =	swait.ge [sflag:s14], $0x500  }
0x1e4: {  	s9 =	sld [smem:$0x7F2]  }
0x1e5: {  	[sflag:s14] =	ssyncset.done $0x0  }
0x1e6: {  	[sflag:s14] =	ssyncadd.s32 $0xFFFFFB00  }
0x1e7: {  	[tilespmem:s13], [sflag:$0x9] =	stream.linear.gather [spmem:s9], $0x500, $0x38;
	[tilespmem:$0x6860] =	vst v63  }
0x1e8: {  	_ =	swait.ge [sflag:s14], $0x500  }
0x1e9: {  	[sflag:s14] =	ssyncset.done $0x0  }
0x1ea: {  	s10 =	rddreg [dreg:$0x10];
	[sflag:s14] =	ssyncadd.s32 $0xFFFFFB00  }
0x1eb: {  	[hbm4b:s10+s3] =	stream.linear.scatter [tilespmem:s13], [sflag:$0x9], $0x500, $0x38;
	[tilespmem:$0x6860] =	vst v63  }
0x1ec: {  	_ =	swait.ge [sflag:s14], $0x500  }
0x1ed: {  	s11 =	sld [smem:$0x7F3]  }
0x1ee: {  	[sflag:s14] =	ssyncset.done $0x0  }
0x1ef: {  	[sflag:s14] =	ssyncadd.s32 $0xFFFFFB00  }
0x1f0: {  	[tilespmem:s13], [sflag:$0x9] =	stream.linear.gather [spmem:s11], $0x500, $0x38;
	[tilespmem:$0x6860] =	vst v63  }
0x1f1: {  	_ =	swait.ge [sflag:s14], $0x500  }
0x1f2: {  	[sflag:s14] =	ssyncset.done $0x0  }
0x1f3: {  	s12 =	rddreg [dreg:$0x11];
	[sflag:s14] =	ssyncadd.s32 $0xFFFFFB00  }
0x1f4: {  	[hbm4b:s12+s3] =	stream.linear.scatter [tilespmem:s13], [sflag:$0x9], $0x500, $0x38;
	[tilespmem:$0x6860] =	vst v63  }
0x1f5: {  	_ =	swait.ge [sflag:s14], $0x500  }
0x1f6: {  	s23 =	sld [smem:$0x7F4]  }
0x1f7: {  	[sflag:s14] =	ssyncset.done $0x0  }
0x1f8: {  	[sflag:s14] =	ssyncadd.s32 $0xFFFFFB00  }
0x1f9: {  	[tilespmem:s13], [sflag:$0x9] =	stream.linear.gather [spmem:s23], $0x500, $0x38;
	[tilespmem:$0x6860] =	vst v63  }
0x1fa: {  	_ =	swait.ge [sflag:s14], $0x500  }
0x1fb: {  	[sflag:s14] =	ssyncset.done $0x0  }
0x1fc: {  	s5 =	rddreg [dreg:$0x12];
	[sflag:s14] =	ssyncadd.s32 $0xFFFFFB00  }
0x1fd: {  	[hbm4b:s5+s3] =	stream.linear.scatter [tilespmem:s13], [sflag:$0x9], $0x500, $0x38;
	[tilespmem:$0x6860] =	vst v63  }
0x1fe: {  	_ =	swait.ge [sflag:s14], $0x500  }
0x1ff: {  	s6 =	sld [smem:$0x7F5]  }
0x200: {  	[sflag:s14] =	ssyncset.done $0x0  }
0x201: {  	[sflag:s14] =	ssyncadd.s32 $0xFFFFFB00  }
0x202: {  	[tilespmem:s13], [sflag:$0x9] =	stream.linear.gather [spmem:s6], $0x500, $0x38;
	[tilespmem:$0x6860] =	vst v63  }
0x203: {  	_ =	swait.ge [sflag:s14], $0x500  }
0x204: {  	[sflag:s14] =	ssyncset.done $0x0  }
0x205: {  	s7 =	rddreg [dreg:$0x13];
	[sflag:s14] =	ssyncadd.s32 $0xFFFFFB00  }
0x206: {  	[hbm4b:s7+s3] =	stream.linear.scatter [tilespmem:s13], [sflag:$0x9], $0x500, $0x38;
	[tilespmem:$0x6860] =	vst v63  }
0x207: {  	_ =	swait.ge [sflag:s14], $0x500  }
0x208: {  	s8 =	sld [smem:$0x7F6]  }
0x209: {  	[sflag:s14] =	ssyncset.done $0x0  }
0x20a: {  	[sflag:s14] =	ssyncadd.s32 $0xFFFFFB00  }
0x20b: {  	[tilespmem:s13], [sflag:$0x9] =	stream.linear.gather [spmem:s8], $0x500, $0x38;
	[tilespmem:$0x6860] =	vst v63  }
0x20c: {  	_ =	swait.ge [sflag:s14], $0x500  }
0x20d: {  	[sflag:s14] =	ssyncset.done $0x0  }
0x20e: {  	s9 =	rddreg [dreg:$0x14];
	[sflag:s14] =	ssyncadd.s32 $0xFFFFFB00  }
0x20f: {  	[hbm4b:s9+s3] =	stream.linear.scatter [tilespmem:s13], [sflag:$0x9], $0x500, $0x38;
	[tilespmem:$0x6860] =	vst v63  }
0x210: {  	_ =	swait.ge [sflag:s14], $0x500  }
0x211: {  	s10 =	sld [smem:$0x7F7]  }
0x212: {  	[sflag:s14] =	ssyncset.done $0x0  }
0x213: {  	[sflag:s14] =	ssyncadd.s32 $0xFFFFFB00  }
0x214: {  	[tilespmem:s13], [sflag:$0x9] =	stream.linear.gather [spmem:s10], $0x500, $0x38;
	[tilespmem:$0x6860] =	vst v63  }
0x215: {  	_ =	swait.ge [sflag:s14], $0x500  }
0x216: {  	[sflag:s14] =	ssyncset.done $0x0  }
0x217: {  	s11 =	rddreg [dreg:$0x15];
	[sflag:s14] =	ssyncadd.s32 $0xFFFFFB00  }
0x218: {  	[hbm4b:s11+s3] =	stream.linear.scatter [tilespmem:s13], [sflag:$0x9], $0x500, $0x38;
	[tilespmem:$0x6860] =	vst v63  }
0x219: {  	_ =	swait.ge [sflag:s14], $0x500  }
0x21a: {  	s5 =	sld [smem:$0x7F8]  }
0x21b: {  	[sflag:s14] =	ssyncset.done $0x0  }
0x21c: {  	s4 =	simm.s32 @!p0 $0x140;
	[sflag:s14] =	ssyncadd.s32 $0xFFFFFB00  }
0x21d: {  	[tilespmem:s4], [sflag:$0x9] =	stream.linear.gather @!p0 [spmem:s5], $0x500, $0x38;
	[tilespmem:$0x6860] =	vst v63  }
0x21e: {  	s5 =	simm.s32 @!p0 $0x9  }
0x21f: {  	_ =	swait.ge @!p0 [sflag:s5], $0x500  }
0x220: {  	[sflag:s5] =	ssyncset.done @!p0 $0x0  }
0x221: {  	s6 =	simm.s32 @!p0 $0x0;
	s7 =	rddreg [dreg:$0x16];
	[sflag:s5] =	ssyncadd.s32 @!p0 $0xFFFFFB00  }
0x222: {  	[hbm4b:s7+s6] =	stream.linear.scatter @!p0 [tilespmem:s4], [sflag:$0x9], $0x500, $0x38;
	[tilespmem:$0x6860] =	vst v63  }
0x223: {  	_ =	swait.ge @!p0 [sflag:s5], $0x500  }
0x224: {  	s7 =	sld [smem:$0x7F9]  }
0x225: {  	[sflag:s5] =	ssyncset.done @!p0 $0x0  }
0x226: {  	[sflag:s5] =	ssyncadd.s32 @!p0 $0xFFFFFB00  }
0x227: {  	[tilespmem:s4], [sflag:$0x9] =	stream.linear.gather @!p0 [spmem:s7], $0x500, $0x38;
	[tilespmem:$0x6860] =	vst v63  }
0x228: {  	_ =	swait.ge @!p0 [sflag:s5], $0x500  }
0x229: {  	[sflag:s5] =	ssyncset.done @!p0 $0x0  }
0x22a: {  	s7 =	rddreg [dreg:$0x17];
	[sflag:s5] =	ssyncadd.s32 @!p0 $0xFFFFFB00  }
0x22b: {  	[hbm4b:s7+s6] =	stream.linear.scatter @!p0 [tilespmem:s4], [sflag:$0x9], $0x500, $0x38;
	[tilespmem:$0x6860] =	vst v63  }
0x22c: {  	_ =	swait.ge @!p0 [sflag:s5], $0x500  }
0x22d: {  	s12 =	sld [smem:$0x7D8]  }
0x22e: {  	s23 =	sld [smem:$0x7FA];
	_ =	sdelay $0x1  }
0x22f: {  	s6 =	sadd.s32 $0x1, s12  }
0x230: {  	p1 =	sne.s32 s6, s23  }
.Ltmp3:
0x231: {  	_ = 	snop;
	(pc) =	sbr.rel @p1 .LBB2_1-.Ltmp3, $3  }
0x232: {  	_ =	sdelay $0x1  }
0x233: {  	[sflag:s5] =	ssyncset.done @!p0 $0x0  }
0x234: {  	[sflag:s5] =	ssyncadd.s32 @!p0 $0xFFFFFB00  }
0x235: {  	_ =	sfence.sel $0x180000  }
0x236: {  	[bflag:$0x0] =	sbarrier.arrive $0xFFFF  }
0x237: {  	_ =	strace $0x9000004A  }
0x238: {  	s0 =	stileid.u32;
	[bflag:$0x2] =	sbarrier.arrive $0xFFFF  }
0x239: {  	p0 =	sne.s32 s0, $0x0;
	s0 =	rddreg [dreg:$0x3]  }
0x23a: {  	s0 =	sadd.s32 @!p0 $0x100000, s0  }
0x23b: {  	[sflag:s0] =	ssyncadd.tile.s32 @!p0 $0x1;
	_ =	shalt  }
.Lfunc_end2:
_tile_overlayer_lowered:
.L_overlay_start_2:
0x23c: {  	(tag) =	ssettag $0x2  }
0x23d: {  	s0 =	rddreg [dreg:$0x0];
	s2 =	stileid.u32  }
0x23e: {  	s1 =	rddreg [dreg:$0x1];
	p0 =	sne.s32 s2, $0x0  }
0x23f: {  	s3 =	rddreg [dreg:$0x2];
	[bflag:$0x3] =	sbarrier.arrive $0xFFFF;
	s2 =	simm.s32 @!p0 $0x1C09  }
0x240: {  	[timem:s3], [sflag:s2] =	dma.local @!p0 [hbm:s0], s1  }
0x241: {  	s0 =	simm.s32 @!p0 $0x9  }
0x242: {  	_ =	swait.ge @!p0 [sflag:s0], s1  }
0x243: {  	s1 =	ssub.s32 @!p0 $0x0, s1;
	[sflag:s0] =	ssyncset.done @!p0 $0x0  }
0x244: {  	[sflag:s0] =	ssyncadd.s32 @!p0 s1  }
0x245: {  	[bflag:$0x3] =	sbarrier.arrive $0xFFFF  }
0x246: {  	_ =	shalt  }

// kernel: kernel.14.cloned.1.call-start
scs
__scs_entry_jumppad:
0x0: {  	(pc) =	sbr.rel $0x88, $3  }
0x1: {  	(tag) =	ssettag $0x0;
	lr =	simm.s32 $0x1  }
0x2: {  	[smem:$0x3F96] =	sst lr;
	_ =	strace $0xD0000000  }
0x3: {  	_ = 	snop  }
0x4: {  	_ = 	snop  }
0x5: {  	_ = 	snop  }
0x6: {  	_ = 	snop  }
0x7: {  	_ = 	snop  }
__scs_overlays_trampoline_lowered:
0x8: {  	[smem:$0x3FA5] =	sst s0  }
0x9: {  	[smem:$0x3FA6] =	sst s1  }
0xa: {  	[smem:$0x3FA7] =	sst s2  }
0xb: {  	[smem:$0x3FA8] =	sst s3  }
0xc: {  	[smem:$0x3FA9] =	sst s4  }
0xd: {  	[smem:$0x3FAA] =	sst s5  }
0xe: {  	[smem:$0x3FAB] =	sst s6  }
0xf: {  	[smem:$0x3FAC] =	sst s7  }
0x10: {  	[smem:$0x3FAD] =	sst s8  }
0x11: {  	[smem:$0x3FAE] =	sst s9;
	s0 =	simm.s32 @!p0 $0x0  }
0x12: {  	s1 =	sld [smem:$0x3F94];
	s0 =	simm.s32 @p0 $0x1  }
0x13: {  	[smem:$0x3FAF] =	sst s0;
	s0 =	simm.s32 @!p1 $0x0  }
0x14: {  	s2 =	sld [smem:$0x3F93];
	s0 =	simm.s32 @p1 $0x1  }
0x15: {  	[smem:$0x3FB0] =	sst s0;
	s0 =	simm.s32 @!p2 $0x0  }
0x16: {  	s3 =	sld [smem:$0x3FDB];
	s0 =	simm.s32 @p2 $0x1  }
0x17: {  	s4 =	simm.s32 $0x1BF5;
	[smem:$0x3FB2] =	sst s0  }
0x18: {  	s0 =	sld [smem:$0x3F95];
	_ =	swait.ge [sflag:s4], $0x0  }
0x19: {  	s7 =	sld [smem:$0x3F96]  }
0x1a: {  	s8 =	sadd.s32 $0xFFFFE003, lr  }
0x1b: {  	s9 =	sadd.s32 $0xFFFFFEF7, lr;
	s5 =	simm.s32 $0xFFFFFFFF;
	p2 =	slt.u32 s8, $0xFFFFF086  }
0x1c: {  	p1 =	slt.u32 s9, $0xF7A;
	s5 =	simm.s32 @!p2 $0x0  }
0x1d: {  	s5 =	simm.s32 @p1 $0x1;
	p0 =	seq.s32 s7, s2  }
0x1e: {  	s7 =	smul.u32 @!p0 $0xF7A, s2;
	p2 =	seq.s32 @!p0 s5, $0x0  }
0x1f: {  	s9 =	smul.u32 $0xF7A, s1;
	s8 =	simm.s32 @!p0 $0x1BF5;
	p2 =	por !p2, p0  }
0x20: {  	[sflag:s8] =	ssyncset.s32 @!p0 $0xFFFFF086;
	s6 =	sadd.s32 @!p0 s3, s7;
	s7 =	simm.s32 @!p0 $0x108  }
0x21: {  	s3 =	sadd.s32 s3, s9;
	s6 =	sadd.s32 @!p0 $0x88, s6;
	s7 =	simm.s32 @p2 $0x1082  }
0x22: {  	[simem:s7], [sflag:s8] =	dma.local @!p0 [hbm:s6], $0xF7A  }
0x23: {  	s9 =	sor.u32 $0xD0000000, s2;
	s6 =	simm.s32 $0x108;
	_ =	swait.ge @!p0 [sflag:s8], $0x0  }
0x24: {  	s3 =	sadd.s32 $0x88, s3;
	s6 =	simm.s32 @!p1 $0x1082;
	[sflag:s4] =	ssyncset.s32 $0xFFFFF086  }
0x25: {  	[simem:s6], [sflag:s4] =	dma.local [hbm:s3], $0xF7A  }
0x26: {  	[smem:$0x3F96] =	sst s1;
	(tag) =	ssettag s2;
	_ =	strace s9  }
0x27: {  	s1 =	sld [smem:$0x3FA6]  }
0x28: {  	s2 =	sld [smem:$0x3FA7]  }
0x29: {  	s4 =	sld [smem:$0x3FA9]  }
0x2a: {  	p0 =	seq.s32 s5, $0x0;
	s5 =	sld [smem:$0x3FAA]  }
0x2b: {  	s6 =	sld [smem:$0x3FAB]  }
0x2c: {  	s7 =	sld [smem:$0x3FAC]  }
0x2d: {  	s3 =	simm.s32 $0x108;
	s8 =	sld [smem:$0x3FAD]  }
0x2e: {  	s3 =	simm.s32 @!p0 $0x1082;
	s9 =	sld [smem:$0x3FAE]  }
0x2f: {  	lr =	sadd.s32 s0, s3;
	s0 =	sld [smem:$0x3FA5]  }
0x30: {  	s3 =	sld [smem:$0x3FA8]  }
0x31: {  	[smem:$0x3FB1] =	sst s10  }
0x32: {  	s10 =	sld [smem:$0x3FAF];
	_ =	sdelay $0x3  }
0x33: {  	p0 =	seq.s32 s10, $0x1;
	s10 =	sld [smem:$0x3FB1];
	_ =	sdelay $0x3  }
0x34: {  	[smem:$0x3FB1] =	sst s10  }
0x35: {  	s10 =	sld [smem:$0x3FB0];
	_ =	sdelay $0x3  }
0x36: {  	p1 =	seq.s32 s10, $0x1;
	s10 =	sld [smem:$0x3FB1];
	_ =	sdelay $0x3  }
0x37: {  	[smem:$0x3FB1] =	sst s10  }
0x38: {  	s10 =	sld [smem:$0x3FB2]  }
0x39: {  	_ = 	snop;
	(pc) =	sbr.ind lr, $3  }
0x3a: {  	_ = 	snop  }
0x3b: {  	_ = 	snop  }
0x3c: {  	p2 =	seq.s32 s10, $0x1;
	s10 =	sld [smem:$0x3FB1]  }
0x3d: {  	_ =	shalt  }
0x3e: {  	_ =	shalt  }
0x3f: {  	_ =	shalt  }
0x40: {  	_ =	shalt  }
0x41: {  	_ =	shalt  }
0x42: {  	_ =	shalt  }
0x43: {  	_ =	shalt  }
0x44: {  	_ =	shalt  }
0x45: {  	_ =	shalt  }
0x46: {  	_ =	shalt  }
0x47: {  	_ =	shalt  }
0x48: {  	_ =	shalt  }
0x49: {  	_ =	shalt  }
0x4a: {  	_ =	shalt  }
0x4b: {  	_ =	shalt  }
0x4c: {  	_ =	shalt  }
0x4d: {  	_ =	shalt  }
0x4e: {  	_ =	shalt  }
0x4f: {  	_ =	shalt  }
0x50: {  	_ =	shalt  }
0x51: {  	_ =	shalt  }
0x52: {  	_ =	shalt  }
0x53: {  	_ =	shalt  }
0x54: {  	_ =	shalt  }
0x55: {  	_ =	shalt  }
0x56: {  	_ =	shalt  }
0x57: {  	_ =	shalt  }
0x58: {  	_ =	shalt  }
0x59: {  	_ =	shalt  }
0x5a: {  	_ =	shalt  }
0x5b: {  	_ =	shalt  }
0x5c: {  	_ =	shalt  }
0x5d: {  	_ =	shalt  }
0x5e: {  	_ =	shalt  }
0x5f: {  	_ =	shalt  }
0x60: {  	_ =	shalt  }
0x61: {  	_ =	shalt  }
0x62: {  	_ =	shalt  }
0x63: {  	_ =	shalt  }
0x64: {  	_ =	shalt  }
0x65: {  	_ =	shalt  }
0x66: {  	_ =	shalt  }
0x67: {  	_ =	shalt  }
0x68: {  	_ =	shalt  }
0x69: {  	_ =	shalt  }
0x6a: {  	_ =	shalt  }
0x6b: {  	_ =	shalt  }
0x6c: {  	_ =	shalt  }
0x6d: {  	_ =	shalt  }
0x6e: {  	_ =	shalt  }
0x6f: {  	_ =	shalt  }
0x70: {  	_ =	shalt  }
0x71: {  	_ =	shalt  }
0x72: {  	_ =	shalt  }
0x73: {  	_ =	shalt  }
0x74: {  	_ =	shalt  }
0x75: {  	_ =	shalt  }
0x76: {  	_ =	shalt  }
0x77: {  	_ =	shalt  }
0x78: {  	_ =	shalt  }
0x79: {  	_ =	shalt  }
0x7a: {  	_ =	shalt  }
0x7b: {  	_ =	shalt  }
0x7c: {  	_ =	shalt  }
0x7d: {  	_ =	shalt  }
0x7e: {  	_ =	shalt  }
0x7f: {  	_ =	shalt  }
0x80: {  	_ =	shalt  }
0x81: {  	_ =	shalt  }
0x82: {  	_ =	shalt  }
0x83: {  	_ =	shalt  }
0x84: {  	_ =	shalt  }
0x85: {  	_ =	shalt  }
0x86: {  	_ =	shalt  }
0x87: {  	_ =	shalt  }
.Lfunc_end0:
.L_simem_size_0:
called_computation.2_lowered:
.L_overlay_start_0:
0x88: {  	s2 =	sld [smem:$0x3FD9]  }
0x89: {  	s3 =	sld [smem:$0x3FFE];
	_ =	sdelay $0x1  }
0x8a: {  	s1 =	srdreg.scid  }
0x8b: {  	s0 =	sand.u32 $0x1, s1  }
0x8c: {  	s17 =	sshll.u32 s0, $0xA;
	s2 =	sadd.s32 s3, s2  }
0x8d: {  	s2 =	sadd.s32 s2, s17  }
0x8e: {  	[smem:$0x3FBD] =	sst s2  }
0x8f: {  	_ = 	snop  }
0x90: {  	s2 =	sld [smem:$0x3FD0];
	(tm) =	ssettm $0x1  }
0x91: {  	s18 =	sld [smem:$0x3FFB];
	_ =	sdelay $0x3  }
0x92: {  	_ =	strace s18  }
0x93: {  	s3 =	sld [smem:$0x3FFC];
	_ =	sdelay $0x3  }
0x94: {  	_ =	strace s3  }
0x95: {  	s3 =	sld [smem:$0x3FFD];
	_ =	sdelay $0x3  }
0x96: {  	_ =	strace s3  }
0x97: {  	_ =	strace $0x8FFFFFFF  }
0x98: {  	s19 =	sld [smem:$0x3FDB];
	_ =	sdelay $0x1  }
0x99: {  	s4 =	simm.s32 $_scs_section_size  }
0x9a: {  	s5 =	simm.s32 $_size__tile_overlayer_lowered;
	s6 =	simm.s32 $_tile_overlayer_lowered  }
0x9b: {  	s22 =	simm.s32 $0x1BFF;
	s21 =	sshll.u32 s6, $0x1;
	s3 =	sadd.s32 s4, s19  }
0x9c: {  	s7 =	simm.s32 $0x0;
	s20 =	sshll.u32 s5, $0x1;
	s5 =	sadd.s32 s21, s3  }
0x9d: {  	[timem:s7], [sflag:s22] =	dma.local [hbm:s5], s20  }
0x9e: {  	_ =	swait.ge [sflag:s22], s20  }
0x9f: {  	s4 =	ssub.s32 $0x0, s20;
	[sflag:s22] =	ssyncset.done $0x0  }
0xa0: {  	[sflag:s22] =	ssyncadd.s32 s4;
	_ =	sdelay $0x1  }
0xa1: {  	s23 =	simm.s32 $0x1B8B  }
0xa2: {  	_ =	swait.ge [sflag:s23], $0x1  }
0xa3: {  	[sflag:s23] =	ssyncset.done $0x0  }
0xa4: {  	s25 =	simm.s32 $0x1B8E;
	s24 =	sld [smem:$0x3FFE];
	[sflag:s23] =	ssyncadd.s32 $0xFFFFFFFF  }
0xa5: {  	s26 =	simm.s32 $execute0_lowered;
	[smem:$0x3FD2] =	sst s25  }
0xa6: {  	s5 =	sshll.u32 s26, $0x1;
	_ =	strace $0x8000004C;
	[dreg:$0x1] =	wrdreg $0xFFFFFFFF  }
0xa7: {  	s28 =	simm.s32 $_size_execute0_lowered;
	s3 =	sadd.s32 s3, s5;
	[dreg:$0x0] =	wrdreg $0x0  }
0xa8: {  	s5 =	sshll.u32 s28, $0x1;
	[dreg:$0x2] =	wrdreg s3  }
0xa9: {  	[dreg:$0x3] =	wrdreg s5  }
0xaa: {  	[dreg:$0x4] =	wrdreg $0xC0  }
0xab: {  	_ =	task [dreg:s7], $0x5FFFF  }
0xac: {  	[dreg:$0x1] =	wrdreg $0xFFFFFFFF  }
0xad: {  	[dreg:$0x0] =	wrdreg $0x60  }
0xae: {  	[dreg:$0x2] =	wrdreg s24  }
0xaf: {  	[dreg:$0x3] =	wrdreg s2  }
0xb0: {  	[dreg:$0x4] =	wrdreg $0x52800  }
0xb1: {  	[dreg:$0x5] =	wrdreg $0x9  }
0xb2: {  	_ =	task.clear_ibuf [dreg:s7], $0x6FFFF;
	_ =	strace $0x9000004C  }
0xb3: {  	s29 =	simm.s32 $0x9;
	_ =	strace $0x8000004E  }
0xb4: {  	_ =	swait.ge [sflag:s29], $0x1  }
0xb5: {  	[sflag:s29] =	ssyncadd.s32 $0xFFFFFFFF  }
0xb6: {  	_ =	strace $0x9000004E  }
0xb7: {  	_ =	sfence  }
0xb8: {  	s30 =	sld [smem:$0x0];
	_ =	sdelay $0x2  }
0xb9: {  	s31 =	sshll.u32 s1, $0xD;
	s1 =	sshrl.u32 s1, $0x2  }
0xba: {  	s3 =	sand.u32 $0x4000, s31;
	s1 =	sadd.s32 s1, s30  }
0xbb: {  	s0 =	sor.u32 s3, s0;
	s1 =	sshll.u32 s1, $0x11  }
0xbc: {  	s0 =	sor.u32 s1, s0  }
0xbd: {  	s0 =	sadd.s32 $0x8F2B, s0  }
0xbe: {  	[sflag:s0] =	ssyncadd.remote.s32 $0x1  }
0xbf: {  	_ =	sfence.sel $0xFFFF  }
0xc0: {  	[dreg:$0x0] =	wrdreg $0xFFFFFFFF;
	(pc) =	sbr.abs _section_cstart, $3  }
0xc1: {  	[dreg:$0x1] =	wrdreg $0xFFFFFFFF  }
0xc2: {  	_ =	task.clear_ibuf [dreg:s7], $0x2FFFF;
	_ =	strace $0x9FFFFFFF  }
0xc3: {  	(tm) =	ssettm $0x7FFFFFFF  }
tec
execute0_lowered:
.L_overlay_start_1:
0x0: {  	(tag) =	ssettag $0x1  }
0x1: {  	s0 =	srdreg.scid  }
0x2: {  	s2 =	rddreg [dreg:$0x1];
	s24 =	stileid.u32  }
0x3: {  	s1 =	simm.s32 $0x0;
	s28 =	simm.s32 $0x230;
	s29 =	simm.s32 $0x1680  }
0x4: {  	s0 =	sand.u32 $0x1, s0;
	[smem:$0x7FF] =	sst s1;
	s8 =	sor.u32 $0x10, s24  }
0x5: {  	s3 =	sshll.u32 s0, $0x4;
	s4 =	ssub.s32 $0x2, s0;
	s0 =	smul.u32 $0x138800, s0  }
0x6: {  	s18 =	sor.u32 $0x20, s24;
	s19 =	sor.u32 $0x30, s24;
	s6 =	smul.u32 $0x2800, s8  }
0x7: {  	s20 =	sor.u32 $0x40, s24;
	s21 =	sor.u32 $0x50, s24;
	s7 =	smul.u32 $0x2800, s18  }
0x8: {  	s22 =	sor.u32 $0x60, s24;
	s23 =	sor.u32 $0x70, s24;
	s15 =	smul.u32 $0x2800, s21  }
0x9: {  	s8 =	smul.u32 $0x5000, s8;
	s3 =	sor.u32 s24, s3;
	s5 =	sshrl.u32 s4, $0x1  }
0xa: {  	p0 =	sgt.u32 s24, $0xC;
	s3 =	smul.u32 $0x2710, s3;
	s4 =	ssub.s32 s4, s5  }
0xb: {  	s5 =	smul.u32 $0x2800, s24;
	s11 =	sadd.s32 s0, s6;
	s12 =	sadd.s32 s0, s7  }
0xc: {  	s26 =	sadd.s32 s0, s15;
	s6 =	sshrl.u32 s6, $0x1;
	s14 =	sshrl.u32 s11, $0x4  }
0xd: {  	s11 =	smul.u32 $0x2800, s20;
	s12 =	sshrl.u32 s12, $0x4;
	s9 =	sadd.s32 s5, s0  }
0xe: {  	s16 =	sadd.s32 s2, s12;
	s12 =	sshrl.u32 s26, $0x4;
	s26 =	smul.u32 $0x5000, s18  }
0xf: {  	s4 =	smax.u32 s4, $0x1;
	s10 =	sshrl.u32 s9, $0x4;
	s9 =	smul.u32 $0x2800, s19  }
0x10: {  	s5 =	sshrl.u32 s5, $0x1;
	[dreg:$0x6] =	wrdreg s16;
	s16 =	smul.u32 $0x2800, s22  }
0x11: {  	s25 =	sadd.s32 s0, s11;
	s30 =	sadd.s32 s2, s12;
	s22 =	smul.u32 $0x5000, s22  }
0x12: {  	s10 =	sadd.s32 s2, s10;
	[dreg:$0x9] =	wrdreg s30;
	s30 =	smul.u32 $0x5000, s19  }
0x13: {  	[dreg:$0x4] =	wrdreg s10;
	s13 =	sadd.s32 s0, s9;
	s10 =	sadd.s32 s2, s14  }
0x14: {  	s31 =	sadd.s32 s0, s16;
	s14 =	rddreg [dreg:$0x0];
	s13 =	sshrl.u32 s13, $0x4  }
0x15: {  	[dreg:$0x5] =	wrdreg s10;
	s10 =	sshrl.u32 s25, $0x4;
	s12 =	sadd.s32 $0x17200, s14  }
0x16: {  	s25 =	smul.u32 $0x5000, s24;
	s19 =	sshrl.u32 s30, $0x2;
	s17 =	sadd.s32 s2, s13  }
0x17: {  	s10 =	sadd.s32 s2, s10;
	[dreg:$0x7] =	wrdreg s17;
	s17 =	smul.u32 $0x2800, s23  }
0x18: {  	s13 =	sadd.s32 $0xD400, s14;
	[dreg:$0x8] =	wrdreg s10;
	s10 =	sshrl.u32 s31, $0x4  }
0x19: {  	s31 =	smul.u32 $0x5000, s20;
	s10 =	sadd.s32 s2, s10;
	s0 =	sadd.s32 s0, s17  }
0x1a: {  	s20 =	smul.u32 $0x5000, s21;
	[dreg:$0xa] =	wrdreg s10;
	s0 =	sshrl.u32 s0, $0x4  }
0x1b: {  	s10 =	rddreg [dreg:$0x2];
	s0 =	sadd.s32 s2, s0;
	s2 =	sshrl.u32 s25, $0x2  }
0x1c: {  	s21 =	sadd.s32 s19, s10;
	[dreg:$0xb] =	wrdreg s0;
	s2 =	sadd.s32 s2, s10  }
0x1d: {  	s25 =	sshrl.u32 s20, $0x2;
	_ =	strace $0x8000004D;
	[dreg:$0xc] =	wrdreg s2  }
0x1e: {  	s14 =	sadd.s32 $0x3600, s14;
	s30 =	sadd.s32 s25, s10;
	[dreg:$0xf] =	wrdreg s21  }
0x1f: {  	s5 =	sadd.s32 s5, s10;
	s0 =	sshrl.u32 s8, $0x2;
	[dreg:$0x11] =	wrdreg s30  }
0x20: {  	s8 =	sshrl.u32 s26, $0x2;
	s26 =	smul.u32 $0x5000, s23;
	[dreg:$0x1c] =	wrdreg s5  }
0x21: {  	s0 =	sadd.s32 s0, s10;
	s2 =	sadd.s32 s8, s10;
	[smem:$0x7FD] =	sst s4  }
0x22: {  	s8 =	sadd.s32 $0x140, s3;
	s4 =	simm.s32 $0x3E80;
	[dreg:$0xd] =	wrdreg s0  }
0x23: {  	[dreg:$0xe] =	wrdreg s2;
	s0 =	sshrl.u32 s31, $0x2;
	s31 =	sshrl.u32 s3, $0x3  }
0x24: {  	s2 =	sshrl.u32 s22, $0x2;
	s19 =	sshrl.u32 s26, $0x2;
	s0 =	sadd.s32 s0, s10  }
0x25: {  	s20 =	sadd.s32 $0xA, s31;
	s2 =	sadd.s32 s2, s10;
	[dreg:$0x10] =	wrdreg s0  }
0x26: {  	s21 =	sadd.s32 s19, s10;
	s25 =	sadd.s32 s13, s31;
	[dreg:$0x12] =	wrdreg s2  }
0x27: {  	s26 =	sadd.s32 $0x14, s31;
	s30 =	sadd.s32 s14, s31;
	[dreg:$0x13] =	wrdreg s21  }
0x28: {  	s19 =	sadd.s32 s6, s10;
	s6 =	simm.s32 $0x5;
	[dreg:$0x16] =	wrdreg s25  }
0x29: {  	s22 =	sadd.s32 s13, s20;
	s23 =	sadd.s32 s14, s20;
	[dreg:$0x17] =	wrdreg s30  }
0x2a: {  	s0 =	sadd.s32 $0x1E, s31;
	s31 =	sadd.s32 s13, s26;
	s2 =	sadd.s32 s14, s26  }
0x2b: {  	[dreg:$0x1d] =	wrdreg s19;
	s20 =	sshrl.u32 s7, $0x1;
	s21 =	sshrl.u32 s9, $0x1  }
0x2c: {  	s25 =	sshrl.u32 s15, $0x1;
	s26 =	sshrl.u32 s16, $0x1;
	[dreg:$0x14] =	wrdreg s22  }
0x2d: {  	s30 =	sshrl.u32 s17, $0x1;
	s19 =	simm.s32 $0xD;
	[dreg:$0x15] =	wrdreg s23  }
0x2e: {  	s7 =	simm.s32 $0xA;
	s9 =	simm.s32 $0x6;
	[dreg:$0x18] =	wrdreg s31  }
0x2f: {  	s15 =	simm.s32 $0x8;
	[dreg:$0x19] =	wrdreg s2;
	s18 =	sadd.s32 s13, s0  }
0x30: {  	s0 =	sadd.s32 s14, s0;
	s2 =	sadd.s32 $0x1E0, s3;
	s5 =	sadd.s32 s20, s10  }
0x31: {  	s22 =	sshrl.u32 s11, $0x1;
	s31 =	sadd.s32 s30, s10;
	[dreg:$0x1a] =	wrdreg s18  }
0x32: {  	s20 =	simm.s32 $0x140;
	s11 =	simm.s32 $0xC;
	[dreg:$0x1b] =	wrdreg s0  }
0x33: {  	s0 =	sadd.s32 $0x190, s3;
	s3 =	sadd.s32 $0x230, s3;
	[dreg:$0x1e] =	wrdreg s5  }
0x34: {  	s5 =	sadd.s32 s21, s10;
	s23 =	sadd.s32 s22, s10;
	[smem:$0x7FC] =	sst s31  }
0x35: {  	s18 =	simm.s32 $0x280;
	s21 =	simm.s32 $0x50;
	[dreg:$0x1f] =	wrdreg s5  }
0x36: {  	s22 =	simm.s32 $0x0;
	[smem:$0x7F9] =	sst s23;
	s5 =	sadd.s32 s25, s10  }
0x37: {  	s25 =	simm.s32 $0x190;
	[smem:$0x7FA] =	sst s5;
	s5 =	sadd.s32 s26, s10  }
0x38: {  	v0 =	vimm.bf16 $0.0e+00;
	s26 =	simm.s32 $0x1;
	[smem:$0x7FB] =	sst s5;
	s5 =	simm.s32 $0x9  }
.LBB2_1:
0x39: {  	[smem:$0x7F8] =	sst s22;
	s23 =	simm.s32 $0x100;
	s17 =	simm.s32 $0x0  }
.LBB2_2:
0x3a: {  	p1 =	sne.s32 s23, $0x4F00;
	[tilespmem:s17+$0x2B0] =	vst v0;
	s24 =	smov.u32 s23;
	s23 =	sadd.s32 $0x100, s23  }
.Ltmp0:
0x3b: {  	[tilespmem:s17+$0x2A0] =	vst v0;
	(pc) =	sbr.rel @p1 .LBB2_2-.Ltmp0, $3  }
0x3c: {  	[tilespmem:s17+$0x280] =	vst v0  }
0x3d: {  	[tilespmem:s17+$0x290] =	vst v0;
	_ =	sdelay $0x1  }
0x3e: {  	s17 =	sshra.s32 s24, $0x2  }
0x3f: {  	[tilespmem:s17+$0x2B0] =	vst v0  }
0x40: {  	[tilespmem:s17+$0x2A0] =	vst v0  }
0x41: {  	[tilespmem:s17+$0x280] =	vst v0  }
0x42: {  	[tilespmem:s17+$0x290] =	vst v0;
	s16 =	rddreg [dreg:$0xc]  }
0x43: {  	[spmem:s16] =	stream.linear.scatter [tilespmem:s18], [sflag:$0xD], $0x1400, $0x38;
	[tilespmem:$0xEEC0] =	vst v63  }
0x44: {  	_ =	swait.ge [sflag:s19], $0x1400  }
0x45: {  	[sflag:s19] =	ssyncset.done $0x0  }
0x46: {  	s24 =	rddreg [dreg:$0xd];
	[sflag:s19] =	ssyncadd.s32 $0xFFFFEC00  }
0x47: {  	[spmem:s24] =	stream.linear.scatter [tilespmem:s18], [sflag:$0xD], $0x1400, $0x38;
	[tilespmem:$0xEEC0] =	vst v63  }
0x48: {  	_ =	swait.ge [sflag:s19], $0x1400  }
0x49: {  	[sflag:s19] =	ssyncset.done $0x0  }
0x4a: {  	s30 =	rddreg [dreg:$0xe];
	[sflag:s19] =	ssyncadd.s32 $0xFFFFEC00  }
0x4b: {  	[spmem:s30] =	stream.linear.scatter [tilespmem:s18], [sflag:$0xD], $0x1400, $0x38;
	[tilespmem:$0xEEC0] =	vst v63  }
0x4c: {  	_ =	swait.ge [sflag:s19], $0x1400  }
0x4d: {  	[sflag:s19] =	ssyncset.done $0x0  }
0x4e: {  	s31 =	rddreg [dreg:$0xf];
	[sflag:s19] =	ssyncadd.s32 $0xFFFFEC00  }
0x4f: {  	[spmem:s31] =	stream.linear.scatter [tilespmem:s18], [sflag:$0xD], $0x1400, $0x38;
	[tilespmem:$0xEEC0] =	vst v63  }
0x50: {  	_ =	swait.ge [sflag:s19], $0x1400  }
0x51: {  	[sflag:s19] =	ssyncset.done $0x0  }
0x52: {  	s17 =	rddreg [dreg:$0x10];
	[sflag:s19] =	ssyncadd.s32 $0xFFFFEC00  }
0x53: {  	[spmem:s17] =	stream.linear.scatter [tilespmem:s18], [sflag:$0xD], $0x1400, $0x38;
	[tilespmem:$0xEEC0] =	vst v63  }
0x54: {  	_ =	swait.ge [sflag:s19], $0x1400  }
0x55: {  	[sflag:s19] =	ssyncset.done $0x0  }
0x56: {  	s22 =	rddreg [dreg:$0x11];
	[sflag:s19] =	ssyncadd.s32 $0xFFFFEC00  }
0x57: {  	[spmem:s22] =	stream.linear.scatter [tilespmem:s18], [sflag:$0xD], $0x1400, $0x38;
	[tilespmem:$0xEEC0] =	vst v63  }
0x58: {  	_ =	swait.ge [sflag:s19], $0x1400  }
0x59: {  	[sflag:s19] =	ssyncset.done $0x0  }
0x5a: {  	s23 =	rddreg [dreg:$0x12];
	[sflag:s19] =	ssyncadd.s32 $0xFFFFEC00  }
0x5b: {  	[spmem:s23] =	stream.linear.scatter [tilespmem:s18], [sflag:$0xD], $0x1400, $0x38;
	[tilespmem:$0xEEC0] =	vst v63  }
0x5c: {  	_ =	swait.ge [sflag:s19], $0x1400  }
0x5d: {  	[sflag:s19] =	ssyncset.done $0x0  }
0x5e: {  	s17 =	simm.s32 @!p0 $0x280;
	s16 =	rddreg [dreg:$0x13];
	[sflag:s19] =	ssyncadd.s32 $0xFFFFEC00  }
0x5f: {  	[spmem:s16] =	stream.linear.scatter @!p0 [tilespmem:s17], [sflag:$0xD], $0x1400, $0x38;
	[tilespmem:$0xEEC0] =	vst v63  }
0x60: {  	s17 =	simm.s32 @!p0 $0xD  }
0x61: {  	_ =	swait.ge @!p0 [sflag:s17], $0x1400  }
0x62: {  	[sflag:s17] =	ssyncset.done @!p0 $0x0  }
0x63: {  	[sflag:s17] =	ssyncadd.s32 @!p0 $0xFFFFEC00  }
0x64: {  	[bflag:$0x0] =	sbarrier.arrive $0xFFFF  }
0x65: {  	s17 =	simm.s32 $0x0;
	s24 =	rddreg [dreg:$0x16]  }
0x66: {  	[tilespmem:s17], [sflag:$0x1] =	stream.linear.gather [hbm4b:s24+s17], $0x50, $0x38;
	[tilespmem:$0xEEC0] =	vst v63  }
0x67: {  	s30 =	rddreg [dreg:$0x17]  }
0x68: {  	[tilespmem:s20], [sflag:$0x5] =	stream.linear.gather [hbm4b:s30+s17], $0x50, $0x38;
	[tilespmem:$0xEEC0] =	vst v63  }
0x69: {  	s31 =	rddreg [dreg:$0x14]  }
0x6a: {  	[tilespmem:s21], [sflag:$0x2] =	stream.linear.gather [hbm4b:s31+s17], $0x50, $0x38;
	[tilespmem:$0xEEC0] =	vst v63  }
0x6b: {  	s22 =	rddreg [dreg:$0x15]  }
0x6c: {  	[tilespmem:s25], [sflag:$0x6] =	stream.linear.gather [hbm4b:s22+s17], $0x50, $0x38;
	[tilespmem:$0xEEC0] =	vst v63  }
0x6d: {  	s23 =	rddreg [dreg:$0x18];
	s22 =	simm.s32 $0xA0  }
0x6e: {  	[tilespmem:s22], [sflag:$0x3] =	stream.linear.gather [hbm4b:s23+s17], $0x50, $0x38;
	[tilespmem:$0xEEC0] =	vst v63  }
0x6f: {  	s24 =	rddreg [dreg:$0x19];
	s23 =	simm.s32 $0x1E0  }
0x70: {  	[tilespmem:s23], [sflag:$0x7] =	stream.linear.gather [hbm4b:s24+s17], $0x50, $0x38;
	[tilespmem:$0xEEC0] =	vst v63  }
0x71: {  	s30 =	rddreg [dreg:$0x1a];
	s23 =	simm.s32 $0xF0  }
0x72: {  	[tilespmem:s23], [sflag:$0x4] =	stream.linear.gather [hbm4b:s30+s17], $0x50, $0x38;
	[tilespmem:$0xEEC0] =	vst v63  }
0x73: {  	s31 =	rddreg [dreg:$0x1b]  }
0x74: {  	[tilespmem:s28], [sflag:$0x8] =	stream.linear.gather [hbm4b:s31+s17], $0x50, $0x38;
	[tilespmem:$0xEEC0] =	vst v63  }
0x75: {  	_ =	swait.ge [sflag:s26], $0x50  }
0x76: {  	[sflag:s26] =	ssyncset.done $0x0  }
0x77: {  	s24 =	simm.s32 $0x2;
	[sflag:s26] =	ssyncadd.s32 $0xFFFFFFB0  }
0x78: {  	[tilespmem:s18], [sflag:$0x9] =	stream.indirect.gather [hbm4b:s12+s21], $0x40, s17, s21, $0xb8;
	[tilespmem:$0xEEC0] =	vst v63  }
0x79: {  	_ =	swait.ge [sflag:s24], $0x50  }
0x7a: {  	[sflag:s24] =	ssyncset.done $0x0  }
0x7b: {  	s28 =	simm.s32 $0x3;
	[sflag:s24] =	ssyncadd.s32 $0xFFFFFFB0  }
0x7c: {  	[tilespmem:s29], [sflag:$0xA] =	stream.indirect.gather [hbm4b:s12+s21], $0x40, s21, s21, $0xb8;
	[tilespmem:$0xEEC0] =	vst v63  }
0x7d: {  	_ =	swait.ge [sflag:s28], $0x50  }
0x7e: {  	[sflag:s28] =	ssyncset.done $0x0  }
0x7f: {  	s30 =	simm.s32 $0x2A80;
	s31 =	simm.s32 $0x4;
	[sflag:s28] =	ssyncadd.s32 $0xFFFFFFB0  }
0x80: {  	[tilespmem:s30], [sflag:$0xB] =	stream.indirect.gather [hbm4b:s12+s21], $0x40, s22, s21, $0xb8;
	[tilespmem:$0xEEC0] =	vst v63  }
0x81: {  	_ =	swait.ge [sflag:s31], $0x50  }
0x82: {  	[sflag:s31] =	ssyncset.done $0x0  }
0x83: {  	[sflag:s31] =	ssyncadd.s32 $0xFFFFFFB0  }
0x84: {  	[tilespmem:s4], [sflag:$0xC] =	stream.indirect.gather [hbm4b:s12+s21], $0x40, s23, s21, $0xb8;
	[tilespmem:$0xEEC0] =	vst v63  }
0x85: {  	_ =	swait.ge [sflag:s5], $0x1400  }
0x86: {  	[sflag:s5] =	ssyncset.done $0x0  }
0x87: {  	[sflag:s5] =	ssyncadd.s32 $0xFFFFEC00  }
0x88: {  	_ =	swait.ge [sflag:s6], $0x50  }
0x89: {  	[sflag:s6] =	ssyncset.done $0x0  }
0x8a: {  	[sflag:s6] =	ssyncadd.s32 $0xFFFFFFB0  }
0x8b: {  	[spmem:s10] =	stream.indirect.scatter.add.bf16 [tilespmem:s18], [sflag:$0xD], $0x40, s20, s21, $0xb8;
	[tilespmem:$0xEEC0] =	vst v63  }
0x8c: {  	_ =	swait.ge [sflag:s19], $0x1400  }
0x8d: {  	[sflag:s19] =	ssyncset.done $0x0  }
0x8e: {  	[sflag:s19] =	ssyncadd.s32 $0xFFFFEC00  }
.LBB2_4:
0x8f: {  	s23 =	smul.u32 $0x140, s17;
	_ =	sdelay $0x1  }
0x90: {  	s24 =	sadd.s32 s23, s8  }
0x91: {  	s24 =	sshrl.u32 s24, $0x3  }
0x92: {  	s28 =	sadd.s32 s13, s24  }
0x93: {  	[tilespmem:s1], [sflag:$0x1] =	stream.linear.gather [hbm4b:s28+s1], $0x50, $0x38;
	[tilespmem:$0xEEC0] =	vst v63  }
0x94: {  	s24 =	sadd.s32 s14, s24  }
0x95: {  	[tilespmem:s20], [sflag:$0x5] =	stream.linear.gather [hbm4b:s24+s1], $0x50, $0x38;
	[tilespmem:$0xEEC0] =	vst v63  }
0x96: {  	_ =	swait.ge [sflag:s7], $0x1400  }
0x97: {  	[sflag:s7] =	ssyncset.done $0x0  }
0x98: {  	[sflag:s7] =	ssyncadd.s32 $0xFFFFEC00  }
0x99: {  	_ =	swait.ge [sflag:s9], $0x50  }
0x9a: {  	[sflag:s9] =	ssyncset.done $0x0  }
0x9b: {  	[sflag:s9] =	ssyncadd.s32 $0xFFFFFFB0  }
0x9c: {  	[spmem:s10] =	stream.indirect.scatter.add.bf16 [tilespmem:s29], [sflag:$0xD], $0x40, s25, s21, $0xb8;
	[tilespmem:$0xEEC0] =	vst v63  }
0x9d: {  	_ =	swait.ge [sflag:s19], $0x1400  }
0x9e: {  	p1 =	sgt.u32 s17, $0x1D;
	[sflag:s19] =	ssyncset.done $0x0  }
0x9f: {  	s24 =	simm.s32 @p1 $0xB;
	[sflag:s19] =	ssyncadd.s32 $0xFFFFEC00  }
0xa0: {  	_ =	swait.ge @p1 [sflag:s24], $0x1400  }
0xa1: {  	[sflag:s24] =	ssyncset.done @p1 $0x0  }
0xa2: {  	[sflag:s24] =	ssyncadd.s32 @p1 $0xFFFFEC00;
	s24 =	simm.s32 @p1 $0x7  }
0xa3: {  	_ =	swait.ge @p1 [sflag:s24], $0x50  }
0xa4: {  	s30 =	simm.s32 @p1 $0x2A80;
	[sflag:s24] =	ssyncset.done @p1 $0x0  }
0xa5: {  	s28 =	simm.s32 @p1 $0x1E0;
	[sflag:s24] =	ssyncadd.s32 @p1 $0xFFFFFFB0;
	s24 =	simm.s32 @p1 $0x50  }
0xa6: {  	[spmem:s10] =	stream.indirect.scatter.add.bf16 @p1 [tilespmem:s30], [sflag:$0xD], $0x40, s28, s24, $0xb8;
	[tilespmem:$0xEEC0] =	vst v63  }
0xa7: {  	s24 =	simm.s32 @p1 $0xD  }
0xa8: {  	s28 =	sadd.s32 @!p1 s23, s0;
	_ =	swait.ge @p1 [sflag:s24], $0x1400  }
0xa9: {  	s31 =	simm.s32 @!p1 $0x0;
	s28 =	sshrl.u32 @!p1 s28, $0x3;
	[sflag:s24] =	ssyncset.done @p1 $0x0  }
0xaa: {  	s30 =	sadd.s32 @!p1 s13, s28;
	[sflag:s24] =	ssyncadd.s32 @p1 $0xFFFFEC00;
	s24 =	simm.s32 @!p1 $0x50  }
0xab: {  	[tilespmem:s24], [sflag:$0x2] =	stream.linear.gather @!p1 [hbm4b:s30+s31], $0x50, $0x38;
	[tilespmem:$0xEEC0] =	vst v63  }
0xac: {  	s28 =	sadd.s32 @!p1 s14, s28;
	s30 =	simm.s32 @!p1 $0x190  }
0xad: {  	[tilespmem:s30], [sflag:$0x6] =	stream.linear.gather @!p1 [hbm4b:s28+s31], $0x50, $0x38;
	[tilespmem:$0xEEC0] =	vst v63  }
0xae: {  	s28 =	simm.s32 @!p1 $0xB  }
0xaf: {  	_ =	swait.ge @!p1 [sflag:s28], $0x1400  }
0xb0: {  	[sflag:s28] =	ssyncset.done @!p1 $0x0  }
0xb1: {  	[sflag:s28] =	ssyncadd.s32 @!p1 $0xFFFFEC00;
	s28 =	simm.s32 @!p1 $0x7  }
0xb2: {  	_ =	swait.ge @!p1 [sflag:s28], $0x50  }
0xb3: {  	s16 =	simm.s32 @!p1 $0xD;
	[sflag:s28] =	ssyncset.done @!p1 $0x0  }
0xb4: {  	s30 =	simm.s32 @!p1 $0x2A80;
	[sflag:s28] =	ssyncadd.s32 @!p1 $0xFFFFFFB0;
	s28 =	simm.s32 @!p1 $0x1E0  }
0xb5: {  	[spmem:s10] =	stream.indirect.scatter.add.bf16 @!p1 [tilespmem:s30], [sflag:$0xD], $0x40, s28, s24, $0xb8;
	[tilespmem:$0xEEC0] =	vst v63  }
0xb6: {  	s22 =	sadd.s32 @!p1 s23, s2;
	_ =	swait.ge @!p1 [sflag:s16], $0x1400  }
0xb7: {  	s22 =	sshrl.u32 @!p1 s22, $0x3;
	[sflag:s16] =	ssyncset.done @!p1 $0x0  }
0xb8: {  	s25 =	simm.s32 @!p1 $0xA0;
	[sflag:s16] =	ssyncadd.s32 @!p1 $0xFFFFEC00;
	s16 =	sadd.s32 @!p1 s13, s22  }
0xb9: {  	[tilespmem:s25], [sflag:$0x3] =	stream.linear.gather @!p1 [hbm4b:s16+s31], $0x50, $0x38;
	[tilespmem:$0xEEC0] =	vst v63  }
0xba: {  	s16 =	sadd.s32 @!p1 s14, s22  }
0xbb: {  	[tilespmem:s28], [sflag:$0x7] =	stream.linear.gather @!p1 [hbm4b:s16+s31], $0x50, $0x38;
	[tilespmem:$0xEEC0] =	vst v63  }
0xbc: {  	_ =	swait.ge [sflag:s11], $0x1400  }
0xbd: {  	[sflag:s11] =	ssyncset.done $0x0  }
0xbe: {  	[sflag:s11] =	ssyncadd.s32 $0xFFFFEC00  }
0xbf: {  	_ =	swait.ge [sflag:s15], $0x50  }
0xc0: {  	[sflag:s15] =	ssyncset.done $0x0  }
0xc1: {  	s28 =	simm.s32 $0x230;
	[sflag:s15] =	ssyncadd.s32 $0xFFFFFFB0  }
0xc2: {  	[spmem:s10] =	stream.indirect.scatter.add.bf16 [tilespmem:s4], [sflag:$0xD], $0x40, s28, s21, $0xb8;
	[tilespmem:$0xEEC0] =	vst v63  }
0xc3: {  	s16 =	sadd.s32 @!p1 s23, s3;
	_ =	swait.ge [sflag:s19], $0x1400  }
0xc4: {  	s16 =	sshrl.u32 @!p1 s16, $0x3;
	[sflag:s19] =	ssyncset.done $0x0  }
0xc5: {  	s23 =	simm.s32 @!p1 $0xF0;
	s22 =	sadd.s32 @!p1 s13, s16;
	[sflag:s19] =	ssyncadd.s32 $0xFFFFEC00  }
0xc6: {  	[tilespmem:s23], [sflag:$0x4] =	stream.linear.gather @!p1 [hbm4b:s22+s31], $0x50, $0x38;
	[tilespmem:$0xEEC0] =	vst v63  }
0xc7: {  	s16 =	sadd.s32 @!p1 s14, s16;
	s22 =	simm.s32 @!p1 $0x230  }
0xc8: {  	[tilespmem:s22], [sflag:$0x8] =	stream.linear.gather @!p1 [hbm4b:s16+s31], $0x50, $0x38;
	[tilespmem:$0xEEC0] =	vst v63  }
0xc9: {  	_ =	swait.ge [sflag:s26], $0x50  }
0xca: {  	[sflag:s26] =	ssyncset.done $0x0  }
0xcb: {  	s16 =	simm.s32 @!p1 $0x2;
	[sflag:s26] =	ssyncadd.s32 $0xFFFFFFB0  }
0xcc: {  	[tilespmem:s18], [sflag:$0x9] =	stream.indirect.gather [hbm4b:s12+s21], $0x40, s1, s21, $0xb8;
	[tilespmem:$0xEEC0] =	vst v63  }
0xcd: {  	_ =	swait.ge @!p1 [sflag:s16], $0x50  }
0xce: {  	[sflag:s16] =	ssyncset.done @!p1 $0x0  }
0xcf: {  	[sflag:s16] =	ssyncadd.s32 @!p1 $0xFFFFFFB0;
	s16 =	simm.s32 @!p1 $0x1680  }
0xd0: {  	[tilespmem:s16], [sflag:$0xA] =	stream.indirect.gather @!p1 [hbm4b:s12+s24], $0x40, s24, s24, $0xb8;
	[tilespmem:$0xEEC0] =	vst v63  }
0xd1: {  	s16 =	simm.s32 @!p1 $0x3  }
0xd2: {  	_ =	swait.ge @!p1 [sflag:s16], $0x50  }
0xd3: {  	[sflag:s16] =	ssyncset.done @!p1 $0x0  }
0xd4: {  	[sflag:s16] =	ssyncadd.s32 @!p1 $0xFFFFFFB0;
	s16 =	simm.s32 @!p1 $0x4  }
0xd5: {  	[tilespmem:s30], [sflag:$0xB] =	stream.indirect.gather @!p1 [hbm4b:s12+s24], $0x40, s25, s24, $0xb8;
	[tilespmem:$0xEEC0] =	vst v63  }
0xd6: {  	_ =	swait.ge @!p1 [sflag:s16], $0x50  }
0xd7: {  	[sflag:s16] =	ssyncset.done @!p1 $0x0  }
0xd8: {  	[sflag:s16] =	ssyncadd.s32 @!p1 $0xFFFFFFB0;
	s16 =	simm.s32 @!p1 $0x3E80  }
0xd9: {  	[tilespmem:s16], [sflag:$0xC] =	stream.indirect.gather @!p1 [hbm4b:s12+s24], $0x40, s23, s24, $0xb8;
	[tilespmem:$0xEEC0] =	vst v63  }
0xda: {  	_ =	swait.ge [sflag:s5], $0x1400  }
0xdb: {  	[sflag:s5] =	ssyncset.done $0x0  }
0xdc: {  	s17 =	sadd.s32 @!p1 $0x1, s17;
	[sflag:s5] =	ssyncadd.s32 $0xFFFFEC00  }
0xdd: {  	s17 =	simm.s32 @p1 $0x1F;
	_ =	swait.ge [sflag:s6], $0x50  }
0xde: {  	p1 =	sne.s32 s17, $0x1F;
	[sflag:s6] =	ssyncset.done $0x0  }
.Ltmp1:
0xdf: {  	[sflag:s6] =	ssyncadd.s32 $0xFFFFFFB0;
	(pc) =	sbr.rel @p1 .LBB2_4-.Ltmp1, $4  }
0xe0: {  	[spmem:s10] =	stream.indirect.scatter.add.bf16 [tilespmem:s18], [sflag:$0xD], $0x40, s20, s21, $0xb8;
	[tilespmem:$0xEEC0] =	vst v63  }
0xe1: {  	_ =	swait.ge [sflag:s19], $0x1400  }
0xe2: {  	[sflag:s19] =	ssyncset.done $0x0  }
0xe3: {  	s25 =	simm.s32 $0x190;
	[sflag:s19] =	ssyncadd.s32 $0xFFFFEC00  }
0xe4: {  	[bflag:$0x0] =	sbarrier.arrive $0xFFFF  }
0xe5: {  	s16 =	rddreg [dreg:$0x1c]  }
0xe6: {  	[tilespmem:s18], [sflag:$0xD] =	stream.linear.gather [spmem:s16], $0x1400, $0x38;
	[tilespmem:$0xEEC0] =	vst v63  }
0xe7: {  	_ =	swait.ge [sflag:s19], $0x1400  }
0xe8: {  	[sflag:s19] =	ssyncset.done $0x0  }
0xe9: {  	s24 =	rddreg [dreg:$0x4];
	[sflag:s19] =	ssyncadd.s32 $0xFFFFEC00  }
0xea: {  	[hbm4b:s24+s1] =	stream.linear.scatter [tilespmem:s18], [sflag:$0xD], $0x1400, $0x38;
	[tilespmem:$0xEEC0] =	vst v63  }
0xeb: {  	_ =	swait.ge [sflag:s19], $0x1400  }
0xec: {  	[sflag:s19] =	ssyncset.done $0x0  }
0xed: {  	s30 =	rddreg [dreg:$0x1d];
	[sflag:s19] =	ssyncadd.s32 $0xFFFFEC00  }
0xee: {  	[tilespmem:s18], [sflag:$0xD] =	stream.linear.gather [spmem:s30], $0x1400, $0x38;
	[tilespmem:$0xEEC0] =	vst v63  }
0xef: {  	_ =	swait.ge [sflag:s19], $0x1400  }
0xf0: {  	[sflag:s19] =	ssyncset.done $0x0  }
0xf1: {  	s31 =	rddreg [dreg:$0x5];
	[sflag:s19] =	ssyncadd.s32 $0xFFFFEC00  }
0xf2: {  	[hbm4b:s31+s1] =	stream.linear.scatter [tilespmem:s18], [sflag:$0xD], $0x1400, $0x38;
	[tilespmem:$0xEEC0] =	vst v63  }
0xf3: {  	_ =	swait.ge [sflag:s19], $0x1400  }
0xf4: {  	[sflag:s19] =	ssyncset.done $0x0  }
0xf5: {  	s17 =	rddreg [dreg:$0x1e];
	[sflag:s19] =	ssyncadd.s32 $0xFFFFEC00  }
0xf6: {  	[tilespmem:s18], [sflag:$0xD] =	stream.linear.gather [spmem:s17], $0x1400, $0x38;
	[tilespmem:$0xEEC0] =	vst v63  }
0xf7: {  	_ =	swait.ge [sflag:s19], $0x1400  }
0xf8: {  	[sflag:s19] =	ssyncset.done $0x0  }
0xf9: {  	s22 =	rddreg [dreg:$0x6];
	[sflag:s19] =	ssyncadd.s32 $0xFFFFEC00  }
0xfa: {  	[hbm4b:s22+s1] =	stream.linear.scatter [tilespmem:s18], [sflag:$0xD], $0x1400, $0x38;
	[tilespmem:$0xEEC0] =	vst v63  }
0xfb: {  	_ =	swait.ge [sflag:s19], $0x1400  }
0xfc: {  	[sflag:s19] =	ssyncset.done $0x0  }
0xfd: {  	s23 =	rddreg [dreg:$0x1f];
	[sflag:s19] =	ssyncadd.s32 $0xFFFFEC00  }
0xfe: {  	[tilespmem:s18], [sflag:$0xD] =	stream.linear.gather [spmem:s23], $0x1400, $0x38;
	[tilespmem:$0xEEC0] =	vst v63  }
0xff: {  	_ =	swait.ge [sflag:s19], $0x1400  }
0x100: {  	[sflag:s19] =	ssyncset.done $0x0  }
0x101: {  	s24 =	rddreg [dreg:$0x7];
	[sflag:s19] =	ssyncadd.s32 $0xFFFFEC00  }
0x102: {  	[hbm4b:s24+s1] =	stream.linear.scatter [tilespmem:s18], [sflag:$0xD], $0x1400, $0x38;
	[tilespmem:$0xEEC0] =	vst v63  }
0x103: {  	_ =	swait.ge [sflag:s19], $0x1400  }
0x104: {  	s30 =	sld [smem:$0x7F9]  }
0x105: {  	[sflag:s19] =	ssyncset.done $0x0  }
0x106: {  	[sflag:s19] =	ssyncadd.s32 $0xFFFFEC00  }
0x107: {  	[tilespmem:s18], [sflag:$0xD] =	stream.linear.gather [spmem:s30], $0x1400, $0x38;
	[tilespmem:$0xEEC0] =	vst v63  }
0x108: {  	_ =	swait.ge [sflag:s19], $0x1400  }
0x109: {  	[sflag:s19] =	ssyncset.done $0x0  }
0x10a: {  	s31 =	rddreg [dreg:$0x8];
	[sflag:s19] =	ssyncadd.s32 $0xFFFFEC00  }
0x10b: {  	[hbm4b:s31+s1] =	stream.linear.scatter [tilespmem:s18], [sflag:$0xD], $0x1400, $0x38;
	[tilespmem:$0xEEC0] =	vst v63  }
0x10c: {  	_ =	swait.ge [sflag:s19], $0x1400  }
0x10d: {  	s17 =	sld [smem:$0x7FA]  }
0x10e: {  	[sflag:s19] =	ssyncset.done $0x0  }
0x10f: {  	[sflag:s19] =	ssyncadd.s32 $0xFFFFEC00  }
0x110: {  	[tilespmem:s18], [sflag:$0xD] =	stream.linear.gather [spmem:s17], $0x1400, $0x38;
	[tilespmem:$0xEEC0] =	vst v63  }
0x111: {  	_ =	swait.ge [sflag:s19], $0x1400  }
0x112: {  	[sflag:s19] =	ssyncset.done $0x0  }
0x113: {  	s22 =	rddreg [dreg:$0x9];
	[sflag:s19] =	ssyncadd.s32 $0xFFFFEC00  }
0x114: {  	[hbm4b:s22+s1] =	stream.linear.scatter [tilespmem:s18], [sflag:$0xD], $0x1400, $0x38;
	[tilespmem:$0xEEC0] =	vst v63  }
0x115: {  	_ =	swait.ge [sflag:s19], $0x1400  }
0x116: {  	s23 =	sld [smem:$0x7FB]  }
0x117: {  	[sflag:s19] =	ssyncset.done $0x0  }
0x118: {  	[sflag:s19] =	ssyncadd.s32 $0xFFFFEC00  }
0x119: {  	[tilespmem:s18], [sflag:$0xD] =	stream.linear.gather [spmem:s23], $0x1400, $0x38;
	[tilespmem:$0xEEC0] =	vst v63  }
0x11a: {  	_ =	swait.ge [sflag:s19], $0x1400  }
0x11b: {  	[sflag:s19] =	ssyncset.done $0x0  }
0x11c: {  	s24 =	rddreg [dreg:$0xa];
	[sflag:s19] =	ssyncadd.s32 $0xFFFFEC00  }
0x11d: {  	[hbm4b:s24+s1] =	stream.linear.scatter [tilespmem:s18], [sflag:$0xD], $0x1400, $0x38;
	[tilespmem:$0xEEC0] =	vst v63  }
0x11e: {  	_ =	swait.ge [sflag:s19], $0x1400  }
0x11f: {  	s17 =	sld [smem:$0x7FC]  }
0x120: {  	[sflag:s19] =	ssyncset.done $0x0  }
0x121: {  	s16 =	simm.s32 @!p0 $0x280;
	[sflag:s19] =	ssyncadd.s32 $0xFFFFEC00  }
0x122: {  	[tilespmem:s16], [sflag:$0xD] =	stream.linear.gather @!p0 [spmem:s17], $0x1400, $0x38;
	[tilespmem:$0xEEC0] =	vst v63  }
0x123: {  	s17 =	simm.s32 @!p0 $0xD  }
0x124: {  	_ =	swait.ge @!p0 [sflag:s17], $0x1400  }
0x125: {  	[sflag:s17] =	ssyncset.done @!p0 $0x0  }
0x126: {  	s22 =	simm.s32 @!p0 $0x0;
	s23 =	rddreg [dreg:$0xb];
	[sflag:s17] =	ssyncadd.s32 @!p0 $0xFFFFEC00  }
0x127: {  	[hbm4b:s23+s22] =	stream.linear.scatter @!p0 [tilespmem:s16], [sflag:$0xD], $0x1400, $0x38;
	[tilespmem:$0xEEC0] =	vst v63  }
0x128: {  	_ =	swait.ge @!p0 [sflag:s17], $0x1400  }
0x129: {  	s30 =	sld [smem:$0x7F8]  }
0x12a: {  	s31 =	sld [smem:$0x7FD];
	_ =	sdelay $0x1  }
0x12b: {  	s22 =	sadd.s32 $0x1, s30  }
0x12c: {  	p1 =	sne.s32 s22, s31  }
.Ltmp2:
0x12d: {  	_ = 	snop;
	(pc) =	sbr.rel @p1 .LBB2_1-.Ltmp2, $3  }
0x12e: {  	_ =	sdelay $0x1  }
0x12f: {  	[sflag:s17] =	ssyncset.done @!p0 $0x0  }
0x130: {  	[sflag:s17] =	ssyncadd.s32 @!p0 $0xFFFFEC00  }
0x131: {  	_ =	sfence.sel $0x180000  }
0x132: {  	[bflag:$0x0] =	sbarrier.arrive $0xFFFF  }
0x133: {  	_ =	strace $0x9000004D  }
0x134: {  	s0 =	stileid.u32;
	[bflag:$0x2] =	sbarrier.arrive $0xFFFF  }
0x135: {  	p0 =	sne.s32 s0, $0x0;
	s0 =	rddreg [dreg:$0x3]  }
0x136: {  	s0 =	sadd.s32 @!p0 $0x100000, s0  }
0x137: {  	[sflag:s0] =	ssyncadd.tile.s32 @!p0 $0x1;
	_ =	shalt  }
.Lfunc_end2:
_tile_overlayer_lowered:
.L_overlay_start_2:
0x138: {  	(tag) =	ssettag $0x2  }
0x139: {  	s0 =	rddreg [dreg:$0x0];
	s2 =	stileid.u32  }
0x13a: {  	s1 =	rddreg [dreg:$0x1];
	p0 =	sne.s32 s2, $0x0  }
0x13b: {  	s3 =	rddreg [dreg:$0x2];
	[bflag:$0x3] =	sbarrier.arrive $0xFFFF;
	s2 =	simm.s32 @!p0 $0x1C0D  }
0x13c: {  	[timem:s3], [sflag:s2] =	dma.local @!p0 [hbm:s0], s1  }
0x13d: {  	s0 =	simm.s32 @!p0 $0xD  }
0x13e: {  	_ =	swait.ge @!p0 [sflag:s0], s1  }
0x13f: {  	s1 =	ssub.s32 @!p0 $0x0, s1;
	[sflag:s0] =	ssyncset.done @!p0 $0x0  }
0x140: {  	[sflag:s0] =	ssyncadd.s32 @!p0 s1  }
0x141: {  	[bflag:$0x3] =	sbarrier.arrive $0xFFFF  }
0x142: {  	_ =	shalt  }

// kernel: kernel.8.cloned.1.call-start
scs
__scs_entry_jumppad:
0x0: {  	(pc) =	sbr.rel $0x88, $3  }
0x1: {  	(tag) =	ssettag $0x0;
	lr =	simm.s32 $0x1  }
0x2: {  	[smem:$0x3F96] =	sst lr;
	_ =	strace $0xD0000000  }
0x3: {  	_ = 	snop  }
0x4: {  	_ = 	snop  }
0x5: {  	_ = 	snop  }
0x6: {  	_ = 	snop  }
0x7: {  	_ = 	snop  }
__scs_overlays_trampoline_lowered:
0x8: {  	[smem:$0x3FA5] =	sst s0  }
0x9: {  	[smem:$0x3FA6] =	sst s1  }
0xa: {  	[smem:$0x3FA7] =	sst s2  }
0xb: {  	[smem:$0x3FA8] =	sst s3  }
0xc: {  	[smem:$0x3FA9] =	sst s4  }
0xd: {  	[smem:$0x3FAA] =	sst s5  }
0xe: {  	[smem:$0x3FAB] =	sst s6  }
0xf: {  	[smem:$0x3FAC] =	sst s7  }
0x10: {  	[smem:$0x3FAD] =	sst s8  }
0x11: {  	[smem:$0x3FAE] =	sst s9;
	s0 =	simm.s32 @!p0 $0x0  }
0x12: {  	s1 =	sld [smem:$0x3F94];
	s0 =	simm.s32 @p0 $0x1  }
0x13: {  	[smem:$0x3FAF] =	sst s0;
	s0 =	simm.s32 @!p1 $0x0  }
0x14: {  	s2 =	sld [smem:$0x3F93];
	s0 =	simm.s32 @p1 $0x1  }
0x15: {  	[smem:$0x3FB0] =	sst s0;
	s0 =	simm.s32 @!p2 $0x0  }
0x16: {  	s3 =	sld [smem:$0x3FDB];
	s0 =	simm.s32 @p2 $0x1  }
0x17: {  	s4 =	simm.s32 $0x1BF5;
	[smem:$0x3FB2] =	sst s0  }
0x18: {  	s0 =	sld [smem:$0x3F95];
	_ =	swait.ge [sflag:s4], $0x0  }
0x19: {  	s7 =	sld [smem:$0x3F96]  }
0x1a: {  	s8 =	sadd.s32 $0xFFFFE003, lr  }
0x1b: {  	s9 =	sadd.s32 $0xFFFFFEF7, lr;
	s5 =	simm.s32 $0xFFFFFFFF;
	p2 =	slt.u32 s8, $0xFFFFF086  }
0x1c: {  	p1 =	slt.u32 s9, $0xF7A;
	s5 =	simm.s32 @!p2 $0x0  }
0x1d: {  	s5 =	simm.s32 @p1 $0x1;
	p0 =	seq.s32 s7, s2  }
0x1e: {  	s7 =	smul.u32 @!p0 $0xF7A, s2;
	p2 =	seq.s32 @!p0 s5, $0x0  }
0x1f: {  	s9 =	smul.u32 $0xF7A, s1;
	s8 =	simm.s32 @!p0 $0x1BF5;
	p2 =	por !p2, p0  }
0x20: {  	[sflag:s8] =	ssyncset.s32 @!p0 $0xFFFFF086;
	s6 =	sadd.s32 @!p0 s3, s7;
	s7 =	simm.s32 @!p0 $0x108  }
0x21: {  	s3 =	sadd.s32 s3, s9;
	s6 =	sadd.s32 @!p0 $0x88, s6;
	s7 =	simm.s32 @p2 $0x1082  }
0x22: {  	[simem:s7], [sflag:s8] =	dma.local @!p0 [hbm:s6], $0xF7A  }
0x23: {  	s9 =	sor.u32 $0xD0000000, s2;
	s6 =	simm.s32 $0x108;
	_ =	swait.ge @!p0 [sflag:s8], $0x0  }
0x24: {  	s3 =	sadd.s32 $0x88, s3;
	s6 =	simm.s32 @!p1 $0x1082;
	[sflag:s4] =	ssyncset.s32 $0xFFFFF086  }
0x25: {  	[simem:s6], [sflag:s4] =	dma.local [hbm:s3], $0xF7A  }
0x26: {  	[smem:$0x3F96] =	sst s1;
	(tag) =	ssettag s2;
	_ =	strace s9  }
0x27: {  	s1 =	sld [smem:$0x3FA6]  }
0x28: {  	s2 =	sld [smem:$0x3FA7]  }
0x29: {  	s4 =	sld [smem:$0x3FA9]  }
0x2a: {  	p0 =	seq.s32 s5, $0x0;
	s5 =	sld [smem:$0x3FAA]  }
0x2b: {  	s6 =	sld [smem:$0x3FAB]  }
0x2c: {  	s7 =	sld [smem:$0x3FAC]  }
0x2d: {  	s3 =	simm.s32 $0x108;
	s8 =	sld [smem:$0x3FAD]  }
0x2e: {  	s3 =	simm.s32 @!p0 $0x1082;
	s9 =	sld [smem:$0x3FAE]  }
0x2f: {  	lr =	sadd.s32 s0, s3;
	s0 =	sld [smem:$0x3FA5]  }
0x30: {  	s3 =	sld [smem:$0x3FA8]  }
0x31: {  	[smem:$0x3FB1] =	sst s10  }
0x32: {  	s10 =	sld [smem:$0x3FAF];
	_ =	sdelay $0x3  }
0x33: {  	p0 =	seq.s32 s10, $0x1;
	s10 =	sld [smem:$0x3FB1];
	_ =	sdelay $0x3  }
0x34: {  	[smem:$0x3FB1] =	sst s10  }
0x35: {  	s10 =	sld [smem:$0x3FB0];
	_ =	sdelay $0x3  }
0x36: {  	p1 =	seq.s32 s10, $0x1;
	s10 =	sld [smem:$0x3FB1];
	_ =	sdelay $0x3  }
0x37: {  	[smem:$0x3FB1] =	sst s10  }
0x38: {  	s10 =	sld [smem:$0x3FB2]  }
0x39: {  	_ = 	snop;
	(pc) =	sbr.ind lr, $3  }
0x3a: {  	_ = 	snop  }
0x3b: {  	_ = 	snop  }
0x3c: {  	p2 =	seq.s32 s10, $0x1;
	s10 =	sld [smem:$0x3FB1]  }
0x3d: {  	_ =	shalt  }
0x3e: {  	_ =	shalt  }
0x3f: {  	_ =	shalt  }
0x40: {  	_ =	shalt  }
0x41: {  	_ =	shalt  }
0x42: {  	_ =	shalt  }
0x43: {  	_ =	shalt  }
0x44: {  	_ =	shalt  }
0x45: {  	_ =	shalt  }
0x46: {  	_ =	shalt  }
0x47: {  	_ =	shalt  }
0x48: {  	_ =	shalt  }
0x49: {  	_ =	shalt  }
0x4a: {  	_ =	shalt  }
0x4b: {  	_ =	shalt  }
0x4c: {  	_ =	shalt  }
0x4d: {  	_ =	shalt  }
0x4e: {  	_ =	shalt  }
0x4f: {  	_ =	shalt  }
0x50: {  	_ =	shalt  }
0x51: {  	_ =	shalt  }
0x52: {  	_ =	shalt  }
0x53: {  	_ =	shalt  }
0x54: {  	_ =	shalt  }
0x55: {  	_ =	shalt  }
0x56: {  	_ =	shalt  }
0x57: {  	_ =	shalt  }
0x58: {  	_ =	shalt  }
0x59: {  	_ =	shalt  }
0x5a: {  	_ =	shalt  }
0x5b: {  	_ =	shalt  }
0x5c: {  	_ =	shalt  }
0x5d: {  	_ =	shalt  }
0x5e: {  	_ =	shalt  }
0x5f: {  	_ =	shalt  }
0x60: {  	_ =	shalt  }
0x61: {  	_ =	shalt  }
0x62: {  	_ =	shalt  }
0x63: {  	_ =	shalt  }
0x64: {  	_ =	shalt  }
0x65: {  	_ =	shalt  }
0x66: {  	_ =	shalt  }
0x67: {  	_ =	shalt  }
0x68: {  	_ =	shalt  }
0x69: {  	_ =	shalt  }
0x6a: {  	_ =	shalt  }
0x6b: {  	_ =	shalt  }
0x6c: {  	_ =	shalt  }
0x6d: {  	_ =	shalt  }
0x6e: {  	_ =	shalt  }
0x6f: {  	_ =	shalt  }
0x70: {  	_ =	shalt  }
0x71: {  	_ =	shalt  }
0x72: {  	_ =	shalt  }
0x73: {  	_ =	shalt  }
0x74: {  	_ =	shalt  }
0x75: {  	_ =	shalt  }
0x76: {  	_ =	shalt  }
0x77: {  	_ =	shalt  }
0x78: {  	_ =	shalt  }
0x79: {  	_ =	shalt  }
0x7a: {  	_ =	shalt  }
0x7b: {  	_ =	shalt  }
0x7c: {  	_ =	shalt  }
0x7d: {  	_ =	shalt  }
0x7e: {  	_ =	shalt  }
0x7f: {  	_ =	shalt  }
0x80: {  	_ =	shalt  }
0x81: {  	_ =	shalt  }
0x82: {  	_ =	shalt  }
0x83: {  	_ =	shalt  }
0x84: {  	_ =	shalt  }
0x85: {  	_ =	shalt  }
0x86: {  	_ =	shalt  }
0x87: {  	_ =	shalt  }
.Lfunc_end0:
.L_simem_size_0:
called_computation_lowered:
.L_overlay_start_0:
0x88: {  	s2 =	sld [smem:$0x3FD9]  }
0x89: {  	s3 =	sld [smem:$0x3FFE];
	_ =	sdelay $0x1  }
0x8a: {  	s1 =	srdreg.scid  }
0x8b: {  	s0 =	sand.u32 $0x1, s1  }
0x8c: {  	s17 =	sshll.u32 s0, $0xA;
	s2 =	sadd.s32 s3, s2  }
0x8d: {  	s2 =	sadd.s32 s2, s17  }
0x8e: {  	[smem:$0x3FBD] =	sst s2  }
0x8f: {  	_ = 	snop  }
0x90: {  	s2 =	sld [smem:$0x3FD0];
	(tm) =	ssettm $0x1  }
0x91: {  	s18 =	sld [smem:$0x3FFB];
	_ =	sdelay $0x3  }
0x92: {  	_ =	strace s18  }
0x93: {  	s3 =	sld [smem:$0x3FFC];
	_ =	sdelay $0x3  }
0x94: {  	_ =	strace s3  }
0x95: {  	s3 =	sld [smem:$0x3FFD];
	_ =	sdelay $0x3  }
0x96: {  	_ =	strace s3  }
0x97: {  	_ =	strace $0x8FFFFFFF  }
0x98: {  	s19 =	sld [smem:$0x3FDB];
	_ =	sdelay $0x1  }
0x99: {  	s4 =	simm.s32 $_scs_section_size  }
0x9a: {  	s5 =	simm.s32 $_size__tile_overlayer_lowered;
	s6 =	simm.s32 $_tile_overlayer_lowered  }
0x9b: {  	s22 =	simm.s32 $0x1BFF;
	s21 =	sshll.u32 s6, $0x1;
	s3 =	sadd.s32 s4, s19  }
0x9c: {  	s7 =	simm.s32 $0x0;
	s20 =	sshll.u32 s5, $0x1;
	s5 =	sadd.s32 s21, s3  }
0x9d: {  	[timem:s7], [sflag:s22] =	dma.local [hbm:s5], s20  }
0x9e: {  	_ =	swait.ge [sflag:s22], s20  }
0x9f: {  	s4 =	ssub.s32 $0x0, s20;
	[sflag:s22] =	ssyncset.done $0x0  }
0xa0: {  	[sflag:s22] =	ssyncadd.s32 s4;
	_ =	sdelay $0x1  }
0xa1: {  	s23 =	simm.s32 $0x1B8B  }
0xa2: {  	_ =	swait.ge [sflag:s23], $0x1  }
0xa3: {  	[sflag:s23] =	ssyncset.done $0x0  }
0xa4: {  	s25 =	simm.s32 $0x1B8E;
	s24 =	sld [smem:$0x3FFE];
	[sflag:s23] =	ssyncadd.s32 $0xFFFFFFFF  }
0xa5: {  	s26 =	simm.s32 $execute0_lowered;
	[smem:$0x3FD2] =	sst s25  }
0xa6: {  	s5 =	sshll.u32 s26, $0x1;
	_ =	strace $0x80000046;
	[dreg:$0x1] =	wrdreg $0xFFFFFFFF  }
0xa7: {  	s28 =	simm.s32 $_size_execute0_lowered;
	s3 =	sadd.s32 s3, s5;
	[dreg:$0x0] =	wrdreg $0x0  }
0xa8: {  	s5 =	sshll.u32 s28, $0x1;
	[dreg:$0x2] =	wrdreg s3  }
0xa9: {  	[dreg:$0x3] =	wrdreg s5  }
0xaa: {  	[dreg:$0x4] =	wrdreg $0xC0  }
0xab: {  	_ =	task [dreg:s7], $0x5FFFF  }
0xac: {  	[dreg:$0x1] =	wrdreg $0xFFFFFFFF  }
0xad: {  	[dreg:$0x0] =	wrdreg $0x60  }
0xae: {  	[dreg:$0x2] =	wrdreg s24  }
0xaf: {  	[dreg:$0x3] =	wrdreg s2  }
0xb0: {  	[dreg:$0x4] =	wrdreg $0x52800  }
0xb1: {  	[dreg:$0x5] =	wrdreg $0x9  }
0xb2: {  	_ =	task.clear_ibuf [dreg:s7], $0x6FFFF;
	_ =	strace $0x90000046  }
0xb3: {  	s29 =	simm.s32 $0x9;
	_ =	strace $0x80000048  }
0xb4: {  	_ =	swait.ge [sflag:s29], $0x1  }
0xb5: {  	[sflag:s29] =	ssyncadd.s32 $0xFFFFFFFF  }
0xb6: {  	_ =	strace $0x90000048  }
0xb7: {  	_ =	sfence  }
0xb8: {  	s30 =	sld [smem:$0x0];
	_ =	sdelay $0x2  }
0xb9: {  	s31 =	sshll.u32 s1, $0xD;
	s1 =	sshrl.u32 s1, $0x2  }
0xba: {  	s3 =	sand.u32 $0x4000, s31;
	s1 =	sadd.s32 s1, s30  }
0xbb: {  	s0 =	sor.u32 s3, s0;
	s1 =	sshll.u32 s1, $0x11  }
0xbc: {  	s0 =	sor.u32 s1, s0  }
0xbd: {  	s0 =	sadd.s32 $0x8F2B, s0  }
0xbe: {  	[sflag:s0] =	ssyncadd.remote.s32 $0x1  }
0xbf: {  	_ =	sfence.sel $0xFFFF  }
0xc0: {  	[dreg:$0x0] =	wrdreg $0xFFFFFFFF;
	(pc) =	sbr.abs _section_cstart, $3  }
0xc1: {  	[dreg:$0x1] =	wrdreg $0xFFFFFFFF  }
0xc2: {  	_ =	task.clear_ibuf [dreg:s7], $0x2FFFF;
	_ =	strace $0x9FFFFFFF  }
0xc3: {  	(tm) =	ssettm $0x7FFFFFFF  }
tec
execute0_lowered:
.L_overlay_start_1:
0x0: {  	(tag) =	ssettag $0x1  }
0x1: {  	s0 =	srdreg.scid  }
0x2: {  	s2 =	rddreg [dreg:$0x1];
	s24 =	stileid.u32  }
0x3: {  	s1 =	simm.s32 $0x0;
	s28 =	simm.s32 $0x230;
	s29 =	simm.s32 $0x1680  }
0x4: {  	s0 =	sand.u32 $0x1, s0;
	[smem:$0x7FF] =	sst s1;
	s8 =	sor.u32 $0x10, s24  }
0x5: {  	s3 =	sshll.u32 s0, $0x4;
	s4 =	ssub.s32 $0x2, s0;
	s0 =	smul.u32 $0x138800, s0  }
0x6: {  	s18 =	sor.u32 $0x20, s24;
	s19 =	sor.u32 $0x30, s24;
	s6 =	smul.u32 $0x2800, s8  }
0x7: {  	s20 =	sor.u32 $0x40, s24;
	s21 =	sor.u32 $0x50, s24;
	s7 =	smul.u32 $0x2800, s18  }
0x8: {  	s22 =	sor.u32 $0x60, s24;
	s23 =	sor.u32 $0x70, s24;
	s15 =	smul.u32 $0x2800, s21  }
0x9: {  	s8 =	smul.u32 $0x5000, s8;
	s3 =	sor.u32 s24, s3;
	s5 =	sshrl.u32 s4, $0x1  }
0xa: {  	p0 =	sgt.u32 s24, $0xC;
	s3 =	smul.u32 $0x2710, s3;
	s4 =	ssub.s32 s4, s5  }
0xb: {  	s5 =	smul.u32 $0x2800, s24;
	s11 =	sadd.s32 s0, s6;
	s12 =	sadd.s32 s0, s7  }
0xc: {  	s26 =	sadd.s32 s0, s15;
	s6 =	sshrl.u32 s6, $0x1;
	s14 =	sshrl.u32 s11, $0x4  }
0xd: {  	s11 =	smul.u32 $0x2800, s20;
	s12 =	sshrl.u32 s12, $0x4;
	s9 =	sadd.s32 s5, s0  }
0xe: {  	s16 =	sadd.s32 s2, s12;
	s12 =	sshrl.u32 s26, $0x4;
	s26 =	smul.u32 $0x5000, s18  }
0xf: {  	s4 =	smax.u32 s4, $0x1;
	s10 =	sshrl.u32 s9, $0x4;
	s9 =	smul.u32 $0x2800, s19  }
0x10: {  	s5 =	sshrl.u32 s5, $0x1;
	[dreg:$0x6] =	wrdreg s16;
	s16 =	smul.u32 $0x2800, s22  }
0x11: {  	s25 =	sadd.s32 s0, s11;
	s30 =	sadd.s32 s2, s12;
	s22 =	smul.u32 $0x5000, s22  }
0x12: {  	s10 =	sadd.s32 s2, s10;
	[dreg:$0x9] =	wrdreg s30;
	s30 =	smul.u32 $0x5000, s19  }
0x13: {  	[dreg:$0x4] =	wrdreg s10;
	s13 =	sadd.s32 s0, s9;
	s10 =	sadd.s32 s2, s14  }
0x14: {  	s31 =	sadd.s32 s0, s16;
	s14 =	rddreg [dreg:$0x0];
	s13 =	sshrl.u32 s13, $0x4  }
0x15: {  	[dreg:$0x5] =	wrdreg s10;
	s10 =	sshrl.u32 s25, $0x4;
	s12 =	sadd.s32 $0x2AC00, s14  }
0x16: {  	s25 =	smul.u32 $0x5000, s24;
	s19 =	sshrl.u32 s30, $0x2;
	s17 =	sadd.s32 s2, s13  }
0x17: {  	s10 =	sadd.s32 s2, s10;
	[dreg:$0x7] =	wrdreg s17;
	s17 =	smul.u32 $0x2800, s23  }
0x18: {  	s13 =	sadd.s32 $0xD400, s14;
	[dreg:$0x8] =	wrdreg s10;
	s10 =	sshrl.u32 s31, $0x4  }
0x19: {  	s31 =	smul.u32 $0x5000, s20;
	s10 =	sadd.s32 s2, s10;
	s0 =	sadd.s32 s0, s17  }
0x1a: {  	s20 =	smul.u32 $0x5000, s21;
	[dreg:$0xa] =	wrdreg s10;
	s0 =	sshrl.u32 s0, $0x4  }
0x1b: {  	s10 =	rddreg [dreg:$0x2];
	s0 =	sadd.s32 s2, s0;
	s2 =	sshrl.u32 s25, $0x2  }
0x1c: {  	s21 =	sadd.s32 s19, s10;
	[dreg:$0xb] =	wrdreg s0;
	s2 =	sadd.s32 s2, s10  }
0x1d: {  	s25 =	sshrl.u32 s20, $0x2;
	_ =	strace $0x80000047;
	[dreg:$0xc] =	wrdreg s2  }
0x1e: {  	s14 =	sadd.s32 $0x3600, s14;
	s30 =	sadd.s32 s25, s10;
	[dreg:$0xf] =	wrdreg s21  }
0x1f: {  	s5 =	sadd.s32 s5, s10;
	s0 =	sshrl.u32 s8, $0x2;
	[dreg:$0x11] =	wrdreg s30  }
0x20: {  	s8 =	sshrl.u32 s26, $0x2;
	s26 =	smul.u32 $0x5000, s23;
	[dreg:$0x1c] =	wrdreg s5  }
0x21: {  	s0 =	sadd.s32 s0, s10;
	s2 =	sadd.s32 s8, s10;
	[smem:$0x7FD] =	sst s4  }
0x22: {  	s8 =	sadd.s32 $0x140, s3;
	s4 =	simm.s32 $0x3E80;
	[dreg:$0xd] =	wrdreg s0  }
0x23: {  	[dreg:$0xe] =	wrdreg s2;
	s0 =	sshrl.u32 s31, $0x2;
	s31 =	sshrl.u32 s3, $0x3  }
0x24: {  	s2 =	sshrl.u32 s22, $0x2;
	s19 =	sshrl.u32 s26, $0x2;
	s0 =	sadd.s32 s0, s10  }
0x25: {  	s20 =	sadd.s32 $0xA, s31;
	s2 =	sadd.s32 s2, s10;
	[dreg:$0x10] =	wrdreg s0  }
0x26: {  	s21 =	sadd.s32 s19, s10;
	s25 =	sadd.s32 s13, s31;
	[dreg:$0x12] =	wrdreg s2  }
0x27: {  	s26 =	sadd.s32 $0x14, s31;
	s30 =	sadd.s32 s14, s31;
	[dreg:$0x13] =	wrdreg s21  }
0x28: {  	s19 =	sadd.s32 s6, s10;
	s6 =	simm.s32 $0x5;
	[dreg:$0x16] =	wrdreg s25  }
0x29: {  	s22 =	sadd.s32 s13, s20;
	s23 =	sadd.s32 s14, s20;
	[dreg:$0x17] =	wrdreg s30  }
0x2a: {  	s0 =	sadd.s32 $0x1E, s31;
	s31 =	sadd.s32 s13, s26;
	s2 =	sadd.s32 s14, s26  }
0x2b: {  	[dreg:$0x1d] =	wrdreg s19;
	s20 =	sshrl.u32 s7, $0x1;
	s21 =	sshrl.u32 s9, $0x1  }
0x2c: {  	s25 =	sshrl.u32 s15, $0x1;
	s26 =	sshrl.u32 s16, $0x1;
	[dreg:$0x14] =	wrdreg s22  }
0x2d: {  	s30 =	sshrl.u32 s17, $0x1;
	s19 =	simm.s32 $0xD;
	[dreg:$0x15] =	wrdreg s23  }
0x2e: {  	s7 =	simm.s32 $0xA;
	s9 =	simm.s32 $0x6;
	[dreg:$0x18] =	wrdreg s31  }
0x2f: {  	s15 =	simm.s32 $0x8;
	[dreg:$0x19] =	wrdreg s2;
	s18 =	sadd.s32 s13, s0  }
0x30: {  	s0 =	sadd.s32 s14, s0;
	s2 =	sadd.s32 $0x1E0, s3;
	s5 =	sadd.s32 s20, s10  }
0x31: {  	s22 =	sshrl.u32 s11, $0x1;
	s31 =	sadd.s32 s30, s10;
	[dreg:$0x1a] =	wrdreg s18  }
0x32: {  	s20 =	simm.s32 $0x140;
	s11 =	simm.s32 $0xC;
	[dreg:$0x1b] =	wrdreg s0  }
0x33: {  	s0 =	sadd.s32 $0x190, s3;
	s3 =	sadd.s32 $0x230, s3;
	[dreg:$0x1e] =	wrdreg s5  }
0x34: {  	s5 =	sadd.s32 s21, s10;
	s23 =	sadd.s32 s22, s10;
	[smem:$0x7FC] =	sst s31  }
0x35: {  	s18 =	simm.s32 $0x280;
	s21 =	simm.s32 $0x50;
	[dreg:$0x1f] =	wrdreg s5  }
0x36: {  	s22 =	simm.s32 $0x0;
	[smem:$0x7F9] =	sst s23;
	s5 =	sadd.s32 s25, s10  }
0x37: {  	s25 =	simm.s32 $0x190;
	[smem:$0x7FA] =	sst s5;
	s5 =	sadd.s32 s26, s10  }
0x38: {  	v0 =	vimm.bf16 $0.0e+00;
	s26 =	simm.s32 $0x1;
	[smem:$0x7FB] =	sst s5;
	s5 =	simm.s32 $0x9  }
.LBB2_1:
0x39: {  	[smem:$0x7F8] =	sst s22;
	s23 =	simm.s32 $0x100;
	s17 =	simm.s32 $0x0  }
.LBB2_2:
0x3a: {  	p1 =	sne.s32 s23, $0x4F00;
	[tilespmem:s17+$0x2B0] =	vst v0;
	s24 =	smov.u32 s23;
	s23 =	sadd.s32 $0x100, s23  }
.Ltmp0:
0x3b: {  	[tilespmem:s17+$0x2A0] =	vst v0;
	(pc) =	sbr.rel @p1 .LBB2_2-.Ltmp0, $3  }
0x3c: {  	[tilespmem:s17+$0x280] =	vst v0  }
0x3d: {  	[tilespmem:s17+$0x290] =	vst v0;
	_ =	sdelay $0x1  }
0x3e: {  	s17 =	sshra.s32 s24, $0x2  }
0x3f: {  	[tilespmem:s17+$0x2B0] =	vst v0  }
0x40: {  	[tilespmem:s17+$0x2A0] =	vst v0  }
0x41: {  	[tilespmem:s17+$0x280] =	vst v0  }
0x42: {  	[tilespmem:s17+$0x290] =	vst v0;
	s16 =	rddreg [dreg:$0xc]  }
0x43: {  	[spmem:s16] =	stream.linear.scatter [tilespmem:s18], [sflag:$0xD], $0x1400, $0x38;
	[tilespmem:$0xEEC0] =	vst v63  }
0x44: {  	_ =	swait.ge [sflag:s19], $0x1400  }
0x45: {  	[sflag:s19] =	ssyncset.done $0x0  }
0x46: {  	s24 =	rddreg [dreg:$0xd];
	[sflag:s19] =	ssyncadd.s32 $0xFFFFEC00  }
0x47: {  	[spmem:s24] =	stream.linear.scatter [tilespmem:s18], [sflag:$0xD], $0x1400, $0x38;
	[tilespmem:$0xEEC0] =	vst v63  }
0x48: {  	_ =	swait.ge [sflag:s19], $0x1400  }
0x49: {  	[sflag:s19] =	ssyncset.done $0x0  }
0x4a: {  	s30 =	rddreg [dreg:$0xe];
	[sflag:s19] =	ssyncadd.s32 $0xFFFFEC00  }
0x4b: {  	[spmem:s30] =	stream.linear.scatter [tilespmem:s18], [sflag:$0xD], $0x1400, $0x38;
	[tilespmem:$0xEEC0] =	vst v63  }
0x4c: {  	_ =	swait.ge [sflag:s19], $0x1400  }
0x4d: {  	[sflag:s19] =	ssyncset.done $0x0  }
0x4e: {  	s31 =	rddreg [dreg:$0xf];
	[sflag:s19] =	ssyncadd.s32 $0xFFFFEC00  }
0x4f: {  	[spmem:s31] =	stream.linear.scatter [tilespmem:s18], [sflag:$0xD], $0x1400, $0x38;
	[tilespmem:$0xEEC0] =	vst v63  }
0x50: {  	_ =	swait.ge [sflag:s19], $0x1400  }
0x51: {  	[sflag:s19] =	ssyncset.done $0x0  }
0x52: {  	s17 =	rddreg [dreg:$0x10];
	[sflag:s19] =	ssyncadd.s32 $0xFFFFEC00  }
0x53: {  	[spmem:s17] =	stream.linear.scatter [tilespmem:s18], [sflag:$0xD], $0x1400, $0x38;
	[tilespmem:$0xEEC0] =	vst v63  }
0x54: {  	_ =	swait.ge [sflag:s19], $0x1400  }
0x55: {  	[sflag:s19] =	ssyncset.done $0x0  }
0x56: {  	s22 =	rddreg [dreg:$0x11];
	[sflag:s19] =	ssyncadd.s32 $0xFFFFEC00  }
0x57: {  	[spmem:s22] =	stream.linear.scatter [tilespmem:s18], [sflag:$0xD], $0x1400, $0x38;
	[tilespmem:$0xEEC0] =	vst v63  }
0x58: {  	_ =	swait.ge [sflag:s19], $0x1400  }
0x59: {  	[sflag:s19] =	ssyncset.done $0x0  }
0x5a: {  	s23 =	rddreg [dreg:$0x12];
	[sflag:s19] =	ssyncadd.s32 $0xFFFFEC00  }
0x5b: {  	[spmem:s23] =	stream.linear.scatter [tilespmem:s18], [sflag:$0xD], $0x1400, $0x38;
	[tilespmem:$0xEEC0] =	vst v63  }
0x5c: {  	_ =	swait.ge [sflag:s19], $0x1400  }
0x5d: {  	[sflag:s19] =	ssyncset.done $0x0  }
0x5e: {  	s17 =	simm.s32 @!p0 $0x280;
	s16 =	rddreg [dreg:$0x13];
	[sflag:s19] =	ssyncadd.s32 $0xFFFFEC00  }
0x5f: {  	[spmem:s16] =	stream.linear.scatter @!p0 [tilespmem:s17], [sflag:$0xD], $0x1400, $0x38;
	[tilespmem:$0xEEC0] =	vst v63  }
0x60: {  	s17 =	simm.s32 @!p0 $0xD  }
0x61: {  	_ =	swait.ge @!p0 [sflag:s17], $0x1400  }
0x62: {  	[sflag:s17] =	ssyncset.done @!p0 $0x0  }
0x63: {  	[sflag:s17] =	ssyncadd.s32 @!p0 $0xFFFFEC00  }
0x64: {  	[bflag:$0x0] =	sbarrier.arrive $0xFFFF  }
0x65: {  	s17 =	simm.s32 $0x0;
	s24 =	rddreg [dreg:$0x16]  }
0x66: {  	[tilespmem:s17], [sflag:$0x1] =	stream.linear.gather [hbm4b:s24+s17], $0x50, $0x38;
	[tilespmem:$0xEEC0] =	vst v63  }
0x67: {  	s30 =	rddreg [dreg:$0x17]  }
0x68: {  	[tilespmem:s20], [sflag:$0x5] =	stream.linear.gather [hbm4b:s30+s17], $0x50, $0x38;
	[tilespmem:$0xEEC0] =	vst v63  }
0x69: {  	s31 =	rddreg [dreg:$0x14]  }
0x6a: {  	[tilespmem:s21], [sflag:$0x2] =	stream.linear.gather [hbm4b:s31+s17], $0x50, $0x38;
	[tilespmem:$0xEEC0] =	vst v63  }
0x6b: {  	s22 =	rddreg [dreg:$0x15]  }
0x6c: {  	[tilespmem:s25], [sflag:$0x6] =	stream.linear.gather [hbm4b:s22+s17], $0x50, $0x38;
	[tilespmem:$0xEEC0] =	vst v63  }
0x6d: {  	s23 =	rddreg [dreg:$0x18];
	s22 =	simm.s32 $0xA0  }
0x6e: {  	[tilespmem:s22], [sflag:$0x3] =	stream.linear.gather [hbm4b:s23+s17], $0x50, $0x38;
	[tilespmem:$0xEEC0] =	vst v63  }
0x6f: {  	s24 =	rddreg [dreg:$0x19];
	s23 =	simm.s32 $0x1E0  }
0x70: {  	[tilespmem:s23], [sflag:$0x7] =	stream.linear.gather [hbm4b:s24+s17], $0x50, $0x38;
	[tilespmem:$0xEEC0] =	vst v63  }
0x71: {  	s30 =	rddreg [dreg:$0x1a];
	s23 =	simm.s32 $0xF0  }
0x72: {  	[tilespmem:s23], [sflag:$0x4] =	stream.linear.gather [hbm4b:s30+s17], $0x50, $0x38;
	[tilespmem:$0xEEC0] =	vst v63  }
0x73: {  	s31 =	rddreg [dreg:$0x1b]  }
0x74: {  	[tilespmem:s28], [sflag:$0x8] =	stream.linear.gather [hbm4b:s31+s17], $0x50, $0x38;
	[tilespmem:$0xEEC0] =	vst v63  }
0x75: {  	_ =	swait.ge [sflag:s26], $0x50  }
0x76: {  	[sflag:s26] =	ssyncset.done $0x0  }
0x77: {  	s24 =	simm.s32 $0x2;
	[sflag:s26] =	ssyncadd.s32 $0xFFFFFFB0  }
0x78: {  	[tilespmem:s18], [sflag:$0x9] =	stream.indirect.gather [hbm4b:s12+s21], $0x40, s17, s21, $0xb8;
	[tilespmem:$0xEEC0] =	vst v63  }
0x79: {  	_ =	swait.ge [sflag:s24], $0x50  }
0x7a: {  	[sflag:s24] =	ssyncset.done $0x0  }
0x7b: {  	s28 =	simm.s32 $0x3;
	[sflag:s24] =	ssyncadd.s32 $0xFFFFFFB0  }
0x7c: {  	[tilespmem:s29], [sflag:$0xA] =	stream.indirect.gather [hbm4b:s12+s21], $0x40, s21, s21, $0xb8;
	[tilespmem:$0xEEC0] =	vst v63  }
0x7d: {  	_ =	swait.ge [sflag:s28], $0x50  }
0x7e: {  	[sflag:s28] =	ssyncset.done $0x0  }
0x7f: {  	s30 =	simm.s32 $0x2A80;
	s31 =	simm.s32 $0x4;
	[sflag:s28] =	ssyncadd.s32 $0xFFFFFFB0  }
0x80: {  	[tilespmem:s30], [sflag:$0xB] =	stream.indirect.gather [hbm4b:s12+s21], $0x40, s22, s21, $0xb8;
	[tilespmem:$0xEEC0] =	vst v63  }
0x81: {  	_ =	swait.ge [sflag:s31], $0x50  }
0x82: {  	[sflag:s31] =	ssyncset.done $0x0  }
0x83: {  	[sflag:s31] =	ssyncadd.s32 $0xFFFFFFB0  }
0x84: {  	[tilespmem:s4], [sflag:$0xC] =	stream.indirect.gather [hbm4b:s12+s21], $0x40, s23, s21, $0xb8;
	[tilespmem:$0xEEC0] =	vst v63  }
0x85: {  	_ =	swait.ge [sflag:s5], $0x1400  }
0x86: {  	[sflag:s5] =	ssyncset.done $0x0  }
0x87: {  	[sflag:s5] =	ssyncadd.s32 $0xFFFFEC00  }
0x88: {  	_ =	swait.ge [sflag:s6], $0x50  }
0x89: {  	[sflag:s6] =	ssyncset.done $0x0  }
0x8a: {  	[sflag:s6] =	ssyncadd.s32 $0xFFFFFFB0  }
0x8b: {  	[spmem:s10] =	stream.indirect.scatter.add.bf16 [tilespmem:s18], [sflag:$0xD], $0x40, s20, s21, $0xb8;
	[tilespmem:$0xEEC0] =	vst v63  }
0x8c: {  	_ =	swait.ge [sflag:s19], $0x1400  }
0x8d: {  	[sflag:s19] =	ssyncset.done $0x0  }
0x8e: {  	[sflag:s19] =	ssyncadd.s32 $0xFFFFEC00  }
.LBB2_4:
0x8f: {  	s23 =	smul.u32 $0x140, s17;
	_ =	sdelay $0x1  }
0x90: {  	s24 =	sadd.s32 s23, s8  }
0x91: {  	s24 =	sshrl.u32 s24, $0x3  }
0x92: {  	s28 =	sadd.s32 s13, s24  }
0x93: {  	[tilespmem:s1], [sflag:$0x1] =	stream.linear.gather [hbm4b:s28+s1], $0x50, $0x38;
	[tilespmem:$0xEEC0] =	vst v63  }
0x94: {  	s24 =	sadd.s32 s14, s24  }
0x95: {  	[tilespmem:s20], [sflag:$0x5] =	stream.linear.gather [hbm4b:s24+s1], $0x50, $0x38;
	[tilespmem:$0xEEC0] =	vst v63  }
0x96: {  	_ =	swait.ge [sflag:s7], $0x1400  }
0x97: {  	[sflag:s7] =	ssyncset.done $0x0  }
0x98: {  	[sflag:s7] =	ssyncadd.s32 $0xFFFFEC00  }
0x99: {  	_ =	swait.ge [sflag:s9], $0x50  }
0x9a: {  	[sflag:s9] =	ssyncset.done $0x0  }
0x9b: {  	[sflag:s9] =	ssyncadd.s32 $0xFFFFFFB0  }
0x9c: {  	[spmem:s10] =	stream.indirect.scatter.add.bf16 [tilespmem:s29], [sflag:$0xD], $0x40, s25, s21, $0xb8;
	[tilespmem:$0xEEC0] =	vst v63  }
0x9d: {  	_ =	swait.ge [sflag:s19], $0x1400  }
0x9e: {  	p1 =	sgt.u32 s17, $0x1D;
	[sflag:s19] =	ssyncset.done $0x0  }
0x9f: {  	s24 =	simm.s32 @p1 $0xB;
	[sflag:s19] =	ssyncadd.s32 $0xFFFFEC00  }
0xa0: {  	_ =	swait.ge @p1 [sflag:s24], $0x1400  }
0xa1: {  	[sflag:s24] =	ssyncset.done @p1 $0x0  }
0xa2: {  	[sflag:s24] =	ssyncadd.s32 @p1 $0xFFFFEC00;
	s24 =	simm.s32 @p1 $0x7  }
0xa3: {  	_ =	swait.ge @p1 [sflag:s24], $0x50  }
0xa4: {  	s30 =	simm.s32 @p1 $0x2A80;
	[sflag:s24] =	ssyncset.done @p1 $0x0  }
0xa5: {  	s28 =	simm.s32 @p1 $0x1E0;
	[sflag:s24] =	ssyncadd.s32 @p1 $0xFFFFFFB0;
	s24 =	simm.s32 @p1 $0x50  }
0xa6: {  	[spmem:s10] =	stream.indirect.scatter.add.bf16 @p1 [tilespmem:s30], [sflag:$0xD], $0x40, s28, s24, $0xb8;
	[tilespmem:$0xEEC0] =	vst v63  }
0xa7: {  	s24 =	simm.s32 @p1 $0xD  }
0xa8: {  	s28 =	sadd.s32 @!p1 s23, s0;
	_ =	swait.ge @p1 [sflag:s24], $0x1400  }
0xa9: {  	s31 =	simm.s32 @!p1 $0x0;
	s28 =	sshrl.u32 @!p1 s28, $0x3;
	[sflag:s24] =	ssyncset.done @p1 $0x0  }
0xaa: {  	s30 =	sadd.s32 @!p1 s13, s28;
	[sflag:s24] =	ssyncadd.s32 @p1 $0xFFFFEC00;
	s24 =	simm.s32 @!p1 $0x50  }
0xab: {  	[tilespmem:s24], [sflag:$0x2] =	stream.linear.gather @!p1 [hbm4b:s30+s31], $0x50, $0x38;
	[tilespmem:$0xEEC0] =	vst v63  }
0xac: {  	s28 =	sadd.s32 @!p1 s14, s28;
	s30 =	simm.s32 @!p1 $0x190  }
0xad: {  	[tilespmem:s30], [sflag:$0x6] =	stream.linear.gather @!p1 [hbm4b:s28+s31], $0x50, $0x38;
	[tilespmem:$0xEEC0] =	vst v63  }
0xae: {  	s28 =	simm.s32 @!p1 $0xB  }
0xaf: {  	_ =	swait.ge @!p1 [sflag:s28], $0x1400  }
0xb0: {  	[sflag:s28] =	ssyncset.done @!p1 $0x0  }
0xb1: {  	[sflag:s28] =	ssyncadd.s32 @!p1 $0xFFFFEC00;
	s28 =	simm.s32 @!p1 $0x7  }
0xb2: {  	_ =	swait.ge @!p1 [sflag:s28], $0x50  }
0xb3: {  	s16 =	simm.s32 @!p1 $0xD;
	[sflag:s28] =	ssyncset.done @!p1 $0x0  }
0xb4: {  	s30 =	simm.s32 @!p1 $0x2A80;
	[sflag:s28] =	ssyncadd.s32 @!p1 $0xFFFFFFB0;
	s28 =	simm.s32 @!p1 $0x1E0  }
0xb5: {  	[spmem:s10] =	stream.indirect.scatter.add.bf16 @!p1 [tilespmem:s30], [sflag:$0xD], $0x40, s28, s24, $0xb8;
	[tilespmem:$0xEEC0] =	vst v63  }
0xb6: {  	s22 =	sadd.s32 @!p1 s23, s2;
	_ =	swait.ge @!p1 [sflag:s16], $0x1400  }
0xb7: {  	s22 =	sshrl.u32 @!p1 s22, $0x3;
	[sflag:s16] =	ssyncset.done @!p1 $0x0  }
0xb8: {  	s25 =	simm.s32 @!p1 $0xA0;
	[sflag:s16] =	ssyncadd.s32 @!p1 $0xFFFFEC00;
	s16 =	sadd.s32 @!p1 s13, s22  }
0xb9: {  	[tilespmem:s25], [sflag:$0x3] =	stream.linear.gather @!p1 [hbm4b:s16+s31], $0x50, $0x38;
	[tilespmem:$0xEEC0] =	vst v63  }
0xba: {  	s16 =	sadd.s32 @!p1 s14, s22  }
0xbb: {  	[tilespmem:s28], [sflag:$0x7] =	stream.linear.gather @!p1 [hbm4b:s16+s31], $0x50, $0x38;
	[tilespmem:$0xEEC0] =	vst v63  }
0xbc: {  	_ =	swait.ge [sflag:s11], $0x1400  }
0xbd: {  	[sflag:s11] =	ssyncset.done $0x0  }
0xbe: {  	[sflag:s11] =	ssyncadd.s32 $0xFFFFEC00  }
0xbf: {  	_ =	swait.ge [sflag:s15], $0x50  }
0xc0: {  	[sflag:s15] =	ssyncset.done $0x0  }
0xc1: {  	s28 =	simm.s32 $0x230;
	[sflag:s15] =	ssyncadd.s32 $0xFFFFFFB0  }
0xc2: {  	[spmem:s10] =	stream.indirect.scatter.add.bf16 [tilespmem:s4], [sflag:$0xD], $0x40, s28, s21, $0xb8;
	[tilespmem:$0xEEC0] =	vst v63  }
0xc3: {  	s16 =	sadd.s32 @!p1 s23, s3;
	_ =	swait.ge [sflag:s19], $0x1400  }
0xc4: {  	s16 =	sshrl.u32 @!p1 s16, $0x3;
	[sflag:s19] =	ssyncset.done $0x0  }
0xc5: {  	s23 =	simm.s32 @!p1 $0xF0;
	s22 =	sadd.s32 @!p1 s13, s16;
	[sflag:s19] =	ssyncadd.s32 $0xFFFFEC00  }
0xc6: {  	[tilespmem:s23], [sflag:$0x4] =	stream.linear.gather @!p1 [hbm4b:s22+s31], $0x50, $0x38;
	[tilespmem:$0xEEC0] =	vst v63  }
0xc7: {  	s16 =	sadd.s32 @!p1 s14, s16;
	s22 =	simm.s32 @!p1 $0x230  }
0xc8: {  	[tilespmem:s22], [sflag:$0x8] =	stream.linear.gather @!p1 [hbm4b:s16+s31], $0x50, $0x38;
	[tilespmem:$0xEEC0] =	vst v63  }
0xc9: {  	_ =	swait.ge [sflag:s26], $0x50  }
0xca: {  	[sflag:s26] =	ssyncset.done $0x0  }
0xcb: {  	s16 =	simm.s32 @!p1 $0x2;
	[sflag:s26] =	ssyncadd.s32 $0xFFFFFFB0  }
0xcc: {  	[tilespmem:s18], [sflag:$0x9] =	stream.indirect.gather [hbm4b:s12+s21], $0x40, s1, s21, $0xb8;
	[tilespmem:$0xEEC0] =	vst v63  }
0xcd: {  	_ =	swait.ge @!p1 [sflag:s16], $0x50  }
0xce: {  	[sflag:s16] =	ssyncset.done @!p1 $0x0  }
0xcf: {  	[sflag:s16] =	ssyncadd.s32 @!p1 $0xFFFFFFB0;
	s16 =	simm.s32 @!p1 $0x1680  }
0xd0: {  	[tilespmem:s16], [sflag:$0xA] =	stream.indirect.gather @!p1 [hbm4b:s12+s24], $0x40, s24, s24, $0xb8;
	[tilespmem:$0xEEC0] =	vst v63  }
0xd1: {  	s16 =	simm.s32 @!p1 $0x3  }
0xd2: {  	_ =	swait.ge @!p1 [sflag:s16], $0x50  }
0xd3: {  	[sflag:s16] =	ssyncset.done @!p1 $0x0  }
0xd4: {  	[sflag:s16] =	ssyncadd.s32 @!p1 $0xFFFFFFB0;
	s16 =	simm.s32 @!p1 $0x4  }
0xd5: {  	[tilespmem:s30], [sflag:$0xB] =	stream.indirect.gather @!p1 [hbm4b:s12+s24], $0x40, s25, s24, $0xb8;
	[tilespmem:$0xEEC0] =	vst v63  }
0xd6: {  	_ =	swait.ge @!p1 [sflag:s16], $0x50  }
0xd7: {  	[sflag:s16] =	ssyncset.done @!p1 $0x0  }
0xd8: {  	[sflag:s16] =	ssyncadd.s32 @!p1 $0xFFFFFFB0;
	s16 =	simm.s32 @!p1 $0x3E80  }
0xd9: {  	[tilespmem:s16], [sflag:$0xC] =	stream.indirect.gather @!p1 [hbm4b:s12+s24], $0x40, s23, s24, $0xb8;
	[tilespmem:$0xEEC0] =	vst v63  }
0xda: {  	_ =	swait.ge [sflag:s5], $0x1400  }
0xdb: {  	[sflag:s5] =	ssyncset.done $0x0  }
0xdc: {  	s17 =	sadd.s32 @!p1 $0x1, s17;
	[sflag:s5] =	ssyncadd.s32 $0xFFFFEC00  }
0xdd: {  	s17 =	simm.s32 @p1 $0x1F;
	_ =	swait.ge [sflag:s6], $0x50  }
0xde: {  	p1 =	sne.s32 s17, $0x1F;
	[sflag:s6] =	ssyncset.done $0x0  }
.Ltmp1:
0xdf: {  	[sflag:s6] =	ssyncadd.s32 $0xFFFFFFB0;
	(pc) =	sbr.rel @p1 .LBB2_4-.Ltmp1, $4  }
0xe0: {  	[spmem:s10] =	stream.indirect.scatter.add.bf16 [tilespmem:s18], [sflag:$0xD], $0x40, s20, s21, $0xb8;
	[tilespmem:$0xEEC0] =	vst v63  }
0xe1: {  	_ =	swait.ge [sflag:s19], $0x1400  }
0xe2: {  	[sflag:s19] =	ssyncset.done $0x0  }
0xe3: {  	s25 =	simm.s32 $0x190;
	[sflag:s19] =	ssyncadd.s32 $0xFFFFEC00  }
0xe4: {  	[bflag:$0x0] =	sbarrier.arrive $0xFFFF  }
0xe5: {  	s16 =	rddreg [dreg:$0x1c]  }
0xe6: {  	[tilespmem:s18], [sflag:$0xD] =	stream.linear.gather [spmem:s16], $0x1400, $0x38;
	[tilespmem:$0xEEC0] =	vst v63  }
0xe7: {  	_ =	swait.ge [sflag:s19], $0x1400  }
0xe8: {  	[sflag:s19] =	ssyncset.done $0x0  }
0xe9: {  	s24 =	rddreg [dreg:$0x4];
	[sflag:s19] =	ssyncadd.s32 $0xFFFFEC00  }
0xea: {  	[hbm4b:s24+s1] =	stream.linear.scatter [tilespmem:s18], [sflag:$0xD], $0x1400, $0x38;
	[tilespmem:$0xEEC0] =	vst v63  }
0xeb: {  	_ =	swait.ge [sflag:s19], $0x1400  }
0xec: {  	[sflag:s19] =	ssyncset.done $0x0  }
0xed: {  	s30 =	rddreg [dreg:$0x1d];
	[sflag:s19] =	ssyncadd.s32 $0xFFFFEC00  }
0xee: {  	[tilespmem:s18], [sflag:$0xD] =	stream.linear.gather [spmem:s30], $0x1400, $0x38;
	[tilespmem:$0xEEC0] =	vst v63  }
0xef: {  	_ =	swait.ge [sflag:s19], $0x1400  }
0xf0: {  	[sflag:s19] =	ssyncset.done $0x0  }
0xf1: {  	s31 =	rddreg [dreg:$0x5];
	[sflag:s19] =	ssyncadd.s32 $0xFFFFEC00  }
0xf2: {  	[hbm4b:s31+s1] =	stream.linear.scatter [tilespmem:s18], [sflag:$0xD], $0x1400, $0x38;
	[tilespmem:$0xEEC0] =	vst v63  }
0xf3: {  	_ =	swait.ge [sflag:s19], $0x1400  }
0xf4: {  	[sflag:s19] =	ssyncset.done $0x0  }
0xf5: {  	s17 =	rddreg [dreg:$0x1e];
	[sflag:s19] =	ssyncadd.s32 $0xFFFFEC00  }
0xf6: {  	[tilespmem:s18], [sflag:$0xD] =	stream.linear.gather [spmem:s17], $0x1400, $0x38;
	[tilespmem:$0xEEC0] =	vst v63  }
0xf7: {  	_ =	swait.ge [sflag:s19], $0x1400  }
0xf8: {  	[sflag:s19] =	ssyncset.done $0x0  }
0xf9: {  	s22 =	rddreg [dreg:$0x6];
	[sflag:s19] =	ssyncadd.s32 $0xFFFFEC00  }
0xfa: {  	[hbm4b:s22+s1] =	stream.linear.scatter [tilespmem:s18], [sflag:$0xD], $0x1400, $0x38;
	[tilespmem:$0xEEC0] =	vst v63  }
0xfb: {  	_ =	swait.ge [sflag:s19], $0x1400  }
0xfc: {  	[sflag:s19] =	ssyncset.done $0x0  }
0xfd: {  	s23 =	rddreg [dreg:$0x1f];
	[sflag:s19] =	ssyncadd.s32 $0xFFFFEC00  }
0xfe: {  	[tilespmem:s18], [sflag:$0xD] =	stream.linear.gather [spmem:s23], $0x1400, $0x38;
	[tilespmem:$0xEEC0] =	vst v63  }
0xff: {  	_ =	swait.ge [sflag:s19], $0x1400  }
0x100: {  	[sflag:s19] =	ssyncset.done $0x0  }
0x101: {  	s24 =	rddreg [dreg:$0x7];
	[sflag:s19] =	ssyncadd.s32 $0xFFFFEC00  }
0x102: {  	[hbm4b:s24+s1] =	stream.linear.scatter [tilespmem:s18], [sflag:$0xD], $0x1400, $0x38;
	[tilespmem:$0xEEC0] =	vst v63  }
0x103: {  	_ =	swait.ge [sflag:s19], $0x1400  }
0x104: {  	s30 =	sld [smem:$0x7F9]  }
0x105: {  	[sflag:s19] =	ssyncset.done $0x0  }
0x106: {  	[sflag:s19] =	ssyncadd.s32 $0xFFFFEC00  }
0x107: {  	[tilespmem:s18], [sflag:$0xD] =	stream.linear.gather [spmem:s30], $0x1400, $0x38;
	[tilespmem:$0xEEC0] =	vst v63  }
0x108: {  	_ =	swait.ge [sflag:s19], $0x1400  }
0x109: {  	[sflag:s19] =	ssyncset.done $0x0  }
0x10a: {  	s31 =	rddreg [dreg:$0x8];
	[sflag:s19] =	ssyncadd.s32 $0xFFFFEC00  }
0x10b: {  	[hbm4b:s31+s1] =	stream.linear.scatter [tilespmem:s18], [sflag:$0xD], $0x1400, $0x38;
	[tilespmem:$0xEEC0] =	vst v63  }
0x10c: {  	_ =	swait.ge [sflag:s19], $0x1400  }
0x10d: {  	s17 =	sld [smem:$0x7FA]  }
0x10e: {  	[sflag:s19] =	ssyncset.done $0x0  }
0x10f: {  	[sflag:s19] =	ssyncadd.s32 $0xFFFFEC00  }
0x110: {  	[tilespmem:s18], [sflag:$0xD] =	stream.linear.gather [spmem:s17], $0x1400, $0x38;
	[tilespmem:$0xEEC0] =	vst v63  }
0x111: {  	_ =	swait.ge [sflag:s19], $0x1400  }
0x112: {  	[sflag:s19] =	ssyncset.done $0x0  }
0x113: {  	s22 =	rddreg [dreg:$0x9];
	[sflag:s19] =	ssyncadd.s32 $0xFFFFEC00  }
0x114: {  	[hbm4b:s22+s1] =	stream.linear.scatter [tilespmem:s18], [sflag:$0xD], $0x1400, $0x38;
	[tilespmem:$0xEEC0] =	vst v63  }
0x115: {  	_ =	swait.ge [sflag:s19], $0x1400  }
0x116: {  	s23 =	sld [smem:$0x7FB]  }
0x117: {  	[sflag:s19] =	ssyncset.done $0x0  }
0x118: {  	[sflag:s19] =	ssyncadd.s32 $0xFFFFEC00  }
0x119: {  	[tilespmem:s18], [sflag:$0xD] =	stream.linear.gather [spmem:s23], $0x1400, $0x38;
	[tilespmem:$0xEEC0] =	vst v63  }
0x11a: {  	_ =	swait.ge [sflag:s19], $0x1400  }
0x11b: {  	[sflag:s19] =	ssyncset.done $0x0  }
0x11c: {  	s24 =	rddreg [dreg:$0xa];
	[sflag:s19] =	ssyncadd.s32 $0xFFFFEC00  }
0x11d: {  	[hbm4b:s24+s1] =	stream.linear.scatter [tilespmem:s18], [sflag:$0xD], $0x1400, $0x38;
	[tilespmem:$0xEEC0] =	vst v63  }
0x11e: {  	_ =	swait.ge [sflag:s19], $0x1400  }
0x11f: {  	s17 =	sld [smem:$0x7FC]  }
0x120: {  	[sflag:s19] =	ssyncset.done $0x0  }
0x121: {  	s16 =	simm.s32 @!p0 $0x280;
	[sflag:s19] =	ssyncadd.s32 $0xFFFFEC00  }
0x122: {  	[tilespmem:s16], [sflag:$0xD] =	stream.linear.gather @!p0 [spmem:s17], $0x1400, $0x38;
	[tilespmem:$0xEEC0] =	vst v63  }
0x123: {  	s17 =	simm.s32 @!p0 $0xD  }
0x124: {  	_ =	swait.ge @!p0 [sflag:s17], $0x1400  }
0x125: {  	[sflag:s17] =	ssyncset.done @!p0 $0x0  }
0x126: {  	s22 =	simm.s32 @!p0 $0x0;
	s23 =	rddreg [dreg:$0xb];
	[sflag:s17] =	ssyncadd.s32 @!p0 $0xFFFFEC00  }
0x127: {  	[hbm4b:s23+s22] =	stream.linear.scatter @!p0 [tilespmem:s16], [sflag:$0xD], $0x1400, $0x38;
	[tilespmem:$0xEEC0] =	vst v63  }
0x128: {  	_ =	swait.ge @!p0 [sflag:s17], $0x1400  }
0x129: {  	s30 =	sld [smem:$0x7F8]  }
0x12a: {  	s31 =	sld [smem:$0x7FD];
	_ =	sdelay $0x1  }
0x12b: {  	s22 =	sadd.s32 $0x1, s30  }
0x12c: {  	p1 =	sne.s32 s22, s31  }
.Ltmp2:
0x12d: {  	_ = 	snop;
	(pc) =	sbr.rel @p1 .LBB2_1-.Ltmp2, $3  }
0x12e: {  	_ =	sdelay $0x1  }
0x12f: {  	[sflag:s17] =	ssyncset.done @!p0 $0x0  }
0x130: {  	[sflag:s17] =	ssyncadd.s32 @!p0 $0xFFFFEC00  }
0x131: {  	_ =	sfence.sel $0x180000  }
0x132: {  	[bflag:$0x0] =	sbarrier.arrive $0xFFFF  }
0x133: {  	_ =	strace $0x90000047  }
0x134: {  	s0 =	stileid.u32;
	[bflag:$0x2] =	sbarrier.arrive $0xFFFF  }
0x135: {  	p0 =	sne.s32 s0, $0x0;
	s0 =	rddreg [dreg:$0x3]  }
0x136: {  	s0 =	sadd.s32 @!p0 $0x100000, s0  }
0x137: {  	[sflag:s0] =	ssyncadd.tile.s32 @!p0 $0x1;
	_ =	shalt  }
.Lfunc_end2:
_tile_overlayer_lowered:
.L_overlay_start_2:
0x138: {  	(tag) =	ssettag $0x2  }
0x139: {  	s0 =	rddreg [dreg:$0x0];
	s2 =	stileid.u32  }
0x13a: {  	s1 =	rddreg [dreg:$0x1];
	p0 =	sne.s32 s2, $0x0  }
0x13b: {  	s3 =	rddreg [dreg:$0x2];
	[bflag:$0x3] =	sbarrier.arrive $0xFFFF;
	s2 =	simm.s32 @!p0 $0x1C0D  }
0x13c: {  	[timem:s3], [sflag:s2] =	dma.local @!p0 [hbm:s0], s1  }
0x13d: {  	s0 =	simm.s32 @!p0 $0xD  }
0x13e: {  	_ =	swait.ge @!p0 [sflag:s0], s1  }
0x13f: {  	s1 =	ssub.s32 @!p0 $0x0, s1;
	[sflag:s0] =	ssyncset.done @!p0 $0x0  }
0x140: {  	[sflag:s0] =	ssyncadd.s32 @!p0 s1  }
0x141: {  	[bflag:$0x3] =	sbarrier.arrive $0xFFFF  }
0x142: {  	_ =	shalt  }

</sc_bundles>
